<compile_context>
chip_gen: v7x
topology: tpu7x:2x2x1
jax: 0.10.2.dev20260603
libtpu: 0.0.44.dev20260713+nightly
codegen_flags: <defaults>
</compile_context>

<pallas_src>
import functools

import jax
import jax.numpy as jnp
from jax import lax
from jax.experimental import pallas as pl
from jax.experimental.pallas import tpu as pltpu
from jax.experimental.pallas import tpu_sc as plsc

N = 20000
NP = 20480
C = 81
NCLS = C - 1
IMW, IMH = 1333.0, 800.0
SCORE_THRESH = 0.05
NMS_THRESH = 0.5
DETS = 100
TOPK = 300
TPAD = 304
BBOX_CLIP = 4.135166556742356
NEG = -3.0e38
NV = NP // 16
CAP = NP + 16


def _softmax_t_body(z_ref, o_ref):
    z = z_ref[...]
    m = jnp.max(z, axis=1, keepdims=True)
    e = jnp.exp(z - m)
    p = e / jnp.sum(e, axis=1, keepdims=True)
    pt = jnp.transpose(p)[1:, :]
    o_ref[...] = pt.reshape(NCLS, (NP // 10) // 128, 128)


def _softmax_t(class_logits):
    out = pl.pallas_call(
        _softmax_t_body,
        grid=(10,),
        in_specs=[pl.BlockSpec((NP // 10, C), lambda i: (i, 0))],
        out_specs=pl.BlockSpec((NCLS, (NP // 10) // 128, 128),
                               lambda i: (0, i, 0)),
        out_shape=jax.ShapeDtypeStruct((NCLS, NP // 128, 128), jnp.float32),
    )(class_logits)
    return out.reshape(NCLS, NP)


def _iota16():
    return lax.iota(jnp.int32, 16)


def _scalar(v):
    return jnp.max(v)


def _popcount(mask):
    return jnp.max(plsc.all_reduce_population_count(mask))


def _rd(ref, i):
    return plsc.load_gather(ref, [jnp.broadcast_to(i, (16,))])[0]


def _rdv(ref, i):
    return plsc.load_gather(ref, [jnp.broadcast_to(i, (16,))])


def _wr(ref, i, val):
    plsc.store_scatter(ref, [jnp.broadcast_to(i, (16,))],
                       jnp.broadcast_to(val, (16,)),
                       mask=_iota16() == 0)


def _stage2_body(probs_t, prop_h, breg_h, ks_out, kb_out,
                 ps, hist, bt, bs, cs, ci, ts, ti, pidx, gidx, dl, pr,
                 bx1, by1, bx2, by2, ar, ksrow, kbrow, sem):
    iota = _iota16()
    ones16 = jnp.ones((16,), jnp.int32)
    wid = lax.axis_index("s") * 2 + lax.axis_index("c")

    def do_class(c):
        pltpu.sync_copy(probs_t.at[c], ps)

        def zero_hist(g, _):
            hist[pl.ds(g * 16, 16)] = jnp.zeros((16,), jnp.int32)
            return 0
        lax.fori_loop(0, 128, zero_hist, 0)

        def hbody(g, _):
            v = ps[pl.ds(g * 16, 16)]
            b = plsc.bitcast(v, jnp.int32)
            e = jnp.clip(lax.shift_right_logical(b, 23), 0, 127)
            plsc.addupdate_scatter(hist, [e * 16 + iota], ones16)
            return 0
        lax.fori_loop(0, NV, hbody, 0)

        def tot_body(g, _):
            acc = jnp.zeros((16,), jnp.int32)
            base = (g * 16 + iota) * 16
            for j in range(16):
                acc = acc + plsc.load_gather(hist, [base + j])
            bt[pl.ds(g * 16, 16)] = acc
            return 0
        lax.fori_loop(0, 8, tot_body, 0)

        def pfx_body(g, carry):
            run, acc = carry
            cp = lax.cumsum(bt[pl.ds(g * 16, 16)]) + run
            bs[pl.ds(g * 16, 16)] = cp
            acc = acc + plsc.all_reduce_population_count(cp <= (NP - TOPK))
            return _scalar(cp), acc
        _, estar_acc = lax.fori_loop(
            0, 8, pfx_body, (jnp.int32(0), jnp.zeros((16,), jnp.int32)))
        e_star = jnp.max(estar_acc)
        above = NP - _rd(bs, e_star)
        rank = jnp.int32(TOPK) - above

        def cbody(g, cnt):
            v = ps[pl.ds(g * 16, 16)]
            b = plsc.bitcast(v, jnp.int32)
            e = jnp.clip(lax.shift_right_logical(b, 23), 0, 127)
            m = e >= e_star
            plsc.store_compressed(cs.at[pl.ds(cnt, 16)], v, mask=m)
            plsc.store_compressed(ci.at[pl.ds(cnt, 16)], g * 16 + iota,
                                  mask=m)
            return cnt + _popcount(m)
        M = lax.fori_loop(0, NV, cbody, jnp.int32(0))
        MG = (M + 15) // 16

        def radix_pass(shift, nbits, prefix_val, prefix_shift, rank_in):
            nb = 1 << nbits
            def zb(g, _):
                hist[pl.ds(g * 16, 16)] = jnp.zeros((16,), jnp.int32)
                return 0
            lax.fori_loop(0, nb, zb, 0)

            def hb(g, _):
                v = cs[pl.ds(g * 16, 16)]
                b = plsc.bitcast(v, jnp.int32)
                valid = (g * 16 + iota) < M
                ok = valid & (lax.shift_right_logical(b, prefix_shift)
                              == prefix_val)
                d = lax.shift_right_logical(b, shift) & (nb - 1)
                plsc.addupdate_scatter(hist, [d * 16 + iota], ones16,
                                       mask=ok)
                return 0
            lax.fori_loop(0, MG, hb, 0)

            def tot_b(g, _):
                acc = jnp.zeros((16,), jnp.int32)
                base = (g * 16 + iota) * 16
                for j in range(16):
                    acc = acc + plsc.load_gather(hist, [base + j])
                bt[pl.ds(g * 16, 16)] = acc
                return 0
            lax.fori_loop(0, nb // 16, tot_b, 0)

            def pfx_b(g, run):
                cp = lax.cumsum(bt[pl.ds(g * 16, 16)]) + run
                bs[pl.ds(g * 16, 16)] = cp
                return _scalar(cp)
            tot = lax.fori_loop(0, nb // 16, pfx_b, jnp.int32(0))
            def dst_b(g, acc):
                cp = bs[pl.ds(g * 16, 16)]
                return acc + plsc.all_reduce_population_count(
                    (tot - cp) >= rank_in)
            dstar_acc = lax.fori_loop(0, nb // 16, dst_b,
                                      jnp.zeros((16,), jnp.int32))
            d_star = jnp.max(dstar_acc)
            above_d = tot - _rd(bs, d_star)
            rank_out = rank_in - above_d
            return d_star, rank_out

        m1, rank = radix_pass(15, 8, e_star, 23, rank)
        pv2 = e_star * 256 + m1
        m2, rank = radix_pass(7, 8, pv2, 15, rank)
        pv3 = pv2 * 256 + m2
        m3, rank = radix_pass(0, 7, pv3, 7, rank)
        tbits = pv3 * 128 + m3
        need_eq = rank

        def init_b(g, _):
            ts[pl.ds(g * 16, 16)] = jnp.full((16,), NEG, jnp.float32)
            ti[pl.ds(g * 16, 16)] = iota + g
            return 0
        lax.fori_loop(0, 19, init_b, 0)

        def fbody(g, carry):
            cnt, eqc = carry
            v = cs[pl.ds(g * 16, 16)]
            b = plsc.bitcast(v, jnp.int32)
            valid = (g * 16 + iota) < M
            gt = valid & (b > tbits)
            eq = valid & (b == tbits)
            pe = lax.cumsum(eq.astype(jnp.int32))
            take = gt | (eq & ((eqc + pe) <= need_eq))
            idxv = ci[pl.ds(g * 16, 16)]
            plsc.store_compressed(ts.at[pl.ds(cnt, 16)], v, mask=take)
            plsc.store_compressed(ti.at[pl.ds(cnt, 16)], idxv, mask=take)
            return cnt + _popcount(take), eqc + jnp.max(pe)
        lax.fori_loop(0, MG, fbody, (jnp.int32(0), jnp.int32(0)))

        def clamp_b(g, _):
            tv = jnp.minimum(ti[pl.ds(g * 16, 16)], N - 1)
            pidx[pl.ds(g * 16, 16)] = tv
            off = tv * (4 * C) + 4 * (c + 1)
            gidx[pl.ds(g * 16, 16)] = lax.shift_right_logical(off, 4)
            return 0
        lax.fori_loop(0, 19, clamp_b, 0)
        pltpu.async_copy(breg_h.at[gidx], dl, sem).wait()
        pltpu.async_copy(prop_h.at[pidx], pr, sem).wait()

        zero4 = jnp.zeros((16,), jnp.int32)

        def dec_b(g, _):
            rows = g * 16 + iota
            px1 = plsc.load_gather(pr, [rows, zero4])
            py1 = plsc.load_gather(pr, [rows, zero4 + 1])
            px2 = plsc.load_gather(pr, [rows, zero4 + 2])
            py2 = plsc.load_gather(pr, [rows, zero4 + 3])
            rem = (pidx[pl.ds(g * 16, 16)] * (4 * C) + 4 * (c + 1)) & 15
            d0 = plsc.load_gather(dl, [rows, rem])
            d1 = plsc.load_gather(dl, [rows, rem + 1])
            d2 = plsc.load_gather(dl, [rows, rem + 2])
            d3 = plsc.load_gather(dl, [rows, rem + 3])
            w = px2 - px1 + 1.0
            h = py2 - py1 + 1.0
            cx = px1 + 0.5 * w
            cy = py1 + 0.5 * h
            dx = d0 / 10.0
            dy = d1 / 10.0
            dw = jnp.minimum(d2 / 5.0, BBOX_CLIP)
            dh = jnp.minimum(d3 / 5.0, BBOX_CLIP)
            pcx = dx * w + cx
            pcy = dy * h + cy
            pw = jnp.exp(dw) * w
            ph = jnp.exp(dh) * h
            x1 = jnp.clip(pcx - 0.5 * pw, 0.0, IMW - 1.0)
            y1 = jnp.clip(pcy - 0.5 * ph, 0.0, IMH - 1.0)
            x2 = jnp.clip(pcx + 0.5 * pw - 1.0, 0.0, IMW - 1.0)
            y2 = jnp.clip(pcy + 0.5 * ph - 1.0, 0.0, IMH - 1.0)
            sl = pl.ds(g * 16, 16)
            bx1[sl] = x1
            by1[sl] = y1
            bx2[sl] = x2
            by2[sl] = y2
            ar[sl] = (x2 - x1 + 1.0) * (y2 - y1 + 1.0)
            ksrow[sl] = jnp.full((16,), NEG, jnp.float32)
            return 0
        lax.fori_loop(0, 19, dec_b, 0)

        def zb_b(g, _):
            kbrow[pl.ds(g * 16, 16)] = jnp.zeros((16,), jnp.float32)
            return 0
        lax.fori_loop(0, TPAD, zb_b, 0)

        posc = [g * 16 + iota for g in range(19)]

        def wcond(carry):
            return carry[0]

        def wbody(carry):
            _, nk, esv = carry
            mv = esv[0]
            for g in range(1, 19):
                mv = jnp.maximum(mv, esv[g])
            m = jnp.max(mv)
            pv = jnp.full((16,), jnp.int32(99999))
            for g in range(19):
                pv = jnp.minimum(pv, jnp.where(esv[g] == m, posc[g], 99999))
            p = jnp.min(pv)
            kept = m > SCORE_THRESH
            x1 = _rdv(bx1, p)
            y1 = _rdv(by1, p)
            x2 = _rdv(bx2, p)
            y2 = _rdv(by2, p)
            a = _rdv(ar, p)

            @pl.when(kept)
            def _():
                _wr(ksrow, nk, m)
                _wr(kbrow, nk * 16, x1[0])
                _wr(kbrow, nk * 16 + 1, y1[0])
                _wr(kbrow, nk * 16 + 2, x2[0])
                _wr(kbrow, nk * 16 + 3, y2[0])

            esv2 = []
            for g in range(19):
                sl = pl.ds(g * 16, 16)
                iw = jnp.maximum(
                    jnp.minimum(bx2[sl], x2) - jnp.maximum(bx1[sl], x1)
                    + 1.0, 0.0)
                ih = jnp.maximum(
                    jnp.minimum(by2[sl], y2) - jnp.maximum(by1[sl], y1)
                    + 1.0, 0.0)
                inter = iw * ih
                iou = inter / (a + ar[sl] - inter)
                drop = (kept & (iou > NMS_THRESH)) | (posc[g] == p)
                esv2.append(jnp.where(drop, NEG, esv[g]))

            nk2 = jnp.where(kept, nk + 1, nk)
            return kept, nk2, esv2

        es0 = [ts[pl.ds(g * 16, 16)] for g in range(19)]
        lax.while_loop(wcond, wbody, (jnp.bool_(True), jnp.int32(0), es0))

        pltpu.sync_copy(ksrow, ks_out.at[c])
        pltpu.sync_copy(kbrow, kb_out.at[c])

    def slot_b(s, _):
        c = wid + 32 * s

        @pl.when(c < NCLS)
        def _():
            do_class(c)
        return 0
    lax.fori_loop(0, 3, slot_b, 0)


def _stage2(probs_t, proposals, breg):
    mesh = plsc.VectorSubcoreMesh(core_axis_name="c", subcore_axis_name="s",
                                  num_cores=2, num_subcores=16)
    f = pl.kernel(
        _stage2_body,
        out_type=[jax.ShapeDtypeStruct((NCLS, TPAD), jnp.float32),
                  jax.ShapeDtypeStruct((NCLS, TPAD * 16), jnp.float32)],
        mesh=mesh,
        compiler_params=pltpu.CompilerParams(
            needs_layout_passes=False, use_tc_tiling_on_sc=False),
        scratch_types=[
            pltpu.VMEM((NP,), jnp.float32),
            pltpu.VMEM((4096,), jnp.int32),
            pltpu.VMEM((256,), jnp.int32),
            pltpu.VMEM((256,), jnp.int32),
            pltpu.VMEM((CAP,), jnp.float32),
            pltpu.VMEM((CAP,), jnp.int32),
            pltpu.VMEM((TPAD + 16,), jnp.float32),
            pltpu.VMEM((TPAD + 16,), jnp.int32),
            pltpu.VMEM((TPAD,), jnp.int32),
            pltpu.VMEM((TPAD,), jnp.int32),
            pltpu.VMEM((TPAD, 16), jnp.float32),
            pltpu.VMEM((TPAD, 16), jnp.float32),
            pltpu.VMEM((TPAD,), jnp.float32),
            pltpu.VMEM((TPAD,), jnp.float32),
            pltpu.VMEM((TPAD,), jnp.float32),
            pltpu.VMEM((TPAD,), jnp.float32),
            pltpu.VMEM((TPAD,), jnp.float32),
            pltpu.VMEM((TPAD,), jnp.float32),
            pltpu.VMEM((TPAD * 16,), jnp.float32),
            pltpu.SemaphoreType.DMA,
        ],
    )
    return f(probs_t, proposals, breg)


def _stage3_body(ks_h, kb_h, out_h, ksv, hv, ws, widx, wbox, oflat, sem):
    iota = _iota16()
    wid = lax.axis_index("s") * 2 + lax.axis_index("c")

    @pl.when(wid == 0)
    def _():
        pltpu.sync_copy(ks_h, ksv)
        for g in range(6):
            hv[pl.ds(g * 16, 16)] = jnp.zeros((16,), jnp.int32)
        for g in range(7):
            ws[pl.ds(g * 16, 16)] = jnp.zeros((16,), jnp.float32)
            widx[pl.ds(g * 16, 16)] = jnp.zeros((16,), jnp.int32)

        def step(t, _):
            sv = jnp.full((16,), NEG, jnp.float32)
            cv = jnp.full((16,), jnp.int32(999))
            for g in range(5):
                cid = g * 16 + iota
                h = hv[pl.ds(g * 16, 16)]
                s = plsc.load_gather(ksv, [cid, h])
                tk = (s > sv) | ((s == sv) & (cid < cv))
                sv = jnp.where(tk, s, sv)
                cv = jnp.where(tk, cid, cv)
            m = jnp.max(sv)
            cstar = jnp.min(jnp.where(sv == m, cv, 999))
            hc = _rd(hv, cstar)
            valid = m > jnp.float32(-1.0e30)
            _wr(ws, t, jnp.where(valid, m, jnp.float32(-1.0)))
            _wr(widx, t, jnp.where(valid, cstar * TPAD + hc, 0))

            @pl.when(valid)
            def _():
                _wr(hv, cstar, hc + 1)
            return 0
        lax.fori_loop(0, DETS, step, 0)

        pltpu.async_copy(kb_h.at[widx], wbox, sem).wait()

        for g in range(7):
            tv = g * 16 + iota
            msk = tv < DETS
            tvc = jnp.minimum(tv, DETS - 1)
            x1 = plsc.load_gather(wbox, [tvc, jnp.zeros((16,), jnp.int32)])
            y1 = plsc.load_gather(wbox, [tvc, jnp.full((16,), 1)])
            x2 = plsc.load_gather(wbox, [tvc, jnp.full((16,), 2)])
            y2 = plsc.load_gather(wbox, [tvc, jnp.full((16,), 3)])
            sc = ws[pl.ds(g * 16, 16)]
            ci_ = widx[pl.ds(g * 16, 16)]
            lab = (ci_ // TPAD + 1).astype(jnp.float32)
            base6 = tvc * 6
            plsc.store_scatter(oflat, [base6], x1, mask=msk)
            plsc.store_scatter(oflat, [base6 + 1], y1, mask=msk)
            plsc.store_scatter(oflat, [base6 + 2], x2, mask=msk)
            plsc.store_scatter(oflat, [base6 + 3], y2, mask=msk)
            plsc.store_scatter(oflat, [base6 + 4], sc, mask=msk)
            plsc.store_scatter(oflat, [base6 + 5], lab, mask=msk)
        pltpu.sync_copy(oflat.at[pl.ds(0, 600)], out_h)


def _stage3(ks, kbr):
    mesh = plsc.VectorSubcoreMesh(core_axis_name="c", subcore_axis_name="s",
                                  num_cores=2, num_subcores=16)
    f = pl.kernel(
        _stage3_body,
        out_type=jax.ShapeDtypeStruct((600,), jnp.float32),
        mesh=mesh,
        compiler_params=pltpu.CompilerParams(
            needs_layout_passes=False, use_tc_tiling_on_sc=False),
        scratch_types=[
            pltpu.VMEM((NCLS, TPAD), jnp.float32),
            pltpu.VMEM((96,), jnp.int32),
            pltpu.VMEM((112,), jnp.float32),
            pltpu.VMEM((112,), jnp.int32),
            pltpu.VMEM((112, 16), jnp.float32),
            pltpu.VMEM((608,), jnp.float32),
            pltpu.SemaphoreType.DMA,
        ],
    )
    return f(ks, kbr)


@jax.jit
def kernel(class_logits, box_regression, proposals, features):
    del features
    zl = jnp.pad(class_logits, ((0, NP - N), (0, 0)))
    probs_t = _softmax_t(zl)
    breg16 = box_regression.reshape(N * C * 4 // 16, 16)
    prop16 = jnp.pad(proposals, ((0, 0), (0, 12)))
    ks, kbflat = _stage2(probs_t, prop16, breg16)
    kbr = kbflat.reshape(NCLS * TPAD, 16)
    oflat = _stage3(ks, kbr)
    return oflat.reshape(DETS, 6)

# --- scband reference (transcript-rebuilt; emitter-appended) ---
"""Pipeline reference for scband-post-processor-12163347382878 (READ-ONLY COPY).

The authoritative reference and input builder live on the scoring server;
editing this copy changes nothing except your own understanding.
"""

import jax, jax.numpy as jnp
import numpy as np
from jax import lax

N = 20000
C = 81
IMW, IMH = 1333.0, 800.0
SCORE_THRESH = 0.05
NMS_THRESH = 0.5
DETS_PER_IMG = 100
PRE_NMS_TOPK = 300
BBOX_XFORM_CLIP = float(np.log(1000.0 / 16.0))


def setup_inputs(seed: int = 0) -> dict:
    key = jax.random.key(seed)
    k1, k2, k3, k4 = jax.random.split(key, 4)
    class_logits = jax.random.normal(k1, (N, C), jnp.float32)
    box_regression = jax.random.normal(k2, (N, C * 4), jnp.float32) * 0.5
    u = jax.random.uniform(k3, (N, 4), jnp.float32)
    x1 = u[:, 0] * (IMW - 64.0)
    y1 = u[:, 1] * (IMH - 64.0)
    w = u[:, 2] * 200.0 + 16.0
    h = u[:, 3] * 200.0 + 16.0
    proposals = jnp.stack([x1, y1, jnp.minimum(x1 + w, IMW - 1.0), jnp.minimum(y1 + h, IMH - 1.0)], axis=1)
    features = jax.random.normal(k4, (N, 1024), jnp.float32)
    return {"class_logits": class_logits, "box_regression": box_regression, "proposals": proposals, "features": features}


def _decode(deltas, boxes):
    # BoxCoder(weights=(10,10,5,5)).decode, TO_REMOVE=1, x2y2correction=False
    widths = boxes[:, 2] - boxes[:, 0] + 1.0
    heights = boxes[:, 3] - boxes[:, 1] + 1.0
    ctr_x = boxes[:, 0] + 0.5 * widths
    ctr_y = boxes[:, 1] + 0.5 * heights
    wx, wy, ww, wh = 10.0, 10.0, 5.0, 5.0
    d = deltas.reshape(deltas.shape[0], -1, 4)
    dx = d[:, :, 0] / wx
    dy = d[:, :, 1] / wy
    dw = jnp.minimum(d[:, :, 2] / ww, BBOX_XFORM_CLIP)
    dh = jnp.minimum(d[:, :, 3] / wh, BBOX_XFORM_CLIP)
    pcx = dx * widths[:, None] + ctr_x[:, None]
    pcy = dy * heights[:, None] + ctr_y[:, None]
    pw = jnp.exp(dw) * widths[:, None]
    ph = jnp.exp(dh) * heights[:, None]
    x1 = pcx - 0.5 * pw
    y1 = pcy - 0.5 * ph
    x2 = pcx + 0.5 * pw - 1.0
    y2 = pcy + 0.5 * ph - 1.0
    return jnp.stack([x1, y1, x2, y2], axis=2)  # [N, C, 4]


def _clip_to_image(b):
    x1 = jnp.clip(b[..., 0], 0.0, IMW - 1.0)
    y1 = jnp.clip(b[..., 1], 0.0, IMH - 1.0)
    x2 = jnp.clip(b[..., 2], 0.0, IMW - 1.0)
    y2 = jnp.clip(b[..., 3], 0.0, IMH - 1.0)
    return jnp.stack([x1, y1, x2, y2], axis=-1)


def _iou(b):
    area = (b[:, 2] - b[:, 0] + 1.0) * (b[:, 3] - b[:, 1] + 1.0)
    lt = jnp.maximum(b[:, None, :2], b[None, :, :2])
    rb = jnp.minimum(b[:, None, 2:], b[None, :, 2:])
    wh = jnp.maximum(rb - lt + 1.0, 0.0)
    inter = wh[..., 0] * wh[..., 1]
    return inter / (area[:, None] + area[None, :] - inter)


def _per_class_nms(scores_j, boxes_j):
    # pre-NMS top-k cap per class (standard practice; makes dense IoU tractable)
    s, idx = lax.top_k(scores_j, PRE_NMS_TOPK)
    b = boxes_j[idx]
    iou = lax.stop_gradient(_iou(b))
    keep0 = s > SCORE_THRESH
    ar = jnp.arange(PRE_NMS_TOPK)
    def body(i, keep):
        sup = (iou[i] > NMS_THRESH) & (ar > i) & keep[i]
        return keep & (~sup)
    keep = lax.fori_loop(0, PRE_NMS_TOPK, body, keep0)
    return jnp.where(keep, s, -1.0), b


def _forward(class_logits, box_regression, proposals, features):
    prob = jax.nn.softmax(class_logits, axis=-1)
    decoded = _clip_to_image(_decode(box_regression, proposals))  # [N, C, 4]
    scores_cls = jnp.transpose(prob)[1:]                 # [C-1, N] skip background
    boxes_cls = jnp.transpose(decoded, (1, 0, 2))[1:]    # [C-1, N, 4]
    s_k, b_k = jax.vmap(_per_class_nms)(scores_cls, boxes_cls)
    flat_s = s_k.reshape(-1)
    flat_b = b_k.reshape(-1, 4)
    fs, fidx = lax.top_k(flat_s, DETS_PER_IMG)
    out_boxes = flat_b[fidx]
    labels = (fidx // PRE_NMS_TOPK + 1).astype(jnp.float32)
    return jnp.concatenate([out_boxes, fs[:, None], labels[:, None]], axis=1)  # [100, 6]


def reference(class_logits, box_regression, proposals, features):
    return _forward(class_logits, box_regression, proposals, features)

if __name__ == "__main__":
    import jax
    _d = setup_inputs()
    print(jax.jit(kernel)(*tuple(_d.values())))

</pallas_src>

<mosaic_0001>
#map = affine_map<(d0, d1) -> (0, 0)>
#map1 = affine_map<(d0, d1) -> (0)>
module attributes {stable_mosaic.version = 14 : i64} {
  func.func @_stage3_body(%arg0: i32, %arg1: i32, %arg2: memref<80x304xf32, #tpu.memory_space<hbm>>, %arg3: memref<24320x16xf32, #tpu.memory_space<hbm>>, %arg4: memref<600xf32, #tpu.memory_space<hbm>>, %arg5: memref<80x304xf32, #tpu.memory_space<vmem>>, %arg6: memref<96xi32, #tpu.memory_space<vmem>>, %arg7: memref<112xf32, #tpu.memory_space<vmem>>, %arg8: memref<112xi32, #tpu.memory_space<vmem>>, %arg9: memref<112x16xf32, #tpu.memory_space<vmem>>, %arg10: memref<608xf32, #tpu.memory_space<vmem>>, %arg11: memref<!tpu.dma_semaphore, #tpu.memory_space<semaphore_mem>>) attributes {dimension_semantics = [#tpu.dimension_semantics<core_parallel>, #tpu.dimension_semantics<subcore_parallel>], iteration_bounds = array<i64: 2, 16>, scalar_prefetch = 0 : i64, scratch_operands = 7 : i64, tpu.core_type = #tpu.core_type<sc_vector_subcore>, window_params = [{transform_indices = #map}, {transform_indices = #map}, {transform_indices = #map1}]} {
    %iota3A = tpu.iota {dimensions = array<i32: 0>} : vector<16xi32>
    %mul3A = arith.constant 2 : i32
    %mul3A_0 = arith.muli %arg1, %mul3A : i32
    %add3A = arith.addi %mul3A_0, %arg0 : i32
    %eq3A = arith.constant 0 : i32
    %eq3A_1 = arith.cmpi eq, %add3A, %eq3A : i32
    %convert_element_type3A = arith.extui %eq3A_1 : i1 to i32
    %cond3A = arith.constant 0 : i32
    %cond3A_2 = arith.cmpi ne, %convert_element_type3A, %cond3A : i32
    scf.if %cond3A_2 {
      "tpu.region"() ({
        %run_scoped3A = tpu.sem_alloc : memref<!tpu.dma_semaphore, #tpu.memory_space<semaphore_mem>>
        tpu.enqueue_dma source(%arg2 : memref<80x304xf32, #tpu.memory_space<hbm>>) target(%arg5 : memref<80x304xf32, #tpu.memory_space<vmem>>) target_semaphore(%run_scoped3A : memref<!tpu.dma_semaphore, #tpu.memory_space<semaphore_mem>>)
        tpu.wait_dma2 semaphore(%run_scoped3A : memref<!tpu.dma_semaphore, #tpu.memory_space<semaphore_mem>>) src(%arg2 : memref<80x304xf32, #tpu.memory_space<hbm>>) dst(%arg5 : memref<80x304xf32, #tpu.memory_space<vmem>>)
        tpu.yield
      }) : () -> ()
      %broadcast_in_dim3A = arith.constant 0 : i32
      %broadcast_in_dim3A_3 = vector.broadcast %broadcast_in_dim3A : i32 to vector<16xi32>
      %swap3A = arith.constant 0 : index
      %swap3A_4 = tpu.vector_load %arg6[%swap3A] {strides = array<i32>} : memref<96xi32, #tpu.memory_space<vmem>>, vector<16xi32>,
      tpu.vector_store %arg6[%swap3A], %broadcast_in_dim3A_3 {strides = array<i32>} : memref<96xi32, #tpu.memory_space<vmem>>, vector<16xi32>,
      %broadcast_in_dim3A_5 = arith.constant 0 : i32
      %broadcast_in_dim3A_6 = vector.broadcast %broadcast_in_dim3A_5 : i32 to vector<16xi32>
      %swap3A_7 = arith.constant 16 : index
      %swap3A_8 = tpu.vector_load %arg6[%swap3A_7] {strides = array<i32>} : memref<96xi32, #tpu.memory_space<vmem>>, vector<16xi32>,
      tpu.vector_store %arg6[%swap3A_7], %broadcast_in_dim3A_6 {strides = array<i32>} : memref<96xi32, #tpu.memory_space<vmem>>, vector<16xi32>,
      %broadcast_in_dim3A_9 = arith.constant 0 : i32
      %broadcast_in_dim3A_10 = vector.broadcast %broadcast_in_dim3A_9 : i32 to vector<16xi32>
      %swap3A_11 = arith.constant 32 : index
      %swap3A_12 = tpu.vector_load %arg6[%swap3A_11] {strides = array<i32>} : memref<96xi32, #tpu.memory_space<vmem>>, vector<16xi32>,
      tpu.vector_store %arg6[%swap3A_11], %broadcast_in_dim3A_10 {strides = array<i32>} : memref<96xi32, #tpu.memory_space<vmem>>, vector<16xi32>,
      %broadcast_in_dim3A_13 = arith.constant 0 : i32
      %broadcast_in_dim3A_14 = vector.broadcast %broadcast_in_dim3A_13 : i32 to vector<16xi32>
      %swap3A_15 = arith.constant 48 : index
      %swap3A_16 = tpu.vector_load %arg6[%swap3A_15] {strides = array<i32>} : memref<96xi32, #tpu.memory_space<vmem>>, vector<16xi32>,
      tpu.vector_store %arg6[%swap3A_15], %broadcast_in_dim3A_14 {strides = array<i32>} : memref<96xi32, #tpu.memory_space<vmem>>, vector<16xi32>,
      %broadcast_in_dim3A_17 = arith.constant 0 : i32
      %broadcast_in_dim3A_18 = vector.broadcast %broadcast_in_dim3A_17 : i32 to vector<16xi32>
      %swap3A_19 = arith.constant 64 : index
      %swap3A_20 = tpu.vector_load %arg6[%swap3A_19] {strides = array<i32>} : memref<96xi32, #tpu.memory_space<vmem>>, vector<16xi32>,
      tpu.vector_store %arg6[%swap3A_19], %broadcast_in_dim3A_18 {strides = array<i32>} : memref<96xi32, #tpu.memory_space<vmem>>, vector<16xi32>,
      %broadcast_in_dim3A_21 = arith.constant 0 : i32
      %broadcast_in_dim3A_22 = vector.broadcast %broadcast_in_dim3A_21 : i32 to vector<16xi32>
      %swap3A_23 = arith.constant 80 : index
      %swap3A_24 = tpu.vector_load %arg6[%swap3A_23] {strides = array<i32>} : memref<96xi32, #tpu.memory_space<vmem>>, vector<16xi32>,
      tpu.vector_store %arg6[%swap3A_23], %broadcast_in_dim3A_22 {strides = array<i32>} : memref<96xi32, #tpu.memory_space<vmem>>, vector<16xi32>,
      %broadcast_in_dim3A_25 = arith.constant 0.000000e+00 : f32
      %broadcast_in_dim3A_26 = vector.broadcast %broadcast_in_dim3A_25 : f32 to vector<16xf32>
      %swap3A_27 = arith.constant 0 : index
      %swap3A_28 = tpu.vector_load %arg7[%swap3A_27] {strides = array<i32>} : memref<112xf32, #tpu.memory_space<vmem>>, vector<16xf32>,
      tpu.vector_store %arg7[%swap3A_27], %broadcast_in_dim3A_26 {strides = array<i32>} : memref<112xf32, #tpu.memory_space<vmem>>, vector<16xf32>,
      %broadcast_in_dim3A_29 = arith.constant 0 : i32
      %broadcast_in_dim3A_30 = vector.broadcast %broadcast_in_dim3A_29 : i32 to vector<16xi32>
      %swap3A_31 = arith.constant 0 : index
      %swap3A_32 = tpu.vector_load %arg8[%swap3A_31] {strides = array<i32>} : memref<112xi32, #tpu.memory_space<vmem>>, vector<16xi32>,
      tpu.vector_store %arg8[%swap3A_31], %broadcast_in_dim3A_30 {strides = array<i32>} : memref<112xi32, #tpu.memory_space<vmem>>, vector<16xi32>,
      %broadcast_in_dim3A_33 = arith.constant 0.000000e+00 : f32
      %broadcast_in_dim3A_34 = vector.broadcast %broadcast_in_dim3A_33 : f32 to vector<16xf32>
      %swap3A_35 = arith.constant 16 : index
      %swap3A_36 = tpu.vector_load %arg7[%swap3A_35] {strides = array<i32>} : memref<112xf32, #tpu.memory_space<vmem>>, vector<16xf32>,
      tpu.vector_store %arg7[%swap3A_35], %broadcast_in_dim3A_34 {strides = array<i32>} : memref<112xf32, #tpu.memory_space<vmem>>, vector<16xf32>,
      %broadcast_in_dim3A_37 = arith.constant 0 : i32
      %broadcast_in_dim3A_38 = vector.broadcast %broadcast_in_dim3A_37 : i32 to vector<16xi32>
      %swap3A_39 = arith.constant 16 : index
      %swap3A_40 = tpu.vector_load %arg8[%swap3A_39] {strides = array<i32>} : memref<112xi32, #tpu.memory_space<vmem>>, vector<16xi32>,
      tpu.vector_store %arg8[%swap3A_39], %broadcast_in_dim3A_38 {strides = array<i32>} : memref<112xi32, #tpu.memory_space<vmem>>, vector<16xi32>,
      %broadcast_in_dim3A_41 = arith.constant 0.000000e+00 : f32
      %broadcast_in_dim3A_42 = vector.broadcast %broadcast_in_dim3A_41 : f32 to vector<16xf32>
      %swap3A_43 = arith.constant 32 : index
      %swap3A_44 = tpu.vector_load %arg7[%swap3A_43] {strides = array<i32>} : memref<112xf32, #tpu.memory_space<vmem>>, vector<16xf32>,
      tpu.vector_store %arg7[%swap3A_43], %broadcast_in_dim3A_42 {strides = array<i32>} : memref<112xf32, #tpu.memory_space<vmem>>, vector<16xf32>,
      %broadcast_in_dim3A_45 = arith.constant 0 : i32
      %broadcast_in_dim3A_46 = vector.broadcast %broadcast_in_dim3A_45 : i32 to vector<16xi32>
      %swap3A_47 = arith.constant 32 : index
      %swap3A_48 = tpu.vector_load %arg8[%swap3A_47] {strides = array<i32>} : memref<112xi32, #tpu.memory_space<vmem>>, vector<16xi32>,
      tpu.vector_store %arg8[%swap3A_47], %broadcast_in_dim3A_46 {strides = array<i32>} : memref<112xi32, #tpu.memory_space<vmem>>, vector<16xi32>,
      %broadcast_in_dim3A_49 = arith.constant 0.000000e+00 : f32
      %broadcast_in_dim3A_50 = vector.broadcast %broadcast_in_dim3A_49 : f32 to vector<16xf32>
      %swap3A_51 = arith.constant 48 : index
      %swap3A_52 = tpu.vector_load %arg7[%swap3A_51] {strides = array<i32>} : memref<112xf32, #tpu.memory_space<vmem>>, vector<16xf32>,
      tpu.vector_store %arg7[%swap3A_51], %broadcast_in_dim3A_50 {strides = array<i32>} : memref<112xf32, #tpu.memory_space<vmem>>, vector<16xf32>,
      %broadcast_in_dim3A_53 = arith.constant 0 : i32
      %broadcast_in_dim3A_54 = vector.broadcast %broadcast_in_dim3A_53 : i32 to vector<16xi32>
      %swap3A_55 = arith.constant 48 : index
      %swap3A_56 = tpu.vector_load %arg8[%swap3A_55] {strides = array<i32>} : memref<112xi32, #tpu.memory_space<vmem>>, vector<16xi32>,
      tpu.vector_store %arg8[%swap3A_55], %broadcast_in_dim3A_54 {strides = array<i32>} : memref<112xi32, #tpu.memory_space<vmem>>, vector<16xi32>,
      %broadcast_in_dim3A_57 = arith.constant 0.000000e+00 : f32
      %broadcast_in_dim3A_58 = vector.broadcast %broadcast_in_dim3A_57 : f32 to vector<16xf32>
      %swap3A_59 = arith.constant 64 : index
      %swap3A_60 = tpu.vector_load %arg7[%swap3A_59] {strides = array<i32>} : memref<112xf32, #tpu.memory_space<vmem>>, vector<16xf32>,
      tpu.vector_store %arg7[%swap3A_59], %broadcast_in_dim3A_58 {strides = array<i32>} : memref<112xf32, #tpu.memory_space<vmem>>, vector<16xf32>,
      %broadcast_in_dim3A_61 = arith.constant 0 : i32
      %broadcast_in_dim3A_62 = vector.broadcast %broadcast_in_dim3A_61 : i32 to vector<16xi32>
      %swap3A_63 = arith.constant 64 : index
      %swap3A_64 = tpu.vector_load %arg8[%swap3A_63] {strides = array<i32>} : memref<112xi32, #tpu.memory_space<vmem>>, vector<16xi32>,
      tpu.vector_store %arg8[%swap3A_63], %broadcast_in_dim3A_62 {strides = array<i32>} : memref<112xi32, #tpu.memory_space<vmem>>, vector<16xi32>,
      %broadcast_in_dim3A_65 = arith.constant 0.000000e+00 : f32
      %broadcast_in_dim3A_66 = vector.broadcast %broadcast_in_dim3A_65 : f32 to vector<16xf32>
      %swap3A_67 = arith.constant 80 : index
      %swap3A_68 = tpu.vector_load %arg7[%swap3A_67] {strides = array<i32>} : memref<112xf32, #tpu.memory_space<vmem>>, vector<16xf32>,
      tpu.vector_store %arg7[%swap3A_67], %broadcast_in_dim3A_66 {strides = array<i32>} : memref<112xf32, #tpu.memory_space<vmem>>, vector<16xf32>,
      %broadcast_in_dim3A_69 = arith.constant 0 : i32
      %broadcast_in_dim3A_70 = vector.broadcast %broadcast_in_dim3A_69 : i32 to vector<16xi32>
      %swap3A_71 = arith.constant 80 : index
      %swap3A_72 = tpu.vector_load %arg8[%swap3A_71] {strides = array<i32>} : memref<112xi32, #tpu.memory_space<vmem>>, vector<16xi32>,
      tpu.vector_store %arg8[%swap3A_71], %broadcast_in_dim3A_70 {strides = array<i32>} : memref<112xi32, #tpu.memory_space<vmem>>, vector<16xi32>,
      %broadcast_in_dim3A_73 = arith.constant 0.000000e+00 : f32
      %broadcast_in_dim3A_74 = vector.broadcast %broadcast_in_dim3A_73 : f32 to vector<16xf32>
      %swap3A_75 = arith.constant 96 : index
      %swap3A_76 = tpu.vector_load %arg7[%swap3A_75] {strides = array<i32>} : memref<112xf32, #tpu.memory_space<vmem>>, vector<16xf32>,
      tpu.vector_store %arg7[%swap3A_75], %broadcast_in_dim3A_74 {strides = array<i32>} : memref<112xf32, #tpu.memory_space<vmem>>, vector<16xf32>,
      %broadcast_in_dim3A_77 = arith.constant 0 : i32
      %broadcast_in_dim3A_78 = vector.broadcast %broadcast_in_dim3A_77 : i32 to vector<16xi32>
      %swap3A_79 = arith.constant 96 : index
      %swap3A_80 = tpu.vector_load %arg8[%swap3A_79] {strides = array<i32>} : memref<112xi32, #tpu.memory_space<vmem>>, vector<16xi32>,
      tpu.vector_store %arg8[%swap3A_79], %broadcast_in_dim3A_78 {strides = array<i32>} : memref<112xi32, #tpu.memory_space<vmem>>, vector<16xi32>,
      %scan3A = arith.constant 0 : i32
      %scan3A_81 = arith.constant 0 : i32
      %scan3A_82 = arith.constant 100 : i32
      %scan3A_83 = arith.addi %scan3A_81, %scan3A_82 : i32
      %scan3A_84 = arith.constant 1 : i32
      %scan3A_85 = scf.for %scan3A_625 = %scan3A_81 to %scan3A_83 step %scan3A_84 iter_args(%scan3A_626 = %scan3A) -> (i32)  : i32 {
        %broadcast_in_dim3A_627 = arith.constant -3.000000e+38 : f32
        %broadcast_in_dim3A_628 = vector.broadcast %broadcast_in_dim3A_627 : f32 to vector<16xf32>
        %broadcast_in_dim3A_629 = arith.constant 999 : i32
        %broadcast_in_dim3A_630 = vector.broadcast %broadcast_in_dim3A_629 : i32 to vector<16xi32>
        %add3A_631 = arith.constant 0 : i32
        %add3A_632 = vector.broadcast %add3A_631 : i32 to vector<16xi32>
        %add3A_633 = arith.addi %add3A_632, %iota3A : vector<16xi32>
        %get3A_634 = arith.constant 0 : index
        %get3A_635 = tpu.vector_load %arg6[%get3A_634] {strides = array<i32>} : memref<96xi32, #tpu.memory_space<vmem>>, vector<16xi32>,
        %gather3A_636 = tpu.vector_load_idx %arg5[%add3A_633, %get3A_635] : memref<80x304xf32, #tpu.memory_space<vmem>>[vector<16xi32>, vector<16xi32>], vector<16xf32>,
        %gt3A = arith.cmpf ogt, %gather3A_636, %broadcast_in_dim3A_628 : vector<16xf32>
        %eq3A_637 = arith.cmpf oeq, %gather3A_636, %broadcast_in_dim3A_628 : vector<16xf32>
        %lt3A_638 = arith.cmpi slt, %add3A_633, %broadcast_in_dim3A_630 : vector<16xi32>
        %and3A_639 = arith.andi %eq3A_637, %lt3A_638 : vector<16xi1>
        %or3A = arith.ori %gt3A, %and3A_639 : vector<16xi1>
        %select_n3A_640 = arith.select %or3A, %gather3A_636, %broadcast_in_dim3A_628 : vector<16xi1>, vector<16xf32>
        %select_n3A_641 = arith.select %or3A, %add3A_633, %broadcast_in_dim3A_630 : vector<16xi1>, vector<16xi32>
        %add3A_642 = arith.constant 16 : i32
        %add3A_643 = vector.broadcast %add3A_642 : i32 to vector<16xi32>
        %add3A_644 = arith.addi %add3A_643, %iota3A : vector<16xi32>
        %get3A_645 = arith.constant 16 : index
        %get3A_646 = tpu.vector_load %arg6[%get3A_645] {strides = array<i32>} : memref<96xi32, #tpu.memory_space<vmem>>, vector<16xi32>,
        %gather3A_647 = tpu.vector_load_idx %arg5[%add3A_644, %get3A_646] : memref<80x304xf32, #tpu.memory_space<vmem>>[vector<16xi32>, vector<16xi32>], vector<16xf32>,
        %gt3A_648 = arith.cmpf ogt, %gather3A_647, %select_n3A_640 : vector<16xf32>
        %eq3A_649 = arith.cmpf oeq, %gather3A_647, %select_n3A_640 : vector<16xf32>
        %lt3A_650 = arith.cmpi slt, %add3A_644, %select_n3A_641 : vector<16xi32>
        %and3A_651 = arith.andi %eq3A_649, %lt3A_650 : vector<16xi1>
        %or3A_652 = arith.ori %gt3A_648, %and3A_651 : vector<16xi1>
        %select_n3A_653 = arith.select %or3A_652, %gather3A_647, %select_n3A_640 : vector<16xi1>, vector<16xf32>
        %select_n3A_654 = arith.select %or3A_652, %add3A_644, %select_n3A_641 : vector<16xi1>, vector<16xi32>
        %add3A_655 = arith.constant 32 : i32
        %add3A_656 = vector.broadcast %add3A_655 : i32 to vector<16xi32>
        %add3A_657 = arith.addi %add3A_656, %iota3A : vector<16xi32>
        %get3A_658 = arith.constant 32 : index
        %get3A_659 = tpu.vector_load %arg6[%get3A_658] {strides = array<i32>} : memref<96xi32, #tpu.memory_space<vmem>>, vector<16xi32>,
        %gather3A_660 = tpu.vector_load_idx %arg5[%add3A_657, %get3A_659] : memref<80x304xf32, #tpu.memory_space<vmem>>[vector<16xi32>, vector<16xi32>], vector<16xf32>,
        %gt3A_661 = arith.cmpf ogt, %gather3A_660, %select_n3A_653 : vector<16xf32>
        %eq3A_662 = arith.cmpf oeq, %gather3A_660, %select_n3A_653 : vector<16xf32>
        %lt3A_663 = arith.cmpi slt, %add3A_657, %select_n3A_654 : vector<16xi32>
        %and3A_664 = arith.andi %eq3A_662, %lt3A_663 : vector<16xi1>
        %or3A_665 = arith.ori %gt3A_661, %and3A_664 : vector<16xi1>
        %select_n3A_666 = arith.select %or3A_665, %gather3A_660, %select_n3A_653 : vector<16xi1>, vector<16xf32>
        %select_n3A_667 = arith.select %or3A_665, %add3A_657, %select_n3A_654 : vector<16xi1>, vector<16xi32>
        %add3A_668 = arith.constant 48 : i32
        %add3A_669 = vector.broadcast %add3A_668 : i32 to vector<16xi32>
        %add3A_670 = arith.addi %add3A_669, %iota3A : vector<16xi32>
        %get3A_671 = arith.constant 48 : index
        %get3A_672 = tpu.vector_load %arg6[%get3A_671] {strides = array<i32>} : memref<96xi32, #tpu.memory_space<vmem>>, vector<16xi32>,
        %gather3A_673 = tpu.vector_load_idx %arg5[%add3A_670, %get3A_672] : memref<80x304xf32, #tpu.memory_space<vmem>>[vector<16xi32>, vector<16xi32>], vector<16xf32>,
        %gt3A_674 = arith.cmpf ogt, %gather3A_673, %select_n3A_666 : vector<16xf32>
        %eq3A_675 = arith.cmpf oeq, %gather3A_673, %select_n3A_666 : vector<16xf32>
        %lt3A_676 = arith.cmpi slt, %add3A_670, %select_n3A_667 : vector<16xi32>
        %and3A_677 = arith.andi %eq3A_675, %lt3A_676 : vector<16xi1>
        %or3A_678 = arith.ori %gt3A_674, %and3A_677 : vector<16xi1>
        %select_n3A_679 = arith.select %or3A_678, %gather3A_673, %select_n3A_666 : vector<16xi1>, vector<16xf32>
        %select_n3A_680 = arith.select %or3A_678, %add3A_670, %select_n3A_667 : vector<16xi1>, vector<16xi32>
        %add3A_681 = arith.constant 64 : i32
        %add3A_682 = vector.broadcast %add3A_681 : i32 to vector<16xi32>
        %add3A_683 = arith.addi %add3A_682, %iota3A : vector<16xi32>
        %get3A_684 = arith.constant 64 : index
        %get3A_685 = tpu.vector_load %arg6[%get3A_684] {strides = array<i32>} : memref<96xi32, #tpu.memory_space<vmem>>, vector<16xi32>,
        %gather3A_686 = tpu.vector_load_idx %arg5[%add3A_683, %get3A_685] : memref<80x304xf32, #tpu.memory_space<vmem>>[vector<16xi32>, vector<16xi32>], vector<16xf32>,
        %gt3A_687 = arith.cmpf ogt, %gather3A_686, %select_n3A_679 : vector<16xf32>
        %eq3A_688 = arith.cmpf oeq, %gather3A_686, %select_n3A_679 : vector<16xf32>
        %lt3A_689 = arith.cmpi slt, %add3A_683, %select_n3A_680 : vector<16xi32>
        %and3A_690 = arith.andi %eq3A_688, %lt3A_689 : vector<16xi1>
        %or3A_691 = arith.ori %gt3A_687, %and3A_690 : vector<16xi1>
        %select_n3A_692 = arith.select %or3A_691, %gather3A_686, %select_n3A_679 : vector<16xi1>, vector<16xf32>
        %select_n3A_693 = arith.select %or3A_691, %add3A_683, %select_n3A_680 : vector<16xi1>, vector<16xi32>
        %reduce_max3A = arith.constant true
        %reduce_max3A_694 = vector.broadcast %reduce_max3A : i1 to vector<16xi1>
        %reduce_max3A_695 = tpu.scan <max>, %select_n3A_692 masked %reduce_max3A_694 : vector<16xf32>, vector<16xi1> -> vector<16xf32>
        %reduce_max3A_696 = vector.extract %reduce_max3A_695[15] : f32 from vector<16xf32>
        %eq3A_697 = vector.broadcast %reduce_max3A_696 : f32 to vector<16xf32>
        %eq3A_698 = arith.cmpf oeq, %select_n3A_692, %eq3A_697 : vector<16xf32>
        %jit3A_699 = arith.constant 999 : i32
        %broadcast_in_dim3A_700 = vector.broadcast %jit3A_699 : i32 to vector<16xi32>
        %select_n3A_701 = arith.select %eq3A_698, %select_n3A_693, %broadcast_in_dim3A_700 : vector<16xi1>, vector<16xi32>
        %reduce_min3A = arith.constant true
        %reduce_min3A_702 = vector.broadcast %reduce_min3A : i1 to vector<16xi1>
        %reduce_min3A_703 = arith.constant -2147483648 : i32
        %reduce_min3A_704 = vector.broadcast %reduce_min3A_703 : i32 to vector<16xi32>
        %reduce_min3A_705 = arith.xori %select_n3A_701, %reduce_min3A_704 : vector<16xi32>
        %reduce_min3A_706 = tpu.scan <min>, %reduce_min3A_705 masked %reduce_min3A_702 : vector<16xi32>, vector<16xi1> -> vector<16xi32>
        %reduce_min3A_707 = arith.xori %reduce_min3A_706, %reduce_min3A_704 : vector<16xi32>
        %reduce_min3A_708 = vector.extract %reduce_min3A_707[15] : i32 from vector<16xi32>
        %broadcast_in_dim3A_709 = vector.broadcast %reduce_min3A_708 : i32 to vector<16xi32>
        %gather3A_710 = tpu.vector_load_idx %arg6[%broadcast_in_dim3A_709] : memref<96xi32, #tpu.memory_space<vmem>>[vector<16xi32>], vector<16xi32>,
        %slice3A = vector.extract_strided_slice %gather3A_710 {offsets = [0], sizes = [1], strides = [1]} : vector<16xi32> to vector<1xi32>
        %squeeze3A = vector.extract %slice3A[0] : i32 from vector<1xi32>
        %gt3A_711 = arith.constant -1.000000e+30 : f32
        %gt3A_712 = arith.cmpf ogt, %reduce_max3A_696, %gt3A_711 : f32
        %jit3A_713 = arith.constant -1.000000e+00 : f32
        %select_n3A_714 = arith.select %gt3A_712, %reduce_max3A_696, %jit3A_713 : f32
        %broadcast_in_dim3A_715 = vector.broadcast %scan3A_625 : i32 to vector<16xi32>
        %broadcast_in_dim3A_716 = vector.broadcast %select_n3A_714 : f32 to vector<16xf32>
        %iota3A_717 = tpu.iota {dimensions = array<i32: 0>} : vector<16xi32>
        %eq3A_718 = arith.constant 0 : i32
        %eq3A_719 = vector.broadcast %eq3A_718 : i32 to vector<16xi32>
        %eq3A_720 = arith.cmpi eq, %iota3A_717, %eq3A_719 : vector<16xi32>
        tpu.vector_store_idx %arg7[%broadcast_in_dim3A_715], %broadcast_in_dim3A_716 masked %eq3A_720 : memref<112xf32, #tpu.memory_space<vmem>>[vector<16xi32>], vector<16xf32>, vector<16xi1>
        %mul3A_721 = arith.constant 304 : i32
        %mul3A_722 = arith.muli %reduce_min3A_708, %mul3A_721 : i32
        %add3A_723 = arith.addi %mul3A_722, %squeeze3A : i32
        %jit3A_724 = arith.constant 0 : i32
        %select_n3A_725 = arith.select %gt3A_712, %add3A_723, %jit3A_724 : i32
        %broadcast_in_dim3A_726 = vector.broadcast %scan3A_625 : i32 to vector<16xi32>
        %broadcast_in_dim3A_727 = vector.broadcast %select_n3A_725 : i32 to vector<16xi32>
        %iota3A_728 = tpu.iota {dimensions = array<i32: 0>} : vector<16xi32>
        %eq3A_729 = arith.constant 0 : i32
        %eq3A_730 = vector.broadcast %eq3A_729 : i32 to vector<16xi32>
        %eq3A_731 = arith.cmpi eq, %iota3A_728, %eq3A_730 : vector<16xi32>
        tpu.vector_store_idx %arg8[%broadcast_in_dim3A_726], %broadcast_in_dim3A_727 masked %eq3A_731 : memref<112xi32, #tpu.memory_space<vmem>>[vector<16xi32>], vector<16xi32>, vector<16xi1>
        %convert_element_type3A_732 = arith.extui %gt3A_712 : i1 to i32
        %cond3A_733 = arith.constant 0 : i32
        %cond3A_734 = arith.cmpi ne, %convert_element_type3A_732, %cond3A_733 : i32
        scf.if %cond3A_734 {
          %add3A_736 = arith.constant 1 : i32
          %add3A_737 = arith.addi %squeeze3A, %add3A_736 : i32
          %broadcast_in_dim3A_738 = vector.broadcast %reduce_min3A_708 : i32 to vector<16xi32>
          %broadcast_in_dim3A_739 = vector.broadcast %add3A_737 : i32 to vector<16xi32>
          %iota3A_740 = tpu.iota {dimensions = array<i32: 0>} : vector<16xi32>
          %eq3A_741 = arith.constant 0 : i32
          %eq3A_742 = vector.broadcast %eq3A_741 : i32 to vector<16xi32>
          %eq3A_743 = arith.cmpi eq, %iota3A_740, %eq3A_742 : vector<16xi32>
          tpu.vector_store_idx %arg6[%broadcast_in_dim3A_738], %broadcast_in_dim3A_739 masked %eq3A_743 : memref<96xi32, #tpu.memory_space<vmem>>[vector<16xi32>], vector<16xi32>, vector<16xi1>
        } else {
        }
        %scan3A_735 = arith.constant 0 : i32
        scf.yield %scan3A_735 : i32
      }
      %scan3A_86 = arith.constant 100 : i32
      %dma_start3A = arith.constant 0 : i32
      %dma_start3A_87 = arith.constant 0 : i32
      %dma_start3A_88 = tpu.memref_slice %arg3[%dma_start3A, %dma_start3A_87] : memref<24320x16xf32, #tpu.memory_space<hbm>> -> memref<24320x16xf32, #tpu.memory_space<hbm>>
      tpu.enqueue_indirect_dma source(%dma_start3A_88 : memref<24320x16xf32, #tpu.memory_space<hbm>>) target(%arg9 : memref<112x16xf32, #tpu.memory_space<vmem>>) offsets(%arg8 : memref<112xi32, #tpu.memory_space<vmem>>) semaphore(%arg11 : memref<!tpu.dma_semaphore, #tpu.memory_space<semaphore_mem>>)
      %dma_wait3A = arith.constant 0 : i32
      %dma_wait3A_89 = arith.constant 0 : i32
      %dma_wait3A_90 = tpu.memref_slice %arg3[%dma_wait3A, %dma_wait3A_89] : memref<24320x16xf32, #tpu.memory_space<hbm>> -> memref<24320x16xf32, #tpu.memory_space<hbm>>
      tpu.wait_indirect_dma semaphore(%arg11 : memref<!tpu.dma_semaphore, #tpu.memory_space<semaphore_mem>>) src(%dma_wait3A_90 : memref<24320x16xf32, #tpu.memory_space<hbm>>) dst(%arg9 : memref<112x16xf32, #tpu.memory_space<vmem>>)
      %add3A_91 = arith.constant 0 : i32
      %add3A_92 = vector.broadcast %add3A_91 : i32 to vector<16xi32>
      %add3A_93 = arith.addi %add3A_92, %iota3A : vector<16xi32>
      %lt3A = arith.constant 100 : i32
      %lt3A_94 = vector.broadcast %lt3A : i32 to vector<16xi32>
      %lt3A_95 = arith.cmpi slt, %add3A_93, %lt3A_94 : vector<16xi32>
      %min3A = arith.constant 99 : i32
      %min3A_96 = vector.broadcast %min3A : i32 to vector<16xi32>
      %min3A_97 = arith.minsi %add3A_93, %min3A_96 : vector<16xi32>
      %broadcast_in_dim3A_98 = arith.constant 0 : i32
      %broadcast_in_dim3A_99 = vector.broadcast %broadcast_in_dim3A_98 : i32 to vector<16xi32>
      %gather3A = tpu.vector_load_idx %arg9[%min3A_97, %broadcast_in_dim3A_99] : memref<112x16xf32, #tpu.memory_space<vmem>>[vector<16xi32>, vector<16xi32>], vector<16xf32>,
      %broadcast_in_dim3A_100 = arith.constant 1 : i32
      %broadcast_in_dim3A_101 = vector.broadcast %broadcast_in_dim3A_100 : i32 to vector<16xi32>
      %gather3A_102 = tpu.vector_load_idx %arg9[%min3A_97, %broadcast_in_dim3A_101] : memref<112x16xf32, #tpu.memory_space<vmem>>[vector<16xi32>, vector<16xi32>], vector<16xf32>,
      %broadcast_in_dim3A_103 = arith.constant 2 : i32
      %broadcast_in_dim3A_104 = vector.broadcast %broadcast_in_dim3A_103 : i32 to vector<16xi32>
      %gather3A_105 = tpu.vector_load_idx %arg9[%min3A_97, %broadcast_in_dim3A_104] : memref<112x16xf32, #tpu.memory_space<vmem>>[vector<16xi32>, vector<16xi32>], vector<16xf32>,
      %broadcast_in_dim3A_106 = arith.constant 3 : i32
      %broadcast_in_dim3A_107 = vector.broadcast %broadcast_in_dim3A_106 : i32 to vector<16xi32>
      %gather3A_108 = tpu.vector_load_idx %arg9[%min3A_97, %broadcast_in_dim3A_107] : memref<112x16xf32, #tpu.memory_space<vmem>>[vector<16xi32>, vector<16xi32>], vector<16xf32>,
      %get3A = arith.constant 0 : index
      %get3A_109 = tpu.vector_load %arg7[%get3A] {strides = array<i32>} : memref<112xf32, #tpu.memory_space<vmem>>, vector<16xf32>,
      %get3A_110 = arith.constant 0 : index
      %get3A_111 = tpu.vector_load %arg8[%get3A_110] {strides = array<i32>} : memref<112xi32, #tpu.memory_space<vmem>>, vector<16xi32>,
      %jit3A = arith.constant 304 : i32
      %div3A = vector.broadcast %jit3A : i32 to vector<16xi32>
      %div3A_112 = arith.divsi %get3A_111, %div3A : vector<16xi32>
      %sign3A = arith.constant 0 : i32
      %sign3A_113 = vector.broadcast %sign3A : i32 to vector<16xi32>
      %sign3A_114 = arith.cmpi sgt, %get3A_111, %sign3A_113 : vector<16xi32>
      %sign3A_115 = arith.extui %sign3A_114 : vector<16xi1> to vector<16xi32>
      %sign3A_116 = arith.constant 0 : i32
      %sign3A_117 = vector.broadcast %sign3A_116 : i32 to vector<16xi32>
      %sign3A_118 = arith.cmpi slt, %get3A_111, %sign3A_117 : vector<16xi32>
      %sign3A_119 = arith.extui %sign3A_118 : vector<16xi1> to vector<16xi32>
      %sign3A_120 = arith.subi %sign3A_115, %sign3A_119 : vector<16xi32>
      %sign3A_121 = arith.constant 0 : i32
      %sign3A_122 = arith.cmpi sgt, %jit3A, %sign3A_121 : i32
      %sign3A_123 = arith.extui %sign3A_122 : i1 to i32
      %sign3A_124 = arith.constant 0 : i32
      %sign3A_125 = arith.cmpi slt, %jit3A, %sign3A_124 : i32
      %sign3A_126 = arith.extui %sign3A_125 : i1 to i32
      %sign3A_127 = arith.subi %sign3A_123, %sign3A_126 : i32
      %ne3A = vector.broadcast %sign3A_127 : i32 to vector<16xi32>
      %ne3A_128 = arith.cmpi ne, %sign3A_120, %ne3A : vector<16xi32>
      %rem3A = vector.broadcast %jit3A : i32 to vector<16xi32>
      %rem3A_129 = arith.remsi %get3A_111, %rem3A : vector<16xi32>
      %ne3A_130 = arith.constant 0 : i32
      %ne3A_131 = vector.broadcast %ne3A_130 : i32 to vector<16xi32>
      %ne3A_132 = arith.cmpi ne, %rem3A_129, %ne3A_131 : vector<16xi32>
      %and3A = arith.andi %ne3A_128, %ne3A_132 : vector<16xi1>
      %sub3A = arith.constant 1 : i32
      %sub3A_133 = vector.broadcast %sub3A : i32 to vector<16xi32>
      %sub3A_134 = arith.subi %div3A_112, %sub3A_133 : vector<16xi32>
      %select_n3A = arith.select %and3A, %sub3A_134, %div3A_112 : vector<16xi1>, vector<16xi32>
      %add3A_135 = arith.constant 1 : i32
      %add3A_136 = vector.broadcast %add3A_135 : i32 to vector<16xi32>
      %add3A_137 = arith.addi %select_n3A, %add3A_136 : vector<16xi32>
      %convert_element_type3A_138 = arith.sitofp %add3A_137 : vector<16xi32> to vector<16xf32>
      %mul3A_139 = arith.constant 6 : i32
      %mul3A_140 = vector.broadcast %mul3A_139 : i32 to vector<16xi32>
      %mul3A_141 = arith.muli %min3A_97, %mul3A_140 : vector<16xi32>
      tpu.vector_store_idx %arg10[%mul3A_141], %gather3A masked %lt3A_95 : memref<608xf32, #tpu.memory_space<vmem>>[vector<16xi32>], vector<16xf32>, vector<16xi1>
      %add3A_142 = arith.constant 1 : i32
      %add3A_143 = vector.broadcast %add3A_142 : i32 to vector<16xi32>
      %add3A_144 = arith.addi %mul3A_141, %add3A_143 : vector<16xi32>
      tpu.vector_store_idx %arg10[%add3A_144], %gather3A_102 masked %lt3A_95 : memref<608xf32, #tpu.memory_space<vmem>>[vector<16xi32>], vector<16xf32>, vector<16xi1>
      %add3A_145 = arith.constant 2 : i32
      %add3A_146 = vector.broadcast %add3A_145 : i32 to vector<16xi32>
      %add3A_147 = arith.addi %mul3A_141, %add3A_146 : vector<16xi32>
      tpu.vector_store_idx %arg10[%add3A_147], %gather3A_105 masked %lt3A_95 : memref<608xf32, #tpu.memory_space<vmem>>[vector<16xi32>], vector<16xf32>, vector<16xi1>
      %add3A_148 = arith.constant 3 : i32
      %add3A_149 = vector.broadcast %add3A_148 : i32 to vector<16xi32>
      %add3A_150 = arith.addi %mul3A_141, %add3A_149 : vector<16xi32>
      tpu.vector_store_idx %arg10[%add3A_150], %gather3A_108 masked %lt3A_95 : memref<608xf32, #tpu.memory_space<vmem>>[vector<16xi32>], vector<16xf32>, vector<16xi1>
      %add3A_151 = arith.constant 4 : i32
      %add3A_152 = vector.broadcast %add3A_151 : i32 to vector<16xi32>
      %add3A_153 = arith.addi %mul3A_141, %add3A_152 : vector<16xi32>
      tpu.vector_store_idx %arg10[%add3A_153], %get3A_109 masked %lt3A_95 : memref<608xf32, #tpu.memory_space<vmem>>[vector<16xi32>], vector<16xf32>, vector<16xi1>
      %add3A_154 = arith.constant 5 : i32
      %add3A_155 = vector.broadcast %add3A_154 : i32 to vector<16xi32>
      %add3A_156 = arith.addi %mul3A_141, %add3A_155 : vector<16xi32>
      tpu.vector_store_idx %arg10[%add3A_156], %convert_element_type3A_138 masked %lt3A_95 : memref<608xf32, #tpu.memory_space<vmem>>[vector<16xi32>], vector<16xf32>, vector<16xi1>
      %add3A_157 = arith.constant 16 : i32
      %add3A_158 = vector.broadcast %add3A_157 : i32 to vector<16xi32>
      %add3A_159 = arith.addi %add3A_158, %iota3A : vector<16xi32>
      %lt3A_160 = arith.constant 100 : i32
      %lt3A_161 = vector.broadcast %lt3A_160 : i32 to vector<16xi32>
      %lt3A_162 = arith.cmpi slt, %add3A_159, %lt3A_161 : vector<16xi32>
      %min3A_163 = arith.constant 99 : i32
      %min3A_164 = vector.broadcast %min3A_163 : i32 to vector<16xi32>
      %min3A_165 = arith.minsi %add3A_159, %min3A_164 : vector<16xi32>
      %broadcast_in_dim3A_166 = arith.constant 0 : i32
      %broadcast_in_dim3A_167 = vector.broadcast %broadcast_in_dim3A_166 : i32 to vector<16xi32>
      %gather3A_168 = tpu.vector_load_idx %arg9[%min3A_165, %broadcast_in_dim3A_167] : memref<112x16xf32, #tpu.memory_space<vmem>>[vector<16xi32>, vector<16xi32>], vector<16xf32>,
      %broadcast_in_dim3A_169 = arith.constant 1 : i32
      %broadcast_in_dim3A_170 = vector.broadcast %broadcast_in_dim3A_169 : i32 to vector<16xi32>
      %gather3A_171 = tpu.vector_load_idx %arg9[%min3A_165, %broadcast_in_dim3A_170] : memref<112x16xf32, #tpu.memory_space<vmem>>[vector<16xi32>, vector<16xi32>], vector<16xf32>,
      %broadcast_in_dim3A_172 = arith.constant 2 : i32
      %broadcast_in_dim3A_173 = vector.broadcast %broadcast_in_dim3A_172 : i32 to vector<16xi32>
      %gather3A_174 = tpu.vector_load_idx %arg9[%min3A_165, %broadcast_in_dim3A_173] : memref<112x16xf32, #tpu.memory_space<vmem>>[vector<16xi32>, vector<16xi32>], vector<16xf32>,
      %broadcast_in_dim3A_175 = arith.constant 3 : i32
      %broadcast_in_dim3A_176 = vector.broadcast %broadcast_in_dim3A_175 : i32 to vector<16xi32>
      %gather3A_177 = tpu.vector_load_idx %arg9[%min3A_165, %broadcast_in_dim3A_176] : memref<112x16xf32, #tpu.memory_space<vmem>>[vector<16xi32>, vector<16xi32>], vector<16xf32>,
      %get3A_178 = arith.constant 16 : index
      %get3A_179 = tpu.vector_load %arg7[%get3A_178] {strides = array<i32>} : memref<112xf32, #tpu.memory_space<vmem>>, vector<16xf32>,
      %get3A_180 = arith.constant 16 : index
      %get3A_181 = tpu.vector_load %arg8[%get3A_180] {strides = array<i32>} : memref<112xi32, #tpu.memory_space<vmem>>, vector<16xi32>,
      %jit3A_182 = arith.constant 304 : i32
      %div3A_183 = vector.broadcast %jit3A_182 : i32 to vector<16xi32>
      %div3A_184 = arith.divsi %get3A_181, %div3A_183 : vector<16xi32>
      %sign3A_185 = arith.constant 0 : i32
      %sign3A_186 = vector.broadcast %sign3A_185 : i32 to vector<16xi32>
      %sign3A_187 = arith.cmpi sgt, %get3A_181, %sign3A_186 : vector<16xi32>
      %sign3A_188 = arith.extui %sign3A_187 : vector<16xi1> to vector<16xi32>
      %sign3A_189 = arith.constant 0 : i32
      %sign3A_190 = vector.broadcast %sign3A_189 : i32 to vector<16xi32>
      %sign3A_191 = arith.cmpi slt, %get3A_181, %sign3A_190 : vector<16xi32>
      %sign3A_192 = arith.extui %sign3A_191 : vector<16xi1> to vector<16xi32>
      %sign3A_193 = arith.subi %sign3A_188, %sign3A_192 : vector<16xi32>
      %sign3A_194 = arith.constant 0 : i32
      %sign3A_195 = arith.cmpi sgt, %jit3A_182, %sign3A_194 : i32
      %sign3A_196 = arith.extui %sign3A_195 : i1 to i32
      %sign3A_197 = arith.constant 0 : i32
      %sign3A_198 = arith.cmpi slt, %jit3A_182, %sign3A_197 : i32
      %sign3A_199 = arith.extui %sign3A_198 : i1 to i32
      %sign3A_200 = arith.subi %sign3A_196, %sign3A_199 : i32
      %ne3A_201 = vector.broadcast %sign3A_200 : i32 to vector<16xi32>
      %ne3A_202 = arith.cmpi ne, %sign3A_193, %ne3A_201 : vector<16xi32>
      %rem3A_203 = vector.broadcast %jit3A_182 : i32 to vector<16xi32>
      %rem3A_204 = arith.remsi %get3A_181, %rem3A_203 : vector<16xi32>
      %ne3A_205 = arith.constant 0 : i32
      %ne3A_206 = vector.broadcast %ne3A_205 : i32 to vector<16xi32>
      %ne3A_207 = arith.cmpi ne, %rem3A_204, %ne3A_206 : vector<16xi32>
      %and3A_208 = arith.andi %ne3A_202, %ne3A_207 : vector<16xi1>
      %sub3A_209 = arith.constant 1 : i32
      %sub3A_210 = vector.broadcast %sub3A_209 : i32 to vector<16xi32>
      %sub3A_211 = arith.subi %div3A_184, %sub3A_210 : vector<16xi32>
      %select_n3A_212 = arith.select %and3A_208, %sub3A_211, %div3A_184 : vector<16xi1>, vector<16xi32>
      %add3A_213 = arith.constant 1 : i32
      %add3A_214 = vector.broadcast %add3A_213 : i32 to vector<16xi32>
      %add3A_215 = arith.addi %select_n3A_212, %add3A_214 : vector<16xi32>
      %convert_element_type3A_216 = arith.sitofp %add3A_215 : vector<16xi32> to vector<16xf32>
      %mul3A_217 = arith.constant 6 : i32
      %mul3A_218 = vector.broadcast %mul3A_217 : i32 to vector<16xi32>
      %mul3A_219 = arith.muli %min3A_165, %mul3A_218 : vector<16xi32>
      tpu.vector_store_idx %arg10[%mul3A_219], %gather3A_168 masked %lt3A_162 : memref<608xf32, #tpu.memory_space<vmem>>[vector<16xi32>], vector<16xf32>, vector<16xi1>
      %add3A_220 = arith.constant 1 : i32
      %add3A_221 = vector.broadcast %add3A_220 : i32 to vector<16xi32>
      %add3A_222 = arith.addi %mul3A_219, %add3A_221 : vector<16xi32>
      tpu.vector_store_idx %arg10[%add3A_222], %gather3A_171 masked %lt3A_162 : memref<608xf32, #tpu.memory_space<vmem>>[vector<16xi32>], vector<16xf32>, vector<16xi1>
      %add3A_223 = arith.constant 2 : i32
      %add3A_224 = vector.broadcast %add3A_223 : i32 to vector<16xi32>
      %add3A_225 = arith.addi %mul3A_219, %add3A_224 : vector<16xi32>
      tpu.vector_store_idx %arg10[%add3A_225], %gather3A_174 masked %lt3A_162 : memref<608xf32, #tpu.memory_space<vmem>>[vector<16xi32>], vector<16xf32>, vector<16xi1>
      %add3A_226 = arith.constant 3 : i32
      %add3A_227 = vector.broadcast %add3A_226 : i32 to vector<16xi32>
      %add3A_228 = arith.addi %mul3A_219, %add3A_227 : vector<16xi32>
      tpu.vector_store_idx %arg10[%add3A_228], %gather3A_177 masked %lt3A_162 : memref<608xf32, #tpu.memory_space<vmem>>[vector<16xi32>], vector<16xf32>, vector<16xi1>
      %add3A_229 = arith.constant 4 : i32
      %add3A_230 = vector.broadcast %add3A_229 : i32 to vector<16xi32>
      %add3A_231 = arith.addi %mul3A_219, %add3A_230 : vector<16xi32>
      tpu.vector_store_idx %arg10[%add3A_231], %get3A_179 masked %lt3A_162 : memref<608xf32, #tpu.memory_space<vmem>>[vector<16xi32>], vector<16xf32>, vector<16xi1>
      %add3A_232 = arith.constant 5 : i32
      %add3A_233 = vector.broadcast %add3A_232 : i32 to vector<16xi32>
      %add3A_234 = arith.addi %mul3A_219, %add3A_233 : vector<16xi32>
      tpu.vector_store_idx %arg10[%add3A_234], %convert_element_type3A_216 masked %lt3A_162 : memref<608xf32, #tpu.memory_space<vmem>>[vector<16xi32>], vector<16xf32>, vector<16xi1>
      %add3A_235 = arith.constant 32 : i32
      %add3A_236 = vector.broadcast %add3A_235 : i32 to vector<16xi32>
      %add3A_237 = arith.addi %add3A_236, %iota3A : vector<16xi32>
      %lt3A_238 = arith.constant 100 : i32
      %lt3A_239 = vector.broadcast %lt3A_238 : i32 to vector<16xi32>
      %lt3A_240 = arith.cmpi slt, %add3A_237, %lt3A_239 : vector<16xi32>
      %min3A_241 = arith.constant 99 : i32
      %min3A_242 = vector.broadcast %min3A_241 : i32 to vector<16xi32>
      %min3A_243 = arith.minsi %add3A_237, %min3A_242 : vector<16xi32>
      %broadcast_in_dim3A_244 = arith.constant 0 : i32
      %broadcast_in_dim3A_245 = vector.broadcast %broadcast_in_dim3A_244 : i32 to vector<16xi32>
      %gather3A_246 = tpu.vector_load_idx %arg9[%min3A_243, %broadcast_in_dim3A_245] : memref<112x16xf32, #tpu.memory_space<vmem>>[vector<16xi32>, vector<16xi32>], vector<16xf32>,
      %broadcast_in_dim3A_247 = arith.constant 1 : i32
      %broadcast_in_dim3A_248 = vector.broadcast %broadcast_in_dim3A_247 : i32 to vector<16xi32>
      %gather3A_249 = tpu.vector_load_idx %arg9[%min3A_243, %broadcast_in_dim3A_248] : memref<112x16xf32, #tpu.memory_space<vmem>>[vector<16xi32>, vector<16xi32>], vector<16xf32>,
      %broadcast_in_dim3A_250 = arith.constant 2 : i32
      %broadcast_in_dim3A_251 = vector.broadcast %broadcast_in_dim3A_250 : i32 to vector<16xi32>
      %gather3A_252 = tpu.vector_load_idx %arg9[%min3A_243, %broadcast_in_dim3A_251] : memref<112x16xf32, #tpu.memory_space<vmem>>[vector<16xi32>, vector<16xi32>], vector<16xf32>,
      %broadcast_in_dim3A_253 = arith.constant 3 : i32
      %broadcast_in_dim3A_254 = vector.broadcast %broadcast_in_dim3A_253 : i32 to vector<16xi32>
      %gather3A_255 = tpu.vector_load_idx %arg9[%min3A_243, %broadcast_in_dim3A_254] : memref<112x16xf32, #tpu.memory_space<vmem>>[vector<16xi32>, vector<16xi32>], vector<16xf32>,
      %get3A_256 = arith.constant 32 : index
      %get3A_257 = tpu.vector_load %arg7[%get3A_256] {strides = array<i32>} : memref<112xf32, #tpu.memory_space<vmem>>, vector<16xf32>,
      %get3A_258 = arith.constant 32 : index
      %get3A_259 = tpu.vector_load %arg8[%get3A_258] {strides = array<i32>} : memref<112xi32, #tpu.memory_space<vmem>>, vector<16xi32>,
      %jit3A_260 = arith.constant 304 : i32
      %div3A_261 = vector.broadcast %jit3A_260 : i32 to vector<16xi32>
      %div3A_262 = arith.divsi %get3A_259, %div3A_261 : vector<16xi32>
      %sign3A_263 = arith.constant 0 : i32
      %sign3A_264 = vector.broadcast %sign3A_263 : i32 to vector<16xi32>
      %sign3A_265 = arith.cmpi sgt, %get3A_259, %sign3A_264 : vector<16xi32>
      %sign3A_266 = arith.extui %sign3A_265 : vector<16xi1> to vector<16xi32>
      %sign3A_267 = arith.constant 0 : i32
      %sign3A_268 = vector.broadcast %sign3A_267 : i32 to vector<16xi32>
      %sign3A_269 = arith.cmpi slt, %get3A_259, %sign3A_268 : vector<16xi32>
      %sign3A_270 = arith.extui %sign3A_269 : vector<16xi1> to vector<16xi32>
      %sign3A_271 = arith.subi %sign3A_266, %sign3A_270 : vector<16xi32>
      %sign3A_272 = arith.constant 0 : i32
      %sign3A_273 = arith.cmpi sgt, %jit3A_260, %sign3A_272 : i32
      %sign3A_274 = arith.extui %sign3A_273 : i1 to i32
      %sign3A_275 = arith.constant 0 : i32
      %sign3A_276 = arith.cmpi slt, %jit3A_260, %sign3A_275 : i32
      %sign3A_277 = arith.extui %sign3A_276 : i1 to i32
      %sign3A_278 = arith.subi %sign3A_274, %sign3A_277 : i32
      %ne3A_279 = vector.broadcast %sign3A_278 : i32 to vector<16xi32>
      %ne3A_280 = arith.cmpi ne, %sign3A_271, %ne3A_279 : vector<16xi32>
      %rem3A_281 = vector.broadcast %jit3A_260 : i32 to vector<16xi32>
      %rem3A_282 = arith.remsi %get3A_259, %rem3A_281 : vector<16xi32>
      %ne3A_283 = arith.constant 0 : i32
      %ne3A_284 = vector.broadcast %ne3A_283 : i32 to vector<16xi32>
      %ne3A_285 = arith.cmpi ne, %rem3A_282, %ne3A_284 : vector<16xi32>
      %and3A_286 = arith.andi %ne3A_280, %ne3A_285 : vector<16xi1>
      %sub3A_287 = arith.constant 1 : i32
      %sub3A_288 = vector.broadcast %sub3A_287 : i32 to vector<16xi32>
      %sub3A_289 = arith.subi %div3A_262, %sub3A_288 : vector<16xi32>
      %select_n3A_290 = arith.select %and3A_286, %sub3A_289, %div3A_262 : vector<16xi1>, vector<16xi32>
      %add3A_291 = arith.constant 1 : i32
      %add3A_292 = vector.broadcast %add3A_291 : i32 to vector<16xi32>
      %add3A_293 = arith.addi %select_n3A_290, %add3A_292 : vector<16xi32>
      %convert_element_type3A_294 = arith.sitofp %add3A_293 : vector<16xi32> to vector<16xf32>
      %mul3A_295 = arith.constant 6 : i32
      %mul3A_296 = vector.broadcast %mul3A_295 : i32 to vector<16xi32>
      %mul3A_297 = arith.muli %min3A_243, %mul3A_296 : vector<16xi32>
      tpu.vector_store_idx %arg10[%mul3A_297], %gather3A_246 masked %lt3A_240 : memref<608xf32, #tpu.memory_space<vmem>>[vector<16xi32>], vector<16xf32>, vector<16xi1>
      %add3A_298 = arith.constant 1 : i32
      %add3A_299 = vector.broadcast %add3A_298 : i32 to vector<16xi32>
      %add3A_300 = arith.addi %mul3A_297, %add3A_299 : vector<16xi32>
      tpu.vector_store_idx %arg10[%add3A_300], %gather3A_249 masked %lt3A_240 : memref<608xf32, #tpu.memory_space<vmem>>[vector<16xi32>], vector<16xf32>, vector<16xi1>
      %add3A_301 = arith.constant 2 : i32
      %add3A_302 = vector.broadcast %add3A_301 : i32 to vector<16xi32>
      %add3A_303 = arith.addi %mul3A_297, %add3A_302 : vector<16xi32>
      tpu.vector_store_idx %arg10[%add3A_303], %gather3A_252 masked %lt3A_240 : memref<608xf32, #tpu.memory_space<vmem>>[vector<16xi32>], vector<16xf32>, vector<16xi1>
      %add3A_304 = arith.constant 3 : i32
      %add3A_305 = vector.broadcast %add3A_304 : i32 to vector<16xi32>
      %add3A_306 = arith.addi %mul3A_297, %add3A_305 : vector<16xi32>
      tpu.vector_store_idx %arg10[%add3A_306], %gather3A_255 masked %lt3A_240 : memref<608xf32, #tpu.memory_space<vmem>>[vector<16xi32>], vector<16xf32>, vector<16xi1>
      %add3A_307 = arith.constant 4 : i32
      %add3A_308 = vector.broadcast %add3A_307 : i32 to vector<16xi32>
      %add3A_309 = arith.addi %mul3A_297, %add3A_308 : vector<16xi32>
      tpu.vector_store_idx %arg10[%add3A_309], %get3A_257 masked %lt3A_240 : memref<608xf32, #tpu.memory_space<vmem>>[vector<16xi32>], vector<16xf32>, vector<16xi1>
      %add3A_310 = arith.constant 5 : i32
      %add3A_311 = vector.broadcast %add3A_310 : i32 to vector<16xi32>
      %add3A_312 = arith.addi %mul3A_297, %add3A_311 : vector<16xi32>
      tpu.vector_store_idx %arg10[%add3A_312], %convert_element_type3A_294 masked %lt3A_240 : memref<608xf32, #tpu.memory_space<vmem>>[vector<16xi32>], vector<16xf32>, vector<16xi1>
      %add3A_313 = arith.constant 48 : i32
      %add3A_314 = vector.broadcast %add3A_313 : i32 to vector<16xi32>
      %add3A_315 = arith.addi %add3A_314, %iota3A : vector<16xi32>
      %lt3A_316 = arith.constant 100 : i32
      %lt3A_317 = vector.broadcast %lt3A_316 : i32 to vector<16xi32>
      %lt3A_318 = arith.cmpi slt, %add3A_315, %lt3A_317 : vector<16xi32>
      %min3A_319 = arith.constant 99 : i32
      %min3A_320 = vector.broadcast %min3A_319 : i32 to vector<16xi32>
      %min3A_321 = arith.minsi %add3A_315, %min3A_320 : vector<16xi32>
      %broadcast_in_dim3A_322 = arith.constant 0 : i32
      %broadcast_in_dim3A_323 = vector.broadcast %broadcast_in_dim3A_322 : i32 to vector<16xi32>
      %gather3A_324 = tpu.vector_load_idx %arg9[%min3A_321, %broadcast_in_dim3A_323] : memref<112x16xf32, #tpu.memory_space<vmem>>[vector<16xi32>, vector<16xi32>], vector<16xf32>,
      %broadcast_in_dim3A_325 = arith.constant 1 : i32
      %broadcast_in_dim3A_326 = vector.broadcast %broadcast_in_dim3A_325 : i32 to vector<16xi32>
      %gather3A_327 = tpu.vector_load_idx %arg9[%min3A_321, %broadcast_in_dim3A_326] : memref<112x16xf32, #tpu.memory_space<vmem>>[vector<16xi32>, vector<16xi32>], vector<16xf32>,
      %broadcast_in_dim3A_328 = arith.constant 2 : i32
      %broadcast_in_dim3A_329 = vector.broadcast %broadcast_in_dim3A_328 : i32 to vector<16xi32>
      %gather3A_330 = tpu.vector_load_idx %arg9[%min3A_321, %broadcast_in_dim3A_329] : memref<112x16xf32, #tpu.memory_space<vmem>>[vector<16xi32>, vector<16xi32>], vector<16xf32>,
      %broadcast_in_dim3A_331 = arith.constant 3 : i32
      %broadcast_in_dim3A_332 = vector.broadcast %broadcast_in_dim3A_331 : i32 to vector<16xi32>
      %gather3A_333 = tpu.vector_load_idx %arg9[%min3A_321, %broadcast_in_dim3A_332] : memref<112x16xf32, #tpu.memory_space<vmem>>[vector<16xi32>, vector<16xi32>], vector<16xf32>,
      %get3A_334 = arith.constant 48 : index
      %get3A_335 = tpu.vector_load %arg7[%get3A_334] {strides = array<i32>} : memref<112xf32, #tpu.memory_space<vmem>>, vector<16xf32>,
      %get3A_336 = arith.constant 48 : index
      %get3A_337 = tpu.vector_load %arg8[%get3A_336] {strides = array<i32>} : memref<112xi32, #tpu.memory_space<vmem>>, vector<16xi32>,
      %jit3A_338 = arith.constant 304 : i32
      %div3A_339 = vector.broadcast %jit3A_338 : i32 to vector<16xi32>
      %div3A_340 = arith.divsi %get3A_337, %div3A_339 : vector<16xi32>
      %sign3A_341 = arith.constant 0 : i32
      %sign3A_342 = vector.broadcast %sign3A_341 : i32 to vector<16xi32>
      %sign3A_343 = arith.cmpi sgt, %get3A_337, %sign3A_342 : vector<16xi32>
      %sign3A_344 = arith.extui %sign3A_343 : vector<16xi1> to vector<16xi32>
      %sign3A_345 = arith.constant 0 : i32
      %sign3A_346 = vector.broadcast %sign3A_345 : i32 to vector<16xi32>
      %sign3A_347 = arith.cmpi slt, %get3A_337, %sign3A_346 : vector<16xi32>
      %sign3A_348 = arith.extui %sign3A_347 : vector<16xi1> to vector<16xi32>
      %sign3A_349 = arith.subi %sign3A_344, %sign3A_348 : vector<16xi32>
      %sign3A_350 = arith.constant 0 : i32
      %sign3A_351 = arith.cmpi sgt, %jit3A_338, %sign3A_350 : i32
      %sign3A_352 = arith.extui %sign3A_351 : i1 to i32
      %sign3A_353 = arith.constant 0 : i32
      %sign3A_354 = arith.cmpi slt, %jit3A_338, %sign3A_353 : i32
      %sign3A_355 = arith.extui %sign3A_354 : i1 to i32
      %sign3A_356 = arith.subi %sign3A_352, %sign3A_355 : i32
      %ne3A_357 = vector.broadcast %sign3A_356 : i32 to vector<16xi32>
      %ne3A_358 = arith.cmpi ne, %sign3A_349, %ne3A_357 : vector<16xi32>
      %rem3A_359 = vector.broadcast %jit3A_338 : i32 to vector<16xi32>
      %rem3A_360 = arith.remsi %get3A_337, %rem3A_359 : vector<16xi32>
      %ne3A_361 = arith.constant 0 : i32
      %ne3A_362 = vector.broadcast %ne3A_361 : i32 to vector<16xi32>
      %ne3A_363 = arith.cmpi ne, %rem3A_360, %ne3A_362 : vector<16xi32>
      %and3A_364 = arith.andi %ne3A_358, %ne3A_363 : vector<16xi1>
      %sub3A_365 = arith.constant 1 : i32
      %sub3A_366 = vector.broadcast %sub3A_365 : i32 to vector<16xi32>
      %sub3A_367 = arith.subi %div3A_340, %sub3A_366 : vector<16xi32>
      %select_n3A_368 = arith.select %and3A_364, %sub3A_367, %div3A_340 : vector<16xi1>, vector<16xi32>
      %add3A_369 = arith.constant 1 : i32
      %add3A_370 = vector.broadcast %add3A_369 : i32 to vector<16xi32>
      %add3A_371 = arith.addi %select_n3A_368, %add3A_370 : vector<16xi32>
      %convert_element_type3A_372 = arith.sitofp %add3A_371 : vector<16xi32> to vector<16xf32>
      %mul3A_373 = arith.constant 6 : i32
      %mul3A_374 = vector.broadcast %mul3A_373 : i32 to vector<16xi32>
      %mul3A_375 = arith.muli %min3A_321, %mul3A_374 : vector<16xi32>
      tpu.vector_store_idx %arg10[%mul3A_375], %gather3A_324 masked %lt3A_318 : memref<608xf32, #tpu.memory_space<vmem>>[vector<16xi32>], vector<16xf32>, vector<16xi1>
      %add3A_376 = arith.constant 1 : i32
      %add3A_377 = vector.broadcast %add3A_376 : i32 to vector<16xi32>
      %add3A_378 = arith.addi %mul3A_375, %add3A_377 : vector<16xi32>
      tpu.vector_store_idx %arg10[%add3A_378], %gather3A_327 masked %lt3A_318 : memref<608xf32, #tpu.memory_space<vmem>>[vector<16xi32>], vector<16xf32>, vector<16xi1>
      %add3A_379 = arith.constant 2 : i32
      %add3A_380 = vector.broadcast %add3A_379 : i32 to vector<16xi32>
      %add3A_381 = arith.addi %mul3A_375, %add3A_380 : vector<16xi32>
      tpu.vector_store_idx %arg10[%add3A_381], %gather3A_330 masked %lt3A_318 : memref<608xf32, #tpu.memory_space<vmem>>[vector<16xi32>], vector<16xf32>, vector<16xi1>
      %add3A_382 = arith.constant 3 : i32
      %add3A_383 = vector.broadcast %add3A_382 : i32 to vector<16xi32>
      %add3A_384 = arith.addi %mul3A_375, %add3A_383 : vector<16xi32>
      tpu.vector_store_idx %arg10[%add3A_384], %gather3A_333 masked %lt3A_318 : memref<608xf32, #tpu.memory_space<vmem>>[vector<16xi32>], vector<16xf32>, vector<16xi1>
      %add3A_385 = arith.constant 4 : i32
      %add3A_386 = vector.broadcast %add3A_385 : i32 to vector<16xi32>
      %add3A_387 = arith.addi %mul3A_375, %add3A_386 : vector<16xi32>
      tpu.vector_store_idx %arg10[%add3A_387], %get3A_335 masked %lt3A_318 : memref<608xf32, #tpu.memory_space<vmem>>[vector<16xi32>], vector<16xf32>, vector<16xi1>
      %add3A_388 = arith.constant 5 : i32
      %add3A_389 = vector.broadcast %add3A_388 : i32 to vector<16xi32>
      %add3A_390 = arith.addi %mul3A_375, %add3A_389 : vector<16xi32>
      tpu.vector_store_idx %arg10[%add3A_390], %convert_element_type3A_372 masked %lt3A_318 : memref<608xf32, #tpu.memory_space<vmem>>[vector<16xi32>], vector<16xf32>, vector<16xi1>
      %add3A_391 = arith.constant 64 : i32
      %add3A_392 = vector.broadcast %add3A_391 : i32 to vector<16xi32>
      %add3A_393 = arith.addi %add3A_392, %iota3A : vector<16xi32>
      %lt3A_394 = arith.constant 100 : i32
      %lt3A_395 = vector.broadcast %lt3A_394 : i32 to vector<16xi32>
      %lt3A_396 = arith.cmpi slt, %add3A_393, %lt3A_395 : vector<16xi32>
      %min3A_397 = arith.constant 99 : i32
      %min3A_398 = vector.broadcast %min3A_397 : i32 to vector<16xi32>
      %min3A_399 = arith.minsi %add3A_393, %min3A_398 : vector<16xi32>
      %broadcast_in_dim3A_400 = arith.constant 0 : i32
      %broadcast_in_dim3A_401 = vector.broadcast %broadcast_in_dim3A_400 : i32 to vector<16xi32>
      %gather3A_402 = tpu.vector_load_idx %arg9[%min3A_399, %broadcast_in_dim3A_401] : memref<112x16xf32, #tpu.memory_space<vmem>>[vector<16xi32>, vector<16xi32>], vector<16xf32>,
      %broadcast_in_dim3A_403 = arith.constant 1 : i32
      %broadcast_in_dim3A_404 = vector.broadcast %broadcast_in_dim3A_403 : i32 to vector<16xi32>
      %gather3A_405 = tpu.vector_load_idx %arg9[%min3A_399, %broadcast_in_dim3A_404] : memref<112x16xf32, #tpu.memory_space<vmem>>[vector<16xi32>, vector<16xi32>], vector<16xf32>,
      %broadcast_in_dim3A_406 = arith.constant 2 : i32
      %broadcast_in_dim3A_407 = vector.broadcast %broadcast_in_dim3A_406 : i32 to vector<16xi32>
      %gather3A_408 = tpu.vector_load_idx %arg9[%min3A_399, %broadcast_in_dim3A_407] : memref<112x16xf32, #tpu.memory_space<vmem>>[vector<16xi32>, vector<16xi32>], vector<16xf32>,
      %broadcast_in_dim3A_409 = arith.constant 3 : i32
      %broadcast_in_dim3A_410 = vector.broadcast %broadcast_in_dim3A_409 : i32 to vector<16xi32>
      %gather3A_411 = tpu.vector_load_idx %arg9[%min3A_399, %broadcast_in_dim3A_410] : memref<112x16xf32, #tpu.memory_space<vmem>>[vector<16xi32>, vector<16xi32>], vector<16xf32>,
      %get3A_412 = arith.constant 64 : index
      %get3A_413 = tpu.vector_load %arg7[%get3A_412] {strides = array<i32>} : memref<112xf32, #tpu.memory_space<vmem>>, vector<16xf32>,
      %get3A_414 = arith.constant 64 : index
      %get3A_415 = tpu.vector_load %arg8[%get3A_414] {strides = array<i32>} : memref<112xi32, #tpu.memory_space<vmem>>, vector<16xi32>,
      %jit3A_416 = arith.constant 304 : i32
      %div3A_417 = vector.broadcast %jit3A_416 : i32 to vector<16xi32>
      %div3A_418 = arith.divsi %get3A_415, %div3A_417 : vector<16xi32>
      %sign3A_419 = arith.constant 0 : i32
      %sign3A_420 = vector.broadcast %sign3A_419 : i32 to vector<16xi32>
      %sign3A_421 = arith.cmpi sgt, %get3A_415, %sign3A_420 : vector<16xi32>
      %sign3A_422 = arith.extui %sign3A_421 : vector<16xi1> to vector<16xi32>
      %sign3A_423 = arith.constant 0 : i32
      %sign3A_424 = vector.broadcast %sign3A_423 : i32 to vector<16xi32>
      %sign3A_425 = arith.cmpi slt, %get3A_415, %sign3A_424 : vector<16xi32>
      %sign3A_426 = arith.extui %sign3A_425 : vector<16xi1> to vector<16xi32>
      %sign3A_427 = arith.subi %sign3A_422, %sign3A_426 : vector<16xi32>
      %sign3A_428 = arith.constant 0 : i32
      %sign3A_429 = arith.cmpi sgt, %jit3A_416, %sign3A_428 : i32
      %sign3A_430 = arith.extui %sign3A_429 : i1 to i32
      %sign3A_431 = arith.constant 0 : i32
      %sign3A_432 = arith.cmpi slt, %jit3A_416, %sign3A_431 : i32
      %sign3A_433 = arith.extui %sign3A_432 : i1 to i32
      %sign3A_434 = arith.subi %sign3A_430, %sign3A_433 : i32
      %ne3A_435 = vector.broadcast %sign3A_434 : i32 to vector<16xi32>
      %ne3A_436 = arith.cmpi ne, %sign3A_427, %ne3A_435 : vector<16xi32>
      %rem3A_437 = vector.broadcast %jit3A_416 : i32 to vector<16xi32>
      %rem3A_438 = arith.remsi %get3A_415, %rem3A_437 : vector<16xi32>
      %ne3A_439 = arith.constant 0 : i32
      %ne3A_440 = vector.broadcast %ne3A_439 : i32 to vector<16xi32>
      %ne3A_441 = arith.cmpi ne, %rem3A_438, %ne3A_440 : vector<16xi32>
      %and3A_442 = arith.andi %ne3A_436, %ne3A_441 : vector<16xi1>
      %sub3A_443 = arith.constant 1 : i32
      %sub3A_444 = vector.broadcast %sub3A_443 : i32 to vector<16xi32>
      %sub3A_445 = arith.subi %div3A_418, %sub3A_444 : vector<16xi32>
      %select_n3A_446 = arith.select %and3A_442, %sub3A_445, %div3A_418 : vector<16xi1>, vector<16xi32>
      %add3A_447 = arith.constant 1 : i32
      %add3A_448 = vector.broadcast %add3A_447 : i32 to vector<16xi32>
      %add3A_449 = arith.addi %select_n3A_446, %add3A_448 : vector<16xi32>
      %convert_element_type3A_450 = arith.sitofp %add3A_449 : vector<16xi32> to vector<16xf32>
      %mul3A_451 = arith.constant 6 : i32
      %mul3A_452 = vector.broadcast %mul3A_451 : i32 to vector<16xi32>
      %mul3A_453 = arith.muli %min3A_399, %mul3A_452 : vector<16xi32>
      tpu.vector_store_idx %arg10[%mul3A_453], %gather3A_402 masked %lt3A_396 : memref<608xf32, #tpu.memory_space<vmem>>[vector<16xi32>], vector<16xf32>, vector<16xi1>
      %add3A_454 = arith.constant 1 : i32
      %add3A_455 = vector.broadcast %add3A_454 : i32 to vector<16xi32>
      %add3A_456 = arith.addi %mul3A_453, %add3A_455 : vector<16xi32>
      tpu.vector_store_idx %arg10[%add3A_456], %gather3A_405 masked %lt3A_396 : memref<608xf32, #tpu.memory_space<vmem>>[vector<16xi32>], vector<16xf32>, vector<16xi1>
      %add3A_457 = arith.constant 2 : i32
      %add3A_458 = vector.broadcast %add3A_457 : i32 to vector<16xi32>
      %add3A_459 = arith.addi %mul3A_453, %add3A_458 : vector<16xi32>
      tpu.vector_store_idx %arg10[%add3A_459], %gather3A_408 masked %lt3A_396 : memref<608xf32, #tpu.memory_space<vmem>>[vector<16xi32>], vector<16xf32>, vector<16xi1>
      %add3A_460 = arith.constant 3 : i32
      %add3A_461 = vector.broadcast %add3A_460 : i32 to vector<16xi32>
      %add3A_462 = arith.addi %mul3A_453, %add3A_461 : vector<16xi32>
      tpu.vector_store_idx %arg10[%add3A_462], %gather3A_411 masked %lt3A_396 : memref<608xf32, #tpu.memory_space<vmem>>[vector<16xi32>], vector<16xf32>, vector<16xi1>
      %add3A_463 = arith.constant 4 : i32
      %add3A_464 = vector.broadcast %add3A_463 : i32 to vector<16xi32>
      %add3A_465 = arith.addi %mul3A_453, %add3A_464 : vector<16xi32>
      tpu.vector_store_idx %arg10[%add3A_465], %get3A_413 masked %lt3A_396 : memref<608xf32, #tpu.memory_space<vmem>>[vector<16xi32>], vector<16xf32>, vector<16xi1>
      %add3A_466 = arith.constant 5 : i32
      %add3A_467 = vector.broadcast %add3A_466 : i32 to vector<16xi32>
      %add3A_468 = arith.addi %mul3A_453, %add3A_467 : vector<16xi32>
      tpu.vector_store_idx %arg10[%add3A_468], %convert_element_type3A_450 masked %lt3A_396 : memref<608xf32, #tpu.memory_space<vmem>>[vector<16xi32>], vector<16xf32>, vector<16xi1>
      %add3A_469 = arith.constant 80 : i32
      %add3A_470 = vector.broadcast %add3A_469 : i32 to vector<16xi32>
      %add3A_471 = arith.addi %add3A_470, %iota3A : vector<16xi32>
      %lt3A_472 = arith.constant 100 : i32
      %lt3A_473 = vector.broadcast %lt3A_472 : i32 to vector<16xi32>
      %lt3A_474 = arith.cmpi slt, %add3A_471, %lt3A_473 : vector<16xi32>
      %min3A_475 = arith.constant 99 : i32
      %min3A_476 = vector.broadcast %min3A_475 : i32 to vector<16xi32>
      %min3A_477 = arith.minsi %add3A_471, %min3A_476 : vector<16xi32>
      %broadcast_in_dim3A_478 = arith.constant 0 : i32
      %broadcast_in_dim3A_479 = vector.broadcast %broadcast_in_dim3A_478 : i32 to vector<16xi32>
      %gather3A_480 = tpu.vector_load_idx %arg9[%min3A_477, %broadcast_in_dim3A_479] : memref<112x16xf32, #tpu.memory_space<vmem>>[vector<16xi32>, vector<16xi32>], vector<16xf32>,
      %broadcast_in_dim3A_481 = arith.constant 1 : i32
      %broadcast_in_dim3A_482 = vector.broadcast %broadcast_in_dim3A_481 : i32 to vector<16xi32>
      %gather3A_483 = tpu.vector_load_idx %arg9[%min3A_477, %broadcast_in_dim3A_482] : memref<112x16xf32, #tpu.memory_space<vmem>>[vector<16xi32>, vector<16xi32>], vector<16xf32>,
      %broadcast_in_dim3A_484 = arith.constant 2 : i32
      %broadcast_in_dim3A_485 = vector.broadcast %broadcast_in_dim3A_484 : i32 to vector<16xi32>
      %gather3A_486 = tpu.vector_load_idx %arg9[%min3A_477, %broadcast_in_dim3A_485] : memref<112x16xf32, #tpu.memory_space<vmem>>[vector<16xi32>, vector<16xi32>], vector<16xf32>,
      %broadcast_in_dim3A_487 = arith.constant 3 : i32
      %broadcast_in_dim3A_488 = vector.broadcast %broadcast_in_dim3A_487 : i32 to vector<16xi32>
      %gather3A_489 = tpu.vector_load_idx %arg9[%min3A_477, %broadcast_in_dim3A_488] : memref<112x16xf32, #tpu.memory_space<vmem>>[vector<16xi32>, vector<16xi32>], vector<16xf32>,
      %get3A_490 = arith.constant 80 : index
      %get3A_491 = tpu.vector_load %arg7[%get3A_490] {strides = array<i32>} : memref<112xf32, #tpu.memory_space<vmem>>, vector<16xf32>,
      %get3A_492 = arith.constant 80 : index
      %get3A_493 = tpu.vector_load %arg8[%get3A_492] {strides = array<i32>} : memref<112xi32, #tpu.memory_space<vmem>>, vector<16xi32>,
      %jit3A_494 = arith.constant 304 : i32
      %div3A_495 = vector.broadcast %jit3A_494 : i32 to vector<16xi32>
      %div3A_496 = arith.divsi %get3A_493, %div3A_495 : vector<16xi32>
      %sign3A_497 = arith.constant 0 : i32
      %sign3A_498 = vector.broadcast %sign3A_497 : i32 to vector<16xi32>
      %sign3A_499 = arith.cmpi sgt, %get3A_493, %sign3A_498 : vector<16xi32>
      %sign3A_500 = arith.extui %sign3A_499 : vector<16xi1> to vector<16xi32>
      %sign3A_501 = arith.constant 0 : i32
      %sign3A_502 = vector.broadcast %sign3A_501 : i32 to vector<16xi32>
      %sign3A_503 = arith.cmpi slt, %get3A_493, %sign3A_502 : vector<16xi32>
      %sign3A_504 = arith.extui %sign3A_503 : vector<16xi1> to vector<16xi32>
      %sign3A_505 = arith.subi %sign3A_500, %sign3A_504 : vector<16xi32>
      %sign3A_506 = arith.constant 0 : i32
      %sign3A_507 = arith.cmpi sgt, %jit3A_494, %sign3A_506 : i32
      %sign3A_508 = arith.extui %sign3A_507 : i1 to i32
      %sign3A_509 = arith.constant 0 : i32
      %sign3A_510 = arith.cmpi slt, %jit3A_494, %sign3A_509 : i32
      %sign3A_511 = arith.extui %sign3A_510 : i1 to i32
      %sign3A_512 = arith.subi %sign3A_508, %sign3A_511 : i32
      %ne3A_513 = vector.broadcast %sign3A_512 : i32 to vector<16xi32>
      %ne3A_514 = arith.cmpi ne, %sign3A_505, %ne3A_513 : vector<16xi32>
      %rem3A_515 = vector.broadcast %jit3A_494 : i32 to vector<16xi32>
      %rem3A_516 = arith.remsi %get3A_493, %rem3A_515 : vector<16xi32>
      %ne3A_517 = arith.constant 0 : i32
      %ne3A_518 = vector.broadcast %ne3A_517 : i32 to vector<16xi32>
      %ne3A_519 = arith.cmpi ne, %rem3A_516, %ne3A_518 : vector<16xi32>
      %and3A_520 = arith.andi %ne3A_514, %ne3A_519 : vector<16xi1>
      %sub3A_521 = arith.constant 1 : i32
      %sub3A_522 = vector.broadcast %sub3A_521 : i32 to vector<16xi32>
      %sub3A_523 = arith.subi %div3A_496, %sub3A_522 : vector<16xi32>
      %select_n3A_524 = arith.select %and3A_520, %sub3A_523, %div3A_496 : vector<16xi1>, vector<16xi32>
      %add3A_525 = arith.constant 1 : i32
      %add3A_526 = vector.broadcast %add3A_525 : i32 to vector<16xi32>
      %add3A_527 = arith.addi %select_n3A_524, %add3A_526 : vector<16xi32>
      %convert_element_type3A_528 = arith.sitofp %add3A_527 : vector<16xi32> to vector<16xf32>
      %mul3A_529 = arith.constant 6 : i32
      %mul3A_530 = vector.broadcast %mul3A_529 : i32 to vector<16xi32>
      %mul3A_531 = arith.muli %min3A_477, %mul3A_530 : vector<16xi32>
      tpu.vector_store_idx %arg10[%mul3A_531], %gather3A_480 masked %lt3A_474 : memref<608xf32, #tpu.memory_space<vmem>>[vector<16xi32>], vector<16xf32>, vector<16xi1>
      %add3A_532 = arith.constant 1 : i32
      %add3A_533 = vector.broadcast %add3A_532 : i32 to vector<16xi32>
      %add3A_534 = arith.addi %mul3A_531, %add3A_533 : vector<16xi32>
      tpu.vector_store_idx %arg10[%add3A_534], %gather3A_483 masked %lt3A_474 : memref<608xf32, #tpu.memory_space<vmem>>[vector<16xi32>], vector<16xf32>, vector<16xi1>
      %add3A_535 = arith.constant 2 : i32
      %add3A_536 = vector.broadcast %add3A_535 : i32 to vector<16xi32>
      %add3A_537 = arith.addi %mul3A_531, %add3A_536 : vector<16xi32>
      tpu.vector_store_idx %arg10[%add3A_537], %gather3A_486 masked %lt3A_474 : memref<608xf32, #tpu.memory_space<vmem>>[vector<16xi32>], vector<16xf32>, vector<16xi1>
      %add3A_538 = arith.constant 3 : i32
      %add3A_539 = vector.broadcast %add3A_538 : i32 to vector<16xi32>
      %add3A_540 = arith.addi %mul3A_531, %add3A_539 : vector<16xi32>
      tpu.vector_store_idx %arg10[%add3A_540], %gather3A_489 masked %lt3A_474 : memref<608xf32, #tpu.memory_space<vmem>>[vector<16xi32>], vector<16xf32>, vector<16xi1>
      %add3A_541 = arith.constant 4 : i32
      %add3A_542 = vector.broadcast %add3A_541 : i32 to vector<16xi32>
      %add3A_543 = arith.addi %mul3A_531, %add3A_542 : vector<16xi32>
      tpu.vector_store_idx %arg10[%add3A_543], %get3A_491 masked %lt3A_474 : memref<608xf32, #tpu.memory_space<vmem>>[vector<16xi32>], vector<16xf32>, vector<16xi1>
      %add3A_544 = arith.constant 5 : i32
      %add3A_545 = vector.broadcast %add3A_544 : i32 to vector<16xi32>
      %add3A_546 = arith.addi %mul3A_531, %add3A_545 : vector<16xi32>
      tpu.vector_store_idx %arg10[%add3A_546], %convert_element_type3A_528 masked %lt3A_474 : memref<608xf32, #tpu.memory_space<vmem>>[vector<16xi32>], vector<16xf32>, vector<16xi1>
      %add3A_547 = arith.constant 96 : i32
      %add3A_548 = vector.broadcast %add3A_547 : i32 to vector<16xi32>
      %add3A_549 = arith.addi %add3A_548, %iota3A : vector<16xi32>
      %lt3A_550 = arith.constant 100 : i32
      %lt3A_551 = vector.broadcast %lt3A_550 : i32 to vector<16xi32>
      %lt3A_552 = arith.cmpi slt, %add3A_549, %lt3A_551 : vector<16xi32>
      %min3A_553 = arith.constant 99 : i32
      %min3A_554 = vector.broadcast %min3A_553 : i32 to vector<16xi32>
      %min3A_555 = arith.minsi %add3A_549, %min3A_554 : vector<16xi32>
      %broadcast_in_dim3A_556 = arith.constant 0 : i32
      %broadcast_in_dim3A_557 = vector.broadcast %broadcast_in_dim3A_556 : i32 to vector<16xi32>
      %gather3A_558 = tpu.vector_load_idx %arg9[%min3A_555, %broadcast_in_dim3A_557] : memref<112x16xf32, #tpu.memory_space<vmem>>[vector<16xi32>, vector<16xi32>], vector<16xf32>,
      %broadcast_in_dim3A_559 = arith.constant 1 : i32
      %broadcast_in_dim3A_560 = vector.broadcast %broadcast_in_dim3A_559 : i32 to vector<16xi32>
      %gather3A_561 = tpu.vector_load_idx %arg9[%min3A_555, %broadcast_in_dim3A_560] : memref<112x16xf32, #tpu.memory_space<vmem>>[vector<16xi32>, vector<16xi32>], vector<16xf32>,
      %broadcast_in_dim3A_562 = arith.constant 2 : i32
      %broadcast_in_dim3A_563 = vector.broadcast %broadcast_in_dim3A_562 : i32 to vector<16xi32>
      %gather3A_564 = tpu.vector_load_idx %arg9[%min3A_555, %broadcast_in_dim3A_563] : memref<112x16xf32, #tpu.memory_space<vmem>>[vector<16xi32>, vector<16xi32>], vector<16xf32>,
      %broadcast_in_dim3A_565 = arith.constant 3 : i32
      %broadcast_in_dim3A_566 = vector.broadcast %broadcast_in_dim3A_565 : i32 to vector<16xi32>
      %gather3A_567 = tpu.vector_load_idx %arg9[%min3A_555, %broadcast_in_dim3A_566] : memref<112x16xf32, #tpu.memory_space<vmem>>[vector<16xi32>, vector<16xi32>], vector<16xf32>,
      %get3A_568 = arith.constant 96 : index
      %get3A_569 = tpu.vector_load %arg7[%get3A_568] {strides = array<i32>} : memref<112xf32, #tpu.memory_space<vmem>>, vector<16xf32>,
      %get3A_570 = arith.constant 96 : index
      %get3A_571 = tpu.vector_load %arg8[%get3A_570] {strides = array<i32>} : memref<112xi32, #tpu.memory_space<vmem>>, vector<16xi32>,
      %jit3A_572 = arith.constant 304 : i32
      %div3A_573 = vector.broadcast %jit3A_572 : i32 to vector<16xi32>
      %div3A_574 = arith.divsi %get3A_571, %div3A_573 : vector<16xi32>
      %sign3A_575 = arith.constant 0 : i32
      %sign3A_576 = vector.broadcast %sign3A_575 : i32 to vector<16xi32>
      %sign3A_577 = arith.cmpi sgt, %get3A_571, %sign3A_576 : vector<16xi32>
      %sign3A_578 = arith.extui %sign3A_577 : vector<16xi1> to vector<16xi32>
      %sign3A_579 = arith.constant 0 : i32
      %sign3A_580 = vector.broadcast %sign3A_579 : i32 to vector<16xi32>
      %sign3A_581 = arith.cmpi slt, %get3A_571, %sign3A_580 : vector<16xi32>
      %sign3A_582 = arith.extui %sign3A_581 : vector<16xi1> to vector<16xi32>
      %sign3A_583 = arith.subi %sign3A_578, %sign3A_582 : vector<16xi32>
      %sign3A_584 = arith.constant 0 : i32
      %sign3A_585 = arith.cmpi sgt, %jit3A_572, %sign3A_584 : i32
      %sign3A_586 = arith.extui %sign3A_585 : i1 to i32
      %sign3A_587 = arith.constant 0 : i32
      %sign3A_588 = arith.cmpi slt, %jit3A_572, %sign3A_587 : i32
      %sign3A_589 = arith.extui %sign3A_588 : i1 to i32
      %sign3A_590 = arith.subi %sign3A_586, %sign3A_589 : i32
      %ne3A_591 = vector.broadcast %sign3A_590 : i32 to vector<16xi32>
      %ne3A_592 = arith.cmpi ne, %sign3A_583, %ne3A_591 : vector<16xi32>
      %rem3A_593 = vector.broadcast %jit3A_572 : i32 to vector<16xi32>
      %rem3A_594 = arith.remsi %get3A_571, %rem3A_593 : vector<16xi32>
      %ne3A_595 = arith.constant 0 : i32
      %ne3A_596 = vector.broadcast %ne3A_595 : i32 to vector<16xi32>
      %ne3A_597 = arith.cmpi ne, %rem3A_594, %ne3A_596 : vector<16xi32>
      %and3A_598 = arith.andi %ne3A_592, %ne3A_597 : vector<16xi1>
      %sub3A_599 = arith.constant 1 : i32
      %sub3A_600 = vector.broadcast %sub3A_599 : i32 to vector<16xi32>
      %sub3A_601 = arith.subi %div3A_574, %sub3A_600 : vector<16xi32>
      %select_n3A_602 = arith.select %and3A_598, %sub3A_601, %div3A_574 : vector<16xi1>, vector<16xi32>
      %add3A_603 = arith.constant 1 : i32
      %add3A_604 = vector.broadcast %add3A_603 : i32 to vector<16xi32>
      %add3A_605 = arith.addi %select_n3A_602, %add3A_604 : vector<16xi32>
      %convert_element_type3A_606 = arith.sitofp %add3A_605 : vector<16xi32> to vector<16xf32>
      %mul3A_607 = arith.constant 6 : i32
      %mul3A_608 = vector.broadcast %mul3A_607 : i32 to vector<16xi32>
      %mul3A_609 = arith.muli %min3A_555, %mul3A_608 : vector<16xi32>
      tpu.vector_store_idx %arg10[%mul3A_609], %gather3A_558 masked %lt3A_552 : memref<608xf32, #tpu.memory_space<vmem>>[vector<16xi32>], vector<16xf32>, vector<16xi1>
      %add3A_610 = arith.constant 1 : i32
      %add3A_611 = vector.broadcast %add3A_610 : i32 to vector<16xi32>
      %add3A_612 = arith.addi %mul3A_609, %add3A_611 : vector<16xi32>
      tpu.vector_store_idx %arg10[%add3A_612], %gather3A_561 masked %lt3A_552 : memref<608xf32, #tpu.memory_space<vmem>>[vector<16xi32>], vector<16xf32>, vector<16xi1>
      %add3A_613 = arith.constant 2 : i32
      %add3A_614 = vector.broadcast %add3A_613 : i32 to vector<16xi32>
      %add3A_615 = arith.addi %mul3A_609, %add3A_614 : vector<16xi32>
      tpu.vector_store_idx %arg10[%add3A_615], %gather3A_564 masked %lt3A_552 : memref<608xf32, #tpu.memory_space<vmem>>[vector<16xi32>], vector<16xf32>, vector<16xi1>
      %add3A_616 = arith.constant 3 : i32
      %add3A_617 = vector.broadcast %add3A_616 : i32 to vector<16xi32>
      %add3A_618 = arith.addi %mul3A_609, %add3A_617 : vector<16xi32>
      tpu.vector_store_idx %arg10[%add3A_618], %gather3A_567 masked %lt3A_552 : memref<608xf32, #tpu.memory_space<vmem>>[vector<16xi32>], vector<16xf32>, vector<16xi1>
      %add3A_619 = arith.constant 4 : i32
      %add3A_620 = vector.broadcast %add3A_619 : i32 to vector<16xi32>
      %add3A_621 = arith.addi %mul3A_609, %add3A_620 : vector<16xi32>
      tpu.vector_store_idx %arg10[%add3A_621], %get3A_569 masked %lt3A_552 : memref<608xf32, #tpu.memory_space<vmem>>[vector<16xi32>], vector<16xf32>, vector<16xi1>
      %add3A_622 = arith.constant 5 : i32
      %add3A_623 = vector.broadcast %add3A_622 : i32 to vector<16xi32>
      %add3A_624 = arith.addi %mul3A_609, %add3A_623 : vector<16xi32>
      tpu.vector_store_idx %arg10[%add3A_624], %convert_element_type3A_606 masked %lt3A_552 : memref<608xf32, #tpu.memory_space<vmem>>[vector<16xi32>], vector<16xf32>, vector<16xi1>
      "tpu.region"() ({
        %run_scoped3A = tpu.sem_alloc : memref<!tpu.dma_semaphore, #tpu.memory_space<semaphore_mem>>
        %dma_start3A_625 = arith.constant 0 : i32
        %dma_start3A_626 = tpu.memref_slice %arg10[%dma_start3A_625] : memref<608xf32, #tpu.memory_space<vmem>> -> memref<600xf32, #tpu.memory_space<vmem>>
        %dma_start3A_627 = arith.constant 0 : i32
        %dma_start3A_628 = tpu.memref_slice %arg10[%dma_start3A_627] : memref<608xf32, #tpu.memory_space<vmem>> -> memref<600xf32, #tpu.memory_space<vmem>>
        tpu.enqueue_dma source(%dma_start3A_628 : memref<600xf32, #tpu.memory_space<vmem>>) target(%arg4 : memref<600xf32, #tpu.memory_space<hbm>>) target_semaphore(%run_scoped3A : memref<!tpu.dma_semaphore, #tpu.memory_space<semaphore_mem>>)
        %dma_wait3A_629 = arith.constant 0 : i32
        %dma_wait3A_630 = tpu.memref_slice %arg10[%dma_wait3A_629] : memref<608xf32, #tpu.memory_space<vmem>> -> memref<600xf32, #tpu.memory_space<vmem>>
        %dma_wait3A_631 = arith.constant 0 : i32
        %dma_wait3A_632 = tpu.memref_slice %arg10[%dma_wait3A_631] : memref<608xf32, #tpu.memory_space<vmem>> -> memref<600xf32, #tpu.memory_space<vmem>>
        tpu.wait_dma2 semaphore(%run_scoped3A : memref<!tpu.dma_semaphore, #tpu.memory_space<semaphore_mem>>) src(%dma_wait3A_632 : memref<600xf32, #tpu.memory_space<vmem>>) dst(%arg4 : memref<600xf32, #tpu.memory_space<hbm>>)
        tpu.yield
      }) : () -> ()
    } else {
    }
    return
  }
}

#map = affine_map<(d0, d1) -> (0, 0)>
module attributes {stable_mosaic.version = 14 : i64} {
  func.func @_stage2_body(%arg0: i32, %arg1: i32, %arg2: memref<80x20480xf32, #tpu.memory_space<hbm>>, %arg3: memref<20000x16xf32, #tpu.memory_space<hbm>>, %arg4: memref<405000x16xf32, #tpu.memory_space<hbm>>, %arg5: memref<80x304xf32, #tpu.memory_space<hbm>>, %arg6: memref<80x4864xf32, #tpu.memory_space<hbm>>, %arg7: memref<20480xf32, #tpu.memory_space<vmem>>, %arg8: memref<4096xi32, #tpu.memory_space<vmem>>, %arg9: memref<256xi32, #tpu.memory_space<vmem>>, %arg10: memref<256xi32, #tpu.memory_space<vmem>>, %arg11: memref<20496xf32, #tpu.memory_space<vmem>>, %arg12: memref<20496xi32, #tpu.memory_space<vmem>>, %arg13: memref<320xf32, #tpu.memory_space<vmem>>, %arg14: memref<320xi32, #tpu.memory_space<vmem>>, %arg15: memref<304xi32, #tpu.memory_space<vmem>>, %arg16: memref<304xi32, #tpu.memory_space<vmem>>, %arg17: memref<304x16xf32, #tpu.memory_space<vmem>>, %arg18: memref<304x16xf32, #tpu.memory_space<vmem>>, %arg19: memref<304xf32, #tpu.memory_space<vmem>>, %arg20: memref<304xf32, #tpu.memory_space<vmem>>, %arg21: memref<304xf32, #tpu.memory_space<vmem>>, %arg22: memref<304xf32, #tpu.memory_space<vmem>>, %arg23: memref<304xf32, #tpu.memory_space<vmem>>, %arg24: memref<304xf32, #tpu.memory_space<vmem>>, %arg25: memref<4864xf32, #tpu.memory_space<vmem>>, %arg26: memref<!tpu.dma_semaphore, #tpu.memory_space<semaphore_mem>>) attributes {dimension_semantics = [#tpu.dimension_semantics<core_parallel>, #tpu.dimension_semantics<subcore_parallel>], iteration_bounds = array<i64: 2, 16>, scalar_prefetch = 0 : i64, scratch_operands = 20 : i64, tpu.core_type = #tpu.core_type<sc_vector_subcore>, window_params = [{transform_indices = #map}, {transform_indices = #map}, {transform_indices = #map}, {transform_indices = #map}, {transform_indices = #map}]} {
    %iota3A = tpu.iota {dimensions = array<i32: 0>} : vector<16xi32>
    %broadcast_in_dim3A = arith.constant 1 : i32
    %broadcast_in_dim3A_0 = vector.broadcast %broadcast_in_dim3A : i32 to vector<16xi32>
    %mul3A = arith.constant 2 : i32
    %mul3A_1 = arith.muli %arg1, %mul3A : i32
    %add3A = arith.addi %mul3A_1, %arg0 : i32
    %scan3A = arith.constant 0 : i32
    %scan3A_2 = arith.constant 0 : i32
    %scan3A_3 = arith.constant 3 : i32
    %scan3A_4 = arith.addi %scan3A_2, %scan3A_3 : i32
    %scan3A_5 = arith.constant 1 : i32
    %scan3A_6 = scf.for %scan3A_8 = %scan3A_2 to %scan3A_4 step %scan3A_5 iter_args(%scan3A_9 = %scan3A) -> (i32)  : i32 {
      %mul3A_10 = arith.constant 32 : i32
      %mul3A_11 = arith.muli %mul3A_10, %scan3A_8 : i32
      %add3A_12 = arith.addi %add3A, %mul3A_11 : i32
      %lt3A = arith.constant 80 : i32
      %lt3A_13 = arith.cmpi slt, %add3A_12, %lt3A : i32
      %convert_element_type3A = arith.extui %lt3A_13 : i1 to i32
      %cond3A = arith.constant 0 : i32
      %cond3A_14 = arith.cmpi ne, %convert_element_type3A, %cond3A : i32
      scf.if %cond3A_14 {
        "tpu.region"() ({
          %run_scoped3A = tpu.sem_alloc : memref<!tpu.dma_semaphore, #tpu.memory_space<semaphore_mem>>
          %dma_start3A_406 = arith.constant 0 : i32
          %dma_start3A_407 = tpu.memref_slice %arg2[%add3A_12, %dma_start3A_406] : memref<80x20480xf32, #tpu.memory_space<hbm>> -> memref<1x20480xf32, #tpu.memory_space<hbm>>
          %dma_start3A_408 = tpu.memref_squeeze %dma_start3A_407 : memref<1x20480xf32, #tpu.memory_space<hbm>> -> memref<20480xf32, #tpu.memory_space<hbm>>
          %dma_start3A_409 = arith.constant 0 : i32
          %dma_start3A_410 = tpu.memref_slice %arg2[%add3A_12, %dma_start3A_409] : memref<80x20480xf32, #tpu.memory_space<hbm>> -> memref<1x20480xf32, #tpu.memory_space<hbm>>
          %dma_start3A_411 = tpu.memref_squeeze %dma_start3A_410 : memref<1x20480xf32, #tpu.memory_space<hbm>> -> memref<20480xf32, #tpu.memory_space<hbm>>
          tpu.enqueue_dma source(%dma_start3A_411 : memref<20480xf32, #tpu.memory_space<hbm>>) target(%arg7 : memref<20480xf32, #tpu.memory_space<vmem>>) target_semaphore(%run_scoped3A : memref<!tpu.dma_semaphore, #tpu.memory_space<semaphore_mem>>)
          %dma_wait3A_412 = arith.constant 0 : i32
          %dma_wait3A_413 = tpu.memref_slice %arg2[%add3A_12, %dma_wait3A_412] : memref<80x20480xf32, #tpu.memory_space<hbm>> -> memref<1x20480xf32, #tpu.memory_space<hbm>>
          %dma_wait3A_414 = tpu.memref_squeeze %dma_wait3A_413 : memref<1x20480xf32, #tpu.memory_space<hbm>> -> memref<20480xf32, #tpu.memory_space<hbm>>
          %dma_wait3A_415 = arith.constant 0 : i32
          %dma_wait3A_416 = tpu.memref_slice %arg2[%add3A_12, %dma_wait3A_415] : memref<80x20480xf32, #tpu.memory_space<hbm>> -> memref<1x20480xf32, #tpu.memory_space<hbm>>
          %dma_wait3A_417 = tpu.memref_squeeze %dma_wait3A_416 : memref<1x20480xf32, #tpu.memory_space<hbm>> -> memref<20480xf32, #tpu.memory_space<hbm>>
          tpu.wait_dma2 semaphore(%run_scoped3A : memref<!tpu.dma_semaphore, #tpu.memory_space<semaphore_mem>>) src(%dma_wait3A_417 : memref<20480xf32, #tpu.memory_space<hbm>>) dst(%arg7 : memref<20480xf32, #tpu.memory_space<vmem>>)
          tpu.yield
        }) : () -> ()
        %scan3A_16 = arith.constant 0 : i32
        %scan3A_17 = arith.constant 0 : i32
        %scan3A_18 = arith.constant 128 : i32
        %scan3A_19 = arith.addi %scan3A_17, %scan3A_18 : i32
        %scan3A_20 = arith.constant 1 : i32
        %scan3A_21 = scf.for %scan3A_406 = %scan3A_17 to %scan3A_19 step %scan3A_20 iter_args(%scan3A_407 = %scan3A_16) -> (i32)  : i32 {
          %broadcast_in_dim3A_408 = arith.constant 0 : i32
          %broadcast_in_dim3A_409 = vector.broadcast %broadcast_in_dim3A_408 : i32 to vector<16xi32>
          %mul3A_410 = arith.constant 16 : i32
          %mul3A_411 = arith.muli %scan3A_406, %mul3A_410 : i32
          %swap3A = arith.index_cast %mul3A_411 : i32 to index
          %swap3A_412 = tpu.vector_load %arg8[%swap3A] {strides = array<i32>} : memref<4096xi32, #tpu.memory_space<vmem>>, vector<16xi32>,
          tpu.vector_store %arg8[%swap3A], %broadcast_in_dim3A_409 {strides = array<i32>} : memref<4096xi32, #tpu.memory_space<vmem>>, vector<16xi32>,
          %scan3A_413 = arith.constant 0 : i32
          scf.yield %scan3A_413 : i32
        }
        %scan3A_22 = arith.constant 128 : i32
        %scan3A_23 = arith.constant 0 : i32
        %scan3A_24 = arith.constant 0 : i32
        %scan3A_25 = arith.constant 1280 : i32
        %scan3A_26 = arith.addi %scan3A_24, %scan3A_25 : i32
        %scan3A_27 = arith.constant 1 : i32
        %scan3A_28 = scf.for %scan3A_406 = %scan3A_24 to %scan3A_26 step %scan3A_27 iter_args(%scan3A_407 = %scan3A_23) -> (i32)  : i32 {
          %mul3A_408 = arith.constant 16 : i32
          %mul3A_409 = arith.muli %scan3A_406, %mul3A_408 : i32
          %get3A_410 = arith.index_cast %mul3A_409 : i32 to index
          %get3A_411 = tpu.vector_load %arg7[%get3A_410] {strides = array<i32>} : memref<20480xf32, #tpu.memory_space<vmem>>, vector<16xf32>,
          %bitcast3A = vector.bitcast %get3A_411 : vector<16xf32> to vector<16xi32>
          %shift_right_logical3A = arith.constant 23 : i32
          %shift_right_logical3A_412 = vector.broadcast %shift_right_logical3A : i32 to vector<16xi32>
          %shift_right_logical3A_413 = arith.shrui %bitcast3A, %shift_right_logical3A_412 : vector<16xi32>
          %jit3A_414 = arith.constant 0 : i32
          %jit3A_415 = arith.constant 127 : i32
          %max3A = vector.broadcast %jit3A_414 : i32 to vector<16xi32>
          %max3A_416 = arith.maxsi %max3A, %shift_right_logical3A_413 : vector<16xi32>
          %min3A = vector.broadcast %jit3A_415 : i32 to vector<16xi32>
          %min3A_417 = arith.minsi %min3A, %max3A_416 : vector<16xi32>
          %mul3A_418 = arith.constant 16 : i32
          %mul3A_419 = vector.broadcast %mul3A_418 : i32 to vector<16xi32>
          %mul3A_420 = arith.muli %min3A_417, %mul3A_419 : vector<16xi32>
          %add3A_421 = arith.addi %mul3A_420, %iota3A : vector<16xi32>
          tpu.vector_store_idx %arg8[%add3A_421], %broadcast_in_dim3A_0 {add = true} : memref<4096xi32, #tpu.memory_space<vmem>>[vector<16xi32>], vector<16xi32>,
          %scan3A_422 = arith.constant 0 : i32
          scf.yield %scan3A_422 : i32
        }
        %scan3A_29 = arith.constant 1280 : i32
        %scan3A_30 = arith.constant 0 : i32
        %scan3A_31 = arith.constant 0 : i32
        %scan3A_32 = arith.constant 8 : i32
        %scan3A_33 = arith.addi %scan3A_31, %scan3A_32 : i32
        %scan3A_34 = arith.constant 1 : i32
        %scan3A_35 = scf.for %scan3A_406 = %scan3A_31 to %scan3A_33 step %scan3A_34 iter_args(%scan3A_407 = %scan3A_30) -> (i32)  : i32 {
          %broadcast_in_dim3A_408 = arith.constant 0 : i32
          %broadcast_in_dim3A_409 = vector.broadcast %broadcast_in_dim3A_408 : i32 to vector<16xi32>
          %mul3A_410 = arith.constant 16 : i32
          %mul3A_411 = arith.muli %scan3A_406, %mul3A_410 : i32
          %add3A_412 = vector.broadcast %mul3A_411 : i32 to vector<16xi32>
          %add3A_413 = arith.addi %add3A_412, %iota3A : vector<16xi32>
          %mul3A_414 = arith.constant 16 : i32
          %mul3A_415 = vector.broadcast %mul3A_414 : i32 to vector<16xi32>
          %mul3A_416 = arith.muli %add3A_413, %mul3A_415 : vector<16xi32>
          %add3A_417 = arith.constant 0 : i32
          %add3A_418 = vector.broadcast %add3A_417 : i32 to vector<16xi32>
          %add3A_419 = arith.addi %mul3A_416, %add3A_418 : vector<16xi32>
          %gather3A_420 = tpu.vector_load_idx %arg8[%add3A_419] : memref<4096xi32, #tpu.memory_space<vmem>>[vector<16xi32>], vector<16xi32>,
          %add3A_421 = arith.addi %broadcast_in_dim3A_409, %gather3A_420 : vector<16xi32>
          %add3A_422 = arith.constant 1 : i32
          %add3A_423 = vector.broadcast %add3A_422 : i32 to vector<16xi32>
          %add3A_424 = arith.addi %mul3A_416, %add3A_423 : vector<16xi32>
          %gather3A_425 = tpu.vector_load_idx %arg8[%add3A_424] : memref<4096xi32, #tpu.memory_space<vmem>>[vector<16xi32>], vector<16xi32>,
          %add3A_426 = arith.addi %add3A_421, %gather3A_425 : vector<16xi32>
          %add3A_427 = arith.constant 2 : i32
          %add3A_428 = vector.broadcast %add3A_427 : i32 to vector<16xi32>
          %add3A_429 = arith.addi %mul3A_416, %add3A_428 : vector<16xi32>
          %gather3A_430 = tpu.vector_load_idx %arg8[%add3A_429] : memref<4096xi32, #tpu.memory_space<vmem>>[vector<16xi32>], vector<16xi32>,
          %add3A_431 = arith.addi %add3A_426, %gather3A_430 : vector<16xi32>
          %add3A_432 = arith.constant 3 : i32
          %add3A_433 = vector.broadcast %add3A_432 : i32 to vector<16xi32>
          %add3A_434 = arith.addi %mul3A_416, %add3A_433 : vector<16xi32>
          %gather3A_435 = tpu.vector_load_idx %arg8[%add3A_434] : memref<4096xi32, #tpu.memory_space<vmem>>[vector<16xi32>], vector<16xi32>,
          %add3A_436 = arith.addi %add3A_431, %gather3A_435 : vector<16xi32>
          %add3A_437 = arith.constant 4 : i32
          %add3A_438 = vector.broadcast %add3A_437 : i32 to vector<16xi32>
          %add3A_439 = arith.addi %mul3A_416, %add3A_438 : vector<16xi32>
          %gather3A_440 = tpu.vector_load_idx %arg8[%add3A_439] : memref<4096xi32, #tpu.memory_space<vmem>>[vector<16xi32>], vector<16xi32>,
          %add3A_441 = arith.addi %add3A_436, %gather3A_440 : vector<16xi32>
          %add3A_442 = arith.constant 5 : i32
          %add3A_443 = vector.broadcast %add3A_442 : i32 to vector<16xi32>
          %add3A_444 = arith.addi %mul3A_416, %add3A_443 : vector<16xi32>
          %gather3A_445 = tpu.vector_load_idx %arg8[%add3A_444] : memref<4096xi32, #tpu.memory_space<vmem>>[vector<16xi32>], vector<16xi32>,
          %add3A_446 = arith.addi %add3A_441, %gather3A_445 : vector<16xi32>
          %add3A_447 = arith.constant 6 : i32
          %add3A_448 = vector.broadcast %add3A_447 : i32 to vector<16xi32>
          %add3A_449 = arith.addi %mul3A_416, %add3A_448 : vector<16xi32>
          %gather3A_450 = tpu.vector_load_idx %arg8[%add3A_449] : memref<4096xi32, #tpu.memory_space<vmem>>[vector<16xi32>], vector<16xi32>,
          %add3A_451 = arith.addi %add3A_446, %gather3A_450 : vector<16xi32>
          %add3A_452 = arith.constant 7 : i32
          %add3A_453 = vector.broadcast %add3A_452 : i32 to vector<16xi32>
          %add3A_454 = arith.addi %mul3A_416, %add3A_453 : vector<16xi32>
          %gather3A_455 = tpu.vector_load_idx %arg8[%add3A_454] : memref<4096xi32, #tpu.memory_space<vmem>>[vector<16xi32>], vector<16xi32>,
          %add3A_456 = arith.addi %add3A_451, %gather3A_455 : vector<16xi32>
          %add3A_457 = arith.constant 8 : i32
          %add3A_458 = vector.broadcast %add3A_457 : i32 to vector<16xi32>
          %add3A_459 = arith.addi %mul3A_416, %add3A_458 : vector<16xi32>
          %gather3A_460 = tpu.vector_load_idx %arg8[%add3A_459] : memref<4096xi32, #tpu.memory_space<vmem>>[vector<16xi32>], vector<16xi32>,
          %add3A_461 = arith.addi %add3A_456, %gather3A_460 : vector<16xi32>
          %add3A_462 = arith.constant 9 : i32
          %add3A_463 = vector.broadcast %add3A_462 : i32 to vector<16xi32>
          %add3A_464 = arith.addi %mul3A_416, %add3A_463 : vector<16xi32>
          %gather3A_465 = tpu.vector_load_idx %arg8[%add3A_464] : memref<4096xi32, #tpu.memory_space<vmem>>[vector<16xi32>], vector<16xi32>,
          %add3A_466 = arith.addi %add3A_461, %gather3A_465 : vector<16xi32>
          %add3A_467 = arith.constant 10 : i32
          %add3A_468 = vector.broadcast %add3A_467 : i32 to vector<16xi32>
          %add3A_469 = arith.addi %mul3A_416, %add3A_468 : vector<16xi32>
          %gather3A_470 = tpu.vector_load_idx %arg8[%add3A_469] : memref<4096xi32, #tpu.memory_space<vmem>>[vector<16xi32>], vector<16xi32>,
          %add3A_471 = arith.addi %add3A_466, %gather3A_470 : vector<16xi32>
          %add3A_472 = arith.constant 11 : i32
          %add3A_473 = vector.broadcast %add3A_472 : i32 to vector<16xi32>
          %add3A_474 = arith.addi %mul3A_416, %add3A_473 : vector<16xi32>
          %gather3A_475 = tpu.vector_load_idx %arg8[%add3A_474] : memref<4096xi32, #tpu.memory_space<vmem>>[vector<16xi32>], vector<16xi32>,
          %add3A_476 = arith.addi %add3A_471, %gather3A_475 : vector<16xi32>
          %add3A_477 = arith.constant 12 : i32
          %add3A_478 = vector.broadcast %add3A_477 : i32 to vector<16xi32>
          %add3A_479 = arith.addi %mul3A_416, %add3A_478 : vector<16xi32>
          %gather3A_480 = tpu.vector_load_idx %arg8[%add3A_479] : memref<4096xi32, #tpu.memory_space<vmem>>[vector<16xi32>], vector<16xi32>,
          %add3A_481 = arith.addi %add3A_476, %gather3A_480 : vector<16xi32>
          %add3A_482 = arith.constant 13 : i32
          %add3A_483 = vector.broadcast %add3A_482 : i32 to vector<16xi32>
          %add3A_484 = arith.addi %mul3A_416, %add3A_483 : vector<16xi32>
          %gather3A_485 = tpu.vector_load_idx %arg8[%add3A_484] : memref<4096xi32, #tpu.memory_space<vmem>>[vector<16xi32>], vector<16xi32>,
          %add3A_486 = arith.addi %add3A_481, %gather3A_485 : vector<16xi32>
          %add3A_487 = arith.constant 14 : i32
          %add3A_488 = vector.broadcast %add3A_487 : i32 to vector<16xi32>
          %add3A_489 = arith.addi %mul3A_416, %add3A_488 : vector<16xi32>
          %gather3A_490 = tpu.vector_load_idx %arg8[%add3A_489] : memref<4096xi32, #tpu.memory_space<vmem>>[vector<16xi32>], vector<16xi32>,
          %add3A_491 = arith.addi %add3A_486, %gather3A_490 : vector<16xi32>
          %add3A_492 = arith.constant 15 : i32
          %add3A_493 = vector.broadcast %add3A_492 : i32 to vector<16xi32>
          %add3A_494 = arith.addi %mul3A_416, %add3A_493 : vector<16xi32>
          %gather3A_495 = tpu.vector_load_idx %arg8[%add3A_494] : memref<4096xi32, #tpu.memory_space<vmem>>[vector<16xi32>], vector<16xi32>,
          %add3A_496 = arith.addi %add3A_491, %gather3A_495 : vector<16xi32>
          %mul3A_497 = arith.constant 16 : i32
          %mul3A_498 = arith.muli %scan3A_406, %mul3A_497 : i32
          %swap3A = arith.index_cast %mul3A_498 : i32 to index
          %swap3A_499 = tpu.vector_load %arg9[%swap3A] {strides = array<i32>} : memref<256xi32, #tpu.memory_space<vmem>>, vector<16xi32>,
          tpu.vector_store %arg9[%swap3A], %add3A_496 {strides = array<i32>} : memref<256xi32, #tpu.memory_space<vmem>>, vector<16xi32>,
          %scan3A_500 = arith.constant 0 : i32
          scf.yield %scan3A_500 : i32
        }
        %scan3A_36 = arith.constant 8 : i32
        %broadcast_in_dim3A_37 = arith.constant 0 : i32
        %broadcast_in_dim3A_38 = vector.broadcast %broadcast_in_dim3A_37 : i32 to vector<16xi32>
        %scan3A_39 = arith.constant 0 : i32
        %scan3A_40 = arith.constant 0 : i32
        %scan3A_41 = arith.constant 8 : i32
        %scan3A_42 = arith.addi %scan3A_40, %scan3A_41 : i32
        %scan3A_43 = arith.constant 1 : i32
        %scan3A_44:2 = scf.for %scan3A_406 = %scan3A_40 to %scan3A_42 step %scan3A_43 iter_args(%scan3A_407 = %scan3A_39, %scan3A_408 = %broadcast_in_dim3A_38) -> (i32, vector<16xi32>)  : i32 {
          %mul3A_409 = arith.constant 16 : i32
          %mul3A_410 = arith.muli %scan3A_406, %mul3A_409 : i32
          %get3A_411 = arith.index_cast %mul3A_410 : i32 to index
          %get3A_412 = tpu.vector_load %arg9[%get3A_411] {strides = array<i32>} : memref<256xi32, #tpu.memory_space<vmem>>, vector<16xi32>,
          %cumsum3A = arith.constant true
          %cumsum3A_413 = vector.broadcast %cumsum3A : i1 to vector<16xi1>
          %cumsum3A_414 = tpu.scan <sum>, %get3A_412 masked %cumsum3A_413 : vector<16xi32>, vector<16xi1> -> vector<16xi32>
          %add3A_415 = vector.broadcast %scan3A_407 : i32 to vector<16xi32>
          %add3A_416 = arith.addi %cumsum3A_414, %add3A_415 : vector<16xi32>
          %mul3A_417 = arith.constant 16 : i32
          %mul3A_418 = arith.muli %scan3A_406, %mul3A_417 : i32
          %swap3A = arith.index_cast %mul3A_418 : i32 to index
          %swap3A_419 = tpu.vector_load %arg10[%swap3A] {strides = array<i32>} : memref<256xi32, #tpu.memory_space<vmem>>, vector<16xi32>,
          tpu.vector_store %arg10[%swap3A], %add3A_416 {strides = array<i32>} : memref<256xi32, #tpu.memory_space<vmem>>, vector<16xi32>,
          %le3A = arith.constant 20180 : i32
          %le3A_420 = vector.broadcast %le3A : i32 to vector<16xi32>
          %le3A_421 = arith.cmpi sle, %add3A_416, %le3A_420 : vector<16xi32>
          %all_reduce_population_count3A = tpu.all_reduce %le3A_421 {dim = 0 : i64, kind = #tpu.reduction_kind<sum>} : vector<16xi1> -> vector<16xi32>
          %add3A_422 = arith.addi %scan3A_408, %all_reduce_population_count3A : vector<16xi32>
          %reduce_max3A_423 = arith.constant true
          %reduce_max3A_424 = vector.broadcast %reduce_max3A_423 : i1 to vector<16xi1>
          %reduce_max3A_425 = arith.constant -2147483648 : i32
          %reduce_max3A_426 = vector.broadcast %reduce_max3A_425 : i32 to vector<16xi32>
          %reduce_max3A_427 = arith.xori %add3A_416, %reduce_max3A_426 : vector<16xi32>
          %reduce_max3A_428 = tpu.scan <max>, %reduce_max3A_427 masked %reduce_max3A_424 : vector<16xi32>, vector<16xi1> -> vector<16xi32>
          %reduce_max3A_429 = arith.xori %reduce_max3A_428, %reduce_max3A_426 : vector<16xi32>
          %reduce_max3A_430 = vector.extract %reduce_max3A_429[15] : i32 from vector<16xi32>
          scf.yield %reduce_max3A_430, %add3A_422 : i32, vector<16xi32>
        }
        %scan3A_45 = arith.constant 8 : i32
        %reduce_max3A = arith.constant true
        %reduce_max3A_46 = vector.broadcast %reduce_max3A : i1 to vector<16xi1>
        %reduce_max3A_47 = arith.constant -2147483648 : i32
        %reduce_max3A_48 = vector.broadcast %reduce_max3A_47 : i32 to vector<16xi32>
        %reduce_max3A_49 = arith.xori %scan3A_44#1, %reduce_max3A_48 : vector<16xi32>
        %reduce_max3A_50 = tpu.scan <max>, %reduce_max3A_49 masked %reduce_max3A_46 : vector<16xi32>, vector<16xi1> -> vector<16xi32>
        %reduce_max3A_51 = arith.xori %reduce_max3A_50, %reduce_max3A_48 : vector<16xi32>
        %reduce_max3A_52 = vector.extract %reduce_max3A_51[15] : i32 from vector<16xi32>
        %broadcast_in_dim3A_53 = vector.broadcast %reduce_max3A_52 : i32 to vector<16xi32>
        %gather3A = tpu.vector_load_idx %arg10[%broadcast_in_dim3A_53] : memref<256xi32, #tpu.memory_space<vmem>>[vector<16xi32>], vector<16xi32>,
        %slice3A = vector.extract_strided_slice %gather3A {offsets = [0], sizes = [1], strides = [1]} : vector<16xi32> to vector<1xi32>
        %squeeze3A = vector.extract %slice3A[0] : i32 from vector<1xi32>
        %sub3A = arith.constant 20480 : i32
        %sub3A_54 = arith.subi %sub3A, %squeeze3A : i32
        %sub3A_55 = arith.constant 300 : i32
        %sub3A_56 = arith.subi %sub3A_55, %sub3A_54 : i32
        %scan3A_57 = arith.constant 0 : i32
        %scan3A_58 = arith.constant 0 : i32
        %scan3A_59 = arith.constant 1280 : i32
        %scan3A_60 = arith.addi %scan3A_58, %scan3A_59 : i32
        %scan3A_61 = arith.constant 1 : i32
        %scan3A_62 = scf.for %scan3A_406 = %scan3A_58 to %scan3A_60 step %scan3A_61 iter_args(%scan3A_407 = %scan3A_57) -> (i32)  : i32 {
          %mul3A_408 = arith.constant 16 : i32
          %mul3A_409 = arith.muli %scan3A_406, %mul3A_408 : i32
          %get3A_410 = arith.index_cast %mul3A_409 : i32 to index
          %get3A_411 = tpu.vector_load %arg7[%get3A_410] {strides = array<i32>} : memref<20480xf32, #tpu.memory_space<vmem>>, vector<16xf32>,
          %bitcast3A = vector.bitcast %get3A_411 : vector<16xf32> to vector<16xi32>
          %shift_right_logical3A = arith.constant 23 : i32
          %shift_right_logical3A_412 = vector.broadcast %shift_right_logical3A : i32 to vector<16xi32>
          %shift_right_logical3A_413 = arith.shrui %bitcast3A, %shift_right_logical3A_412 : vector<16xi32>
          %jit3A_414 = arith.constant 0 : i32
          %jit3A_415 = arith.constant 127 : i32
          %max3A = vector.broadcast %jit3A_414 : i32 to vector<16xi32>
          %max3A_416 = arith.maxsi %max3A, %shift_right_logical3A_413 : vector<16xi32>
          %min3A = vector.broadcast %jit3A_415 : i32 to vector<16xi32>
          %min3A_417 = arith.minsi %min3A, %max3A_416 : vector<16xi32>
          %ge3A = vector.broadcast %reduce_max3A_52 : i32 to vector<16xi32>
          %ge3A_418 = arith.cmpi sge, %min3A_417, %ge3A : vector<16xi32>
          %swap3A = arith.index_cast %scan3A_407 : i32 to index
          %swap3A_419 = tpu.vector_load %arg11[%swap3A] masked %ge3A_418 {strides = array<i32>} : memref<20496xf32, #tpu.memory_space<vmem>>, vector<16xf32>, vector<16xi1>
          tpu.vector_store %arg11[%swap3A], %get3A_411 masked %ge3A_418 {strides = array<i32>} : memref<20496xf32, #tpu.memory_space<vmem>>, vector<16xf32>, vector<16xi1>
          %mul3A_420 = arith.constant 16 : i32
          %mul3A_421 = arith.muli %scan3A_406, %mul3A_420 : i32
          %add3A_422 = vector.broadcast %mul3A_421 : i32 to vector<16xi32>
          %add3A_423 = arith.addi %add3A_422, %iota3A : vector<16xi32>
          %swap3A_424 = arith.index_cast %scan3A_407 : i32 to index
          %swap3A_425 = tpu.vector_load %arg12[%swap3A_424] masked %ge3A_418 {strides = array<i32>} : memref<20496xi32, #tpu.memory_space<vmem>>, vector<16xi32>, vector<16xi1>
          tpu.vector_store %arg12[%swap3A_424], %add3A_423 masked %ge3A_418 {strides = array<i32>} : memref<20496xi32, #tpu.memory_space<vmem>>, vector<16xi32>, vector<16xi1>
          %all_reduce_population_count3A = tpu.all_reduce %ge3A_418 {dim = 0 : i64, kind = #tpu.reduction_kind<sum>} : vector<16xi1> -> vector<16xi32>
          %reduce_max3A_426 = arith.constant true
          %reduce_max3A_427 = vector.broadcast %reduce_max3A_426 : i1 to vector<16xi1>
          %reduce_max3A_428 = arith.constant -2147483648 : i32
          %reduce_max3A_429 = vector.broadcast %reduce_max3A_428 : i32 to vector<16xi32>
          %reduce_max3A_430 = arith.xori %all_reduce_population_count3A, %reduce_max3A_429 : vector<16xi32>
          %reduce_max3A_431 = tpu.scan <max>, %reduce_max3A_430 masked %reduce_max3A_427 : vector<16xi32>, vector<16xi1> -> vector<16xi32>
          %reduce_max3A_432 = arith.xori %reduce_max3A_431, %reduce_max3A_429 : vector<16xi32>
          %reduce_max3A_433 = vector.extract %reduce_max3A_432[15] : i32 from vector<16xi32>
          %add3A_434 = arith.addi %scan3A_407, %reduce_max3A_433 : i32
          scf.yield %add3A_434 : i32
        }
        %scan3A_63 = arith.constant 1280 : i32
        %add3A_64 = arith.constant 15 : i32
        %add3A_65 = arith.addi %scan3A_62, %add3A_64 : i32
        %jit3A = arith.constant 16 : i32
        %div3A = arith.divsi %add3A_65, %jit3A : i32
        %sign3A = arith.constant 0 : i32
        %sign3A_66 = arith.cmpi sgt, %add3A_65, %sign3A : i32
        %sign3A_67 = arith.extui %sign3A_66 : i1 to i32
        %sign3A_68 = arith.constant 0 : i32
        %sign3A_69 = arith.cmpi slt, %add3A_65, %sign3A_68 : i32
        %sign3A_70 = arith.extui %sign3A_69 : i1 to i32
        %sign3A_71 = arith.subi %sign3A_67, %sign3A_70 : i32
        %sign3A_72 = arith.constant 0 : i32
        %sign3A_73 = arith.cmpi sgt, %jit3A, %sign3A_72 : i32
        %sign3A_74 = arith.extui %sign3A_73 : i1 to i32
        %sign3A_75 = arith.constant 0 : i32
        %sign3A_76 = arith.cmpi slt, %jit3A, %sign3A_75 : i32
        %sign3A_77 = arith.extui %sign3A_76 : i1 to i32
        %sign3A_78 = arith.subi %sign3A_74, %sign3A_77 : i32
        %ne3A = arith.cmpi ne, %sign3A_71, %sign3A_78 : i32
        %rem3A = arith.remsi %add3A_65, %jit3A : i32
        %ne3A_79 = arith.constant 0 : i32
        %ne3A_80 = arith.cmpi ne, %rem3A, %ne3A_79 : i32
        %and3A = arith.andi %ne3A, %ne3A_80 : i1
        %sub3A_81 = arith.constant 1 : i32
        %sub3A_82 = arith.subi %div3A, %sub3A_81 : i32
        %select_n3A = arith.select %and3A, %sub3A_82, %div3A : i32
        %scan3A_83 = arith.constant 0 : i32
        %scan3A_84 = arith.constant 0 : i32
        %scan3A_85 = arith.constant 256 : i32
        %scan3A_86 = arith.addi %scan3A_84, %scan3A_85 : i32
        %scan3A_87 = arith.constant 1 : i32
        %scan3A_88 = scf.for %scan3A_406 = %scan3A_84 to %scan3A_86 step %scan3A_87 iter_args(%scan3A_407 = %scan3A_83) -> (i32)  : i32 {
          %broadcast_in_dim3A_408 = arith.constant 0 : i32
          %broadcast_in_dim3A_409 = vector.broadcast %broadcast_in_dim3A_408 : i32 to vector<16xi32>
          %mul3A_410 = arith.constant 16 : i32
          %mul3A_411 = arith.muli %scan3A_406, %mul3A_410 : i32
          %swap3A = arith.index_cast %mul3A_411 : i32 to index
          %swap3A_412 = tpu.vector_load %arg8[%swap3A] {strides = array<i32>} : memref<4096xi32, #tpu.memory_space<vmem>>, vector<16xi32>,
          tpu.vector_store %arg8[%swap3A], %broadcast_in_dim3A_409 {strides = array<i32>} : memref<4096xi32, #tpu.memory_space<vmem>>, vector<16xi32>,
          %scan3A_413 = arith.constant 0 : i32
          scf.yield %scan3A_413 : i32
        }
        %scan3A_89 = arith.constant 256 : i32
        %while3A = arith.constant 0 : i32
        %while3A_90 = arith.constant 0 : i32
        %while3A_91 = arith.subi %select_n3A, %while3A : i32
        %while3A_92 = arith.addi %while3A, %while3A_91 : i32
        %while3A_93 = arith.constant 1 : i32
        %while3A_94 = arith.divsi %while3A_91, %while3A_93 : i32
        %while3A_95 = arith.muli %while3A_94, %while3A_93 : i32
        %while3A_96 = arith.addi %while3A, %while3A_95 : i32
        %while3A_97 = arith.constant 1 : i32
        %while3A_98 = scf.for %while3A_406 = %while3A to %while3A_96 step %while3A_97 iter_args(%while3A_407 = %while3A_90) -> (i32)  : i32 {
          %mul3A_408 = arith.constant 16 : i32
          %mul3A_409 = arith.muli %while3A_406, %mul3A_408 : i32
          %get3A_410 = arith.index_cast %mul3A_409 : i32 to index
          %get3A_411 = tpu.vector_load %arg11[%get3A_410] {strides = array<i32>} : memref<20496xf32, #tpu.memory_space<vmem>>, vector<16xf32>,
          %bitcast3A = vector.bitcast %get3A_411 : vector<16xf32> to vector<16xi32>
          %mul3A_412 = arith.constant 16 : i32
          %mul3A_413 = arith.muli %while3A_406, %mul3A_412 : i32
          %add3A_414 = vector.broadcast %mul3A_413 : i32 to vector<16xi32>
          %add3A_415 = arith.addi %add3A_414, %iota3A : vector<16xi32>
          %lt3A_416 = vector.broadcast %scan3A_62 : i32 to vector<16xi32>
          %lt3A_417 = arith.cmpi slt, %add3A_415, %lt3A_416 : vector<16xi32>
          %shift_right_logical3A = arith.constant 23 : i32
          %shift_right_logical3A_418 = vector.broadcast %shift_right_logical3A : i32 to vector<16xi32>
          %shift_right_logical3A_419 = arith.shrui %bitcast3A, %shift_right_logical3A_418 : vector<16xi32>
          %eq3A = vector.broadcast %reduce_max3A_52 : i32 to vector<16xi32>
          %eq3A_420 = arith.cmpi eq, %shift_right_logical3A_419, %eq3A : vector<16xi32>
          %and3A_421 = arith.andi %lt3A_417, %eq3A_420 : vector<16xi1>
          %shift_right_logical3A_422 = arith.constant 15 : i32
          %shift_right_logical3A_423 = vector.broadcast %shift_right_logical3A_422 : i32 to vector<16xi32>
          %shift_right_logical3A_424 = arith.shrui %bitcast3A, %shift_right_logical3A_423 : vector<16xi32>
          %and3A_425 = arith.constant 255 : i32
          %and3A_426 = vector.broadcast %and3A_425 : i32 to vector<16xi32>
          %and3A_427 = arith.andi %shift_right_logical3A_424, %and3A_426 : vector<16xi32>
          %mul3A_428 = arith.constant 16 : i32
          %mul3A_429 = vector.broadcast %mul3A_428 : i32 to vector<16xi32>
          %mul3A_430 = arith.muli %and3A_427, %mul3A_429 : vector<16xi32>
          %add3A_431 = arith.addi %mul3A_430, %iota3A : vector<16xi32>
          tpu.vector_store_idx %arg8[%add3A_431], %broadcast_in_dim3A_0 masked %and3A_421 {add = true} : memref<4096xi32, #tpu.memory_space<vmem>>[vector<16xi32>], vector<16xi32>, vector<16xi1>
          %while3A_432 = arith.constant 0 : i32
          scf.yield %while3A_432 : i32
        }
        %while3A_99 = arith.constant 1 : i32
        %while3A_100 = scf.for %while3A_406 = %while3A_96 to %while3A_92 step %while3A_99 iter_args(%while3A_407 = %while3A_98) -> (i32)  : i32 {
          %mul3A_408 = arith.constant 16 : i32
          %mul3A_409 = arith.muli %while3A_406, %mul3A_408 : i32
          %get3A_410 = arith.index_cast %mul3A_409 : i32 to index
          %get3A_411 = tpu.vector_load %arg11[%get3A_410] {strides = array<i32>} : memref<20496xf32, #tpu.memory_space<vmem>>, vector<16xf32>,
          %bitcast3A = vector.bitcast %get3A_411 : vector<16xf32> to vector<16xi32>
          %mul3A_412 = arith.constant 16 : i32
          %mul3A_413 = arith.muli %while3A_406, %mul3A_412 : i32
          %add3A_414 = vector.broadcast %mul3A_413 : i32 to vector<16xi32>
          %add3A_415 = arith.addi %add3A_414, %iota3A : vector<16xi32>
          %lt3A_416 = vector.broadcast %scan3A_62 : i32 to vector<16xi32>
          %lt3A_417 = arith.cmpi slt, %add3A_415, %lt3A_416 : vector<16xi32>
          %shift_right_logical3A = arith.constant 23 : i32
          %shift_right_logical3A_418 = vector.broadcast %shift_right_logical3A : i32 to vector<16xi32>
          %shift_right_logical3A_419 = arith.shrui %bitcast3A, %shift_right_logical3A_418 : vector<16xi32>
          %eq3A = vector.broadcast %reduce_max3A_52 : i32 to vector<16xi32>
          %eq3A_420 = arith.cmpi eq, %shift_right_logical3A_419, %eq3A : vector<16xi32>
          %and3A_421 = arith.andi %lt3A_417, %eq3A_420 : vector<16xi1>
          %shift_right_logical3A_422 = arith.constant 15 : i32
          %shift_right_logical3A_423 = vector.broadcast %shift_right_logical3A_422 : i32 to vector<16xi32>
          %shift_right_logical3A_424 = arith.shrui %bitcast3A, %shift_right_logical3A_423 : vector<16xi32>
          %and3A_425 = arith.constant 255 : i32
          %and3A_426 = vector.broadcast %and3A_425 : i32 to vector<16xi32>
          %and3A_427 = arith.andi %shift_right_logical3A_424, %and3A_426 : vector<16xi32>
          %mul3A_428 = arith.constant 16 : i32
          %mul3A_429 = vector.broadcast %mul3A_428 : i32 to vector<16xi32>
          %mul3A_430 = arith.muli %and3A_427, %mul3A_429 : vector<16xi32>
          %add3A_431 = arith.addi %mul3A_430, %iota3A : vector<16xi32>
          tpu.vector_store_idx %arg8[%add3A_431], %broadcast_in_dim3A_0 masked %and3A_421 {add = true} : memref<4096xi32, #tpu.memory_space<vmem>>[vector<16xi32>], vector<16xi32>, vector<16xi1>
          %while3A_432 = arith.constant 0 : i32
          scf.yield %while3A_432 : i32
        }
        %scan3A_101 = arith.constant 0 : i32
        %scan3A_102 = arith.constant 0 : i32
        %scan3A_103 = arith.constant 16 : i32
        %scan3A_104 = arith.addi %scan3A_102, %scan3A_103 : i32
        %scan3A_105 = arith.constant 1 : i32
        %scan3A_106 = scf.for %scan3A_406 = %scan3A_102 to %scan3A_104 step %scan3A_105 iter_args(%scan3A_407 = %scan3A_101) -> (i32)  : i32 {
          %broadcast_in_dim3A_408 = arith.constant 0 : i32
          %broadcast_in_dim3A_409 = vector.broadcast %broadcast_in_dim3A_408 : i32 to vector<16xi32>
          %mul3A_410 = arith.constant 16 : i32
          %mul3A_411 = arith.muli %scan3A_406, %mul3A_410 : i32
          %add3A_412 = vector.broadcast %mul3A_411 : i32 to vector<16xi32>
          %add3A_413 = arith.addi %add3A_412, %iota3A : vector<16xi32>
          %mul3A_414 = arith.constant 16 : i32
          %mul3A_415 = vector.broadcast %mul3A_414 : i32 to vector<16xi32>
          %mul3A_416 = arith.muli %add3A_413, %mul3A_415 : vector<16xi32>
          %add3A_417 = arith.constant 0 : i32
          %add3A_418 = vector.broadcast %add3A_417 : i32 to vector<16xi32>
          %add3A_419 = arith.addi %mul3A_416, %add3A_418 : vector<16xi32>
          %gather3A_420 = tpu.vector_load_idx %arg8[%add3A_419] : memref<4096xi32, #tpu.memory_space<vmem>>[vector<16xi32>], vector<16xi32>,
          %add3A_421 = arith.addi %broadcast_in_dim3A_409, %gather3A_420 : vector<16xi32>
          %add3A_422 = arith.constant 1 : i32
          %add3A_423 = vector.broadcast %add3A_422 : i32 to vector<16xi32>
          %add3A_424 = arith.addi %mul3A_416, %add3A_423 : vector<16xi32>
          %gather3A_425 = tpu.vector_load_idx %arg8[%add3A_424] : memref<4096xi32, #tpu.memory_space<vmem>>[vector<16xi32>], vector<16xi32>,
          %add3A_426 = arith.addi %add3A_421, %gather3A_425 : vector<16xi32>
          %add3A_427 = arith.constant 2 : i32
          %add3A_428 = vector.broadcast %add3A_427 : i32 to vector<16xi32>
          %add3A_429 = arith.addi %mul3A_416, %add3A_428 : vector<16xi32>
          %gather3A_430 = tpu.vector_load_idx %arg8[%add3A_429] : memref<4096xi32, #tpu.memory_space<vmem>>[vector<16xi32>], vector<16xi32>,
          %add3A_431 = arith.addi %add3A_426, %gather3A_430 : vector<16xi32>
          %add3A_432 = arith.constant 3 : i32
          %add3A_433 = vector.broadcast %add3A_432 : i32 to vector<16xi32>
          %add3A_434 = arith.addi %mul3A_416, %add3A_433 : vector<16xi32>
          %gather3A_435 = tpu.vector_load_idx %arg8[%add3A_434] : memref<4096xi32, #tpu.memory_space<vmem>>[vector<16xi32>], vector<16xi32>,
          %add3A_436 = arith.addi %add3A_431, %gather3A_435 : vector<16xi32>
          %add3A_437 = arith.constant 4 : i32
          %add3A_438 = vector.broadcast %add3A_437 : i32 to vector<16xi32>
          %add3A_439 = arith.addi %mul3A_416, %add3A_438 : vector<16xi32>
          %gather3A_440 = tpu.vector_load_idx %arg8[%add3A_439] : memref<4096xi32, #tpu.memory_space<vmem>>[vector<16xi32>], vector<16xi32>,
          %add3A_441 = arith.addi %add3A_436, %gather3A_440 : vector<16xi32>
          %add3A_442 = arith.constant 5 : i32
          %add3A_443 = vector.broadcast %add3A_442 : i32 to vector<16xi32>
          %add3A_444 = arith.addi %mul3A_416, %add3A_443 : vector<16xi32>
          %gather3A_445 = tpu.vector_load_idx %arg8[%add3A_444] : memref<4096xi32, #tpu.memory_space<vmem>>[vector<16xi32>], vector<16xi32>,
          %add3A_446 = arith.addi %add3A_441, %gather3A_445 : vector<16xi32>
          %add3A_447 = arith.constant 6 : i32
          %add3A_448 = vector.broadcast %add3A_447 : i32 to vector<16xi32>
          %add3A_449 = arith.addi %mul3A_416, %add3A_448 : vector<16xi32>
          %gather3A_450 = tpu.vector_load_idx %arg8[%add3A_449] : memref<4096xi32, #tpu.memory_space<vmem>>[vector<16xi32>], vector<16xi32>,
          %add3A_451 = arith.addi %add3A_446, %gather3A_450 : vector<16xi32>
          %add3A_452 = arith.constant 7 : i32
          %add3A_453 = vector.broadcast %add3A_452 : i32 to vector<16xi32>
          %add3A_454 = arith.addi %mul3A_416, %add3A_453 : vector<16xi32>
          %gather3A_455 = tpu.vector_load_idx %arg8[%add3A_454] : memref<4096xi32, #tpu.memory_space<vmem>>[vector<16xi32>], vector<16xi32>,
          %add3A_456 = arith.addi %add3A_451, %gather3A_455 : vector<16xi32>
          %add3A_457 = arith.constant 8 : i32
          %add3A_458 = vector.broadcast %add3A_457 : i32 to vector<16xi32>
          %add3A_459 = arith.addi %mul3A_416, %add3A_458 : vector<16xi32>
          %gather3A_460 = tpu.vector_load_idx %arg8[%add3A_459] : memref<4096xi32, #tpu.memory_space<vmem>>[vector<16xi32>], vector<16xi32>,
          %add3A_461 = arith.addi %add3A_456, %gather3A_460 : vector<16xi32>
          %add3A_462 = arith.constant 9 : i32
          %add3A_463 = vector.broadcast %add3A_462 : i32 to vector<16xi32>
          %add3A_464 = arith.addi %mul3A_416, %add3A_463 : vector<16xi32>
          %gather3A_465 = tpu.vector_load_idx %arg8[%add3A_464] : memref<4096xi32, #tpu.memory_space<vmem>>[vector<16xi32>], vector<16xi32>,
          %add3A_466 = arith.addi %add3A_461, %gather3A_465 : vector<16xi32>
          %add3A_467 = arith.constant 10 : i32
          %add3A_468 = vector.broadcast %add3A_467 : i32 to vector<16xi32>
          %add3A_469 = arith.addi %mul3A_416, %add3A_468 : vector<16xi32>
          %gather3A_470 = tpu.vector_load_idx %arg8[%add3A_469] : memref<4096xi32, #tpu.memory_space<vmem>>[vector<16xi32>], vector<16xi32>,
          %add3A_471 = arith.addi %add3A_466, %gather3A_470 : vector<16xi32>
          %add3A_472 = arith.constant 11 : i32
          %add3A_473 = vector.broadcast %add3A_472 : i32 to vector<16xi32>
          %add3A_474 = arith.addi %mul3A_416, %add3A_473 : vector<16xi32>
          %gather3A_475 = tpu.vector_load_idx %arg8[%add3A_474] : memref<4096xi32, #tpu.memory_space<vmem>>[vector<16xi32>], vector<16xi32>,
          %add3A_476 = arith.addi %add3A_471, %gather3A_475 : vector<16xi32>
          %add3A_477 = arith.constant 12 : i32
          %add3A_478 = vector.broadcast %add3A_477 : i32 to vector<16xi32>
          %add3A_479 = arith.addi %mul3A_416, %add3A_478 : vector<16xi32>
          %gather3A_480 = tpu.vector_load_idx %arg8[%add3A_479] : memref<4096xi32, #tpu.memory_space<vmem>>[vector<16xi32>], vector<16xi32>,
          %add3A_481 = arith.addi %add3A_476, %gather3A_480 : vector<16xi32>
          %add3A_482 = arith.constant 13 : i32
          %add3A_483 = vector.broadcast %add3A_482 : i32 to vector<16xi32>
          %add3A_484 = arith.addi %mul3A_416, %add3A_483 : vector<16xi32>
          %gather3A_485 = tpu.vector_load_idx %arg8[%add3A_484] : memref<4096xi32, #tpu.memory_space<vmem>>[vector<16xi32>], vector<16xi32>,
          %add3A_486 = arith.addi %add3A_481, %gather3A_485 : vector<16xi32>
          %add3A_487 = arith.constant 14 : i32
          %add3A_488 = vector.broadcast %add3A_487 : i32 to vector<16xi32>
          %add3A_489 = arith.addi %mul3A_416, %add3A_488 : vector<16xi32>
          %gather3A_490 = tpu.vector_load_idx %arg8[%add3A_489] : memref<4096xi32, #tpu.memory_space<vmem>>[vector<16xi32>], vector<16xi32>,
          %add3A_491 = arith.addi %add3A_486, %gather3A_490 : vector<16xi32>
          %add3A_492 = arith.constant 15 : i32
          %add3A_493 = vector.broadcast %add3A_492 : i32 to vector<16xi32>
          %add3A_494 = arith.addi %mul3A_416, %add3A_493 : vector<16xi32>
          %gather3A_495 = tpu.vector_load_idx %arg8[%add3A_494] : memref<4096xi32, #tpu.memory_space<vmem>>[vector<16xi32>], vector<16xi32>,
          %add3A_496 = arith.addi %add3A_491, %gather3A_495 : vector<16xi32>
          %mul3A_497 = arith.constant 16 : i32
          %mul3A_498 = arith.muli %scan3A_406, %mul3A_497 : i32
          %swap3A = arith.index_cast %mul3A_498 : i32 to index
          %swap3A_499 = tpu.vector_load %arg9[%swap3A] {strides = array<i32>} : memref<256xi32, #tpu.memory_space<vmem>>, vector<16xi32>,
          tpu.vector_store %arg9[%swap3A], %add3A_496 {strides = array<i32>} : memref<256xi32, #tpu.memory_space<vmem>>, vector<16xi32>,
          %scan3A_500 = arith.constant 0 : i32
          scf.yield %scan3A_500 : i32
        }
        %scan3A_107 = arith.constant 16 : i32
        %scan3A_108 = arith.constant 0 : i32
        %scan3A_109 = arith.constant 0 : i32
        %scan3A_110 = arith.constant 16 : i32
        %scan3A_111 = arith.addi %scan3A_109, %scan3A_110 : i32
        %scan3A_112 = arith.constant 1 : i32
        %scan3A_113 = scf.for %scan3A_406 = %scan3A_109 to %scan3A_111 step %scan3A_112 iter_args(%scan3A_407 = %scan3A_108) -> (i32)  : i32 {
          %mul3A_408 = arith.constant 16 : i32
          %mul3A_409 = arith.muli %scan3A_406, %mul3A_408 : i32
          %get3A_410 = arith.index_cast %mul3A_409 : i32 to index
          %get3A_411 = tpu.vector_load %arg9[%get3A_410] {strides = array<i32>} : memref<256xi32, #tpu.memory_space<vmem>>, vector<16xi32>,
          %cumsum3A = arith.constant true
          %cumsum3A_412 = vector.broadcast %cumsum3A : i1 to vector<16xi1>
          %cumsum3A_413 = tpu.scan <sum>, %get3A_411 masked %cumsum3A_412 : vector<16xi32>, vector<16xi1> -> vector<16xi32>
          %add3A_414 = vector.broadcast %scan3A_407 : i32 to vector<16xi32>
          %add3A_415 = arith.addi %cumsum3A_413, %add3A_414 : vector<16xi32>
          %mul3A_416 = arith.constant 16 : i32
          %mul3A_417 = arith.muli %scan3A_406, %mul3A_416 : i32
          %swap3A = arith.index_cast %mul3A_417 : i32 to index
          %swap3A_418 = tpu.vector_load %arg10[%swap3A] {strides = array<i32>} : memref<256xi32, #tpu.memory_space<vmem>>, vector<16xi32>,
          tpu.vector_store %arg10[%swap3A], %add3A_415 {strides = array<i32>} : memref<256xi32, #tpu.memory_space<vmem>>, vector<16xi32>,
          %reduce_max3A_419 = arith.constant true
          %reduce_max3A_420 = vector.broadcast %reduce_max3A_419 : i1 to vector<16xi1>
          %reduce_max3A_421 = arith.constant -2147483648 : i32
          %reduce_max3A_422 = vector.broadcast %reduce_max3A_421 : i32 to vector<16xi32>
          %reduce_max3A_423 = arith.xori %add3A_415, %reduce_max3A_422 : vector<16xi32>
          %reduce_max3A_424 = tpu.scan <max>, %reduce_max3A_423 masked %reduce_max3A_420 : vector<16xi32>, vector<16xi1> -> vector<16xi32>
          %reduce_max3A_425 = arith.xori %reduce_max3A_424, %reduce_max3A_422 : vector<16xi32>
          %reduce_max3A_426 = vector.extract %reduce_max3A_425[15] : i32 from vector<16xi32>
          scf.yield %reduce_max3A_426 : i32
        }
        %scan3A_114 = arith.constant 16 : i32
        %broadcast_in_dim3A_115 = arith.constant 0 : i32
        %broadcast_in_dim3A_116 = vector.broadcast %broadcast_in_dim3A_115 : i32 to vector<16xi32>
        %scan3A_117 = arith.constant 0 : i32
        %scan3A_118 = arith.constant 16 : i32
        %scan3A_119 = arith.addi %scan3A_117, %scan3A_118 : i32
        %scan3A_120 = arith.constant 1 : i32
        %scan3A_121 = scf.for %scan3A_406 = %scan3A_117 to %scan3A_119 step %scan3A_120 iter_args(%scan3A_407 = %broadcast_in_dim3A_116) -> (vector<16xi32>)  : i32 {
          %mul3A_408 = arith.constant 16 : i32
          %mul3A_409 = arith.muli %scan3A_406, %mul3A_408 : i32
          %get3A_410 = arith.index_cast %mul3A_409 : i32 to index
          %get3A_411 = tpu.vector_load %arg10[%get3A_410] {strides = array<i32>} : memref<256xi32, #tpu.memory_space<vmem>>, vector<16xi32>,
          %sub3A_412 = vector.broadcast %scan3A_113 : i32 to vector<16xi32>
          %sub3A_413 = arith.subi %sub3A_412, %get3A_411 : vector<16xi32>
          %ge3A = vector.broadcast %sub3A_56 : i32 to vector<16xi32>
          %ge3A_414 = arith.cmpi sge, %sub3A_413, %ge3A : vector<16xi32>
          %all_reduce_population_count3A = tpu.all_reduce %ge3A_414 {dim = 0 : i64, kind = #tpu.reduction_kind<sum>} : vector<16xi1> -> vector<16xi32>
          %add3A_415 = arith.addi %scan3A_407, %all_reduce_population_count3A : vector<16xi32>
          scf.yield %add3A_415 : vector<16xi32>
        }
        %scan3A_122 = arith.constant 16 : i32
        %reduce_max3A_123 = arith.constant true
        %reduce_max3A_124 = vector.broadcast %reduce_max3A_123 : i1 to vector<16xi1>
        %reduce_max3A_125 = arith.constant -2147483648 : i32
        %reduce_max3A_126 = vector.broadcast %reduce_max3A_125 : i32 to vector<16xi32>
        %reduce_max3A_127 = arith.xori %scan3A_121, %reduce_max3A_126 : vector<16xi32>
        %reduce_max3A_128 = tpu.scan <max>, %reduce_max3A_127 masked %reduce_max3A_124 : vector<16xi32>, vector<16xi1> -> vector<16xi32>
        %reduce_max3A_129 = arith.xori %reduce_max3A_128, %reduce_max3A_126 : vector<16xi32>
        %reduce_max3A_130 = vector.extract %reduce_max3A_129[15] : i32 from vector<16xi32>
        %broadcast_in_dim3A_131 = vector.broadcast %reduce_max3A_130 : i32 to vector<16xi32>
        %gather3A_132 = tpu.vector_load_idx %arg10[%broadcast_in_dim3A_131] : memref<256xi32, #tpu.memory_space<vmem>>[vector<16xi32>], vector<16xi32>,
        %slice3A_133 = vector.extract_strided_slice %gather3A_132 {offsets = [0], sizes = [1], strides = [1]} : vector<16xi32> to vector<1xi32>
        %squeeze3A_134 = vector.extract %slice3A_133[0] : i32 from vector<1xi32>
        %sub3A_135 = arith.subi %scan3A_113, %squeeze3A_134 : i32
        %sub3A_136 = arith.subi %sub3A_56, %sub3A_135 : i32
        %mul3A_137 = arith.constant 256 : i32
        %mul3A_138 = arith.muli %reduce_max3A_52, %mul3A_137 : i32
        %add3A_139 = arith.addi %mul3A_138, %reduce_max3A_130 : i32
        %scan3A_140 = arith.constant 0 : i32
        %scan3A_141 = arith.constant 0 : i32
        %scan3A_142 = arith.constant 256 : i32
        %scan3A_143 = arith.addi %scan3A_141, %scan3A_142 : i32
        %scan3A_144 = arith.constant 1 : i32
        %scan3A_145 = scf.for %scan3A_406 = %scan3A_141 to %scan3A_143 step %scan3A_144 iter_args(%scan3A_407 = %scan3A_140) -> (i32)  : i32 {
          %broadcast_in_dim3A_408 = arith.constant 0 : i32
          %broadcast_in_dim3A_409 = vector.broadcast %broadcast_in_dim3A_408 : i32 to vector<16xi32>
          %mul3A_410 = arith.constant 16 : i32
          %mul3A_411 = arith.muli %scan3A_406, %mul3A_410 : i32
          %swap3A = arith.index_cast %mul3A_411 : i32 to index
          %swap3A_412 = tpu.vector_load %arg8[%swap3A] {strides = array<i32>} : memref<4096xi32, #tpu.memory_space<vmem>>, vector<16xi32>,
          tpu.vector_store %arg8[%swap3A], %broadcast_in_dim3A_409 {strides = array<i32>} : memref<4096xi32, #tpu.memory_space<vmem>>, vector<16xi32>,
          %scan3A_413 = arith.constant 0 : i32
          scf.yield %scan3A_413 : i32
        }
        %scan3A_146 = arith.constant 256 : i32
        %while3A_147 = arith.constant 0 : i32
        %while3A_148 = arith.constant 0 : i32
        %while3A_149 = arith.subi %select_n3A, %while3A_147 : i32
        %while3A_150 = arith.addi %while3A_147, %while3A_149 : i32
        %while3A_151 = arith.constant 1 : i32
        %while3A_152 = arith.divsi %while3A_149, %while3A_151 : i32
        %while3A_153 = arith.muli %while3A_152, %while3A_151 : i32
        %while3A_154 = arith.addi %while3A_147, %while3A_153 : i32
        %while3A_155 = arith.constant 1 : i32
        %while3A_156 = scf.for %while3A_406 = %while3A_147 to %while3A_154 step %while3A_155 iter_args(%while3A_407 = %while3A_148) -> (i32)  : i32 {
          %mul3A_408 = arith.constant 16 : i32
          %mul3A_409 = arith.muli %while3A_406, %mul3A_408 : i32
          %get3A_410 = arith.index_cast %mul3A_409 : i32 to index
          %get3A_411 = tpu.vector_load %arg11[%get3A_410] {strides = array<i32>} : memref<20496xf32, #tpu.memory_space<vmem>>, vector<16xf32>,
          %bitcast3A = vector.bitcast %get3A_411 : vector<16xf32> to vector<16xi32>
          %mul3A_412 = arith.constant 16 : i32
          %mul3A_413 = arith.muli %while3A_406, %mul3A_412 : i32
          %add3A_414 = vector.broadcast %mul3A_413 : i32 to vector<16xi32>
          %add3A_415 = arith.addi %add3A_414, %iota3A : vector<16xi32>
          %lt3A_416 = vector.broadcast %scan3A_62 : i32 to vector<16xi32>
          %lt3A_417 = arith.cmpi slt, %add3A_415, %lt3A_416 : vector<16xi32>
          %shift_right_logical3A = arith.constant 15 : i32
          %shift_right_logical3A_418 = vector.broadcast %shift_right_logical3A : i32 to vector<16xi32>
          %shift_right_logical3A_419 = arith.shrui %bitcast3A, %shift_right_logical3A_418 : vector<16xi32>
          %eq3A = vector.broadcast %add3A_139 : i32 to vector<16xi32>
          %eq3A_420 = arith.cmpi eq, %shift_right_logical3A_419, %eq3A : vector<16xi32>
          %and3A_421 = arith.andi %lt3A_417, %eq3A_420 : vector<16xi1>
          %shift_right_logical3A_422 = arith.constant 7 : i32
          %shift_right_logical3A_423 = vector.broadcast %shift_right_logical3A_422 : i32 to vector<16xi32>
          %shift_right_logical3A_424 = arith.shrui %bitcast3A, %shift_right_logical3A_423 : vector<16xi32>
          %and3A_425 = arith.constant 255 : i32
          %and3A_426 = vector.broadcast %and3A_425 : i32 to vector<16xi32>
          %and3A_427 = arith.andi %shift_right_logical3A_424, %and3A_426 : vector<16xi32>
          %mul3A_428 = arith.constant 16 : i32
          %mul3A_429 = vector.broadcast %mul3A_428 : i32 to vector<16xi32>
          %mul3A_430 = arith.muli %and3A_427, %mul3A_429 : vector<16xi32>
          %add3A_431 = arith.addi %mul3A_430, %iota3A : vector<16xi32>
          tpu.vector_store_idx %arg8[%add3A_431], %broadcast_in_dim3A_0 masked %and3A_421 {add = true} : memref<4096xi32, #tpu.memory_space<vmem>>[vector<16xi32>], vector<16xi32>, vector<16xi1>
          %while3A_432 = arith.constant 0 : i32
          scf.yield %while3A_432 : i32
        }
        %while3A_157 = arith.constant 1 : i32
        %while3A_158 = scf.for %while3A_406 = %while3A_154 to %while3A_150 step %while3A_157 iter_args(%while3A_407 = %while3A_156) -> (i32)  : i32 {
          %mul3A_408 = arith.constant 16 : i32
          %mul3A_409 = arith.muli %while3A_406, %mul3A_408 : i32
          %get3A_410 = arith.index_cast %mul3A_409 : i32 to index
          %get3A_411 = tpu.vector_load %arg11[%get3A_410] {strides = array<i32>} : memref<20496xf32, #tpu.memory_space<vmem>>, vector<16xf32>,
          %bitcast3A = vector.bitcast %get3A_411 : vector<16xf32> to vector<16xi32>
          %mul3A_412 = arith.constant 16 : i32
          %mul3A_413 = arith.muli %while3A_406, %mul3A_412 : i32
          %add3A_414 = vector.broadcast %mul3A_413 : i32 to vector<16xi32>
          %add3A_415 = arith.addi %add3A_414, %iota3A : vector<16xi32>
          %lt3A_416 = vector.broadcast %scan3A_62 : i32 to vector<16xi32>
          %lt3A_417 = arith.cmpi slt, %add3A_415, %lt3A_416 : vector<16xi32>
          %shift_right_logical3A = arith.constant 15 : i32
          %shift_right_logical3A_418 = vector.broadcast %shift_right_logical3A : i32 to vector<16xi32>
          %shift_right_logical3A_419 = arith.shrui %bitcast3A, %shift_right_logical3A_418 : vector<16xi32>
          %eq3A = vector.broadcast %add3A_139 : i32 to vector<16xi32>
          %eq3A_420 = arith.cmpi eq, %shift_right_logical3A_419, %eq3A : vector<16xi32>
          %and3A_421 = arith.andi %lt3A_417, %eq3A_420 : vector<16xi1>
          %shift_right_logical3A_422 = arith.constant 7 : i32
          %shift_right_logical3A_423 = vector.broadcast %shift_right_logical3A_422 : i32 to vector<16xi32>
          %shift_right_logical3A_424 = arith.shrui %bitcast3A, %shift_right_logical3A_423 : vector<16xi32>
          %and3A_425 = arith.constant 255 : i32
          %and3A_426 = vector.broadcast %and3A_425 : i32 to vector<16xi32>
          %and3A_427 = arith.andi %shift_right_logical3A_424, %and3A_426 : vector<16xi32>
          %mul3A_428 = arith.constant 16 : i32
          %mul3A_429 = vector.broadcast %mul3A_428 : i32 to vector<16xi32>
          %mul3A_430 = arith.muli %and3A_427, %mul3A_429 : vector<16xi32>
          %add3A_431 = arith.addi %mul3A_430, %iota3A : vector<16xi32>
          tpu.vector_store_idx %arg8[%add3A_431], %broadcast_in_dim3A_0 masked %and3A_421 {add = true} : memref<4096xi32, #tpu.memory_space<vmem>>[vector<16xi32>], vector<16xi32>, vector<16xi1>
          %while3A_432 = arith.constant 0 : i32
          scf.yield %while3A_432 : i32
        }
        %scan3A_159 = arith.constant 0 : i32
        %scan3A_160 = arith.constant 0 : i32
        %scan3A_161 = arith.constant 16 : i32
        %scan3A_162 = arith.addi %scan3A_160, %scan3A_161 : i32
        %scan3A_163 = arith.constant 1 : i32
        %scan3A_164 = scf.for %scan3A_406 = %scan3A_160 to %scan3A_162 step %scan3A_163 iter_args(%scan3A_407 = %scan3A_159) -> (i32)  : i32 {
          %broadcast_in_dim3A_408 = arith.constant 0 : i32
          %broadcast_in_dim3A_409 = vector.broadcast %broadcast_in_dim3A_408 : i32 to vector<16xi32>
          %mul3A_410 = arith.constant 16 : i32
          %mul3A_411 = arith.muli %scan3A_406, %mul3A_410 : i32
          %add3A_412 = vector.broadcast %mul3A_411 : i32 to vector<16xi32>
          %add3A_413 = arith.addi %add3A_412, %iota3A : vector<16xi32>
          %mul3A_414 = arith.constant 16 : i32
          %mul3A_415 = vector.broadcast %mul3A_414 : i32 to vector<16xi32>
          %mul3A_416 = arith.muli %add3A_413, %mul3A_415 : vector<16xi32>
          %add3A_417 = arith.constant 0 : i32
          %add3A_418 = vector.broadcast %add3A_417 : i32 to vector<16xi32>
          %add3A_419 = arith.addi %mul3A_416, %add3A_418 : vector<16xi32>
          %gather3A_420 = tpu.vector_load_idx %arg8[%add3A_419] : memref<4096xi32, #tpu.memory_space<vmem>>[vector<16xi32>], vector<16xi32>,
          %add3A_421 = arith.addi %broadcast_in_dim3A_409, %gather3A_420 : vector<16xi32>
          %add3A_422 = arith.constant 1 : i32
          %add3A_423 = vector.broadcast %add3A_422 : i32 to vector<16xi32>
          %add3A_424 = arith.addi %mul3A_416, %add3A_423 : vector<16xi32>
          %gather3A_425 = tpu.vector_load_idx %arg8[%add3A_424] : memref<4096xi32, #tpu.memory_space<vmem>>[vector<16xi32>], vector<16xi32>,
          %add3A_426 = arith.addi %add3A_421, %gather3A_425 : vector<16xi32>
          %add3A_427 = arith.constant 2 : i32
          %add3A_428 = vector.broadcast %add3A_427 : i32 to vector<16xi32>
          %add3A_429 = arith.addi %mul3A_416, %add3A_428 : vector<16xi32>
          %gather3A_430 = tpu.vector_load_idx %arg8[%add3A_429] : memref<4096xi32, #tpu.memory_space<vmem>>[vector<16xi32>], vector<16xi32>,
          %add3A_431 = arith.addi %add3A_426, %gather3A_430 : vector<16xi32>
          %add3A_432 = arith.constant 3 : i32
          %add3A_433 = vector.broadcast %add3A_432 : i32 to vector<16xi32>
          %add3A_434 = arith.addi %mul3A_416, %add3A_433 : vector<16xi32>
          %gather3A_435 = tpu.vector_load_idx %arg8[%add3A_434] : memref<4096xi32, #tpu.memory_space<vmem>>[vector<16xi32>], vector<16xi32>,
          %add3A_436 = arith.addi %add3A_431, %gather3A_435 : vector<16xi32>
          %add3A_437 = arith.constant 4 : i32
          %add3A_438 = vector.broadcast %add3A_437 : i32 to vector<16xi32>
          %add3A_439 = arith.addi %mul3A_416, %add3A_438 : vector<16xi32>
          %gather3A_440 = tpu.vector_load_idx %arg8[%add3A_439] : memref<4096xi32, #tpu.memory_space<vmem>>[vector<16xi32>], vector<16xi32>,
          %add3A_441 = arith.addi %add3A_436, %gather3A_440 : vector<16xi32>
          %add3A_442 = arith.constant 5 : i32
          %add3A_443 = vector.broadcast %add3A_442 : i32 to vector<16xi32>
          %add3A_444 = arith.addi %mul3A_416, %add3A_443 : vector<16xi32>
          %gather3A_445 = tpu.vector_load_idx %arg8[%add3A_444] : memref<4096xi32, #tpu.memory_space<vmem>>[vector<16xi32>], vector<16xi32>,
          %add3A_446 = arith.addi %add3A_441, %gather3A_445 : vector<16xi32>
          %add3A_447 = arith.constant 6 : i32
          %add3A_448 = vector.broadcast %add3A_447 : i32 to vector<16xi32>
          %add3A_449 = arith.addi %mul3A_416, %add3A_448 : vector<16xi32>
          %gather3A_450 = tpu.vector_load_idx %arg8[%add3A_449] : memref<4096xi32, #tpu.memory_space<vmem>>[vector<16xi32>], vector<16xi32>,
          %add3A_451 = arith.addi %add3A_446, %gather3A_450 : vector<16xi32>
          %add3A_452 = arith.constant 7 : i32
          %add3A_453 = vector.broadcast %add3A_452 : i32 to vector<16xi32>
          %add3A_454 = arith.addi %mul3A_416, %add3A_453 : vector<16xi32>
          %gather3A_455 = tpu.vector_load_idx %arg8[%add3A_454] : memref<4096xi32, #tpu.memory_space<vmem>>[vector<16xi32>], vector<16xi32>,
          %add3A_456 = arith.addi %add3A_451, %gather3A_455 : vector<16xi32>
          %add3A_457 = arith.constant 8 : i32
          %add3A_458 = vector.broadcast %add3A_457 : i32 to vector<16xi32>
          %add3A_459 = arith.addi %mul3A_416, %add3A_458 : vector<16xi32>
          %gather3A_460 = tpu.vector_load_idx %arg8[%add3A_459] : memref<4096xi32, #tpu.memory_space<vmem>>[vector<16xi32>], vector<16xi32>,
          %add3A_461 = arith.addi %add3A_456, %gather3A_460 : vector<16xi32>
          %add3A_462 = arith.constant 9 : i32
          %add3A_463 = vector.broadcast %add3A_462 : i32 to vector<16xi32>
          %add3A_464 = arith.addi %mul3A_416, %add3A_463 : vector<16xi32>
          %gather3A_465 = tpu.vector_load_idx %arg8[%add3A_464] : memref<4096xi32, #tpu.memory_space<vmem>>[vector<16xi32>], vector<16xi32>,
          %add3A_466 = arith.addi %add3A_461, %gather3A_465 : vector<16xi32>
          %add3A_467 = arith.constant 10 : i32
          %add3A_468 = vector.broadcast %add3A_467 : i32 to vector<16xi32>
          %add3A_469 = arith.addi %mul3A_416, %add3A_468 : vector<16xi32>
          %gather3A_470 = tpu.vector_load_idx %arg8[%add3A_469] : memref<4096xi32, #tpu.memory_space<vmem>>[vector<16xi32>], vector<16xi32>,
          %add3A_471 = arith.addi %add3A_466, %gather3A_470 : vector<16xi32>
          %add3A_472 = arith.constant 11 : i32
          %add3A_473 = vector.broadcast %add3A_472 : i32 to vector<16xi32>
          %add3A_474 = arith.addi %mul3A_416, %add3A_473 : vector<16xi32>
          %gather3A_475 = tpu.vector_load_idx %arg8[%add3A_474] : memref<4096xi32, #tpu.memory_space<vmem>>[vector<16xi32>], vector<16xi32>,
          %add3A_476 = arith.addi %add3A_471, %gather3A_475 : vector<16xi32>
          %add3A_477 = arith.constant 12 : i32
          %add3A_478 = vector.broadcast %add3A_477 : i32 to vector<16xi32>
          %add3A_479 = arith.addi %mul3A_416, %add3A_478 : vector<16xi32>
          %gather3A_480 = tpu.vector_load_idx %arg8[%add3A_479] : memref<4096xi32, #tpu.memory_space<vmem>>[vector<16xi32>], vector<16xi32>,
          %add3A_481 = arith.addi %add3A_476, %gather3A_480 : vector<16xi32>
          %add3A_482 = arith.constant 13 : i32
          %add3A_483 = vector.broadcast %add3A_482 : i32 to vector<16xi32>
          %add3A_484 = arith.addi %mul3A_416, %add3A_483 : vector<16xi32>
          %gather3A_485 = tpu.vector_load_idx %arg8[%add3A_484] : memref<4096xi32, #tpu.memory_space<vmem>>[vector<16xi32>], vector<16xi32>,
          %add3A_486 = arith.addi %add3A_481, %gather3A_485 : vector<16xi32>
          %add3A_487 = arith.constant 14 : i32
          %add3A_488 = vector.broadcast %add3A_487 : i32 to vector<16xi32>
          %add3A_489 = arith.addi %mul3A_416, %add3A_488 : vector<16xi32>
          %gather3A_490 = tpu.vector_load_idx %arg8[%add3A_489] : memref<4096xi32, #tpu.memory_space<vmem>>[vector<16xi32>], vector<16xi32>,
          %add3A_491 = arith.addi %add3A_486, %gather3A_490 : vector<16xi32>
          %add3A_492 = arith.constant 15 : i32
          %add3A_493 = vector.broadcast %add3A_492 : i32 to vector<16xi32>
          %add3A_494 = arith.addi %mul3A_416, %add3A_493 : vector<16xi32>
          %gather3A_495 = tpu.vector_load_idx %arg8[%add3A_494] : memref<4096xi32, #tpu.memory_space<vmem>>[vector<16xi32>], vector<16xi32>,
          %add3A_496 = arith.addi %add3A_491, %gather3A_495 : vector<16xi32>
          %mul3A_497 = arith.constant 16 : i32
          %mul3A_498 = arith.muli %scan3A_406, %mul3A_497 : i32
          %swap3A = arith.index_cast %mul3A_498 : i32 to index
          %swap3A_499 = tpu.vector_load %arg9[%swap3A] {strides = array<i32>} : memref<256xi32, #tpu.memory_space<vmem>>, vector<16xi32>,
          tpu.vector_store %arg9[%swap3A], %add3A_496 {strides = array<i32>} : memref<256xi32, #tpu.memory_space<vmem>>, vector<16xi32>,
          %scan3A_500 = arith.constant 0 : i32
          scf.yield %scan3A_500 : i32
        }
        %scan3A_165 = arith.constant 16 : i32
        %scan3A_166 = arith.constant 0 : i32
        %scan3A_167 = arith.constant 0 : i32
        %scan3A_168 = arith.constant 16 : i32
        %scan3A_169 = arith.addi %scan3A_167, %scan3A_168 : i32
        %scan3A_170 = arith.constant 1 : i32
        %scan3A_171 = scf.for %scan3A_406 = %scan3A_167 to %scan3A_169 step %scan3A_170 iter_args(%scan3A_407 = %scan3A_166) -> (i32)  : i32 {
          %mul3A_408 = arith.constant 16 : i32
          %mul3A_409 = arith.muli %scan3A_406, %mul3A_408 : i32
          %get3A_410 = arith.index_cast %mul3A_409 : i32 to index
          %get3A_411 = tpu.vector_load %arg9[%get3A_410] {strides = array<i32>} : memref<256xi32, #tpu.memory_space<vmem>>, vector<16xi32>,
          %cumsum3A = arith.constant true
          %cumsum3A_412 = vector.broadcast %cumsum3A : i1 to vector<16xi1>
          %cumsum3A_413 = tpu.scan <sum>, %get3A_411 masked %cumsum3A_412 : vector<16xi32>, vector<16xi1> -> vector<16xi32>
          %add3A_414 = vector.broadcast %scan3A_407 : i32 to vector<16xi32>
          %add3A_415 = arith.addi %cumsum3A_413, %add3A_414 : vector<16xi32>
          %mul3A_416 = arith.constant 16 : i32
          %mul3A_417 = arith.muli %scan3A_406, %mul3A_416 : i32
          %swap3A = arith.index_cast %mul3A_417 : i32 to index
          %swap3A_418 = tpu.vector_load %arg10[%swap3A] {strides = array<i32>} : memref<256xi32, #tpu.memory_space<vmem>>, vector<16xi32>,
          tpu.vector_store %arg10[%swap3A], %add3A_415 {strides = array<i32>} : memref<256xi32, #tpu.memory_space<vmem>>, vector<16xi32>,
          %reduce_max3A_419 = arith.constant true
          %reduce_max3A_420 = vector.broadcast %reduce_max3A_419 : i1 to vector<16xi1>
          %reduce_max3A_421 = arith.constant -2147483648 : i32
          %reduce_max3A_422 = vector.broadcast %reduce_max3A_421 : i32 to vector<16xi32>
          %reduce_max3A_423 = arith.xori %add3A_415, %reduce_max3A_422 : vector<16xi32>
          %reduce_max3A_424 = tpu.scan <max>, %reduce_max3A_423 masked %reduce_max3A_420 : vector<16xi32>, vector<16xi1> -> vector<16xi32>
          %reduce_max3A_425 = arith.xori %reduce_max3A_424, %reduce_max3A_422 : vector<16xi32>
          %reduce_max3A_426 = vector.extract %reduce_max3A_425[15] : i32 from vector<16xi32>
          scf.yield %reduce_max3A_426 : i32
        }
        %scan3A_172 = arith.constant 16 : i32
        %broadcast_in_dim3A_173 = arith.constant 0 : i32
        %broadcast_in_dim3A_174 = vector.broadcast %broadcast_in_dim3A_173 : i32 to vector<16xi32>
        %scan3A_175 = arith.constant 0 : i32
        %scan3A_176 = arith.constant 16 : i32
        %scan3A_177 = arith.addi %scan3A_175, %scan3A_176 : i32
        %scan3A_178 = arith.constant 1 : i32
        %scan3A_179 = scf.for %scan3A_406 = %scan3A_175 to %scan3A_177 step %scan3A_178 iter_args(%scan3A_407 = %broadcast_in_dim3A_174) -> (vector<16xi32>)  : i32 {
          %mul3A_408 = arith.constant 16 : i32
          %mul3A_409 = arith.muli %scan3A_406, %mul3A_408 : i32
          %get3A_410 = arith.index_cast %mul3A_409 : i32 to index
          %get3A_411 = tpu.vector_load %arg10[%get3A_410] {strides = array<i32>} : memref<256xi32, #tpu.memory_space<vmem>>, vector<16xi32>,
          %sub3A_412 = vector.broadcast %scan3A_171 : i32 to vector<16xi32>
          %sub3A_413 = arith.subi %sub3A_412, %get3A_411 : vector<16xi32>
          %ge3A = vector.broadcast %sub3A_136 : i32 to vector<16xi32>
          %ge3A_414 = arith.cmpi sge, %sub3A_413, %ge3A : vector<16xi32>
          %all_reduce_population_count3A = tpu.all_reduce %ge3A_414 {dim = 0 : i64, kind = #tpu.reduction_kind<sum>} : vector<16xi1> -> vector<16xi32>
          %add3A_415 = arith.addi %scan3A_407, %all_reduce_population_count3A : vector<16xi32>
          scf.yield %add3A_415 : vector<16xi32>
        }
        %scan3A_180 = arith.constant 16 : i32
        %reduce_max3A_181 = arith.constant true
        %reduce_max3A_182 = vector.broadcast %reduce_max3A_181 : i1 to vector<16xi1>
        %reduce_max3A_183 = arith.constant -2147483648 : i32
        %reduce_max3A_184 = vector.broadcast %reduce_max3A_183 : i32 to vector<16xi32>
        %reduce_max3A_185 = arith.xori %scan3A_179, %reduce_max3A_184 : vector<16xi32>
        %reduce_max3A_186 = tpu.scan <max>, %reduce_max3A_185 masked %reduce_max3A_182 : vector<16xi32>, vector<16xi1> -> vector<16xi32>
        %reduce_max3A_187 = arith.xori %reduce_max3A_186, %reduce_max3A_184 : vector<16xi32>
        %reduce_max3A_188 = vector.extract %reduce_max3A_187[15] : i32 from vector<16xi32>
        %broadcast_in_dim3A_189 = vector.broadcast %reduce_max3A_188 : i32 to vector<16xi32>
        %gather3A_190 = tpu.vector_load_idx %arg10[%broadcast_in_dim3A_189] : memref<256xi32, #tpu.memory_space<vmem>>[vector<16xi32>], vector<16xi32>,
        %slice3A_191 = vector.extract_strided_slice %gather3A_190 {offsets = [0], sizes = [1], strides = [1]} : vector<16xi32> to vector<1xi32>
        %squeeze3A_192 = vector.extract %slice3A_191[0] : i32 from vector<1xi32>
        %sub3A_193 = arith.subi %scan3A_171, %squeeze3A_192 : i32
        %sub3A_194 = arith.subi %sub3A_136, %sub3A_193 : i32
        %mul3A_195 = arith.constant 256 : i32
        %mul3A_196 = arith.muli %add3A_139, %mul3A_195 : i32
        %add3A_197 = arith.addi %mul3A_196, %reduce_max3A_188 : i32
        %scan3A_198 = arith.constant 0 : i32
        %scan3A_199 = arith.constant 0 : i32
        %scan3A_200 = arith.constant 128 : i32
        %scan3A_201 = arith.addi %scan3A_199, %scan3A_200 : i32
        %scan3A_202 = arith.constant 1 : i32
        %scan3A_203 = scf.for %scan3A_406 = %scan3A_199 to %scan3A_201 step %scan3A_202 iter_args(%scan3A_407 = %scan3A_198) -> (i32)  : i32 {
          %broadcast_in_dim3A_408 = arith.constant 0 : i32
          %broadcast_in_dim3A_409 = vector.broadcast %broadcast_in_dim3A_408 : i32 to vector<16xi32>
          %mul3A_410 = arith.constant 16 : i32
          %mul3A_411 = arith.muli %scan3A_406, %mul3A_410 : i32
          %swap3A = arith.index_cast %mul3A_411 : i32 to index
          %swap3A_412 = tpu.vector_load %arg8[%swap3A] {strides = array<i32>} : memref<4096xi32, #tpu.memory_space<vmem>>, vector<16xi32>,
          tpu.vector_store %arg8[%swap3A], %broadcast_in_dim3A_409 {strides = array<i32>} : memref<4096xi32, #tpu.memory_space<vmem>>, vector<16xi32>,
          %scan3A_413 = arith.constant 0 : i32
          scf.yield %scan3A_413 : i32
        }
        %scan3A_204 = arith.constant 128 : i32
        %while3A_205 = arith.constant 0 : i32
        %while3A_206 = arith.constant 0 : i32
        %while3A_207 = arith.subi %select_n3A, %while3A_205 : i32
        %while3A_208 = arith.addi %while3A_205, %while3A_207 : i32
        %while3A_209 = arith.constant 1 : i32
        %while3A_210 = arith.divsi %while3A_207, %while3A_209 : i32
        %while3A_211 = arith.muli %while3A_210, %while3A_209 : i32
        %while3A_212 = arith.addi %while3A_205, %while3A_211 : i32
        %while3A_213 = arith.constant 1 : i32
        %while3A_214 = scf.for %while3A_406 = %while3A_205 to %while3A_212 step %while3A_213 iter_args(%while3A_407 = %while3A_206) -> (i32)  : i32 {
          %mul3A_408 = arith.constant 16 : i32
          %mul3A_409 = arith.muli %while3A_406, %mul3A_408 : i32
          %get3A_410 = arith.index_cast %mul3A_409 : i32 to index
          %get3A_411 = tpu.vector_load %arg11[%get3A_410] {strides = array<i32>} : memref<20496xf32, #tpu.memory_space<vmem>>, vector<16xf32>,
          %bitcast3A = vector.bitcast %get3A_411 : vector<16xf32> to vector<16xi32>
          %mul3A_412 = arith.constant 16 : i32
          %mul3A_413 = arith.muli %while3A_406, %mul3A_412 : i32
          %add3A_414 = vector.broadcast %mul3A_413 : i32 to vector<16xi32>
          %add3A_415 = arith.addi %add3A_414, %iota3A : vector<16xi32>
          %lt3A_416 = vector.broadcast %scan3A_62 : i32 to vector<16xi32>
          %lt3A_417 = arith.cmpi slt, %add3A_415, %lt3A_416 : vector<16xi32>
          %shift_right_logical3A = arith.constant 7 : i32
          %shift_right_logical3A_418 = vector.broadcast %shift_right_logical3A : i32 to vector<16xi32>
          %shift_right_logical3A_419 = arith.shrui %bitcast3A, %shift_right_logical3A_418 : vector<16xi32>
          %eq3A = vector.broadcast %add3A_197 : i32 to vector<16xi32>
          %eq3A_420 = arith.cmpi eq, %shift_right_logical3A_419, %eq3A : vector<16xi32>
          %and3A_421 = arith.andi %lt3A_417, %eq3A_420 : vector<16xi1>
          %shift_right_logical3A_422 = arith.constant 0 : i32
          %shift_right_logical3A_423 = vector.broadcast %shift_right_logical3A_422 : i32 to vector<16xi32>
          %shift_right_logical3A_424 = arith.shrui %bitcast3A, %shift_right_logical3A_423 : vector<16xi32>
          %and3A_425 = arith.constant 127 : i32
          %and3A_426 = vector.broadcast %and3A_425 : i32 to vector<16xi32>
          %and3A_427 = arith.andi %shift_right_logical3A_424, %and3A_426 : vector<16xi32>
          %mul3A_428 = arith.constant 16 : i32
          %mul3A_429 = vector.broadcast %mul3A_428 : i32 to vector<16xi32>
          %mul3A_430 = arith.muli %and3A_427, %mul3A_429 : vector<16xi32>
          %add3A_431 = arith.addi %mul3A_430, %iota3A : vector<16xi32>
          tpu.vector_store_idx %arg8[%add3A_431], %broadcast_in_dim3A_0 masked %and3A_421 {add = true} : memref<4096xi32, #tpu.memory_space<vmem>>[vector<16xi32>], vector<16xi32>, vector<16xi1>
          %while3A_432 = arith.constant 0 : i32
          scf.yield %while3A_432 : i32
        }
        %while3A_215 = arith.constant 1 : i32
        %while3A_216 = scf.for %while3A_406 = %while3A_212 to %while3A_208 step %while3A_215 iter_args(%while3A_407 = %while3A_214) -> (i32)  : i32 {
          %mul3A_408 = arith.constant 16 : i32
          %mul3A_409 = arith.muli %while3A_406, %mul3A_408 : i32
          %get3A_410 = arith.index_cast %mul3A_409 : i32 to index
          %get3A_411 = tpu.vector_load %arg11[%get3A_410] {strides = array<i32>} : memref<20496xf32, #tpu.memory_space<vmem>>, vector<16xf32>,
          %bitcast3A = vector.bitcast %get3A_411 : vector<16xf32> to vector<16xi32>
          %mul3A_412 = arith.constant 16 : i32
          %mul3A_413 = arith.muli %while3A_406, %mul3A_412 : i32
          %add3A_414 = vector.broadcast %mul3A_413 : i32 to vector<16xi32>
          %add3A_415 = arith.addi %add3A_414, %iota3A : vector<16xi32>
          %lt3A_416 = vector.broadcast %scan3A_62 : i32 to vector<16xi32>
          %lt3A_417 = arith.cmpi slt, %add3A_415, %lt3A_416 : vector<16xi32>
          %shift_right_logical3A = arith.constant 7 : i32
          %shift_right_logical3A_418 = vector.broadcast %shift_right_logical3A : i32 to vector<16xi32>
          %shift_right_logical3A_419 = arith.shrui %bitcast3A, %shift_right_logical3A_418 : vector<16xi32>
          %eq3A = vector.broadcast %add3A_197 : i32 to vector<16xi32>
          %eq3A_420 = arith.cmpi eq, %shift_right_logical3A_419, %eq3A : vector<16xi32>
          %and3A_421 = arith.andi %lt3A_417, %eq3A_420 : vector<16xi1>
          %shift_right_logical3A_422 = arith.constant 0 : i32
          %shift_right_logical3A_423 = vector.broadcast %shift_right_logical3A_422 : i32 to vector<16xi32>
          %shift_right_logical3A_424 = arith.shrui %bitcast3A, %shift_right_logical3A_423 : vector<16xi32>
          %and3A_425 = arith.constant 127 : i32
          %and3A_426 = vector.broadcast %and3A_425 : i32 to vector<16xi32>
          %and3A_427 = arith.andi %shift_right_logical3A_424, %and3A_426 : vector<16xi32>
          %mul3A_428 = arith.constant 16 : i32
          %mul3A_429 = vector.broadcast %mul3A_428 : i32 to vector<16xi32>
          %mul3A_430 = arith.muli %and3A_427, %mul3A_429 : vector<16xi32>
          %add3A_431 = arith.addi %mul3A_430, %iota3A : vector<16xi32>
          tpu.vector_store_idx %arg8[%add3A_431], %broadcast_in_dim3A_0 masked %and3A_421 {add = true} : memref<4096xi32, #tpu.memory_space<vmem>>[vector<16xi32>], vector<16xi32>, vector<16xi1>
          %while3A_432 = arith.constant 0 : i32
          scf.yield %while3A_432 : i32
        }
        %scan3A_217 = arith.constant 0 : i32
        %scan3A_218 = arith.constant 0 : i32
        %scan3A_219 = arith.constant 8 : i32
        %scan3A_220 = arith.addi %scan3A_218, %scan3A_219 : i32
        %scan3A_221 = arith.constant 1 : i32
        %scan3A_222 = scf.for %scan3A_406 = %scan3A_218 to %scan3A_220 step %scan3A_221 iter_args(%scan3A_407 = %scan3A_217) -> (i32)  : i32 {
          %broadcast_in_dim3A_408 = arith.constant 0 : i32
          %broadcast_in_dim3A_409 = vector.broadcast %broadcast_in_dim3A_408 : i32 to vector<16xi32>
          %mul3A_410 = arith.constant 16 : i32
          %mul3A_411 = arith.muli %scan3A_406, %mul3A_410 : i32
          %add3A_412 = vector.broadcast %mul3A_411 : i32 to vector<16xi32>
          %add3A_413 = arith.addi %add3A_412, %iota3A : vector<16xi32>
          %mul3A_414 = arith.constant 16 : i32
          %mul3A_415 = vector.broadcast %mul3A_414 : i32 to vector<16xi32>
          %mul3A_416 = arith.muli %add3A_413, %mul3A_415 : vector<16xi32>
          %add3A_417 = arith.constant 0 : i32
          %add3A_418 = vector.broadcast %add3A_417 : i32 to vector<16xi32>
          %add3A_419 = arith.addi %mul3A_416, %add3A_418 : vector<16xi32>
          %gather3A_420 = tpu.vector_load_idx %arg8[%add3A_419] : memref<4096xi32, #tpu.memory_space<vmem>>[vector<16xi32>], vector<16xi32>,
          %add3A_421 = arith.addi %broadcast_in_dim3A_409, %gather3A_420 : vector<16xi32>
          %add3A_422 = arith.constant 1 : i32
          %add3A_423 = vector.broadcast %add3A_422 : i32 to vector<16xi32>
          %add3A_424 = arith.addi %mul3A_416, %add3A_423 : vector<16xi32>
          %gather3A_425 = tpu.vector_load_idx %arg8[%add3A_424] : memref<4096xi32, #tpu.memory_space<vmem>>[vector<16xi32>], vector<16xi32>,
          %add3A_426 = arith.addi %add3A_421, %gather3A_425 : vector<16xi32>
          %add3A_427 = arith.constant 2 : i32
          %add3A_428 = vector.broadcast %add3A_427 : i32 to vector<16xi32>
          %add3A_429 = arith.addi %mul3A_416, %add3A_428 : vector<16xi32>
          %gather3A_430 = tpu.vector_load_idx %arg8[%add3A_429] : memref<4096xi32, #tpu.memory_space<vmem>>[vector<16xi32>], vector<16xi32>,
          %add3A_431 = arith.addi %add3A_426, %gather3A_430 : vector<16xi32>
          %add3A_432 = arith.constant 3 : i32
          %add3A_433 = vector.broadcast %add3A_432 : i32 to vector<16xi32>
          %add3A_434 = arith.addi %mul3A_416, %add3A_433 : vector<16xi32>
          %gather3A_435 = tpu.vector_load_idx %arg8[%add3A_434] : memref<4096xi32, #tpu.memory_space<vmem>>[vector<16xi32>], vector<16xi32>,
          %add3A_436 = arith.addi %add3A_431, %gather3A_435 : vector<16xi32>
          %add3A_437 = arith.constant 4 : i32
          %add3A_438 = vector.broadcast %add3A_437 : i32 to vector<16xi32>
          %add3A_439 = arith.addi %mul3A_416, %add3A_438 : vector<16xi32>
          %gather3A_440 = tpu.vector_load_idx %arg8[%add3A_439] : memref<4096xi32, #tpu.memory_space<vmem>>[vector<16xi32>], vector<16xi32>,
          %add3A_441 = arith.addi %add3A_436, %gather3A_440 : vector<16xi32>
          %add3A_442 = arith.constant 5 : i32
          %add3A_443 = vector.broadcast %add3A_442 : i32 to vector<16xi32>
          %add3A_444 = arith.addi %mul3A_416, %add3A_443 : vector<16xi32>
          %gather3A_445 = tpu.vector_load_idx %arg8[%add3A_444] : memref<4096xi32, #tpu.memory_space<vmem>>[vector<16xi32>], vector<16xi32>,
          %add3A_446 = arith.addi %add3A_441, %gather3A_445 : vector<16xi32>
          %add3A_447 = arith.constant 6 : i32
          %add3A_448 = vector.broadcast %add3A_447 : i32 to vector<16xi32>
          %add3A_449 = arith.addi %mul3A_416, %add3A_448 : vector<16xi32>
          %gather3A_450 = tpu.vector_load_idx %arg8[%add3A_449] : memref<4096xi32, #tpu.memory_space<vmem>>[vector<16xi32>], vector<16xi32>,
          %add3A_451 = arith.addi %add3A_446, %gather3A_450 : vector<16xi32>
          %add3A_452 = arith.constant 7 : i32
          %add3A_453 = vector.broadcast %add3A_452 : i32 to vector<16xi32>
          %add3A_454 = arith.addi %mul3A_416, %add3A_453 : vector<16xi32>
          %gather3A_455 = tpu.vector_load_idx %arg8[%add3A_454] : memref<4096xi32, #tpu.memory_space<vmem>>[vector<16xi32>], vector<16xi32>,
          %add3A_456 = arith.addi %add3A_451, %gather3A_455 : vector<16xi32>
          %add3A_457 = arith.constant 8 : i32
          %add3A_458 = vector.broadcast %add3A_457 : i32 to vector<16xi32>
          %add3A_459 = arith.addi %mul3A_416, %add3A_458 : vector<16xi32>
          %gather3A_460 = tpu.vector_load_idx %arg8[%add3A_459] : memref<4096xi32, #tpu.memory_space<vmem>>[vector<16xi32>], vector<16xi32>,
          %add3A_461 = arith.addi %add3A_456, %gather3A_460 : vector<16xi32>
          %add3A_462 = arith.constant 9 : i32
          %add3A_463 = vector.broadcast %add3A_462 : i32 to vector<16xi32>
          %add3A_464 = arith.addi %mul3A_416, %add3A_463 : vector<16xi32>
          %gather3A_465 = tpu.vector_load_idx %arg8[%add3A_464] : memref<4096xi32, #tpu.memory_space<vmem>>[vector<16xi32>], vector<16xi32>,
          %add3A_466 = arith.addi %add3A_461, %gather3A_465 : vector<16xi32>
          %add3A_467 = arith.constant 10 : i32
          %add3A_468 = vector.broadcast %add3A_467 : i32 to vector<16xi32>
          %add3A_469 = arith.addi %mul3A_416, %add3A_468 : vector<16xi32>
          %gather3A_470 = tpu.vector_load_idx %arg8[%add3A_469] : memref<4096xi32, #tpu.memory_space<vmem>>[vector<16xi32>], vector<16xi32>,
          %add3A_471 = arith.addi %add3A_466, %gather3A_470 : vector<16xi32>
          %add3A_472 = arith.constant 11 : i32
          %add3A_473 = vector.broadcast %add3A_472 : i32 to vector<16xi32>
          %add3A_474 = arith.addi %mul3A_416, %add3A_473 : vector<16xi32>
          %gather3A_475 = tpu.vector_load_idx %arg8[%add3A_474] : memref<4096xi32, #tpu.memory_space<vmem>>[vector<16xi32>], vector<16xi32>,
          %add3A_476 = arith.addi %add3A_471, %gather3A_475 : vector<16xi32>
          %add3A_477 = arith.constant 12 : i32
          %add3A_478 = vector.broadcast %add3A_477 : i32 to vector<16xi32>
          %add3A_479 = arith.addi %mul3A_416, %add3A_478 : vector<16xi32>
          %gather3A_480 = tpu.vector_load_idx %arg8[%add3A_479] : memref<4096xi32, #tpu.memory_space<vmem>>[vector<16xi32>], vector<16xi32>,
          %add3A_481 = arith.addi %add3A_476, %gather3A_480 : vector<16xi32>
          %add3A_482 = arith.constant 13 : i32
          %add3A_483 = vector.broadcast %add3A_482 : i32 to vector<16xi32>
          %add3A_484 = arith.addi %mul3A_416, %add3A_483 : vector<16xi32>
          %gather3A_485 = tpu.vector_load_idx %arg8[%add3A_484] : memref<4096xi32, #tpu.memory_space<vmem>>[vector<16xi32>], vector<16xi32>,
          %add3A_486 = arith.addi %add3A_481, %gather3A_485 : vector<16xi32>
          %add3A_487 = arith.constant 14 : i32
          %add3A_488 = vector.broadcast %add3A_487 : i32 to vector<16xi32>
          %add3A_489 = arith.addi %mul3A_416, %add3A_488 : vector<16xi32>
          %gather3A_490 = tpu.vector_load_idx %arg8[%add3A_489] : memref<4096xi32, #tpu.memory_space<vmem>>[vector<16xi32>], vector<16xi32>,
          %add3A_491 = arith.addi %add3A_486, %gather3A_490 : vector<16xi32>
          %add3A_492 = arith.constant 15 : i32
          %add3A_493 = vector.broadcast %add3A_492 : i32 to vector<16xi32>
          %add3A_494 = arith.addi %mul3A_416, %add3A_493 : vector<16xi32>
          %gather3A_495 = tpu.vector_load_idx %arg8[%add3A_494] : memref<4096xi32, #tpu.memory_space<vmem>>[vector<16xi32>], vector<16xi32>,
          %add3A_496 = arith.addi %add3A_491, %gather3A_495 : vector<16xi32>
          %mul3A_497 = arith.constant 16 : i32
          %mul3A_498 = arith.muli %scan3A_406, %mul3A_497 : i32
          %swap3A = arith.index_cast %mul3A_498 : i32 to index
          %swap3A_499 = tpu.vector_load %arg9[%swap3A] {strides = array<i32>} : memref<256xi32, #tpu.memory_space<vmem>>, vector<16xi32>,
          tpu.vector_store %arg9[%swap3A], %add3A_496 {strides = array<i32>} : memref<256xi32, #tpu.memory_space<vmem>>, vector<16xi32>,
          %scan3A_500 = arith.constant 0 : i32
          scf.yield %scan3A_500 : i32
        }
        %scan3A_223 = arith.constant 8 : i32
        %scan3A_224 = arith.constant 0 : i32
        %scan3A_225 = arith.constant 0 : i32
        %scan3A_226 = arith.constant 8 : i32
        %scan3A_227 = arith.addi %scan3A_225, %scan3A_226 : i32
        %scan3A_228 = arith.constant 1 : i32
        %scan3A_229 = scf.for %scan3A_406 = %scan3A_225 to %scan3A_227 step %scan3A_228 iter_args(%scan3A_407 = %scan3A_224) -> (i32)  : i32 {
          %mul3A_408 = arith.constant 16 : i32
          %mul3A_409 = arith.muli %scan3A_406, %mul3A_408 : i32
          %get3A_410 = arith.index_cast %mul3A_409 : i32 to index
          %get3A_411 = tpu.vector_load %arg9[%get3A_410] {strides = array<i32>} : memref<256xi32, #tpu.memory_space<vmem>>, vector<16xi32>,
          %cumsum3A = arith.constant true
          %cumsum3A_412 = vector.broadcast %cumsum3A : i1 to vector<16xi1>
          %cumsum3A_413 = tpu.scan <sum>, %get3A_411 masked %cumsum3A_412 : vector<16xi32>, vector<16xi1> -> vector<16xi32>
          %add3A_414 = vector.broadcast %scan3A_407 : i32 to vector<16xi32>
          %add3A_415 = arith.addi %cumsum3A_413, %add3A_414 : vector<16xi32>
          %mul3A_416 = arith.constant 16 : i32
          %mul3A_417 = arith.muli %scan3A_406, %mul3A_416 : i32
          %swap3A = arith.index_cast %mul3A_417 : i32 to index
          %swap3A_418 = tpu.vector_load %arg10[%swap3A] {strides = array<i32>} : memref<256xi32, #tpu.memory_space<vmem>>, vector<16xi32>,
          tpu.vector_store %arg10[%swap3A], %add3A_415 {strides = array<i32>} : memref<256xi32, #tpu.memory_space<vmem>>, vector<16xi32>,
          %reduce_max3A_419 = arith.constant true
          %reduce_max3A_420 = vector.broadcast %reduce_max3A_419 : i1 to vector<16xi1>
          %reduce_max3A_421 = arith.constant -2147483648 : i32
          %reduce_max3A_422 = vector.broadcast %reduce_max3A_421 : i32 to vector<16xi32>
          %reduce_max3A_423 = arith.xori %add3A_415, %reduce_max3A_422 : vector<16xi32>
          %reduce_max3A_424 = tpu.scan <max>, %reduce_max3A_423 masked %reduce_max3A_420 : vector<16xi32>, vector<16xi1> -> vector<16xi32>
          %reduce_max3A_425 = arith.xori %reduce_max3A_424, %reduce_max3A_422 : vector<16xi32>
          %reduce_max3A_426 = vector.extract %reduce_max3A_425[15] : i32 from vector<16xi32>
          scf.yield %reduce_max3A_426 : i32
        }
        %scan3A_230 = arith.constant 8 : i32
        %broadcast_in_dim3A_231 = arith.constant 0 : i32
        %broadcast_in_dim3A_232 = vector.broadcast %broadcast_in_dim3A_231 : i32 to vector<16xi32>
        %scan3A_233 = arith.constant 0 : i32
        %scan3A_234 = arith.constant 8 : i32
        %scan3A_235 = arith.addi %scan3A_233, %scan3A_234 : i32
        %scan3A_236 = arith.constant 1 : i32
        %scan3A_237 = scf.for %scan3A_406 = %scan3A_233 to %scan3A_235 step %scan3A_236 iter_args(%scan3A_407 = %broadcast_in_dim3A_232) -> (vector<16xi32>)  : i32 {
          %mul3A_408 = arith.constant 16 : i32
          %mul3A_409 = arith.muli %scan3A_406, %mul3A_408 : i32
          %get3A_410 = arith.index_cast %mul3A_409 : i32 to index
          %get3A_411 = tpu.vector_load %arg10[%get3A_410] {strides = array<i32>} : memref<256xi32, #tpu.memory_space<vmem>>, vector<16xi32>,
          %sub3A_412 = vector.broadcast %scan3A_229 : i32 to vector<16xi32>
          %sub3A_413 = arith.subi %sub3A_412, %get3A_411 : vector<16xi32>
          %ge3A = vector.broadcast %sub3A_194 : i32 to vector<16xi32>
          %ge3A_414 = arith.cmpi sge, %sub3A_413, %ge3A : vector<16xi32>
          %all_reduce_population_count3A = tpu.all_reduce %ge3A_414 {dim = 0 : i64, kind = #tpu.reduction_kind<sum>} : vector<16xi1> -> vector<16xi32>
          %add3A_415 = arith.addi %scan3A_407, %all_reduce_population_count3A : vector<16xi32>
          scf.yield %add3A_415 : vector<16xi32>
        }
        %scan3A_238 = arith.constant 8 : i32
        %reduce_max3A_239 = arith.constant true
        %reduce_max3A_240 = vector.broadcast %reduce_max3A_239 : i1 to vector<16xi1>
        %reduce_max3A_241 = arith.constant -2147483648 : i32
        %reduce_max3A_242 = vector.broadcast %reduce_max3A_241 : i32 to vector<16xi32>
        %reduce_max3A_243 = arith.xori %scan3A_237, %reduce_max3A_242 : vector<16xi32>
        %reduce_max3A_244 = tpu.scan <max>, %reduce_max3A_243 masked %reduce_max3A_240 : vector<16xi32>, vector<16xi1> -> vector<16xi32>
        %reduce_max3A_245 = arith.xori %reduce_max3A_244, %reduce_max3A_242 : vector<16xi32>
        %reduce_max3A_246 = vector.extract %reduce_max3A_245[15] : i32 from vector<16xi32>
        %broadcast_in_dim3A_247 = vector.broadcast %reduce_max3A_246 : i32 to vector<16xi32>
        %gather3A_248 = tpu.vector_load_idx %arg10[%broadcast_in_dim3A_247] : memref<256xi32, #tpu.memory_space<vmem>>[vector<16xi32>], vector<16xi32>,
        %slice3A_249 = vector.extract_strided_slice %gather3A_248 {offsets = [0], sizes = [1], strides = [1]} : vector<16xi32> to vector<1xi32>
        %squeeze3A_250 = vector.extract %slice3A_249[0] : i32 from vector<1xi32>
        %sub3A_251 = arith.subi %scan3A_229, %squeeze3A_250 : i32
        %sub3A_252 = arith.subi %sub3A_194, %sub3A_251 : i32
        %mul3A_253 = arith.constant 128 : i32
        %mul3A_254 = arith.muli %add3A_197, %mul3A_253 : i32
        %add3A_255 = arith.addi %mul3A_254, %reduce_max3A_246 : i32
        %scan3A_256 = arith.constant 0 : i32
        %scan3A_257 = arith.constant 0 : i32
        %scan3A_258 = arith.constant 19 : i32
        %scan3A_259 = arith.addi %scan3A_257, %scan3A_258 : i32
        %scan3A_260 = arith.constant 1 : i32
        %scan3A_261 = scf.for %scan3A_406 = %scan3A_257 to %scan3A_259 step %scan3A_260 iter_args(%scan3A_407 = %scan3A_256) -> (i32)  : i32 {
          %broadcast_in_dim3A_408 = arith.constant -3.000000e+38 : f32
          %broadcast_in_dim3A_409 = vector.broadcast %broadcast_in_dim3A_408 : f32 to vector<16xf32>
          %mul3A_410 = arith.constant 16 : i32
          %mul3A_411 = arith.muli %scan3A_406, %mul3A_410 : i32
          %swap3A = arith.index_cast %mul3A_411 : i32 to index
          %swap3A_412 = tpu.vector_load %arg13[%swap3A] {strides = array<i32>} : memref<320xf32, #tpu.memory_space<vmem>>, vector<16xf32>,
          tpu.vector_store %arg13[%swap3A], %broadcast_in_dim3A_409 {strides = array<i32>} : memref<320xf32, #tpu.memory_space<vmem>>, vector<16xf32>,
          %add3A_413 = vector.broadcast %scan3A_406 : i32 to vector<16xi32>
          %add3A_414 = arith.addi %iota3A, %add3A_413 : vector<16xi32>
          %mul3A_415 = arith.constant 16 : i32
          %mul3A_416 = arith.muli %scan3A_406, %mul3A_415 : i32
          %swap3A_417 = arith.index_cast %mul3A_416 : i32 to index
          %swap3A_418 = tpu.vector_load %arg14[%swap3A_417] {strides = array<i32>} : memref<320xi32, #tpu.memory_space<vmem>>, vector<16xi32>,
          tpu.vector_store %arg14[%swap3A_417], %add3A_414 {strides = array<i32>} : memref<320xi32, #tpu.memory_space<vmem>>, vector<16xi32>,
          %scan3A_419 = arith.constant 0 : i32
          scf.yield %scan3A_419 : i32
        }
        %scan3A_262 = arith.constant 19 : i32
        %while3A_263 = arith.constant 0 : i32
        %while3A_264 = arith.constant 0 : i32
        %while3A_265 = arith.constant 0 : i32
        %while3A_266 = arith.subi %select_n3A, %while3A_263 : i32
        %while3A_267 = arith.addi %while3A_263, %while3A_266 : i32
        %while3A_268 = arith.constant 1 : i32
        %while3A_269 = arith.divsi %while3A_266, %while3A_268 : i32
        %while3A_270 = arith.muli %while3A_269, %while3A_268 : i32
        %while3A_271 = arith.addi %while3A_263, %while3A_270 : i32
        %while3A_272 = arith.constant 1 : i32
        %while3A_273:2 = scf.for %while3A_406 = %while3A_263 to %while3A_271 step %while3A_272 iter_args(%while3A_407 = %while3A_264, %while3A_408 = %while3A_265) -> (i32, i32)  : i32 {
          %mul3A_409 = arith.constant 16 : i32
          %mul3A_410 = arith.muli %while3A_406, %mul3A_409 : i32
          %get3A_411 = arith.index_cast %mul3A_410 : i32 to index
          %get3A_412 = tpu.vector_load %arg11[%get3A_411] {strides = array<i32>} : memref<20496xf32, #tpu.memory_space<vmem>>, vector<16xf32>,
          %bitcast3A = vector.bitcast %get3A_412 : vector<16xf32> to vector<16xi32>
          %mul3A_413 = arith.constant 16 : i32
          %mul3A_414 = arith.muli %while3A_406, %mul3A_413 : i32
          %add3A_415 = vector.broadcast %mul3A_414 : i32 to vector<16xi32>
          %add3A_416 = arith.addi %add3A_415, %iota3A : vector<16xi32>
          %lt3A_417 = vector.broadcast %scan3A_62 : i32 to vector<16xi32>
          %lt3A_418 = arith.cmpi slt, %add3A_416, %lt3A_417 : vector<16xi32>
          %gt3A = vector.broadcast %add3A_255 : i32 to vector<16xi32>
          %gt3A_419 = arith.cmpi sgt, %bitcast3A, %gt3A : vector<16xi32>
          %and3A_420 = arith.andi %lt3A_418, %gt3A_419 : vector<16xi1>
          %eq3A = vector.broadcast %add3A_255 : i32 to vector<16xi32>
          %eq3A_421 = arith.cmpi eq, %bitcast3A, %eq3A : vector<16xi32>
          %and3A_422 = arith.andi %lt3A_418, %eq3A_421 : vector<16xi1>
          %convert_element_type3A_423 = arith.extui %and3A_422 : vector<16xi1> to vector<16xi32>
          %cumsum3A = arith.constant true
          %cumsum3A_424 = vector.broadcast %cumsum3A : i1 to vector<16xi1>
          %cumsum3A_425 = tpu.scan <sum>, %convert_element_type3A_423 masked %cumsum3A_424 : vector<16xi32>, vector<16xi1> -> vector<16xi32>
          %add3A_426 = vector.broadcast %while3A_408 : i32 to vector<16xi32>
          %add3A_427 = arith.addi %add3A_426, %cumsum3A_425 : vector<16xi32>
          %le3A = vector.broadcast %sub3A_252 : i32 to vector<16xi32>
          %le3A_428 = arith.cmpi sle, %add3A_427, %le3A : vector<16xi32>
          %and3A_429 = arith.andi %and3A_422, %le3A_428 : vector<16xi1>
          %or3A = arith.ori %and3A_420, %and3A_429 : vector<16xi1>
          %mul3A_430 = arith.constant 16 : i32
          %mul3A_431 = arith.muli %while3A_406, %mul3A_430 : i32
          %get3A_432 = arith.index_cast %mul3A_431 : i32 to index
          %get3A_433 = tpu.vector_load %arg12[%get3A_432] {strides = array<i32>} : memref<20496xi32, #tpu.memory_space<vmem>>, vector<16xi32>,
          %swap3A = arith.index_cast %while3A_407 : i32 to index
          %swap3A_434 = tpu.vector_load %arg13[%swap3A] masked %or3A {strides = array<i32>} : memref<320xf32, #tpu.memory_space<vmem>>, vector<16xf32>, vector<16xi1>
          tpu.vector_store %arg13[%swap3A], %get3A_412 masked %or3A {strides = array<i32>} : memref<320xf32, #tpu.memory_space<vmem>>, vector<16xf32>, vector<16xi1>
          %swap3A_435 = arith.index_cast %while3A_407 : i32 to index
          %swap3A_436 = tpu.vector_load %arg14[%swap3A_435] masked %or3A {strides = array<i32>} : memref<320xi32, #tpu.memory_space<vmem>>, vector<16xi32>, vector<16xi1>
          tpu.vector_store %arg14[%swap3A_435], %get3A_433 masked %or3A {strides = array<i32>} : memref<320xi32, #tpu.memory_space<vmem>>, vector<16xi32>, vector<16xi1>
          %all_reduce_population_count3A = tpu.all_reduce %or3A {dim = 0 : i64, kind = #tpu.reduction_kind<sum>} : vector<16xi1> -> vector<16xi32>
          %reduce_max3A_437 = arith.constant true
          %reduce_max3A_438 = vector.broadcast %reduce_max3A_437 : i1 to vector<16xi1>
          %reduce_max3A_439 = arith.constant -2147483648 : i32
          %reduce_max3A_440 = vector.broadcast %reduce_max3A_439 : i32 to vector<16xi32>
          %reduce_max3A_441 = arith.xori %all_reduce_population_count3A, %reduce_max3A_440 : vector<16xi32>
          %reduce_max3A_442 = tpu.scan <max>, %reduce_max3A_441 masked %reduce_max3A_438 : vector<16xi32>, vector<16xi1> -> vector<16xi32>
          %reduce_max3A_443 = arith.xori %reduce_max3A_442, %reduce_max3A_440 : vector<16xi32>
          %reduce_max3A_444 = vector.extract %reduce_max3A_443[15] : i32 from vector<16xi32>
          %add3A_445 = arith.addi %while3A_407, %reduce_max3A_444 : i32
          %reduce_max3A_446 = arith.constant true
          %reduce_max3A_447 = vector.broadcast %reduce_max3A_446 : i1 to vector<16xi1>
          %reduce_max3A_448 = arith.constant -2147483648 : i32
          %reduce_max3A_449 = vector.broadcast %reduce_max3A_448 : i32 to vector<16xi32>
          %reduce_max3A_450 = arith.xori %cumsum3A_425, %reduce_max3A_449 : vector<16xi32>
          %reduce_max3A_451 = tpu.scan <max>, %reduce_max3A_450 masked %reduce_max3A_447 : vector<16xi32>, vector<16xi1> -> vector<16xi32>
          %reduce_max3A_452 = arith.xori %reduce_max3A_451, %reduce_max3A_449 : vector<16xi32>
          %reduce_max3A_453 = vector.extract %reduce_max3A_452[15] : i32 from vector<16xi32>
          %add3A_454 = arith.addi %while3A_408, %reduce_max3A_453 : i32
          scf.yield %add3A_445, %add3A_454 : i32, i32
        }
        %while3A_274 = arith.constant 1 : i32
        %while3A_275:2 = scf.for %while3A_406 = %while3A_271 to %while3A_267 step %while3A_274 iter_args(%while3A_407 = %while3A_273#0, %while3A_408 = %while3A_273#1) -> (i32, i32)  : i32 {
          %mul3A_409 = arith.constant 16 : i32
          %mul3A_410 = arith.muli %while3A_406, %mul3A_409 : i32
          %get3A_411 = arith.index_cast %mul3A_410 : i32 to index
          %get3A_412 = tpu.vector_load %arg11[%get3A_411] {strides = array<i32>} : memref<20496xf32, #tpu.memory_space<vmem>>, vector<16xf32>,
          %bitcast3A = vector.bitcast %get3A_412 : vector<16xf32> to vector<16xi32>
          %mul3A_413 = arith.constant 16 : i32
          %mul3A_414 = arith.muli %while3A_406, %mul3A_413 : i32
          %add3A_415 = vector.broadcast %mul3A_414 : i32 to vector<16xi32>
          %add3A_416 = arith.addi %add3A_415, %iota3A : vector<16xi32>
          %lt3A_417 = vector.broadcast %scan3A_62 : i32 to vector<16xi32>
          %lt3A_418 = arith.cmpi slt, %add3A_416, %lt3A_417 : vector<16xi32>
          %gt3A = vector.broadcast %add3A_255 : i32 to vector<16xi32>
          %gt3A_419 = arith.cmpi sgt, %bitcast3A, %gt3A : vector<16xi32>
          %and3A_420 = arith.andi %lt3A_418, %gt3A_419 : vector<16xi1>
          %eq3A = vector.broadcast %add3A_255 : i32 to vector<16xi32>
          %eq3A_421 = arith.cmpi eq, %bitcast3A, %eq3A : vector<16xi32>
          %and3A_422 = arith.andi %lt3A_418, %eq3A_421 : vector<16xi1>
          %convert_element_type3A_423 = arith.extui %and3A_422 : vector<16xi1> to vector<16xi32>
          %cumsum3A = arith.constant true
          %cumsum3A_424 = vector.broadcast %cumsum3A : i1 to vector<16xi1>
          %cumsum3A_425 = tpu.scan <sum>, %convert_element_type3A_423 masked %cumsum3A_424 : vector<16xi32>, vector<16xi1> -> vector<16xi32>
          %add3A_426 = vector.broadcast %while3A_408 : i32 to vector<16xi32>
          %add3A_427 = arith.addi %add3A_426, %cumsum3A_425 : vector<16xi32>
          %le3A = vector.broadcast %sub3A_252 : i32 to vector<16xi32>
          %le3A_428 = arith.cmpi sle, %add3A_427, %le3A : vector<16xi32>
          %and3A_429 = arith.andi %and3A_422, %le3A_428 : vector<16xi1>
          %or3A = arith.ori %and3A_420, %and3A_429 : vector<16xi1>
          %mul3A_430 = arith.constant 16 : i32
          %mul3A_431 = arith.muli %while3A_406, %mul3A_430 : i32
          %get3A_432 = arith.index_cast %mul3A_431 : i32 to index
          %get3A_433 = tpu.vector_load %arg12[%get3A_432] {strides = array<i32>} : memref<20496xi32, #tpu.memory_space<vmem>>, vector<16xi32>,
          %swap3A = arith.index_cast %while3A_407 : i32 to index
          %swap3A_434 = tpu.vector_load %arg13[%swap3A] masked %or3A {strides = array<i32>} : memref<320xf32, #tpu.memory_space<vmem>>, vector<16xf32>, vector<16xi1>
          tpu.vector_store %arg13[%swap3A], %get3A_412 masked %or3A {strides = array<i32>} : memref<320xf32, #tpu.memory_space<vmem>>, vector<16xf32>, vector<16xi1>
          %swap3A_435 = arith.index_cast %while3A_407 : i32 to index
          %swap3A_436 = tpu.vector_load %arg14[%swap3A_435] masked %or3A {strides = array<i32>} : memref<320xi32, #tpu.memory_space<vmem>>, vector<16xi32>, vector<16xi1>
          tpu.vector_store %arg14[%swap3A_435], %get3A_433 masked %or3A {strides = array<i32>} : memref<320xi32, #tpu.memory_space<vmem>>, vector<16xi32>, vector<16xi1>
          %all_reduce_population_count3A = tpu.all_reduce %or3A {dim = 0 : i64, kind = #tpu.reduction_kind<sum>} : vector<16xi1> -> vector<16xi32>
          %reduce_max3A_437 = arith.constant true
          %reduce_max3A_438 = vector.broadcast %reduce_max3A_437 : i1 to vector<16xi1>
          %reduce_max3A_439 = arith.constant -2147483648 : i32
          %reduce_max3A_440 = vector.broadcast %reduce_max3A_439 : i32 to vector<16xi32>
          %reduce_max3A_441 = arith.xori %all_reduce_population_count3A, %reduce_max3A_440 : vector<16xi32>
          %reduce_max3A_442 = tpu.scan <max>, %reduce_max3A_441 masked %reduce_max3A_438 : vector<16xi32>, vector<16xi1> -> vector<16xi32>
          %reduce_max3A_443 = arith.xori %reduce_max3A_442, %reduce_max3A_440 : vector<16xi32>
          %reduce_max3A_444 = vector.extract %reduce_max3A_443[15] : i32 from vector<16xi32>
          %add3A_445 = arith.addi %while3A_407, %reduce_max3A_444 : i32
          %reduce_max3A_446 = arith.constant true
          %reduce_max3A_447 = vector.broadcast %reduce_max3A_446 : i1 to vector<16xi1>
          %reduce_max3A_448 = arith.constant -2147483648 : i32
          %reduce_max3A_449 = vector.broadcast %reduce_max3A_448 : i32 to vector<16xi32>
          %reduce_max3A_450 = arith.xori %cumsum3A_425, %reduce_max3A_449 : vector<16xi32>
          %reduce_max3A_451 = tpu.scan <max>, %reduce_max3A_450 masked %reduce_max3A_447 : vector<16xi32>, vector<16xi1> -> vector<16xi32>
          %reduce_max3A_452 = arith.xori %reduce_max3A_451, %reduce_max3A_449 : vector<16xi32>
          %reduce_max3A_453 = vector.extract %reduce_max3A_452[15] : i32 from vector<16xi32>
          %add3A_454 = arith.addi %while3A_408, %reduce_max3A_453 : i32
          scf.yield %add3A_445, %add3A_454 : i32, i32
        }
        %scan3A_276 = arith.constant 0 : i32
        %scan3A_277 = arith.constant 0 : i32
        %scan3A_278 = arith.constant 19 : i32
        %scan3A_279 = arith.addi %scan3A_277, %scan3A_278 : i32
        %scan3A_280 = arith.constant 1 : i32
        %scan3A_281 = scf.for %scan3A_406 = %scan3A_277 to %scan3A_279 step %scan3A_280 iter_args(%scan3A_407 = %scan3A_276) -> (i32)  : i32 {
          %mul3A_408 = arith.constant 16 : i32
          %mul3A_409 = arith.muli %scan3A_406, %mul3A_408 : i32
          %get3A_410 = arith.index_cast %mul3A_409 : i32 to index
          %get3A_411 = tpu.vector_load %arg14[%get3A_410] {strides = array<i32>} : memref<320xi32, #tpu.memory_space<vmem>>, vector<16xi32>,
          %min3A = arith.constant 19999 : i32
          %min3A_412 = vector.broadcast %min3A : i32 to vector<16xi32>
          %min3A_413 = arith.minsi %get3A_411, %min3A_412 : vector<16xi32>
          %mul3A_414 = arith.constant 16 : i32
          %mul3A_415 = arith.muli %scan3A_406, %mul3A_414 : i32
          %swap3A = arith.index_cast %mul3A_415 : i32 to index
          %swap3A_416 = tpu.vector_load %arg15[%swap3A] {strides = array<i32>} : memref<304xi32, #tpu.memory_space<vmem>>, vector<16xi32>,
          tpu.vector_store %arg15[%swap3A], %min3A_413 {strides = array<i32>} : memref<304xi32, #tpu.memory_space<vmem>>, vector<16xi32>,
          %mul3A_417 = arith.constant 324 : i32
          %mul3A_418 = vector.broadcast %mul3A_417 : i32 to vector<16xi32>
          %mul3A_419 = arith.muli %min3A_413, %mul3A_418 : vector<16xi32>
          %add3A_420 = arith.constant 1 : i32
          %add3A_421 = arith.addi %add3A_12, %add3A_420 : i32
          %mul3A_422 = arith.constant 4 : i32
          %mul3A_423 = arith.muli %mul3A_422, %add3A_421 : i32
          %add3A_424 = vector.broadcast %mul3A_423 : i32 to vector<16xi32>
          %add3A_425 = arith.addi %mul3A_419, %add3A_424 : vector<16xi32>
          %shift_right_logical3A = arith.constant 4 : i32
          %shift_right_logical3A_426 = vector.broadcast %shift_right_logical3A : i32 to vector<16xi32>
          %shift_right_logical3A_427 = arith.shrui %add3A_425, %shift_right_logical3A_426 : vector<16xi32>
          %mul3A_428 = arith.constant 16 : i32
          %mul3A_429 = arith.muli %scan3A_406, %mul3A_428 : i32
          %swap3A_430 = arith.index_cast %mul3A_429 : i32 to index
          %swap3A_431 = tpu.vector_load %arg16[%swap3A_430] {strides = array<i32>} : memref<304xi32, #tpu.memory_space<vmem>>, vector<16xi32>,
          tpu.vector_store %arg16[%swap3A_430], %shift_right_logical3A_427 {strides = array<i32>} : memref<304xi32, #tpu.memory_space<vmem>>, vector<16xi32>,
          %scan3A_432 = arith.constant 0 : i32
          scf.yield %scan3A_432 : i32
        }
        %scan3A_282 = arith.constant 19 : i32
        %dma_start3A = arith.constant 0 : i32
        %dma_start3A_283 = arith.constant 0 : i32
        %dma_start3A_284 = tpu.memref_slice %arg4[%dma_start3A, %dma_start3A_283] : memref<405000x16xf32, #tpu.memory_space<hbm>> -> memref<405000x16xf32, #tpu.memory_space<hbm>>
        tpu.enqueue_indirect_dma source(%dma_start3A_284 : memref<405000x16xf32, #tpu.memory_space<hbm>>) target(%arg17 : memref<304x16xf32, #tpu.memory_space<vmem>>) offsets(%arg16 : memref<304xi32, #tpu.memory_space<vmem>>) semaphore(%arg26 : memref<!tpu.dma_semaphore, #tpu.memory_space<semaphore_mem>>)
        %dma_wait3A = arith.constant 0 : i32
        %dma_wait3A_285 = arith.constant 0 : i32
        %dma_wait3A_286 = tpu.memref_slice %arg4[%dma_wait3A, %dma_wait3A_285] : memref<405000x16xf32, #tpu.memory_space<hbm>> -> memref<405000x16xf32, #tpu.memory_space<hbm>>
        tpu.wait_indirect_dma semaphore(%arg26 : memref<!tpu.dma_semaphore, #tpu.memory_space<semaphore_mem>>) src(%dma_wait3A_286 : memref<405000x16xf32, #tpu.memory_space<hbm>>) dst(%arg17 : memref<304x16xf32, #tpu.memory_space<vmem>>)
        %dma_start3A_287 = arith.constant 0 : i32
        %dma_start3A_288 = arith.constant 0 : i32
        %dma_start3A_289 = tpu.memref_slice %arg3[%dma_start3A_287, %dma_start3A_288] : memref<20000x16xf32, #tpu.memory_space<hbm>> -> memref<20000x16xf32, #tpu.memory_space<hbm>>
        tpu.enqueue_indirect_dma source(%dma_start3A_289 : memref<20000x16xf32, #tpu.memory_space<hbm>>) target(%arg18 : memref<304x16xf32, #tpu.memory_space<vmem>>) offsets(%arg15 : memref<304xi32, #tpu.memory_space<vmem>>) semaphore(%arg26 : memref<!tpu.dma_semaphore, #tpu.memory_space<semaphore_mem>>)
        %dma_wait3A_290 = arith.constant 0 : i32
        %dma_wait3A_291 = arith.constant 0 : i32
        %dma_wait3A_292 = tpu.memref_slice %arg3[%dma_wait3A_290, %dma_wait3A_291] : memref<20000x16xf32, #tpu.memory_space<hbm>> -> memref<20000x16xf32, #tpu.memory_space<hbm>>
        tpu.wait_indirect_dma semaphore(%arg26 : memref<!tpu.dma_semaphore, #tpu.memory_space<semaphore_mem>>) src(%dma_wait3A_292 : memref<20000x16xf32, #tpu.memory_space<hbm>>) dst(%arg18 : memref<304x16xf32, #tpu.memory_space<vmem>>)
        %broadcast_in_dim3A_293 = arith.constant 0 : i32
        %broadcast_in_dim3A_294 = vector.broadcast %broadcast_in_dim3A_293 : i32 to vector<16xi32>
        %scan3A_295 = arith.constant 0 : i32
        %scan3A_296 = arith.constant 0 : i32
        %scan3A_297 = arith.constant 19 : i32
        %scan3A_298 = arith.addi %scan3A_296, %scan3A_297 : i32
        %scan3A_299 = arith.constant 1 : i32
        %scan3A_300 = scf.for %scan3A_406 = %scan3A_296 to %scan3A_298 step %scan3A_299 iter_args(%scan3A_407 = %scan3A_295) -> (i32)  : i32 {
          %mul3A_408 = arith.constant 16 : i32
          %mul3A_409 = arith.muli %scan3A_406, %mul3A_408 : i32
          %add3A_410 = vector.broadcast %mul3A_409 : i32 to vector<16xi32>
          %add3A_411 = arith.addi %add3A_410, %iota3A : vector<16xi32>
          %gather3A_412 = tpu.vector_load_idx %arg18[%add3A_411, %broadcast_in_dim3A_294] : memref<304x16xf32, #tpu.memory_space<vmem>>[vector<16xi32>, vector<16xi32>], vector<16xf32>,
          %add3A_413 = arith.constant 1 : i32
          %add3A_414 = vector.broadcast %add3A_413 : i32 to vector<16xi32>
          %add3A_415 = arith.addi %broadcast_in_dim3A_294, %add3A_414 : vector<16xi32>
          %gather3A_416 = tpu.vector_load_idx %arg18[%add3A_411, %add3A_415] : memref<304x16xf32, #tpu.memory_space<vmem>>[vector<16xi32>, vector<16xi32>], vector<16xf32>,
          %add3A_417 = arith.constant 2 : i32
          %add3A_418 = vector.broadcast %add3A_417 : i32 to vector<16xi32>
          %add3A_419 = arith.addi %broadcast_in_dim3A_294, %add3A_418 : vector<16xi32>
          %gather3A_420 = tpu.vector_load_idx %arg18[%add3A_411, %add3A_419] : memref<304x16xf32, #tpu.memory_space<vmem>>[vector<16xi32>, vector<16xi32>], vector<16xf32>,
          %add3A_421 = arith.constant 3 : i32
          %add3A_422 = vector.broadcast %add3A_421 : i32 to vector<16xi32>
          %add3A_423 = arith.addi %broadcast_in_dim3A_294, %add3A_422 : vector<16xi32>
          %gather3A_424 = tpu.vector_load_idx %arg18[%add3A_411, %add3A_423] : memref<304x16xf32, #tpu.memory_space<vmem>>[vector<16xi32>, vector<16xi32>], vector<16xf32>,
          %mul3A_425 = arith.constant 16 : i32
          %mul3A_426 = arith.muli %scan3A_406, %mul3A_425 : i32
          %get3A_427 = arith.index_cast %mul3A_426 : i32 to index
          %get3A_428 = tpu.vector_load %arg15[%get3A_427] {strides = array<i32>} : memref<304xi32, #tpu.memory_space<vmem>>, vector<16xi32>,
          %mul3A_429 = arith.constant 324 : i32
          %mul3A_430 = vector.broadcast %mul3A_429 : i32 to vector<16xi32>
          %mul3A_431 = arith.muli %get3A_428, %mul3A_430 : vector<16xi32>
          %add3A_432 = arith.constant 1 : i32
          %add3A_433 = arith.addi %add3A_12, %add3A_432 : i32
          %mul3A_434 = arith.constant 4 : i32
          %mul3A_435 = arith.muli %mul3A_434, %add3A_433 : i32
          %add3A_436 = vector.broadcast %mul3A_435 : i32 to vector<16xi32>
          %add3A_437 = arith.addi %mul3A_431, %add3A_436 : vector<16xi32>
          %and3A_438 = arith.constant 15 : i32
          %and3A_439 = vector.broadcast %and3A_438 : i32 to vector<16xi32>
          %and3A_440 = arith.andi %add3A_437, %and3A_439 : vector<16xi32>
          %gather3A_441 = tpu.vector_load_idx %arg17[%add3A_411, %and3A_440] : memref<304x16xf32, #tpu.memory_space<vmem>>[vector<16xi32>, vector<16xi32>], vector<16xf32>,
          %add3A_442 = arith.constant 1 : i32
          %add3A_443 = vector.broadcast %add3A_442 : i32 to vector<16xi32>
          %add3A_444 = arith.addi %and3A_440, %add3A_443 : vector<16xi32>
          %gather3A_445 = tpu.vector_load_idx %arg17[%add3A_411, %add3A_444] : memref<304x16xf32, #tpu.memory_space<vmem>>[vector<16xi32>, vector<16xi32>], vector<16xf32>,
          %add3A_446 = arith.constant 2 : i32
          %add3A_447 = vector.broadcast %add3A_446 : i32 to vector<16xi32>
          %add3A_448 = arith.addi %and3A_440, %add3A_447 : vector<16xi32>
          %gather3A_449 = tpu.vector_load_idx %arg17[%add3A_411, %add3A_448] : memref<304x16xf32, #tpu.memory_space<vmem>>[vector<16xi32>, vector<16xi32>], vector<16xf32>,
          %add3A_450 = arith.constant 3 : i32
          %add3A_451 = vector.broadcast %add3A_450 : i32 to vector<16xi32>
          %add3A_452 = arith.addi %and3A_440, %add3A_451 : vector<16xi32>
          %gather3A_453 = tpu.vector_load_idx %arg17[%add3A_411, %add3A_452] : memref<304x16xf32, #tpu.memory_space<vmem>>[vector<16xi32>, vector<16xi32>], vector<16xf32>,
          %sub3A_454 = arith.subf %gather3A_420, %gather3A_412 : vector<16xf32>
          %add3A_455 = arith.constant 1.000000e+00 : f32
          %add3A_456 = vector.broadcast %add3A_455 : f32 to vector<16xf32>
          %add3A_457 = arith.addf %sub3A_454, %add3A_456 : vector<16xf32>
          %sub3A_458 = arith.subf %gather3A_424, %gather3A_416 : vector<16xf32>
          %add3A_459 = arith.constant 1.000000e+00 : f32
          %add3A_460 = vector.broadcast %add3A_459 : f32 to vector<16xf32>
          %add3A_461 = arith.addf %sub3A_458, %add3A_460 : vector<16xf32>
          %mul3A_462 = arith.constant 5.000000e-01 : f32
          %mul3A_463 = vector.broadcast %mul3A_462 : f32 to vector<16xf32>
          %mul3A_464 = arith.mulf %mul3A_463, %add3A_457 : vector<16xf32>
          %add3A_465 = arith.addf %gather3A_412, %mul3A_464 : vector<16xf32>
          %mul3A_466 = arith.constant 5.000000e-01 : f32
          %mul3A_467 = vector.broadcast %mul3A_466 : f32 to vector<16xf32>
          %mul3A_468 = arith.mulf %mul3A_467, %add3A_461 : vector<16xf32>
          %add3A_469 = arith.addf %gather3A_416, %mul3A_468 : vector<16xf32>
          %div3A_470 = arith.constant 1.000000e+01 : f32
          %div3A_471 = vector.broadcast %div3A_470 : f32 to vector<16xf32>
          %div3A_472 = arith.divf %gather3A_441, %div3A_471 : vector<16xf32>
          %div3A_473 = arith.constant 1.000000e+01 : f32
          %div3A_474 = vector.broadcast %div3A_473 : f32 to vector<16xf32>
          %div3A_475 = arith.divf %gather3A_445, %div3A_474 : vector<16xf32>
          %div3A_476 = arith.constant 5.000000e+00 : f32
          %div3A_477 = vector.broadcast %div3A_476 : f32 to vector<16xf32>
          %div3A_478 = arith.divf %gather3A_449, %div3A_477 : vector<16xf32>
          %min3A = arith.constant 4.13516665 : f32
          %min3A_479 = vector.broadcast %min3A : f32 to vector<16xf32>
          %min3A_480 = arith.minimumf %div3A_478, %min3A_479 : vector<16xf32>
          %div3A_481 = arith.constant 5.000000e+00 : f32
          %div3A_482 = vector.broadcast %div3A_481 : f32 to vector<16xf32>
          %div3A_483 = arith.divf %gather3A_453, %div3A_482 : vector<16xf32>
          %min3A_484 = arith.constant 4.13516665 : f32
          %min3A_485 = vector.broadcast %min3A_484 : f32 to vector<16xf32>
          %min3A_486 = arith.minimumf %div3A_483, %min3A_485 : vector<16xf32>
          %mul3A_487 = arith.mulf %div3A_472, %add3A_457 : vector<16xf32>
          %add3A_488 = arith.addf %mul3A_487, %add3A_465 : vector<16xf32>
          %mul3A_489 = arith.mulf %div3A_475, %add3A_461 : vector<16xf32>
          %add3A_490 = arith.addf %mul3A_489, %add3A_469 : vector<16xf32>
          %exp3A = math.exp %min3A_480 : vector<16xf32>
          %mul3A_491 = arith.mulf %exp3A, %add3A_457 : vector<16xf32>
          %exp3A_492 = math.exp %min3A_486 : vector<16xf32>
          %mul3A_493 = arith.mulf %exp3A_492, %add3A_461 : vector<16xf32>
          %mul3A_494 = arith.constant 5.000000e-01 : f32
          %mul3A_495 = vector.broadcast %mul3A_494 : f32 to vector<16xf32>
          %mul3A_496 = arith.mulf %mul3A_495, %mul3A_491 : vector<16xf32>
          %sub3A_497 = arith.subf %add3A_488, %mul3A_496 : vector<16xf32>
          %jit3A_498 = arith.constant 0.000000e+00 : f32
          %jit3A_499 = arith.constant 1.332000e+03 : f32
          %max3A = vector.broadcast %jit3A_498 : f32 to vector<16xf32>
          %max3A_500 = arith.maximumf %max3A, %sub3A_497 : vector<16xf32>
          %min3A_501 = vector.broadcast %jit3A_499 : f32 to vector<16xf32>
          %min3A_502 = arith.minimumf %min3A_501, %max3A_500 : vector<16xf32>
          %mul3A_503 = arith.constant 5.000000e-01 : f32
          %mul3A_504 = vector.broadcast %mul3A_503 : f32 to vector<16xf32>
          %mul3A_505 = arith.mulf %mul3A_504, %mul3A_493 : vector<16xf32>
          %sub3A_506 = arith.subf %add3A_490, %mul3A_505 : vector<16xf32>
          %jit3A_507 = arith.constant 0.000000e+00 : f32
          %jit3A_508 = arith.constant 7.990000e+02 : f32
          %max3A_509 = vector.broadcast %jit3A_507 : f32 to vector<16xf32>
          %max3A_510 = arith.maximumf %max3A_509, %sub3A_506 : vector<16xf32>
          %min3A_511 = vector.broadcast %jit3A_508 : f32 to vector<16xf32>
          %min3A_512 = arith.minimumf %min3A_511, %max3A_510 : vector<16xf32>
          %mul3A_513 = arith.constant 5.000000e-01 : f32
          %mul3A_514 = vector.broadcast %mul3A_513 : f32 to vector<16xf32>
          %mul3A_515 = arith.mulf %mul3A_514, %mul3A_491 : vector<16xf32>
          %add3A_516 = arith.addf %add3A_488, %mul3A_515 : vector<16xf32>
          %sub3A_517 = arith.constant 1.000000e+00 : f32
          %sub3A_518 = vector.broadcast %sub3A_517 : f32 to vector<16xf32>
          %sub3A_519 = arith.subf %add3A_516, %sub3A_518 : vector<16xf32>
          %jit3A_520 = arith.constant 0.000000e+00 : f32
          %jit3A_521 = arith.constant 1.332000e+03 : f32
          %max3A_522 = vector.broadcast %jit3A_520 : f32 to vector<16xf32>
          %max3A_523 = arith.maximumf %max3A_522, %sub3A_519 : vector<16xf32>
          %min3A_524 = vector.broadcast %jit3A_521 : f32 to vector<16xf32>
          %min3A_525 = arith.minimumf %min3A_524, %max3A_523 : vector<16xf32>
          %mul3A_526 = arith.constant 5.000000e-01 : f32
          %mul3A_527 = vector.broadcast %mul3A_526 : f32 to vector<16xf32>
          %mul3A_528 = arith.mulf %mul3A_527, %mul3A_493 : vector<16xf32>
          %add3A_529 = arith.addf %add3A_490, %mul3A_528 : vector<16xf32>
          %sub3A_530 = arith.constant 1.000000e+00 : f32
          %sub3A_531 = vector.broadcast %sub3A_530 : f32 to vector<16xf32>
          %sub3A_532 = arith.subf %add3A_529, %sub3A_531 : vector<16xf32>
          %jit3A_533 = arith.constant 0.000000e+00 : f32
          %jit3A_534 = arith.constant 7.990000e+02 : f32
          %max3A_535 = vector.broadcast %jit3A_533 : f32 to vector<16xf32>
          %max3A_536 = arith.maximumf %max3A_535, %sub3A_532 : vector<16xf32>
          %min3A_537 = vector.broadcast %jit3A_534 : f32 to vector<16xf32>
          %min3A_538 = arith.minimumf %min3A_537, %max3A_536 : vector<16xf32>
          %mul3A_539 = arith.constant 16 : i32
          %mul3A_540 = arith.muli %scan3A_406, %mul3A_539 : i32
          %swap3A = arith.index_cast %mul3A_540 : i32 to index
          %swap3A_541 = tpu.vector_load %arg19[%swap3A] {strides = array<i32>} : memref<304xf32, #tpu.memory_space<vmem>>, vector<16xf32>,
          tpu.vector_store %arg19[%swap3A], %min3A_502 {strides = array<i32>} : memref<304xf32, #tpu.memory_space<vmem>>, vector<16xf32>,
          %swap3A_542 = arith.index_cast %mul3A_540 : i32 to index
          %swap3A_543 = tpu.vector_load %arg20[%swap3A_542] {strides = array<i32>} : memref<304xf32, #tpu.memory_space<vmem>>, vector<16xf32>,
          tpu.vector_store %arg20[%swap3A_542], %min3A_512 {strides = array<i32>} : memref<304xf32, #tpu.memory_space<vmem>>, vector<16xf32>,
          %swap3A_544 = arith.index_cast %mul3A_540 : i32 to index
          %swap3A_545 = tpu.vector_load %arg21[%swap3A_544] {strides = array<i32>} : memref<304xf32, #tpu.memory_space<vmem>>, vector<16xf32>,
          tpu.vector_store %arg21[%swap3A_544], %min3A_525 {strides = array<i32>} : memref<304xf32, #tpu.memory_space<vmem>>, vector<16xf32>,
          %swap3A_546 = arith.index_cast %mul3A_540 : i32 to index
          %swap3A_547 = tpu.vector_load %arg22[%swap3A_546] {strides = array<i32>} : memref<304xf32, #tpu.memory_space<vmem>>, vector<16xf32>,
          tpu.vector_store %arg22[%swap3A_546], %min3A_538 {strides = array<i32>} : memref<304xf32, #tpu.memory_space<vmem>>, vector<16xf32>,
          %sub3A_548 = arith.subf %min3A_525, %min3A_502 : vector<16xf32>
          %add3A_549 = arith.constant 1.000000e+00 : f32
          %add3A_550 = vector.broadcast %add3A_549 : f32 to vector<16xf32>
          %add3A_551 = arith.addf %sub3A_548, %add3A_550 : vector<16xf32>
          %sub3A_552 = arith.subf %min3A_538, %min3A_512 : vector<16xf32>
          %add3A_553 = arith.constant 1.000000e+00 : f32
          %add3A_554 = vector.broadcast %add3A_553 : f32 to vector<16xf32>
          %add3A_555 = arith.addf %sub3A_552, %add3A_554 : vector<16xf32>
          %mul3A_556 = arith.mulf %add3A_551, %add3A_555 : vector<16xf32>
          %swap3A_557 = arith.index_cast %mul3A_540 : i32 to index
          %swap3A_558 = tpu.vector_load %arg23[%swap3A_557] {strides = array<i32>} : memref<304xf32, #tpu.memory_space<vmem>>, vector<16xf32>,
          tpu.vector_store %arg23[%swap3A_557], %mul3A_556 {strides = array<i32>} : memref<304xf32, #tpu.memory_space<vmem>>, vector<16xf32>,
          %broadcast_in_dim3A_559 = arith.constant -3.000000e+38 : f32
          %broadcast_in_dim3A_560 = vector.broadcast %broadcast_in_dim3A_559 : f32 to vector<16xf32>
          %swap3A_561 = arith.index_cast %mul3A_540 : i32 to index
          %swap3A_562 = tpu.vector_load %arg24[%swap3A_561] {strides = array<i32>} : memref<304xf32, #tpu.memory_space<vmem>>, vector<16xf32>,
          tpu.vector_store %arg24[%swap3A_561], %broadcast_in_dim3A_560 {strides = array<i32>} : memref<304xf32, #tpu.memory_space<vmem>>, vector<16xf32>,
          %scan3A_563 = arith.constant 0 : i32
          scf.yield %scan3A_563 : i32
        }
        %scan3A_301 = arith.constant 19 : i32
        %scan3A_302 = arith.constant 0 : i32
        %scan3A_303 = arith.constant 0 : i32
        %scan3A_304 = arith.constant 304 : i32
        %scan3A_305 = arith.addi %scan3A_303, %scan3A_304 : i32
        %scan3A_306 = arith.constant 1 : i32
        %scan3A_307 = scf.for %scan3A_406 = %scan3A_303 to %scan3A_305 step %scan3A_306 iter_args(%scan3A_407 = %scan3A_302) -> (i32)  : i32 {
          %broadcast_in_dim3A_408 = arith.constant 0.000000e+00 : f32
          %broadcast_in_dim3A_409 = vector.broadcast %broadcast_in_dim3A_408 : f32 to vector<16xf32>
          %mul3A_410 = arith.constant 16 : i32
          %mul3A_411 = arith.muli %scan3A_406, %mul3A_410 : i32
          %swap3A = arith.index_cast %mul3A_411 : i32 to index
          %swap3A_412 = tpu.vector_load %arg25[%swap3A] {strides = array<i32>} : memref<4864xf32, #tpu.memory_space<vmem>>, vector<16xf32>,
          tpu.vector_store %arg25[%swap3A], %broadcast_in_dim3A_409 {strides = array<i32>} : memref<4864xf32, #tpu.memory_space<vmem>>, vector<16xf32>,
          %scan3A_413 = arith.constant 0 : i32
          scf.yield %scan3A_413 : i32
        }
        %scan3A_308 = arith.constant 304 : i32
        %add3A_309 = arith.constant 0 : i32
        %add3A_310 = vector.broadcast %add3A_309 : i32 to vector<16xi32>
        %add3A_311 = arith.addi %add3A_310, %iota3A : vector<16xi32>
        %add3A_312 = arith.constant 16 : i32
        %add3A_313 = vector.broadcast %add3A_312 : i32 to vector<16xi32>
        %add3A_314 = arith.addi %add3A_313, %iota3A : vector<16xi32>
        %add3A_315 = arith.constant 32 : i32
        %add3A_316 = vector.broadcast %add3A_315 : i32 to vector<16xi32>
        %add3A_317 = arith.addi %add3A_316, %iota3A : vector<16xi32>
        %add3A_318 = arith.constant 48 : i32
        %add3A_319 = vector.broadcast %add3A_318 : i32 to vector<16xi32>
        %add3A_320 = arith.addi %add3A_319, %iota3A : vector<16xi32>
        %add3A_321 = arith.constant 64 : i32
        %add3A_322 = vector.broadcast %add3A_321 : i32 to vector<16xi32>
        %add3A_323 = arith.addi %add3A_322, %iota3A : vector<16xi32>
        %add3A_324 = arith.constant 80 : i32
        %add3A_325 = vector.broadcast %add3A_324 : i32 to vector<16xi32>
        %add3A_326 = arith.addi %add3A_325, %iota3A : vector<16xi32>
        %add3A_327 = arith.constant 96 : i32
        %add3A_328 = vector.broadcast %add3A_327 : i32 to vector<16xi32>
        %add3A_329 = arith.addi %add3A_328, %iota3A : vector<16xi32>
        %add3A_330 = arith.constant 112 : i32
        %add3A_331 = vector.broadcast %add3A_330 : i32 to vector<16xi32>
        %add3A_332 = arith.addi %add3A_331, %iota3A : vector<16xi32>
        %add3A_333 = arith.constant 128 : i32
        %add3A_334 = vector.broadcast %add3A_333 : i32 to vector<16xi32>
        %add3A_335 = arith.addi %add3A_334, %iota3A : vector<16xi32>
        %add3A_336 = arith.constant 144 : i32
        %add3A_337 = vector.broadcast %add3A_336 : i32 to vector<16xi32>
        %add3A_338 = arith.addi %add3A_337, %iota3A : vector<16xi32>
        %add3A_339 = arith.constant 160 : i32
        %add3A_340 = vector.broadcast %add3A_339 : i32 to vector<16xi32>
        %add3A_341 = arith.addi %add3A_340, %iota3A : vector<16xi32>
        %add3A_342 = arith.constant 176 : i32
        %add3A_343 = vector.broadcast %add3A_342 : i32 to vector<16xi32>
        %add3A_344 = arith.addi %add3A_343, %iota3A : vector<16xi32>
        %add3A_345 = arith.constant 192 : i32
        %add3A_346 = vector.broadcast %add3A_345 : i32 to vector<16xi32>
        %add3A_347 = arith.addi %add3A_346, %iota3A : vector<16xi32>
        %add3A_348 = arith.constant 208 : i32
        %add3A_349 = vector.broadcast %add3A_348 : i32 to vector<16xi32>
        %add3A_350 = arith.addi %add3A_349, %iota3A : vector<16xi32>
        %add3A_351 = arith.constant 224 : i32
        %add3A_352 = vector.broadcast %add3A_351 : i32 to vector<16xi32>
        %add3A_353 = arith.addi %add3A_352, %iota3A : vector<16xi32>
        %add3A_354 = arith.constant 240 : i32
        %add3A_355 = vector.broadcast %add3A_354 : i32 to vector<16xi32>
        %add3A_356 = arith.addi %add3A_355, %iota3A : vector<16xi32>
        %add3A_357 = arith.constant 256 : i32
        %add3A_358 = vector.broadcast %add3A_357 : i32 to vector<16xi32>
        %add3A_359 = arith.addi %add3A_358, %iota3A : vector<16xi32>
        %add3A_360 = arith.constant 272 : i32
        %add3A_361 = vector.broadcast %add3A_360 : i32 to vector<16xi32>
        %add3A_362 = arith.addi %add3A_361, %iota3A : vector<16xi32>
        %add3A_363 = arith.constant 288 : i32
        %add3A_364 = vector.broadcast %add3A_363 : i32 to vector<16xi32>
        %add3A_365 = arith.addi %add3A_364, %iota3A : vector<16xi32>
        %get3A = arith.constant 0 : index
        %get3A_366 = tpu.vector_load %arg13[%get3A] {strides = array<i32>} : memref<320xf32, #tpu.memory_space<vmem>>, vector<16xf32>,
        %get3A_367 = arith.constant 16 : index
        %get3A_368 = tpu.vector_load %arg13[%get3A_367] {strides = array<i32>} : memref<320xf32, #tpu.memory_space<vmem>>, vector<16xf32>,
        %get3A_369 = arith.constant 32 : index
        %get3A_370 = tpu.vector_load %arg13[%get3A_369] {strides = array<i32>} : memref<320xf32, #tpu.memory_space<vmem>>, vector<16xf32>,
        %get3A_371 = arith.constant 48 : index
        %get3A_372 = tpu.vector_load %arg13[%get3A_371] {strides = array<i32>} : memref<320xf32, #tpu.memory_space<vmem>>, vector<16xf32>,
        %get3A_373 = arith.constant 64 : index
        %get3A_374 = tpu.vector_load %arg13[%get3A_373] {strides = array<i32>} : memref<320xf32, #tpu.memory_space<vmem>>, vector<16xf32>,
        %get3A_375 = arith.constant 80 : index
        %get3A_376 = tpu.vector_load %arg13[%get3A_375] {strides = array<i32>} : memref<320xf32, #tpu.memory_space<vmem>>, vector<16xf32>,
        %get3A_377 = arith.constant 96 : index
        %get3A_378 = tpu.vector_load %arg13[%get3A_377] {strides = array<i32>} : memref<320xf32, #tpu.memory_space<vmem>>, vector<16xf32>,
        %get3A_379 = arith.constant 112 : index
        %get3A_380 = tpu.vector_load %arg13[%get3A_379] {strides = array<i32>} : memref<320xf32, #tpu.memory_space<vmem>>, vector<16xf32>,
        %get3A_381 = arith.constant 128 : index
        %get3A_382 = tpu.vector_load %arg13[%get3A_381] {strides = array<i32>} : memref<320xf32, #tpu.memory_space<vmem>>, vector<16xf32>,
        %get3A_383 = arith.constant 144 : index
        %get3A_384 = tpu.vector_load %arg13[%get3A_383] {strides = array<i32>} : memref<320xf32, #tpu.memory_space<vmem>>, vector<16xf32>,
        %get3A_385 = arith.constant 160 : index
        %get3A_386 = tpu.vector_load %arg13[%get3A_385] {strides = array<i32>} : memref<320xf32, #tpu.memory_space<vmem>>, vector<16xf32>,
        %get3A_387 = arith.constant 176 : index
        %get3A_388 = tpu.vector_load %arg13[%get3A_387] {strides = array<i32>} : memref<320xf32, #tpu.memory_space<vmem>>, vector<16xf32>,
        %get3A_389 = arith.constant 192 : index
        %get3A_390 = tpu.vector_load %arg13[%get3A_389] {strides = array<i32>} : memref<320xf32, #tpu.memory_space<vmem>>, vector<16xf32>,
        %get3A_391 = arith.constant 208 : index
        %get3A_392 = tpu.vector_load %arg13[%get3A_391] {strides = array<i32>} : memref<320xf32, #tpu.memory_space<vmem>>, vector<16xf32>,
        %get3A_393 = arith.constant 224 : index
        %get3A_394 = tpu.vector_load %arg13[%get3A_393] {strides = array<i32>} : memref<320xf32, #tpu.memory_space<vmem>>, vector<16xf32>,
        %get3A_395 = arith.constant 240 : index
        %get3A_396 = tpu.vector_load %arg13[%get3A_395] {strides = array<i32>} : memref<320xf32, #tpu.memory_space<vmem>>, vector<16xf32>,
        %get3A_397 = arith.constant 256 : index
        %get3A_398 = tpu.vector_load %arg13[%get3A_397] {strides = array<i32>} : memref<320xf32, #tpu.memory_space<vmem>>, vector<16xf32>,
        %get3A_399 = arith.constant 272 : index
        %get3A_400 = tpu.vector_load %arg13[%get3A_399] {strides = array<i32>} : memref<320xf32, #tpu.memory_space<vmem>>, vector<16xf32>,
        %get3A_401 = arith.constant 288 : index
        %get3A_402 = tpu.vector_load %arg13[%get3A_401] {strides = array<i32>} : memref<320xf32, #tpu.memory_space<vmem>>, vector<16xf32>,
        %while3A_403 = arith.constant true
        %while3A_404 = arith.constant 0 : i32
        %while3A_405:21 = scf.while (%while3A_406 = %while3A_403, %while3A_407 = %while3A_404, %while3A_408 = %get3A_366, %while3A_409 = %get3A_368, %while3A_410 = %get3A_370, %while3A_411 = %get3A_372, %while3A_412 = %get3A_374, %while3A_413 = %get3A_376, %while3A_414 = %get3A_378, %while3A_415 = %get3A_380, %while3A_416 = %get3A_382, %while3A_417 = %get3A_384, %while3A_418 = %get3A_386, %while3A_419 = %get3A_388, %while3A_420 = %get3A_390, %while3A_421 = %get3A_392, %while3A_422 = %get3A_394, %while3A_423 = %get3A_396, %while3A_424 = %get3A_398, %while3A_425 = %get3A_400, %while3A_426 = %get3A_402) : (i1, i32, vector<16xf32>, vector<16xf32>, vector<16xf32>, vector<16xf32>, vector<16xf32>, vector<16xf32>, vector<16xf32>, vector<16xf32>, vector<16xf32>, vector<16xf32>, vector<16xf32>, vector<16xf32>, vector<16xf32>, vector<16xf32>, vector<16xf32>, vector<16xf32>, vector<16xf32>, vector<16xf32>, vector<16xf32>) -> (i1, i32, vector<16xf32>, vector<16xf32>, vector<16xf32>, vector<16xf32>, vector<16xf32>, vector<16xf32>, vector<16xf32>, vector<16xf32>, vector<16xf32>, vector<16xf32>, vector<16xf32>, vector<16xf32>, vector<16xf32>, vector<16xf32>, vector<16xf32>, vector<16xf32>, vector<16xf32>, vector<16xf32>, vector<16xf32>) {
          scf.condition(%while3A_406) %while3A_406, %while3A_407, %while3A_408, %while3A_409, %while3A_410, %while3A_411, %while3A_412, %while3A_413, %while3A_414, %while3A_415, %while3A_416, %while3A_417, %while3A_418, %while3A_419, %while3A_420, %while3A_421, %while3A_422, %while3A_423, %while3A_424, %while3A_425, %while3A_426 : i1, i32, vector<16xf32>, vector<16xf32>, vector<16xf32>, vector<16xf32>, vector<16xf32>, vector<16xf32>, vector<16xf32>, vector<16xf32>, vector<16xf32>, vector<16xf32>, vector<16xf32>, vector<16xf32>, vector<16xf32>, vector<16xf32>, vector<16xf32>, vector<16xf32>, vector<16xf32>, vector<16xf32>, vector<16xf32>
        } do {
        ^bb0(%while3A_406: i1, %while3A_407: i32, %while3A_408: vector<16xf32>, %while3A_409: vector<16xf32>, %while3A_410: vector<16xf32>, %while3A_411: vector<16xf32>, %while3A_412: vector<16xf32>, %while3A_413: vector<16xf32>, %while3A_414: vector<16xf32>, %while3A_415: vector<16xf32>, %while3A_416: vector<16xf32>, %while3A_417: vector<16xf32>, %while3A_418: vector<16xf32>, %while3A_419: vector<16xf32>, %while3A_420: vector<16xf32>, %while3A_421: vector<16xf32>, %while3A_422: vector<16xf32>, %while3A_423: vector<16xf32>, %while3A_424: vector<16xf32>, %while3A_425: vector<16xf32>, %while3A_426: vector<16xf32>):
          %max3A = arith.maximumf %while3A_408, %while3A_409 : vector<16xf32>
          %max3A_427 = arith.maximumf %max3A, %while3A_410 : vector<16xf32>
          %max3A_428 = arith.maximumf %max3A_427, %while3A_411 : vector<16xf32>
          %max3A_429 = arith.maximumf %max3A_428, %while3A_412 : vector<16xf32>
          %max3A_430 = arith.maximumf %max3A_429, %while3A_413 : vector<16xf32>
          %max3A_431 = arith.maximumf %max3A_430, %while3A_414 : vector<16xf32>
          %max3A_432 = arith.maximumf %max3A_431, %while3A_415 : vector<16xf32>
          %max3A_433 = arith.maximumf %max3A_432, %while3A_416 : vector<16xf32>
          %max3A_434 = arith.maximumf %max3A_433, %while3A_417 : vector<16xf32>
          %max3A_435 = arith.maximumf %max3A_434, %while3A_418 : vector<16xf32>
          %max3A_436 = arith.maximumf %max3A_435, %while3A_419 : vector<16xf32>
          %max3A_437 = arith.maximumf %max3A_436, %while3A_420 : vector<16xf32>
          %max3A_438 = arith.maximumf %max3A_437, %while3A_421 : vector<16xf32>
          %max3A_439 = arith.maximumf %max3A_438, %while3A_422 : vector<16xf32>
          %max3A_440 = arith.maximumf %max3A_439, %while3A_423 : vector<16xf32>
          %max3A_441 = arith.maximumf %max3A_440, %while3A_424 : vector<16xf32>
          %max3A_442 = arith.maximumf %max3A_441, %while3A_425 : vector<16xf32>
          %max3A_443 = arith.maximumf %max3A_442, %while3A_426 : vector<16xf32>
          %reduce_max3A_444 = arith.constant true
          %reduce_max3A_445 = vector.broadcast %reduce_max3A_444 : i1 to vector<16xi1>
          %reduce_max3A_446 = tpu.scan <max>, %max3A_443 masked %reduce_max3A_445 : vector<16xf32>, vector<16xi1> -> vector<16xf32>
          %reduce_max3A_447 = vector.extract %reduce_max3A_446[15] : f32 from vector<16xf32>
          %broadcast_in_dim3A_448 = arith.constant 99999 : i32
          %broadcast_in_dim3A_449 = vector.broadcast %broadcast_in_dim3A_448 : i32 to vector<16xi32>
          %eq3A = vector.broadcast %reduce_max3A_447 : f32 to vector<16xf32>
          %eq3A_450 = arith.cmpf oeq, %while3A_408, %eq3A : vector<16xf32>
          %jit3A_451 = arith.constant 99999 : i32
          %broadcast_in_dim3A_452 = vector.broadcast %jit3A_451 : i32 to vector<16xi32>
          %select_n3A_453 = arith.select %eq3A_450, %add3A_311, %broadcast_in_dim3A_452 : vector<16xi1>, vector<16xi32>
          %min3A = arith.minsi %broadcast_in_dim3A_449, %select_n3A_453 : vector<16xi32>
          %eq3A_454 = vector.broadcast %reduce_max3A_447 : f32 to vector<16xf32>
          %eq3A_455 = arith.cmpf oeq, %while3A_409, %eq3A_454 : vector<16xf32>
          %jit3A_456 = arith.constant 99999 : i32
          %broadcast_in_dim3A_457 = vector.broadcast %jit3A_456 : i32 to vector<16xi32>
          %select_n3A_458 = arith.select %eq3A_455, %add3A_314, %broadcast_in_dim3A_457 : vector<16xi1>, vector<16xi32>
          %min3A_459 = arith.minsi %min3A, %select_n3A_458 : vector<16xi32>
          %eq3A_460 = vector.broadcast %reduce_max3A_447 : f32 to vector<16xf32>
          %eq3A_461 = arith.cmpf oeq, %while3A_410, %eq3A_460 : vector<16xf32>
          %jit3A_462 = arith.constant 99999 : i32
          %broadcast_in_dim3A_463 = vector.broadcast %jit3A_462 : i32 to vector<16xi32>
          %select_n3A_464 = arith.select %eq3A_461, %add3A_317, %broadcast_in_dim3A_463 : vector<16xi1>, vector<16xi32>
          %min3A_465 = arith.minsi %min3A_459, %select_n3A_464 : vector<16xi32>
          %eq3A_466 = vector.broadcast %reduce_max3A_447 : f32 to vector<16xf32>
          %eq3A_467 = arith.cmpf oeq, %while3A_411, %eq3A_466 : vector<16xf32>
          %jit3A_468 = arith.constant 99999 : i32
          %broadcast_in_dim3A_469 = vector.broadcast %jit3A_468 : i32 to vector<16xi32>
          %select_n3A_470 = arith.select %eq3A_467, %add3A_320, %broadcast_in_dim3A_469 : vector<16xi1>, vector<16xi32>
          %min3A_471 = arith.minsi %min3A_465, %select_n3A_470 : vector<16xi32>
          %eq3A_472 = vector.broadcast %reduce_max3A_447 : f32 to vector<16xf32>
          %eq3A_473 = arith.cmpf oeq, %while3A_412, %eq3A_472 : vector<16xf32>
          %jit3A_474 = arith.constant 99999 : i32
          %broadcast_in_dim3A_475 = vector.broadcast %jit3A_474 : i32 to vector<16xi32>
          %select_n3A_476 = arith.select %eq3A_473, %add3A_323, %broadcast_in_dim3A_475 : vector<16xi1>, vector<16xi32>
          %min3A_477 = arith.minsi %min3A_471, %select_n3A_476 : vector<16xi32>
          %eq3A_478 = vector.broadcast %reduce_max3A_447 : f32 to vector<16xf32>
          %eq3A_479 = arith.cmpf oeq, %while3A_413, %eq3A_478 : vector<16xf32>
          %jit3A_480 = arith.constant 99999 : i32
          %broadcast_in_dim3A_481 = vector.broadcast %jit3A_480 : i32 to vector<16xi32>
          %select_n3A_482 = arith.select %eq3A_479, %add3A_326, %broadcast_in_dim3A_481 : vector<16xi1>, vector<16xi32>
          %min3A_483 = arith.minsi %min3A_477, %select_n3A_482 : vector<16xi32>
          %eq3A_484 = vector.broadcast %reduce_max3A_447 : f32 to vector<16xf32>
          %eq3A_485 = arith.cmpf oeq, %while3A_414, %eq3A_484 : vector<16xf32>
          %jit3A_486 = arith.constant 99999 : i32
          %broadcast_in_dim3A_487 = vector.broadcast %jit3A_486 : i32 to vector<16xi32>
          %select_n3A_488 = arith.select %eq3A_485, %add3A_329, %broadcast_in_dim3A_487 : vector<16xi1>, vector<16xi32>
          %min3A_489 = arith.minsi %min3A_483, %select_n3A_488 : vector<16xi32>
          %eq3A_490 = vector.broadcast %reduce_max3A_447 : f32 to vector<16xf32>
          %eq3A_491 = arith.cmpf oeq, %while3A_415, %eq3A_490 : vector<16xf32>
          %jit3A_492 = arith.constant 99999 : i32
          %broadcast_in_dim3A_493 = vector.broadcast %jit3A_492 : i32 to vector<16xi32>
          %select_n3A_494 = arith.select %eq3A_491, %add3A_332, %broadcast_in_dim3A_493 : vector<16xi1>, vector<16xi32>
          %min3A_495 = arith.minsi %min3A_489, %select_n3A_494 : vector<16xi32>
          %eq3A_496 = vector.broadcast %reduce_max3A_447 : f32 to vector<16xf32>
          %eq3A_497 = arith.cmpf oeq, %while3A_416, %eq3A_496 : vector<16xf32>
          %jit3A_498 = arith.constant 99999 : i32
          %broadcast_in_dim3A_499 = vector.broadcast %jit3A_498 : i32 to vector<16xi32>
          %select_n3A_500 = arith.select %eq3A_497, %add3A_335, %broadcast_in_dim3A_499 : vector<16xi1>, vector<16xi32>
          %min3A_501 = arith.minsi %min3A_495, %select_n3A_500 : vector<16xi32>
          %eq3A_502 = vector.broadcast %reduce_max3A_447 : f32 to vector<16xf32>
          %eq3A_503 = arith.cmpf oeq, %while3A_417, %eq3A_502 : vector<16xf32>
          %jit3A_504 = arith.constant 99999 : i32
          %broadcast_in_dim3A_505 = vector.broadcast %jit3A_504 : i32 to vector<16xi32>
          %select_n3A_506 = arith.select %eq3A_503, %add3A_338, %broadcast_in_dim3A_505 : vector<16xi1>, vector<16xi32>
          %min3A_507 = arith.minsi %min3A_501, %select_n3A_506 : vector<16xi32>
          %eq3A_508 = vector.broadcast %reduce_max3A_447 : f32 to vector<16xf32>
          %eq3A_509 = arith.cmpf oeq, %while3A_418, %eq3A_508 : vector<16xf32>
          %jit3A_510 = arith.constant 99999 : i32
          %broadcast_in_dim3A_511 = vector.broadcast %jit3A_510 : i32 to vector<16xi32>
          %select_n3A_512 = arith.select %eq3A_509, %add3A_341, %broadcast_in_dim3A_511 : vector<16xi1>, vector<16xi32>
          %min3A_513 = arith.minsi %min3A_507, %select_n3A_512 : vector<16xi32>
          %eq3A_514 = vector.broadcast %reduce_max3A_447 : f32 to vector<16xf32>
          %eq3A_515 = arith.cmpf oeq, %while3A_419, %eq3A_514 : vector<16xf32>
          %jit3A_516 = arith.constant 99999 : i32
          %broadcast_in_dim3A_517 = vector.broadcast %jit3A_516 : i32 to vector<16xi32>
          %select_n3A_518 = arith.select %eq3A_515, %add3A_344, %broadcast_in_dim3A_517 : vector<16xi1>, vector<16xi32>
          %min3A_519 = arith.minsi %min3A_513, %select_n3A_518 : vector<16xi32>
          %eq3A_520 = vector.broadcast %reduce_max3A_447 : f32 to vector<16xf32>
          %eq3A_521 = arith.cmpf oeq, %while3A_420, %eq3A_520 : vector<16xf32>
          %jit3A_522 = arith.constant 99999 : i32
          %broadcast_in_dim3A_523 = vector.broadcast %jit3A_522 : i32 to vector<16xi32>
          %select_n3A_524 = arith.select %eq3A_521, %add3A_347, %broadcast_in_dim3A_523 : vector<16xi1>, vector<16xi32>
          %min3A_525 = arith.minsi %min3A_519, %select_n3A_524 : vector<16xi32>
          %eq3A_526 = vector.broadcast %reduce_max3A_447 : f32 to vector<16xf32>
          %eq3A_527 = arith.cmpf oeq, %while3A_421, %eq3A_526 : vector<16xf32>
          %jit3A_528 = arith.constant 99999 : i32
          %broadcast_in_dim3A_529 = vector.broadcast %jit3A_528 : i32 to vector<16xi32>
          %select_n3A_530 = arith.select %eq3A_527, %add3A_350, %broadcast_in_dim3A_529 : vector<16xi1>, vector<16xi32>
          %min3A_531 = arith.minsi %min3A_525, %select_n3A_530 : vector<16xi32>
          %eq3A_532 = vector.broadcast %reduce_max3A_447 : f32 to vector<16xf32>
          %eq3A_533 = arith.cmpf oeq, %while3A_422, %eq3A_532 : vector<16xf32>
          %jit3A_534 = arith.constant 99999 : i32
          %broadcast_in_dim3A_535 = vector.broadcast %jit3A_534 : i32 to vector<16xi32>
          %select_n3A_536 = arith.select %eq3A_533, %add3A_353, %broadcast_in_dim3A_535 : vector<16xi1>, vector<16xi32>
          %min3A_537 = arith.minsi %min3A_531, %select_n3A_536 : vector<16xi32>
          %eq3A_538 = vector.broadcast %reduce_max3A_447 : f32 to vector<16xf32>
          %eq3A_539 = arith.cmpf oeq, %while3A_423, %eq3A_538 : vector<16xf32>
          %jit3A_540 = arith.constant 99999 : i32
          %broadcast_in_dim3A_541 = vector.broadcast %jit3A_540 : i32 to vector<16xi32>
          %select_n3A_542 = arith.select %eq3A_539, %add3A_356, %broadcast_in_dim3A_541 : vector<16xi1>, vector<16xi32>
          %min3A_543 = arith.minsi %min3A_537, %select_n3A_542 : vector<16xi32>
          %eq3A_544 = vector.broadcast %reduce_max3A_447 : f32 to vector<16xf32>
          %eq3A_545 = arith.cmpf oeq, %while3A_424, %eq3A_544 : vector<16xf32>
          %jit3A_546 = arith.constant 99999 : i32
          %broadcast_in_dim3A_547 = vector.broadcast %jit3A_546 : i32 to vector<16xi32>
          %select_n3A_548 = arith.select %eq3A_545, %add3A_359, %broadcast_in_dim3A_547 : vector<16xi1>, vector<16xi32>
          %min3A_549 = arith.minsi %min3A_543, %select_n3A_548 : vector<16xi32>
          %eq3A_550 = vector.broadcast %reduce_max3A_447 : f32 to vector<16xf32>
          %eq3A_551 = arith.cmpf oeq, %while3A_425, %eq3A_550 : vector<16xf32>
          %jit3A_552 = arith.constant 99999 : i32
          %broadcast_in_dim3A_553 = vector.broadcast %jit3A_552 : i32 to vector<16xi32>
          %select_n3A_554 = arith.select %eq3A_551, %add3A_362, %broadcast_in_dim3A_553 : vector<16xi1>, vector<16xi32>
          %min3A_555 = arith.minsi %min3A_549, %select_n3A_554 : vector<16xi32>
          %eq3A_556 = vector.broadcast %reduce_max3A_447 : f32 to vector<16xf32>
          %eq3A_557 = arith.cmpf oeq, %while3A_426, %eq3A_556 : vector<16xf32>
          %jit3A_558 = arith.constant 99999 : i32
          %broadcast_in_dim3A_559 = vector.broadcast %jit3A_558 : i32 to vector<16xi32>
          %select_n3A_560 = arith.select %eq3A_557, %add3A_365, %broadcast_in_dim3A_559 : vector<16xi1>, vector<16xi32>
          %min3A_561 = arith.minsi %min3A_555, %select_n3A_560 : vector<16xi32>
          %reduce_min3A = arith.constant true
          %reduce_min3A_562 = vector.broadcast %reduce_min3A : i1 to vector<16xi1>
          %reduce_min3A_563 = arith.constant -2147483648 : i32
          %reduce_min3A_564 = vector.broadcast %reduce_min3A_563 : i32 to vector<16xi32>
          %reduce_min3A_565 = arith.xori %min3A_561, %reduce_min3A_564 : vector<16xi32>
          %reduce_min3A_566 = tpu.scan <min>, %reduce_min3A_565 masked %reduce_min3A_562 : vector<16xi32>, vector<16xi1> -> vector<16xi32>
          %reduce_min3A_567 = arith.xori %reduce_min3A_566, %reduce_min3A_564 : vector<16xi32>
          %reduce_min3A_568 = vector.extract %reduce_min3A_567[15] : i32 from vector<16xi32>
          %gt3A = arith.constant 5.000000e-02 : f32
          %gt3A_569 = arith.cmpf ogt, %reduce_max3A_447, %gt3A : f32
          %broadcast_in_dim3A_570 = vector.broadcast %reduce_min3A_568 : i32 to vector<16xi32>
          %gather3A_571 = tpu.vector_load_idx %arg19[%broadcast_in_dim3A_570] : memref<304xf32, #tpu.memory_space<vmem>>[vector<16xi32>], vector<16xf32>,
          %broadcast_in_dim3A_572 = vector.broadcast %reduce_min3A_568 : i32 to vector<16xi32>
          %gather3A_573 = tpu.vector_load_idx %arg20[%broadcast_in_dim3A_572] : memref<304xf32, #tpu.memory_space<vmem>>[vector<16xi32>], vector<16xf32>,
          %broadcast_in_dim3A_574 = vector.broadcast %reduce_min3A_568 : i32 to vector<16xi32>
          %gather3A_575 = tpu.vector_load_idx %arg21[%broadcast_in_dim3A_574] : memref<304xf32, #tpu.memory_space<vmem>>[vector<16xi32>], vector<16xf32>,
          %broadcast_in_dim3A_576 = vector.broadcast %reduce_min3A_568 : i32 to vector<16xi32>
          %gather3A_577 = tpu.vector_load_idx %arg22[%broadcast_in_dim3A_576] : memref<304xf32, #tpu.memory_space<vmem>>[vector<16xi32>], vector<16xf32>,
          %broadcast_in_dim3A_578 = vector.broadcast %reduce_min3A_568 : i32 to vector<16xi32>
          %gather3A_579 = tpu.vector_load_idx %arg23[%broadcast_in_dim3A_578] : memref<304xf32, #tpu.memory_space<vmem>>[vector<16xi32>], vector<16xf32>,
          %convert_element_type3A_580 = arith.extui %gt3A_569 : i1 to i32
          %cond3A_581 = arith.constant 0 : i32
          %cond3A_582 = arith.cmpi ne, %convert_element_type3A_580, %cond3A_581 : i32
          scf.if %cond3A_582 {
            %broadcast_in_dim3A_1402 = vector.broadcast %while3A_407 : i32 to vector<16xi32>
            %broadcast_in_dim3A_1403 = vector.broadcast %reduce_max3A_447 : f32 to vector<16xf32>
            %iota3A_1404 = tpu.iota {dimensions = array<i32: 0>} : vector<16xi32>
            %eq3A_1405 = arith.constant 0 : i32
            %eq3A_1406 = vector.broadcast %eq3A_1405 : i32 to vector<16xi32>
            %eq3A_1407 = arith.cmpi eq, %iota3A_1404, %eq3A_1406 : vector<16xi32>
            tpu.vector_store_idx %arg24[%broadcast_in_dim3A_1402], %broadcast_in_dim3A_1403 masked %eq3A_1407 : memref<304xf32, #tpu.memory_space<vmem>>[vector<16xi32>], vector<16xf32>, vector<16xi1>
            %mul3A_1408 = arith.constant 16 : i32
            %mul3A_1409 = arith.muli %while3A_407, %mul3A_1408 : i32
            %slice3A_1410 = vector.extract_strided_slice %gather3A_571 {offsets = [0], sizes = [1], strides = [1]} : vector<16xf32> to vector<1xf32>
            %squeeze3A_1411 = vector.extract %slice3A_1410[0] : f32 from vector<1xf32>
            %broadcast_in_dim3A_1412 = vector.broadcast %mul3A_1409 : i32 to vector<16xi32>
            %broadcast_in_dim3A_1413 = vector.broadcast %squeeze3A_1411 : f32 to vector<16xf32>
            %iota3A_1414 = tpu.iota {dimensions = array<i32: 0>} : vector<16xi32>
            %eq3A_1415 = arith.constant 0 : i32
            %eq3A_1416 = vector.broadcast %eq3A_1415 : i32 to vector<16xi32>
            %eq3A_1417 = arith.cmpi eq, %iota3A_1414, %eq3A_1416 : vector<16xi32>
            tpu.vector_store_idx %arg25[%broadcast_in_dim3A_1412], %broadcast_in_dim3A_1413 masked %eq3A_1417 : memref<4864xf32, #tpu.memory_space<vmem>>[vector<16xi32>], vector<16xf32>, vector<16xi1>
            %mul3A_1418 = arith.constant 16 : i32
            %mul3A_1419 = arith.muli %while3A_407, %mul3A_1418 : i32
            %add3A_1420 = arith.constant 1 : i32
            %add3A_1421 = arith.addi %mul3A_1419, %add3A_1420 : i32
            %slice3A_1422 = vector.extract_strided_slice %gather3A_573 {offsets = [0], sizes = [1], strides = [1]} : vector<16xf32> to vector<1xf32>
            %squeeze3A_1423 = vector.extract %slice3A_1422[0] : f32 from vector<1xf32>
            %broadcast_in_dim3A_1424 = vector.broadcast %add3A_1421 : i32 to vector<16xi32>
            %broadcast_in_dim3A_1425 = vector.broadcast %squeeze3A_1423 : f32 to vector<16xf32>
            %iota3A_1426 = tpu.iota {dimensions = array<i32: 0>} : vector<16xi32>
            %eq3A_1427 = arith.constant 0 : i32
            %eq3A_1428 = vector.broadcast %eq3A_1427 : i32 to vector<16xi32>
            %eq3A_1429 = arith.cmpi eq, %iota3A_1426, %eq3A_1428 : vector<16xi32>
            tpu.vector_store_idx %arg25[%broadcast_in_dim3A_1424], %broadcast_in_dim3A_1425 masked %eq3A_1429 : memref<4864xf32, #tpu.memory_space<vmem>>[vector<16xi32>], vector<16xf32>, vector<16xi1>
            %mul3A_1430 = arith.constant 16 : i32
            %mul3A_1431 = arith.muli %while3A_407, %mul3A_1430 : i32
            %add3A_1432 = arith.constant 2 : i32
            %add3A_1433 = arith.addi %mul3A_1431, %add3A_1432 : i32
            %slice3A_1434 = vector.extract_strided_slice %gather3A_575 {offsets = [0], sizes = [1], strides = [1]} : vector<16xf32> to vector<1xf32>
            %squeeze3A_1435 = vector.extract %slice3A_1434[0] : f32 from vector<1xf32>
            %broadcast_in_dim3A_1436 = vector.broadcast %add3A_1433 : i32 to vector<16xi32>
            %broadcast_in_dim3A_1437 = vector.broadcast %squeeze3A_1435 : f32 to vector<16xf32>
            %iota3A_1438 = tpu.iota {dimensions = array<i32: 0>} : vector<16xi32>
            %eq3A_1439 = arith.constant 0 : i32
            %eq3A_1440 = vector.broadcast %eq3A_1439 : i32 to vector<16xi32>
            %eq3A_1441 = arith.cmpi eq, %iota3A_1438, %eq3A_1440 : vector<16xi32>
            tpu.vector_store_idx %arg25[%broadcast_in_dim3A_1436], %broadcast_in_dim3A_1437 masked %eq3A_1441 : memref<4864xf32, #tpu.memory_space<vmem>>[vector<16xi32>], vector<16xf32>, vector<16xi1>
            %mul3A_1442 = arith.constant 16 : i32
            %mul3A_1443 = arith.muli %while3A_407, %mul3A_1442 : i32
            %add3A_1444 = arith.constant 3 : i32
            %add3A_1445 = arith.addi %mul3A_1443, %add3A_1444 : i32
            %slice3A_1446 = vector.extract_strided_slice %gather3A_577 {offsets = [0], sizes = [1], strides = [1]} : vector<16xf32> to vector<1xf32>
            %squeeze3A_1447 = vector.extract %slice3A_1446[0] : f32 from vector<1xf32>
            %broadcast_in_dim3A_1448 = vector.broadcast %add3A_1445 : i32 to vector<16xi32>
            %broadcast_in_dim3A_1449 = vector.broadcast %squeeze3A_1447 : f32 to vector<16xf32>
            %iota3A_1450 = tpu.iota {dimensions = array<i32: 0>} : vector<16xi32>
            %eq3A_1451 = arith.constant 0 : i32
            %eq3A_1452 = vector.broadcast %eq3A_1451 : i32 to vector<16xi32>
            %eq3A_1453 = arith.cmpi eq, %iota3A_1450, %eq3A_1452 : vector<16xi32>
            tpu.vector_store_idx %arg25[%broadcast_in_dim3A_1448], %broadcast_in_dim3A_1449 masked %eq3A_1453 : memref<4864xf32, #tpu.memory_space<vmem>>[vector<16xi32>], vector<16xf32>, vector<16xi1>
          } else {
          }
          %get3A_583 = arith.constant 0 : index
          %get3A_584 = tpu.vector_load %arg21[%get3A_583] {strides = array<i32>} : memref<304xf32, #tpu.memory_space<vmem>>, vector<16xf32>,
          %min3A_585 = arith.minimumf %get3A_584, %gather3A_575 : vector<16xf32>
          %get3A_586 = arith.constant 0 : index
          %get3A_587 = tpu.vector_load %arg19[%get3A_586] {strides = array<i32>} : memref<304xf32, #tpu.memory_space<vmem>>, vector<16xf32>,
          %max3A_588 = arith.maximumf %get3A_587, %gather3A_571 : vector<16xf32>
          %sub3A_589 = arith.subf %min3A_585, %max3A_588 : vector<16xf32>
          %add3A_590 = arith.constant 1.000000e+00 : f32
          %add3A_591 = vector.broadcast %add3A_590 : f32 to vector<16xf32>
          %add3A_592 = arith.addf %sub3A_589, %add3A_591 : vector<16xf32>
          %max3A_593 = arith.constant 0.000000e+00 : f32
          %max3A_594 = vector.broadcast %max3A_593 : f32 to vector<16xf32>
          %max3A_595 = arith.maximumf %add3A_592, %max3A_594 : vector<16xf32>
          %get3A_596 = arith.constant 0 : index
          %get3A_597 = tpu.vector_load %arg22[%get3A_596] {strides = array<i32>} : memref<304xf32, #tpu.memory_space<vmem>>, vector<16xf32>,
          %min3A_598 = arith.minimumf %get3A_597, %gather3A_577 : vector<16xf32>
          %get3A_599 = arith.constant 0 : index
          %get3A_600 = tpu.vector_load %arg20[%get3A_599] {strides = array<i32>} : memref<304xf32, #tpu.memory_space<vmem>>, vector<16xf32>,
          %max3A_601 = arith.maximumf %get3A_600, %gather3A_573 : vector<16xf32>
          %sub3A_602 = arith.subf %min3A_598, %max3A_601 : vector<16xf32>
          %add3A_603 = arith.constant 1.000000e+00 : f32
          %add3A_604 = vector.broadcast %add3A_603 : f32 to vector<16xf32>
          %add3A_605 = arith.addf %sub3A_602, %add3A_604 : vector<16xf32>
          %max3A_606 = arith.constant 0.000000e+00 : f32
          %max3A_607 = vector.broadcast %max3A_606 : f32 to vector<16xf32>
          %max3A_608 = arith.maximumf %add3A_605, %max3A_607 : vector<16xf32>
          %mul3A_609 = arith.mulf %max3A_595, %max3A_608 : vector<16xf32>
          %get3A_610 = arith.constant 0 : index
          %get3A_611 = tpu.vector_load %arg23[%get3A_610] {strides = array<i32>} : memref<304xf32, #tpu.memory_space<vmem>>, vector<16xf32>,
          %add3A_612 = arith.addf %gather3A_579, %get3A_611 : vector<16xf32>
          %sub3A_613 = arith.subf %add3A_612, %mul3A_609 : vector<16xf32>
          %div3A_614 = arith.divf %mul3A_609, %sub3A_613 : vector<16xf32>
          %gt3A_615 = arith.constant 5.000000e-01 : f32
          %gt3A_616 = vector.broadcast %gt3A_615 : f32 to vector<16xf32>
          %gt3A_617 = arith.cmpf ogt, %div3A_614, %gt3A_616 : vector<16xf32>
          %and3A_618 = vector.broadcast %gt3A_569 : i1 to vector<16xi1>
          %and3A_619 = arith.andi %and3A_618, %gt3A_617 : vector<16xi1>
          %eq3A_620 = vector.broadcast %reduce_min3A_568 : i32 to vector<16xi32>
          %eq3A_621 = arith.cmpi eq, %add3A_311, %eq3A_620 : vector<16xi32>
          %or3A = arith.ori %and3A_619, %eq3A_621 : vector<16xi1>
          %jit3A_622 = arith.constant -3.000000e+38 : f32
          %broadcast_in_dim3A_623 = vector.broadcast %jit3A_622 : f32 to vector<16xf32>
          %select_n3A_624 = arith.select %or3A, %broadcast_in_dim3A_623, %while3A_408 : vector<16xi1>, vector<16xf32>
          %get3A_625 = arith.constant 16 : index
          %get3A_626 = tpu.vector_load %arg21[%get3A_625] {strides = array<i32>} : memref<304xf32, #tpu.memory_space<vmem>>, vector<16xf32>,
          %min3A_627 = arith.minimumf %get3A_626, %gather3A_575 : vector<16xf32>
          %get3A_628 = arith.constant 16 : index
          %get3A_629 = tpu.vector_load %arg19[%get3A_628] {strides = array<i32>} : memref<304xf32, #tpu.memory_space<vmem>>, vector<16xf32>,
          %max3A_630 = arith.maximumf %get3A_629, %gather3A_571 : vector<16xf32>
          %sub3A_631 = arith.subf %min3A_627, %max3A_630 : vector<16xf32>
          %add3A_632 = arith.constant 1.000000e+00 : f32
          %add3A_633 = vector.broadcast %add3A_632 : f32 to vector<16xf32>
          %add3A_634 = arith.addf %sub3A_631, %add3A_633 : vector<16xf32>
          %max3A_635 = arith.constant 0.000000e+00 : f32
          %max3A_636 = vector.broadcast %max3A_635 : f32 to vector<16xf32>
          %max3A_637 = arith.maximumf %add3A_634, %max3A_636 : vector<16xf32>
          %get3A_638 = arith.constant 16 : index
          %get3A_639 = tpu.vector_load %arg22[%get3A_638] {strides = array<i32>} : memref<304xf32, #tpu.memory_space<vmem>>, vector<16xf32>,
          %min3A_640 = arith.minimumf %get3A_639, %gather3A_577 : vector<16xf32>
          %get3A_641 = arith.constant 16 : index
          %get3A_642 = tpu.vector_load %arg20[%get3A_641] {strides = array<i32>} : memref<304xf32, #tpu.memory_space<vmem>>, vector<16xf32>,
          %max3A_643 = arith.maximumf %get3A_642, %gather3A_573 : vector<16xf32>
          %sub3A_644 = arith.subf %min3A_640, %max3A_643 : vector<16xf32>
          %add3A_645 = arith.constant 1.000000e+00 : f32
          %add3A_646 = vector.broadcast %add3A_645 : f32 to vector<16xf32>
          %add3A_647 = arith.addf %sub3A_644, %add3A_646 : vector<16xf32>
          %max3A_648 = arith.constant 0.000000e+00 : f32
          %max3A_649 = vector.broadcast %max3A_648 : f32 to vector<16xf32>
          %max3A_650 = arith.maximumf %add3A_647, %max3A_649 : vector<16xf32>
          %mul3A_651 = arith.mulf %max3A_637, %max3A_650 : vector<16xf32>
          %get3A_652 = arith.constant 16 : index
          %get3A_653 = tpu.vector_load %arg23[%get3A_652] {strides = array<i32>} : memref<304xf32, #tpu.memory_space<vmem>>, vector<16xf32>,
          %add3A_654 = arith.addf %gather3A_579, %get3A_653 : vector<16xf32>
          %sub3A_655 = arith.subf %add3A_654, %mul3A_651 : vector<16xf32>
          %div3A_656 = arith.divf %mul3A_651, %sub3A_655 : vector<16xf32>
          %gt3A_657 = arith.constant 5.000000e-01 : f32
          %gt3A_658 = vector.broadcast %gt3A_657 : f32 to vector<16xf32>
          %gt3A_659 = arith.cmpf ogt, %div3A_656, %gt3A_658 : vector<16xf32>
          %and3A_660 = vector.broadcast %gt3A_569 : i1 to vector<16xi1>
          %and3A_661 = arith.andi %and3A_660, %gt3A_659 : vector<16xi1>
          %eq3A_662 = vector.broadcast %reduce_min3A_568 : i32 to vector<16xi32>
          %eq3A_663 = arith.cmpi eq, %add3A_314, %eq3A_662 : vector<16xi32>
          %or3A_664 = arith.ori %and3A_661, %eq3A_663 : vector<16xi1>
          %jit3A_665 = arith.constant -3.000000e+38 : f32
          %broadcast_in_dim3A_666 = vector.broadcast %jit3A_665 : f32 to vector<16xf32>
          %select_n3A_667 = arith.select %or3A_664, %broadcast_in_dim3A_666, %while3A_409 : vector<16xi1>, vector<16xf32>
          %get3A_668 = arith.constant 32 : index
          %get3A_669 = tpu.vector_load %arg21[%get3A_668] {strides = array<i32>} : memref<304xf32, #tpu.memory_space<vmem>>, vector<16xf32>,
          %min3A_670 = arith.minimumf %get3A_669, %gather3A_575 : vector<16xf32>
          %get3A_671 = arith.constant 32 : index
          %get3A_672 = tpu.vector_load %arg19[%get3A_671] {strides = array<i32>} : memref<304xf32, #tpu.memory_space<vmem>>, vector<16xf32>,
          %max3A_673 = arith.maximumf %get3A_672, %gather3A_571 : vector<16xf32>
          %sub3A_674 = arith.subf %min3A_670, %max3A_673 : vector<16xf32>
          %add3A_675 = arith.constant 1.000000e+00 : f32
          %add3A_676 = vector.broadcast %add3A_675 : f32 to vector<16xf32>
          %add3A_677 = arith.addf %sub3A_674, %add3A_676 : vector<16xf32>
          %max3A_678 = arith.constant 0.000000e+00 : f32
          %max3A_679 = vector.broadcast %max3A_678 : f32 to vector<16xf32>
          %max3A_680 = arith.maximumf %add3A_677, %max3A_679 : vector<16xf32>
          %get3A_681 = arith.constant 32 : index
          %get3A_682 = tpu.vector_load %arg22[%get3A_681] {strides = array<i32>} : memref<304xf32, #tpu.memory_space<vmem>>, vector<16xf32>,
          %min3A_683 = arith.minimumf %get3A_682, %gather3A_577 : vector<16xf32>
          %get3A_684 = arith.constant 32 : index
          %get3A_685 = tpu.vector_load %arg20[%get3A_684] {strides = array<i32>} : memref<304xf32, #tpu.memory_space<vmem>>, vector<16xf32>,
          %max3A_686 = arith.maximumf %get3A_685, %gather3A_573 : vector<16xf32>
          %sub3A_687 = arith.subf %min3A_683, %max3A_686 : vector<16xf32>
          %add3A_688 = arith.constant 1.000000e+00 : f32
          %add3A_689 = vector.broadcast %add3A_688 : f32 to vector<16xf32>
          %add3A_690 = arith.addf %sub3A_687, %add3A_689 : vector<16xf32>
          %max3A_691 = arith.constant 0.000000e+00 : f32
          %max3A_692 = vector.broadcast %max3A_691 : f32 to vector<16xf32>
          %max3A_693 = arith.maximumf %add3A_690, %max3A_692 : vector<16xf32>
          %mul3A_694 = arith.mulf %max3A_680, %max3A_693 : vector<16xf32>
          %get3A_695 = arith.constant 32 : index
          %get3A_696 = tpu.vector_load %arg23[%get3A_695] {strides = array<i32>} : memref<304xf32, #tpu.memory_space<vmem>>, vector<16xf32>,
          %add3A_697 = arith.addf %gather3A_579, %get3A_696 : vector<16xf32>
          %sub3A_698 = arith.subf %add3A_697, %mul3A_694 : vector<16xf32>
          %div3A_699 = arith.divf %mul3A_694, %sub3A_698 : vector<16xf32>
          %gt3A_700 = arith.constant 5.000000e-01 : f32
          %gt3A_701 = vector.broadcast %gt3A_700 : f32 to vector<16xf32>
          %gt3A_702 = arith.cmpf ogt, %div3A_699, %gt3A_701 : vector<16xf32>
          %and3A_703 = vector.broadcast %gt3A_569 : i1 to vector<16xi1>
          %and3A_704 = arith.andi %and3A_703, %gt3A_702 : vector<16xi1>
          %eq3A_705 = vector.broadcast %reduce_min3A_568 : i32 to vector<16xi32>
          %eq3A_706 = arith.cmpi eq, %add3A_317, %eq3A_705 : vector<16xi32>
          %or3A_707 = arith.ori %and3A_704, %eq3A_706 : vector<16xi1>
          %jit3A_708 = arith.constant -3.000000e+38 : f32
          %broadcast_in_dim3A_709 = vector.broadcast %jit3A_708 : f32 to vector<16xf32>
          %select_n3A_710 = arith.select %or3A_707, %broadcast_in_dim3A_709, %while3A_410 : vector<16xi1>, vector<16xf32>
          %get3A_711 = arith.constant 48 : index
          %get3A_712 = tpu.vector_load %arg21[%get3A_711] {strides = array<i32>} : memref<304xf32, #tpu.memory_space<vmem>>, vector<16xf32>,
          %min3A_713 = arith.minimumf %get3A_712, %gather3A_575 : vector<16xf32>
          %get3A_714 = arith.constant 48 : index
          %get3A_715 = tpu.vector_load %arg19[%get3A_714] {strides = array<i32>} : memref<304xf32, #tpu.memory_space<vmem>>, vector<16xf32>,
          %max3A_716 = arith.maximumf %get3A_715, %gather3A_571 : vector<16xf32>
          %sub3A_717 = arith.subf %min3A_713, %max3A_716 : vector<16xf32>
          %add3A_718 = arith.constant 1.000000e+00 : f32
          %add3A_719 = vector.broadcast %add3A_718 : f32 to vector<16xf32>
          %add3A_720 = arith.addf %sub3A_717, %add3A_719 : vector<16xf32>
          %max3A_721 = arith.constant 0.000000e+00 : f32
          %max3A_722 = vector.broadcast %max3A_721 : f32 to vector<16xf32>
          %max3A_723 = arith.maximumf %add3A_720, %max3A_722 : vector<16xf32>
          %get3A_724 = arith.constant 48 : index
          %get3A_725 = tpu.vector_load %arg22[%get3A_724] {strides = array<i32>} : memref<304xf32, #tpu.memory_space<vmem>>, vector<16xf32>,
          %min3A_726 = arith.minimumf %get3A_725, %gather3A_577 : vector<16xf32>
          %get3A_727 = arith.constant 48 : index
          %get3A_728 = tpu.vector_load %arg20[%get3A_727] {strides = array<i32>} : memref<304xf32, #tpu.memory_space<vmem>>, vector<16xf32>,
          %max3A_729 = arith.maximumf %get3A_728, %gather3A_573 : vector<16xf32>
          %sub3A_730 = arith.subf %min3A_726, %max3A_729 : vector<16xf32>
          %add3A_731 = arith.constant 1.000000e+00 : f32
          %add3A_732 = vector.broadcast %add3A_731 : f32 to vector<16xf32>
          %add3A_733 = arith.addf %sub3A_730, %add3A_732 : vector<16xf32>
          %max3A_734 = arith.constant 0.000000e+00 : f32
          %max3A_735 = vector.broadcast %max3A_734 : f32 to vector<16xf32>
          %max3A_736 = arith.maximumf %add3A_733, %max3A_735 : vector<16xf32>
          %mul3A_737 = arith.mulf %max3A_723, %max3A_736 : vector<16xf32>
          %get3A_738 = arith.constant 48 : index
          %get3A_739 = tpu.vector_load %arg23[%get3A_738] {strides = array<i32>} : memref<304xf32, #tpu.memory_space<vmem>>, vector<16xf32>,
          %add3A_740 = arith.addf %gather3A_579, %get3A_739 : vector<16xf32>
          %sub3A_741 = arith.subf %add3A_740, %mul3A_737 : vector<16xf32>
          %div3A_742 = arith.divf %mul3A_737, %sub3A_741 : vector<16xf32>
          %gt3A_743 = arith.constant 5.000000e-01 : f32
          %gt3A_744 = vector.broadcast %gt3A_743 : f32 to vector<16xf32>
          %gt3A_745 = arith.cmpf ogt, %div3A_742, %gt3A_744 : vector<16xf32>
          %and3A_746 = vector.broadcast %gt3A_569 : i1 to vector<16xi1>
          %and3A_747 = arith.andi %and3A_746, %gt3A_745 : vector<16xi1>
          %eq3A_748 = vector.broadcast %reduce_min3A_568 : i32 to vector<16xi32>
          %eq3A_749 = arith.cmpi eq, %add3A_320, %eq3A_748 : vector<16xi32>
          %or3A_750 = arith.ori %and3A_747, %eq3A_749 : vector<16xi1>
          %jit3A_751 = arith.constant -3.000000e+38 : f32
          %broadcast_in_dim3A_752 = vector.broadcast %jit3A_751 : f32 to vector<16xf32>
          %select_n3A_753 = arith.select %or3A_750, %broadcast_in_dim3A_752, %while3A_411 : vector<16xi1>, vector<16xf32>
          %get3A_754 = arith.constant 64 : index
          %get3A_755 = tpu.vector_load %arg21[%get3A_754] {strides = array<i32>} : memref<304xf32, #tpu.memory_space<vmem>>, vector<16xf32>,
          %min3A_756 = arith.minimumf %get3A_755, %gather3A_575 : vector<16xf32>
          %get3A_757 = arith.constant 64 : index
          %get3A_758 = tpu.vector_load %arg19[%get3A_757] {strides = array<i32>} : memref<304xf32, #tpu.memory_space<vmem>>, vector<16xf32>,
          %max3A_759 = arith.maximumf %get3A_758, %gather3A_571 : vector<16xf32>
          %sub3A_760 = arith.subf %min3A_756, %max3A_759 : vector<16xf32>
          %add3A_761 = arith.constant 1.000000e+00 : f32
          %add3A_762 = vector.broadcast %add3A_761 : f32 to vector<16xf32>
          %add3A_763 = arith.addf %sub3A_760, %add3A_762 : vector<16xf32>
          %max3A_764 = arith.constant 0.000000e+00 : f32
          %max3A_765 = vector.broadcast %max3A_764 : f32 to vector<16xf32>
          %max3A_766 = arith.maximumf %add3A_763, %max3A_765 : vector<16xf32>
          %get3A_767 = arith.constant 64 : index
          %get3A_768 = tpu.vector_load %arg22[%get3A_767] {strides = array<i32>} : memref<304xf32, #tpu.memory_space<vmem>>, vector<16xf32>,
          %min3A_769 = arith.minimumf %get3A_768, %gather3A_577 : vector<16xf32>
          %get3A_770 = arith.constant 64 : index
          %get3A_771 = tpu.vector_load %arg20[%get3A_770] {strides = array<i32>} : memref<304xf32, #tpu.memory_space<vmem>>, vector<16xf32>,
          %max3A_772 = arith.maximumf %get3A_771, %gather3A_573 : vector<16xf32>
          %sub3A_773 = arith.subf %min3A_769, %max3A_772 : vector<16xf32>
          %add3A_774 = arith.constant 1.000000e+00 : f32
          %add3A_775 = vector.broadcast %add3A_774 : f32 to vector<16xf32>
          %add3A_776 = arith.addf %sub3A_773, %add3A_775 : vector<16xf32>
          %max3A_777 = arith.constant 0.000000e+00 : f32
          %max3A_778 = vector.broadcast %max3A_777 : f32 to vector<16xf32>
          %max3A_779 = arith.maximumf %add3A_776, %max3A_778 : vector<16xf32>
          %mul3A_780 = arith.mulf %max3A_766, %max3A_779 : vector<16xf32>
          %get3A_781 = arith.constant 64 : index
          %get3A_782 = tpu.vector_load %arg23[%get3A_781] {strides = array<i32>} : memref<304xf32, #tpu.memory_space<vmem>>, vector<16xf32>,
          %add3A_783 = arith.addf %gather3A_579, %get3A_782 : vector<16xf32>
          %sub3A_784 = arith.subf %add3A_783, %mul3A_780 : vector<16xf32>
          %div3A_785 = arith.divf %mul3A_780, %sub3A_784 : vector<16xf32>
          %gt3A_786 = arith.constant 5.000000e-01 : f32
          %gt3A_787 = vector.broadcast %gt3A_786 : f32 to vector<16xf32>
          %gt3A_788 = arith.cmpf ogt, %div3A_785, %gt3A_787 : vector<16xf32>
          %and3A_789 = vector.broadcast %gt3A_569 : i1 to vector<16xi1>
          %and3A_790 = arith.andi %and3A_789, %gt3A_788 : vector<16xi1>
          %eq3A_791 = vector.broadcast %reduce_min3A_568 : i32 to vector<16xi32>
          %eq3A_792 = arith.cmpi eq, %add3A_323, %eq3A_791 : vector<16xi32>
          %or3A_793 = arith.ori %and3A_790, %eq3A_792 : vector<16xi1>
          %jit3A_794 = arith.constant -3.000000e+38 : f32
          %broadcast_in_dim3A_795 = vector.broadcast %jit3A_794 : f32 to vector<16xf32>
          %select_n3A_796 = arith.select %or3A_793, %broadcast_in_dim3A_795, %while3A_412 : vector<16xi1>, vector<16xf32>
          %get3A_797 = arith.constant 80 : index
          %get3A_798 = tpu.vector_load %arg21[%get3A_797] {strides = array<i32>} : memref<304xf32, #tpu.memory_space<vmem>>, vector<16xf32>,
          %min3A_799 = arith.minimumf %get3A_798, %gather3A_575 : vector<16xf32>
          %get3A_800 = arith.constant 80 : index
          %get3A_801 = tpu.vector_load %arg19[%get3A_800] {strides = array<i32>} : memref<304xf32, #tpu.memory_space<vmem>>, vector<16xf32>,
          %max3A_802 = arith.maximumf %get3A_801, %gather3A_571 : vector<16xf32>
          %sub3A_803 = arith.subf %min3A_799, %max3A_802 : vector<16xf32>
          %add3A_804 = arith.constant 1.000000e+00 : f32
          %add3A_805 = vector.broadcast %add3A_804 : f32 to vector<16xf32>
          %add3A_806 = arith.addf %sub3A_803, %add3A_805 : vector<16xf32>
          %max3A_807 = arith.constant 0.000000e+00 : f32
          %max3A_808 = vector.broadcast %max3A_807 : f32 to vector<16xf32>
          %max3A_809 = arith.maximumf %add3A_806, %max3A_808 : vector<16xf32>
          %get3A_810 = arith.constant 80 : index
          %get3A_811 = tpu.vector_load %arg22[%get3A_810] {strides = array<i32>} : memref<304xf32, #tpu.memory_space<vmem>>, vector<16xf32>,
          %min3A_812 = arith.minimumf %get3A_811, %gather3A_577 : vector<16xf32>
          %get3A_813 = arith.constant 80 : index
          %get3A_814 = tpu.vector_load %arg20[%get3A_813] {strides = array<i32>} : memref<304xf32, #tpu.memory_space<vmem>>, vector<16xf32>,
          %max3A_815 = arith.maximumf %get3A_814, %gather3A_573 : vector<16xf32>
          %sub3A_816 = arith.subf %min3A_812, %max3A_815 : vector<16xf32>
          %add3A_817 = arith.constant 1.000000e+00 : f32
          %add3A_818 = vector.broadcast %add3A_817 : f32 to vector<16xf32>
          %add3A_819 = arith.addf %sub3A_816, %add3A_818 : vector<16xf32>
          %max3A_820 = arith.constant 0.000000e+00 : f32
          %max3A_821 = vector.broadcast %max3A_820 : f32 to vector<16xf32>
          %max3A_822 = arith.maximumf %add3A_819, %max3A_821 : vector<16xf32>
          %mul3A_823 = arith.mulf %max3A_809, %max3A_822 : vector<16xf32>
          %get3A_824 = arith.constant 80 : index
          %get3A_825 = tpu.vector_load %arg23[%get3A_824] {strides = array<i32>} : memref<304xf32, #tpu.memory_space<vmem>>, vector<16xf32>,
          %add3A_826 = arith.addf %gather3A_579, %get3A_825 : vector<16xf32>
          %sub3A_827 = arith.subf %add3A_826, %mul3A_823 : vector<16xf32>
          %div3A_828 = arith.divf %mul3A_823, %sub3A_827 : vector<16xf32>
          %gt3A_829 = arith.constant 5.000000e-01 : f32
          %gt3A_830 = vector.broadcast %gt3A_829 : f32 to vector<16xf32>
          %gt3A_831 = arith.cmpf ogt, %div3A_828, %gt3A_830 : vector<16xf32>
          %and3A_832 = vector.broadcast %gt3A_569 : i1 to vector<16xi1>
          %and3A_833 = arith.andi %and3A_832, %gt3A_831 : vector<16xi1>
          %eq3A_834 = vector.broadcast %reduce_min3A_568 : i32 to vector<16xi32>
          %eq3A_835 = arith.cmpi eq, %add3A_326, %eq3A_834 : vector<16xi32>
          %or3A_836 = arith.ori %and3A_833, %eq3A_835 : vector<16xi1>
          %jit3A_837 = arith.constant -3.000000e+38 : f32
          %broadcast_in_dim3A_838 = vector.broadcast %jit3A_837 : f32 to vector<16xf32>
          %select_n3A_839 = arith.select %or3A_836, %broadcast_in_dim3A_838, %while3A_413 : vector<16xi1>, vector<16xf32>
          %get3A_840 = arith.constant 96 : index
          %get3A_841 = tpu.vector_load %arg21[%get3A_840] {strides = array<i32>} : memref<304xf32, #tpu.memory_space<vmem>>, vector<16xf32>,
          %min3A_842 = arith.minimumf %get3A_841, %gather3A_575 : vector<16xf32>
          %get3A_843 = arith.constant 96 : index
          %get3A_844 = tpu.vector_load %arg19[%get3A_843] {strides = array<i32>} : memref<304xf32, #tpu.memory_space<vmem>>, vector<16xf32>,
          %max3A_845 = arith.maximumf %get3A_844, %gather3A_571 : vector<16xf32>
          %sub3A_846 = arith.subf %min3A_842, %max3A_845 : vector<16xf32>
          %add3A_847 = arith.constant 1.000000e+00 : f32
          %add3A_848 = vector.broadcast %add3A_847 : f32 to vector<16xf32>
          %add3A_849 = arith.addf %sub3A_846, %add3A_848 : vector<16xf32>
          %max3A_850 = arith.constant 0.000000e+00 : f32
          %max3A_851 = vector.broadcast %max3A_850 : f32 to vector<16xf32>
          %max3A_852 = arith.maximumf %add3A_849, %max3A_851 : vector<16xf32>
          %get3A_853 = arith.constant 96 : index
          %get3A_854 = tpu.vector_load %arg22[%get3A_853] {strides = array<i32>} : memref<304xf32, #tpu.memory_space<vmem>>, vector<16xf32>,
          %min3A_855 = arith.minimumf %get3A_854, %gather3A_577 : vector<16xf32>
          %get3A_856 = arith.constant 96 : index
          %get3A_857 = tpu.vector_load %arg20[%get3A_856] {strides = array<i32>} : memref<304xf32, #tpu.memory_space<vmem>>, vector<16xf32>,
          %max3A_858 = arith.maximumf %get3A_857, %gather3A_573 : vector<16xf32>
          %sub3A_859 = arith.subf %min3A_855, %max3A_858 : vector<16xf32>
          %add3A_860 = arith.constant 1.000000e+00 : f32
          %add3A_861 = vector.broadcast %add3A_860 : f32 to vector<16xf32>
          %add3A_862 = arith.addf %sub3A_859, %add3A_861 : vector<16xf32>
          %max3A_863 = arith.constant 0.000000e+00 : f32
          %max3A_864 = vector.broadcast %max3A_863 : f32 to vector<16xf32>
          %max3A_865 = arith.maximumf %add3A_862, %max3A_864 : vector<16xf32>
          %mul3A_866 = arith.mulf %max3A_852, %max3A_865 : vector<16xf32>
          %get3A_867 = arith.constant 96 : index
          %get3A_868 = tpu.vector_load %arg23[%get3A_867] {strides = array<i32>} : memref<304xf32, #tpu.memory_space<vmem>>, vector<16xf32>,
          %add3A_869 = arith.addf %gather3A_579, %get3A_868 : vector<16xf32>
          %sub3A_870 = arith.subf %add3A_869, %mul3A_866 : vector<16xf32>
          %div3A_871 = arith.divf %mul3A_866, %sub3A_870 : vector<16xf32>
          %gt3A_872 = arith.constant 5.000000e-01 : f32
          %gt3A_873 = vector.broadcast %gt3A_872 : f32 to vector<16xf32>
          %gt3A_874 = arith.cmpf ogt, %div3A_871, %gt3A_873 : vector<16xf32>
          %and3A_875 = vector.broadcast %gt3A_569 : i1 to vector<16xi1>
          %and3A_876 = arith.andi %and3A_875, %gt3A_874 : vector<16xi1>
          %eq3A_877 = vector.broadcast %reduce_min3A_568 : i32 to vector<16xi32>
          %eq3A_878 = arith.cmpi eq, %add3A_329, %eq3A_877 : vector<16xi32>
          %or3A_879 = arith.ori %and3A_876, %eq3A_878 : vector<16xi1>
          %jit3A_880 = arith.constant -3.000000e+38 : f32
          %broadcast_in_dim3A_881 = vector.broadcast %jit3A_880 : f32 to vector<16xf32>
          %select_n3A_882 = arith.select %or3A_879, %broadcast_in_dim3A_881, %while3A_414 : vector<16xi1>, vector<16xf32>
          %get3A_883 = arith.constant 112 : index
          %get3A_884 = tpu.vector_load %arg21[%get3A_883] {strides = array<i32>} : memref<304xf32, #tpu.memory_space<vmem>>, vector<16xf32>,
          %min3A_885 = arith.minimumf %get3A_884, %gather3A_575 : vector<16xf32>
          %get3A_886 = arith.constant 112 : index
          %get3A_887 = tpu.vector_load %arg19[%get3A_886] {strides = array<i32>} : memref<304xf32, #tpu.memory_space<vmem>>, vector<16xf32>,
          %max3A_888 = arith.maximumf %get3A_887, %gather3A_571 : vector<16xf32>
          %sub3A_889 = arith.subf %min3A_885, %max3A_888 : vector<16xf32>
          %add3A_890 = arith.constant 1.000000e+00 : f32
          %add3A_891 = vector.broadcast %add3A_890 : f32 to vector<16xf32>
          %add3A_892 = arith.addf %sub3A_889, %add3A_891 : vector<16xf32>
          %max3A_893 = arith.constant 0.000000e+00 : f32
          %max3A_894 = vector.broadcast %max3A_893 : f32 to vector<16xf32>
          %max3A_895 = arith.maximumf %add3A_892, %max3A_894 : vector<16xf32>
          %get3A_896 = arith.constant 112 : index
          %get3A_897 = tpu.vector_load %arg22[%get3A_896] {strides = array<i32>} : memref<304xf32, #tpu.memory_space<vmem>>, vector<16xf32>,
          %min3A_898 = arith.minimumf %get3A_897, %gather3A_577 : vector<16xf32>
          %get3A_899 = arith.constant 112 : index
          %get3A_900 = tpu.vector_load %arg20[%get3A_899] {strides = array<i32>} : memref<304xf32, #tpu.memory_space<vmem>>, vector<16xf32>,
          %max3A_901 = arith.maximumf %get3A_900, %gather3A_573 : vector<16xf32>
          %sub3A_902 = arith.subf %min3A_898, %max3A_901 : vector<16xf32>
          %add3A_903 = arith.constant 1.000000e+00 : f32
          %add3A_904 = vector.broadcast %add3A_903 : f32 to vector<16xf32>
          %add3A_905 = arith.addf %sub3A_902, %add3A_904 : vector<16xf32>
          %max3A_906 = arith.constant 0.000000e+00 : f32
          %max3A_907 = vector.broadcast %max3A_906 : f32 to vector<16xf32>
          %max3A_908 = arith.maximumf %add3A_905, %max3A_907 : vector<16xf32>
          %mul3A_909 = arith.mulf %max3A_895, %max3A_908 : vector<16xf32>
          %get3A_910 = arith.constant 112 : index
          %get3A_911 = tpu.vector_load %arg23[%get3A_910] {strides = array<i32>} : memref<304xf32, #tpu.memory_space<vmem>>, vector<16xf32>,
          %add3A_912 = arith.addf %gather3A_579, %get3A_911 : vector<16xf32>
          %sub3A_913 = arith.subf %add3A_912, %mul3A_909 : vector<16xf32>
          %div3A_914 = arith.divf %mul3A_909, %sub3A_913 : vector<16xf32>
          %gt3A_915 = arith.constant 5.000000e-01 : f32
          %gt3A_916 = vector.broadcast %gt3A_915 : f32 to vector<16xf32>
          %gt3A_917 = arith.cmpf ogt, %div3A_914, %gt3A_916 : vector<16xf32>
          %and3A_918 = vector.broadcast %gt3A_569 : i1 to vector<16xi1>
          %and3A_919 = arith.andi %and3A_918, %gt3A_917 : vector<16xi1>
          %eq3A_920 = vector.broadcast %reduce_min3A_568 : i32 to vector<16xi32>
          %eq3A_921 = arith.cmpi eq, %add3A_332, %eq3A_920 : vector<16xi32>
          %or3A_922 = arith.ori %and3A_919, %eq3A_921 : vector<16xi1>
          %jit3A_923 = arith.constant -3.000000e+38 : f32
          %broadcast_in_dim3A_924 = vector.broadcast %jit3A_923 : f32 to vector<16xf32>
          %select_n3A_925 = arith.select %or3A_922, %broadcast_in_dim3A_924, %while3A_415 : vector<16xi1>, vector<16xf32>
          %get3A_926 = arith.constant 128 : index
          %get3A_927 = tpu.vector_load %arg21[%get3A_926] {strides = array<i32>} : memref<304xf32, #tpu.memory_space<vmem>>, vector<16xf32>,
          %min3A_928 = arith.minimumf %get3A_927, %gather3A_575 : vector<16xf32>
          %get3A_929 = arith.constant 128 : index
          %get3A_930 = tpu.vector_load %arg19[%get3A_929] {strides = array<i32>} : memref<304xf32, #tpu.memory_space<vmem>>, vector<16xf32>,
          %max3A_931 = arith.maximumf %get3A_930, %gather3A_571 : vector<16xf32>
          %sub3A_932 = arith.subf %min3A_928, %max3A_931 : vector<16xf32>
          %add3A_933 = arith.constant 1.000000e+00 : f32
          %add3A_934 = vector.broadcast %add3A_933 : f32 to vector<16xf32>
          %add3A_935 = arith.addf %sub3A_932, %add3A_934 : vector<16xf32>
          %max3A_936 = arith.constant 0.000000e+00 : f32
          %max3A_937 = vector.broadcast %max3A_936 : f32 to vector<16xf32>
          %max3A_938 = arith.maximumf %add3A_935, %max3A_937 : vector<16xf32>
          %get3A_939 = arith.constant 128 : index
          %get3A_940 = tpu.vector_load %arg22[%get3A_939] {strides = array<i32>} : memref<304xf32, #tpu.memory_space<vmem>>, vector<16xf32>,
          %min3A_941 = arith.minimumf %get3A_940, %gather3A_577 : vector<16xf32>
          %get3A_942 = arith.constant 128 : index
          %get3A_943 = tpu.vector_load %arg20[%get3A_942] {strides = array<i32>} : memref<304xf32, #tpu.memory_space<vmem>>, vector<16xf32>,
          %max3A_944 = arith.maximumf %get3A_943, %gather3A_573 : vector<16xf32>
          %sub3A_945 = arith.subf %min3A_941, %max3A_944 : vector<16xf32>
          %add3A_946 = arith.constant 1.000000e+00 : f32
          %add3A_947 = vector.broadcast %add3A_946 : f32 to vector<16xf32>
          %add3A_948 = arith.addf %sub3A_945, %add3A_947 : vector<16xf32>
          %max3A_949 = arith.constant 0.000000e+00 : f32
          %max3A_950 = vector.broadcast %max3A_949 : f32 to vector<16xf32>
          %max3A_951 = arith.maximumf %add3A_948, %max3A_950 : vector<16xf32>
          %mul3A_952 = arith.mulf %max3A_938, %max3A_951 : vector<16xf32>
          %get3A_953 = arith.constant 128 : index
          %get3A_954 = tpu.vector_load %arg23[%get3A_953] {strides = array<i32>} : memref<304xf32, #tpu.memory_space<vmem>>, vector<16xf32>,
          %add3A_955 = arith.addf %gather3A_579, %get3A_954 : vector<16xf32>
          %sub3A_956 = arith.subf %add3A_955, %mul3A_952 : vector<16xf32>
          %div3A_957 = arith.divf %mul3A_952, %sub3A_956 : vector<16xf32>
          %gt3A_958 = arith.constant 5.000000e-01 : f32
          %gt3A_959 = vector.broadcast %gt3A_958 : f32 to vector<16xf32>
          %gt3A_960 = arith.cmpf ogt, %div3A_957, %gt3A_959 : vector<16xf32>
          %and3A_961 = vector.broadcast %gt3A_569 : i1 to vector<16xi1>
          %and3A_962 = arith.andi %and3A_961, %gt3A_960 : vector<16xi1>
          %eq3A_963 = vector.broadcast %reduce_min3A_568 : i32 to vector<16xi32>
          %eq3A_964 = arith.cmpi eq, %add3A_335, %eq3A_963 : vector<16xi32>
          %or3A_965 = arith.ori %and3A_962, %eq3A_964 : vector<16xi1>
          %jit3A_966 = arith.constant -3.000000e+38 : f32
          %broadcast_in_dim3A_967 = vector.broadcast %jit3A_966 : f32 to vector<16xf32>
          %select_n3A_968 = arith.select %or3A_965, %broadcast_in_dim3A_967, %while3A_416 : vector<16xi1>, vector<16xf32>
          %get3A_969 = arith.constant 144 : index
          %get3A_970 = tpu.vector_load %arg21[%get3A_969] {strides = array<i32>} : memref<304xf32, #tpu.memory_space<vmem>>, vector<16xf32>,
          %min3A_971 = arith.minimumf %get3A_970, %gather3A_575 : vector<16xf32>
          %get3A_972 = arith.constant 144 : index
          %get3A_973 = tpu.vector_load %arg19[%get3A_972] {strides = array<i32>} : memref<304xf32, #tpu.memory_space<vmem>>, vector<16xf32>,
          %max3A_974 = arith.maximumf %get3A_973, %gather3A_571 : vector<16xf32>
          %sub3A_975 = arith.subf %min3A_971, %max3A_974 : vector<16xf32>
          %add3A_976 = arith.constant 1.000000e+00 : f32
          %add3A_977 = vector.broadcast %add3A_976 : f32 to vector<16xf32>
          %add3A_978 = arith.addf %sub3A_975, %add3A_977 : vector<16xf32>
          %max3A_979 = arith.constant 0.000000e+00 : f32
          %max3A_980 = vector.broadcast %max3A_979 : f32 to vector<16xf32>
          %max3A_981 = arith.maximumf %add3A_978, %max3A_980 : vector<16xf32>
          %get3A_982 = arith.constant 144 : index
          %get3A_983 = tpu.vector_load %arg22[%get3A_982] {strides = array<i32>} : memref<304xf32, #tpu.memory_space<vmem>>, vector<16xf32>,
          %min3A_984 = arith.minimumf %get3A_983, %gather3A_577 : vector<16xf32>
          %get3A_985 = arith.constant 144 : index
          %get3A_986 = tpu.vector_load %arg20[%get3A_985] {strides = array<i32>} : memref<304xf32, #tpu.memory_space<vmem>>, vector<16xf32>,
          %max3A_987 = arith.maximumf %get3A_986, %gather3A_573 : vector<16xf32>
          %sub3A_988 = arith.subf %min3A_984, %max3A_987 : vector<16xf32>
          %add3A_989 = arith.constant 1.000000e+00 : f32
          %add3A_990 = vector.broadcast %add3A_989 : f32 to vector<16xf32>
          %add3A_991 = arith.addf %sub3A_988, %add3A_990 : vector<16xf32>
          %max3A_992 = arith.constant 0.000000e+00 : f32
          %max3A_993 = vector.broadcast %max3A_992 : f32 to vector<16xf32>
          %max3A_994 = arith.maximumf %add3A_991, %max3A_993 : vector<16xf32>
          %mul3A_995 = arith.mulf %max3A_981, %max3A_994 : vector<16xf32>
          %get3A_996 = arith.constant 144 : index
          %get3A_997 = tpu.vector_load %arg23[%get3A_996] {strides = array<i32>} : memref<304xf32, #tpu.memory_space<vmem>>, vector<16xf32>,
          %add3A_998 = arith.addf %gather3A_579, %get3A_997 : vector<16xf32>
          %sub3A_999 = arith.subf %add3A_998, %mul3A_995 : vector<16xf32>
          %div3A_1000 = arith.divf %mul3A_995, %sub3A_999 : vector<16xf32>
          %gt3A_1001 = arith.constant 5.000000e-01 : f32
          %gt3A_1002 = vector.broadcast %gt3A_1001 : f32 to vector<16xf32>
          %gt3A_1003 = arith.cmpf ogt, %div3A_1000, %gt3A_1002 : vector<16xf32>
          %and3A_1004 = vector.broadcast %gt3A_569 : i1 to vector<16xi1>
          %and3A_1005 = arith.andi %and3A_1004, %gt3A_1003 : vector<16xi1>
          %eq3A_1006 = vector.broadcast %reduce_min3A_568 : i32 to vector<16xi32>
          %eq3A_1007 = arith.cmpi eq, %add3A_338, %eq3A_1006 : vector<16xi32>
          %or3A_1008 = arith.ori %and3A_1005, %eq3A_1007 : vector<16xi1>
          %jit3A_1009 = arith.constant -3.000000e+38 : f32
          %broadcast_in_dim3A_1010 = vector.broadcast %jit3A_1009 : f32 to vector<16xf32>
          %select_n3A_1011 = arith.select %or3A_1008, %broadcast_in_dim3A_1010, %while3A_417 : vector<16xi1>, vector<16xf32>
          %get3A_1012 = arith.constant 160 : index
          %get3A_1013 = tpu.vector_load %arg21[%get3A_1012] {strides = array<i32>} : memref<304xf32, #tpu.memory_space<vmem>>, vector<16xf32>,
          %min3A_1014 = arith.minimumf %get3A_1013, %gather3A_575 : vector<16xf32>
          %get3A_1015 = arith.constant 160 : index
          %get3A_1016 = tpu.vector_load %arg19[%get3A_1015] {strides = array<i32>} : memref<304xf32, #tpu.memory_space<vmem>>, vector<16xf32>,
          %max3A_1017 = arith.maximumf %get3A_1016, %gather3A_571 : vector<16xf32>
          %sub3A_1018 = arith.subf %min3A_1014, %max3A_1017 : vector<16xf32>
          %add3A_1019 = arith.constant 1.000000e+00 : f32
          %add3A_1020 = vector.broadcast %add3A_1019 : f32 to vector<16xf32>
          %add3A_1021 = arith.addf %sub3A_1018, %add3A_1020 : vector<16xf32>
          %max3A_1022 = arith.constant 0.000000e+00 : f32
          %max3A_1023 = vector.broadcast %max3A_1022 : f32 to vector<16xf32>
          %max3A_1024 = arith.maximumf %add3A_1021, %max3A_1023 : vector<16xf32>
          %get3A_1025 = arith.constant 160 : index
          %get3A_1026 = tpu.vector_load %arg22[%get3A_1025] {strides = array<i32>} : memref<304xf32, #tpu.memory_space<vmem>>, vector<16xf32>,
          %min3A_1027 = arith.minimumf %get3A_1026, %gather3A_577 : vector<16xf32>
          %get3A_1028 = arith.constant 160 : index
          %get3A_1029 = tpu.vector_load %arg20[%get3A_1028] {strides = array<i32>} : memref<304xf32, #tpu.memory_space<vmem>>, vector<16xf32>,
          %max3A_1030 = arith.maximumf %get3A_1029, %gather3A_573 : vector<16xf32>
          %sub3A_1031 = arith.subf %min3A_1027, %max3A_1030 : vector<16xf32>
          %add3A_1032 = arith.constant 1.000000e+00 : f32
          %add3A_1033 = vector.broadcast %add3A_1032 : f32 to vector<16xf32>
          %add3A_1034 = arith.addf %sub3A_1031, %add3A_1033 : vector<16xf32>
          %max3A_1035 = arith.constant 0.000000e+00 : f32
          %max3A_1036 = vector.broadcast %max3A_1035 : f32 to vector<16xf32>
          %max3A_1037 = arith.maximumf %add3A_1034, %max3A_1036 : vector<16xf32>
          %mul3A_1038 = arith.mulf %max3A_1024, %max3A_1037 : vector<16xf32>
          %get3A_1039 = arith.constant 160 : index
          %get3A_1040 = tpu.vector_load %arg23[%get3A_1039] {strides = array<i32>} : memref<304xf32, #tpu.memory_space<vmem>>, vector<16xf32>,
          %add3A_1041 = arith.addf %gather3A_579, %get3A_1040 : vector<16xf32>
          %sub3A_1042 = arith.subf %add3A_1041, %mul3A_1038 : vector<16xf32>
          %div3A_1043 = arith.divf %mul3A_1038, %sub3A_1042 : vector<16xf32>
          %gt3A_1044 = arith.constant 5.000000e-01 : f32
          %gt3A_1045 = vector.broadcast %gt3A_1044 : f32 to vector<16xf32>
          %gt3A_1046 = arith.cmpf ogt, %div3A_1043, %gt3A_1045 : vector<16xf32>
          %and3A_1047 = vector.broadcast %gt3A_569 : i1 to vector<16xi1>
          %and3A_1048 = arith.andi %and3A_1047, %gt3A_1046 : vector<16xi1>
          %eq3A_1049 = vector.broadcast %reduce_min3A_568 : i32 to vector<16xi32>
          %eq3A_1050 = arith.cmpi eq, %add3A_341, %eq3A_1049 : vector<16xi32>
          %or3A_1051 = arith.ori %and3A_1048, %eq3A_1050 : vector<16xi1>
          %jit3A_1052 = arith.constant -3.000000e+38 : f32
          %broadcast_in_dim3A_1053 = vector.broadcast %jit3A_1052 : f32 to vector<16xf32>
          %select_n3A_1054 = arith.select %or3A_1051, %broadcast_in_dim3A_1053, %while3A_418 : vector<16xi1>, vector<16xf32>
          %get3A_1055 = arith.constant 176 : index
          %get3A_1056 = tpu.vector_load %arg21[%get3A_1055] {strides = array<i32>} : memref<304xf32, #tpu.memory_space<vmem>>, vector<16xf32>,
          %min3A_1057 = arith.minimumf %get3A_1056, %gather3A_575 : vector<16xf32>
          %get3A_1058 = arith.constant 176 : index
          %get3A_1059 = tpu.vector_load %arg19[%get3A_1058] {strides = array<i32>} : memref<304xf32, #tpu.memory_space<vmem>>, vector<16xf32>,
          %max3A_1060 = arith.maximumf %get3A_1059, %gather3A_571 : vector<16xf32>
          %sub3A_1061 = arith.subf %min3A_1057, %max3A_1060 : vector<16xf32>
          %add3A_1062 = arith.constant 1.000000e+00 : f32
          %add3A_1063 = vector.broadcast %add3A_1062 : f32 to vector<16xf32>
          %add3A_1064 = arith.addf %sub3A_1061, %add3A_1063 : vector<16xf32>
          %max3A_1065 = arith.constant 0.000000e+00 : f32
          %max3A_1066 = vector.broadcast %max3A_1065 : f32 to vector<16xf32>
          %max3A_1067 = arith.maximumf %add3A_1064, %max3A_1066 : vector<16xf32>
          %get3A_1068 = arith.constant 176 : index
          %get3A_1069 = tpu.vector_load %arg22[%get3A_1068] {strides = array<i32>} : memref<304xf32, #tpu.memory_space<vmem>>, vector<16xf32>,
          %min3A_1070 = arith.minimumf %get3A_1069, %gather3A_577 : vector<16xf32>
          %get3A_1071 = arith.constant 176 : index
          %get3A_1072 = tpu.vector_load %arg20[%get3A_1071] {strides = array<i32>} : memref<304xf32, #tpu.memory_space<vmem>>, vector<16xf32>,
          %max3A_1073 = arith.maximumf %get3A_1072, %gather3A_573 : vector<16xf32>
          %sub3A_1074 = arith.subf %min3A_1070, %max3A_1073 : vector<16xf32>
          %add3A_1075 = arith.constant 1.000000e+00 : f32
          %add3A_1076 = vector.broadcast %add3A_1075 : f32 to vector<16xf32>
          %add3A_1077 = arith.addf %sub3A_1074, %add3A_1076 : vector<16xf32>
          %max3A_1078 = arith.constant 0.000000e+00 : f32
          %max3A_1079 = vector.broadcast %max3A_1078 : f32 to vector<16xf32>
          %max3A_1080 = arith.maximumf %add3A_1077, %max3A_1079 : vector<16xf32>
          %mul3A_1081 = arith.mulf %max3A_1067, %max3A_1080 : vector<16xf32>
          %get3A_1082 = arith.constant 176 : index
          %get3A_1083 = tpu.vector_load %arg23[%get3A_1082] {strides = array<i32>} : memref<304xf32, #tpu.memory_space<vmem>>, vector<16xf32>,
          %add3A_1084 = arith.addf %gather3A_579, %get3A_1083 : vector<16xf32>
          %sub3A_1085 = arith.subf %add3A_1084, %mul3A_1081 : vector<16xf32>
          %div3A_1086 = arith.divf %mul3A_1081, %sub3A_1085 : vector<16xf32>
          %gt3A_1087 = arith.constant 5.000000e-01 : f32
          %gt3A_1088 = vector.broadcast %gt3A_1087 : f32 to vector<16xf32>
          %gt3A_1089 = arith.cmpf ogt, %div3A_1086, %gt3A_1088 : vector<16xf32>
          %and3A_1090 = vector.broadcast %gt3A_569 : i1 to vector<16xi1>
          %and3A_1091 = arith.andi %and3A_1090, %gt3A_1089 : vector<16xi1>
          %eq3A_1092 = vector.broadcast %reduce_min3A_568 : i32 to vector<16xi32>
          %eq3A_1093 = arith.cmpi eq, %add3A_344, %eq3A_1092 : vector<16xi32>
          %or3A_1094 = arith.ori %and3A_1091, %eq3A_1093 : vector<16xi1>
          %jit3A_1095 = arith.constant -3.000000e+38 : f32
          %broadcast_in_dim3A_1096 = vector.broadcast %jit3A_1095 : f32 to vector<16xf32>
          %select_n3A_1097 = arith.select %or3A_1094, %broadcast_in_dim3A_1096, %while3A_419 : vector<16xi1>, vector<16xf32>
          %get3A_1098 = arith.constant 192 : index
          %get3A_1099 = tpu.vector_load %arg21[%get3A_1098] {strides = array<i32>} : memref<304xf32, #tpu.memory_space<vmem>>, vector<16xf32>,
          %min3A_1100 = arith.minimumf %get3A_1099, %gather3A_575 : vector<16xf32>
          %get3A_1101 = arith.constant 192 : index
          %get3A_1102 = tpu.vector_load %arg19[%get3A_1101] {strides = array<i32>} : memref<304xf32, #tpu.memory_space<vmem>>, vector<16xf32>,
          %max3A_1103 = arith.maximumf %get3A_1102, %gather3A_571 : vector<16xf32>
          %sub3A_1104 = arith.subf %min3A_1100, %max3A_1103 : vector<16xf32>
          %add3A_1105 = arith.constant 1.000000e+00 : f32
          %add3A_1106 = vector.broadcast %add3A_1105 : f32 to vector<16xf32>
          %add3A_1107 = arith.addf %sub3A_1104, %add3A_1106 : vector<16xf32>
          %max3A_1108 = arith.constant 0.000000e+00 : f32
          %max3A_1109 = vector.broadcast %max3A_1108 : f32 to vector<16xf32>
          %max3A_1110 = arith.maximumf %add3A_1107, %max3A_1109 : vector<16xf32>
          %get3A_1111 = arith.constant 192 : index
          %get3A_1112 = tpu.vector_load %arg22[%get3A_1111] {strides = array<i32>} : memref<304xf32, #tpu.memory_space<vmem>>, vector<16xf32>,
          %min3A_1113 = arith.minimumf %get3A_1112, %gather3A_577 : vector<16xf32>
          %get3A_1114 = arith.constant 192 : index
          %get3A_1115 = tpu.vector_load %arg20[%get3A_1114] {strides = array<i32>} : memref<304xf32, #tpu.memory_space<vmem>>, vector<16xf32>,
          %max3A_1116 = arith.maximumf %get3A_1115, %gather3A_573 : vector<16xf32>
          %sub3A_1117 = arith.subf %min3A_1113, %max3A_1116 : vector<16xf32>
          %add3A_1118 = arith.constant 1.000000e+00 : f32
          %add3A_1119 = vector.broadcast %add3A_1118 : f32 to vector<16xf32>
          %add3A_1120 = arith.addf %sub3A_1117, %add3A_1119 : vector<16xf32>
          %max3A_1121 = arith.constant 0.000000e+00 : f32
          %max3A_1122 = vector.broadcast %max3A_1121 : f32 to vector<16xf32>
          %max3A_1123 = arith.maximumf %add3A_1120, %max3A_1122 : vector<16xf32>
          %mul3A_1124 = arith.mulf %max3A_1110, %max3A_1123 : vector<16xf32>
          %get3A_1125 = arith.constant 192 : index
          %get3A_1126 = tpu.vector_load %arg23[%get3A_1125] {strides = array<i32>} : memref<304xf32, #tpu.memory_space<vmem>>, vector<16xf32>,
          %add3A_1127 = arith.addf %gather3A_579, %get3A_1126 : vector<16xf32>
          %sub3A_1128 = arith.subf %add3A_1127, %mul3A_1124 : vector<16xf32>
          %div3A_1129 = arith.divf %mul3A_1124, %sub3A_1128 : vector<16xf32>
          %gt3A_1130 = arith.constant 5.000000e-01 : f32
          %gt3A_1131 = vector.broadcast %gt3A_1130 : f32 to vector<16xf32>
          %gt3A_1132 = arith.cmpf ogt, %div3A_1129, %gt3A_1131 : vector<16xf32>
          %and3A_1133 = vector.broadcast %gt3A_569 : i1 to vector<16xi1>
          %and3A_1134 = arith.andi %and3A_1133, %gt3A_1132 : vector<16xi1>
          %eq3A_1135 = vector.broadcast %reduce_min3A_568 : i32 to vector<16xi32>
          %eq3A_1136 = arith.cmpi eq, %add3A_347, %eq3A_1135 : vector<16xi32>
          %or3A_1137 = arith.ori %and3A_1134, %eq3A_1136 : vector<16xi1>
          %jit3A_1138 = arith.constant -3.000000e+38 : f32
          %broadcast_in_dim3A_1139 = vector.broadcast %jit3A_1138 : f32 to vector<16xf32>
          %select_n3A_1140 = arith.select %or3A_1137, %broadcast_in_dim3A_1139, %while3A_420 : vector<16xi1>, vector<16xf32>
          %get3A_1141 = arith.constant 208 : index
          %get3A_1142 = tpu.vector_load %arg21[%get3A_1141] {strides = array<i32>} : memref<304xf32, #tpu.memory_space<vmem>>, vector<16xf32>,
          %min3A_1143 = arith.minimumf %get3A_1142, %gather3A_575 : vector<16xf32>
          %get3A_1144 = arith.constant 208 : index
          %get3A_1145 = tpu.vector_load %arg19[%get3A_1144] {strides = array<i32>} : memref<304xf32, #tpu.memory_space<vmem>>, vector<16xf32>,
          %max3A_1146 = arith.maximumf %get3A_1145, %gather3A_571 : vector<16xf32>
          %sub3A_1147 = arith.subf %min3A_1143, %max3A_1146 : vector<16xf32>
          %add3A_1148 = arith.constant 1.000000e+00 : f32
          %add3A_1149 = vector.broadcast %add3A_1148 : f32 to vector<16xf32>
          %add3A_1150 = arith.addf %sub3A_1147, %add3A_1149 : vector<16xf32>
          %max3A_1151 = arith.constant 0.000000e+00 : f32
          %max3A_1152 = vector.broadcast %max3A_1151 : f32 to vector<16xf32>
          %max3A_1153 = arith.maximumf %add3A_1150, %max3A_1152 : vector<16xf32>
          %get3A_1154 = arith.constant 208 : index
          %get3A_1155 = tpu.vector_load %arg22[%get3A_1154] {strides = array<i32>} : memref<304xf32, #tpu.memory_space<vmem>>, vector<16xf32>,
          %min3A_1156 = arith.minimumf %get3A_1155, %gather3A_577 : vector<16xf32>
          %get3A_1157 = arith.constant 208 : index
          %get3A_1158 = tpu.vector_load %arg20[%get3A_1157] {strides = array<i32>} : memref<304xf32, #tpu.memory_space<vmem>>, vector<16xf32>,
          %max3A_1159 = arith.maximumf %get3A_1158, %gather3A_573 : vector<16xf32>
          %sub3A_1160 = arith.subf %min3A_1156, %max3A_1159 : vector<16xf32>
          %add3A_1161 = arith.constant 1.000000e+00 : f32
          %add3A_1162 = vector.broadcast %add3A_1161 : f32 to vector<16xf32>
          %add3A_1163 = arith.addf %sub3A_1160, %add3A_1162 : vector<16xf32>
          %max3A_1164 = arith.constant 0.000000e+00 : f32
          %max3A_1165 = vector.broadcast %max3A_1164 : f32 to vector<16xf32>
          %max3A_1166 = arith.maximumf %add3A_1163, %max3A_1165 : vector<16xf32>
          %mul3A_1167 = arith.mulf %max3A_1153, %max3A_1166 : vector<16xf32>
          %get3A_1168 = arith.constant 208 : index
          %get3A_1169 = tpu.vector_load %arg23[%get3A_1168] {strides = array<i32>} : memref<304xf32, #tpu.memory_space<vmem>>, vector<16xf32>,
          %add3A_1170 = arith.addf %gather3A_579, %get3A_1169 : vector<16xf32>
          %sub3A_1171 = arith.subf %add3A_1170, %mul3A_1167 : vector<16xf32>
          %div3A_1172 = arith.divf %mul3A_1167, %sub3A_1171 : vector<16xf32>
          %gt3A_1173 = arith.constant 5.000000e-01 : f32
          %gt3A_1174 = vector.broadcast %gt3A_1173 : f32 to vector<16xf32>
          %gt3A_1175 = arith.cmpf ogt, %div3A_1172, %gt3A_1174 : vector<16xf32>
          %and3A_1176 = vector.broadcast %gt3A_569 : i1 to vector<16xi1>
          %and3A_1177 = arith.andi %and3A_1176, %gt3A_1175 : vector<16xi1>
          %eq3A_1178 = vector.broadcast %reduce_min3A_568 : i32 to vector<16xi32>
          %eq3A_1179 = arith.cmpi eq, %add3A_350, %eq3A_1178 : vector<16xi32>
          %or3A_1180 = arith.ori %and3A_1177, %eq3A_1179 : vector<16xi1>
          %jit3A_1181 = arith.constant -3.000000e+38 : f32
          %broadcast_in_dim3A_1182 = vector.broadcast %jit3A_1181 : f32 to vector<16xf32>
          %select_n3A_1183 = arith.select %or3A_1180, %broadcast_in_dim3A_1182, %while3A_421 : vector<16xi1>, vector<16xf32>
          %get3A_1184 = arith.constant 224 : index
          %get3A_1185 = tpu.vector_load %arg21[%get3A_1184] {strides = array<i32>} : memref<304xf32, #tpu.memory_space<vmem>>, vector<16xf32>,
          %min3A_1186 = arith.minimumf %get3A_1185, %gather3A_575 : vector<16xf32>
          %get3A_1187 = arith.constant 224 : index
          %get3A_1188 = tpu.vector_load %arg19[%get3A_1187] {strides = array<i32>} : memref<304xf32, #tpu.memory_space<vmem>>, vector<16xf32>,
          %max3A_1189 = arith.maximumf %get3A_1188, %gather3A_571 : vector<16xf32>
          %sub3A_1190 = arith.subf %min3A_1186, %max3A_1189 : vector<16xf32>
          %add3A_1191 = arith.constant 1.000000e+00 : f32
          %add3A_1192 = vector.broadcast %add3A_1191 : f32 to vector<16xf32>
          %add3A_1193 = arith.addf %sub3A_1190, %add3A_1192 : vector<16xf32>
          %max3A_1194 = arith.constant 0.000000e+00 : f32
          %max3A_1195 = vector.broadcast %max3A_1194 : f32 to vector<16xf32>
          %max3A_1196 = arith.maximumf %add3A_1193, %max3A_1195 : vector<16xf32>
          %get3A_1197 = arith.constant 224 : index
          %get3A_1198 = tpu.vector_load %arg22[%get3A_1197] {strides = array<i32>} : memref<304xf32, #tpu.memory_space<vmem>>, vector<16xf32>,
          %min3A_1199 = arith.minimumf %get3A_1198, %gather3A_577 : vector<16xf32>
          %get3A_1200 = arith.constant 224 : index
          %get3A_1201 = tpu.vector_load %arg20[%get3A_1200] {strides = array<i32>} : memref<304xf32, #tpu.memory_space<vmem>>, vector<16xf32>,
          %max3A_1202 = arith.maximumf %get3A_1201, %gather3A_573 : vector<16xf32>
          %sub3A_1203 = arith.subf %min3A_1199, %max3A_1202 : vector<16xf32>
          %add3A_1204 = arith.constant 1.000000e+00 : f32
          %add3A_1205 = vector.broadcast %add3A_1204 : f32 to vector<16xf32>
          %add3A_1206 = arith.addf %sub3A_1203, %add3A_1205 : vector<16xf32>
          %max3A_1207 = arith.constant 0.000000e+00 : f32
          %max3A_1208 = vector.broadcast %max3A_1207 : f32 to vector<16xf32>
          %max3A_1209 = arith.maximumf %add3A_1206, %max3A_1208 : vector<16xf32>
          %mul3A_1210 = arith.mulf %max3A_1196, %max3A_1209 : vector<16xf32>
          %get3A_1211 = arith.constant 224 : index
          %get3A_1212 = tpu.vector_load %arg23[%get3A_1211] {strides = array<i32>} : memref<304xf32, #tpu.memory_space<vmem>>, vector<16xf32>,
          %add3A_1213 = arith.addf %gather3A_579, %get3A_1212 : vector<16xf32>
          %sub3A_1214 = arith.subf %add3A_1213, %mul3A_1210 : vector<16xf32>
          %div3A_1215 = arith.divf %mul3A_1210, %sub3A_1214 : vector<16xf32>
          %gt3A_1216 = arith.constant 5.000000e-01 : f32
          %gt3A_1217 = vector.broadcast %gt3A_1216 : f32 to vector<16xf32>
          %gt3A_1218 = arith.cmpf ogt, %div3A_1215, %gt3A_1217 : vector<16xf32>
          %and3A_1219 = vector.broadcast %gt3A_569 : i1 to vector<16xi1>
          %and3A_1220 = arith.andi %and3A_1219, %gt3A_1218 : vector<16xi1>
          %eq3A_1221 = vector.broadcast %reduce_min3A_568 : i32 to vector<16xi32>
          %eq3A_1222 = arith.cmpi eq, %add3A_353, %eq3A_1221 : vector<16xi32>
          %or3A_1223 = arith.ori %and3A_1220, %eq3A_1222 : vector<16xi1>
          %jit3A_1224 = arith.constant -3.000000e+38 : f32
          %broadcast_in_dim3A_1225 = vector.broadcast %jit3A_1224 : f32 to vector<16xf32>
          %select_n3A_1226 = arith.select %or3A_1223, %broadcast_in_dim3A_1225, %while3A_422 : vector<16xi1>, vector<16xf32>
          %get3A_1227 = arith.constant 240 : index
          %get3A_1228 = tpu.vector_load %arg21[%get3A_1227] {strides = array<i32>} : memref<304xf32, #tpu.memory_space<vmem>>, vector<16xf32>,
          %min3A_1229 = arith.minimumf %get3A_1228, %gather3A_575 : vector<16xf32>
          %get3A_1230 = arith.constant 240 : index
          %get3A_1231 = tpu.vector_load %arg19[%get3A_1230] {strides = array<i32>} : memref<304xf32, #tpu.memory_space<vmem>>, vector<16xf32>,
          %max3A_1232 = arith.maximumf %get3A_1231, %gather3A_571 : vector<16xf32>
          %sub3A_1233 = arith.subf %min3A_1229, %max3A_1232 : vector<16xf32>
          %add3A_1234 = arith.constant 1.000000e+00 : f32
          %add3A_1235 = vector.broadcast %add3A_1234 : f32 to vector<16xf32>
          %add3A_1236 = arith.addf %sub3A_1233, %add3A_1235 : vector<16xf32>
          %max3A_1237 = arith.constant 0.000000e+00 : f32
          %max3A_1238 = vector.broadcast %max3A_1237 : f32 to vector<16xf32>
          %max3A_1239 = arith.maximumf %add3A_1236, %max3A_1238 : vector<16xf32>
          %get3A_1240 = arith.constant 240 : index
          %get3A_1241 = tpu.vector_load %arg22[%get3A_1240] {strides = array<i32>} : memref<304xf32, #tpu.memory_space<vmem>>, vector<16xf32>,
          %min3A_1242 = arith.minimumf %get3A_1241, %gather3A_577 : vector<16xf32>
          %get3A_1243 = arith.constant 240 : index
          %get3A_1244 = tpu.vector_load %arg20[%get3A_1243] {strides = array<i32>} : memref<304xf32, #tpu.memory_space<vmem>>, vector<16xf32>,
          %max3A_1245 = arith.maximumf %get3A_1244, %gather3A_573 : vector<16xf32>
          %sub3A_1246 = arith.subf %min3A_1242, %max3A_1245 : vector<16xf32>
          %add3A_1247 = arith.constant 1.000000e+00 : f32
          %add3A_1248 = vector.broadcast %add3A_1247 : f32 to vector<16xf32>
          %add3A_1249 = arith.addf %sub3A_1246, %add3A_1248 : vector<16xf32>
          %max3A_1250 = arith.constant 0.000000e+00 : f32
          %max3A_1251 = vector.broadcast %max3A_1250 : f32 to vector<16xf32>
          %max3A_1252 = arith.maximumf %add3A_1249, %max3A_1251 : vector<16xf32>
          %mul3A_1253 = arith.mulf %max3A_1239, %max3A_1252 : vector<16xf32>
          %get3A_1254 = arith.constant 240 : index
          %get3A_1255 = tpu.vector_load %arg23[%get3A_1254] {strides = array<i32>} : memref<304xf32, #tpu.memory_space<vmem>>, vector<16xf32>,
          %add3A_1256 = arith.addf %gather3A_579, %get3A_1255 : vector<16xf32>
          %sub3A_1257 = arith.subf %add3A_1256, %mul3A_1253 : vector<16xf32>
          %div3A_1258 = arith.divf %mul3A_1253, %sub3A_1257 : vector<16xf32>
          %gt3A_1259 = arith.constant 5.000000e-01 : f32
          %gt3A_1260 = vector.broadcast %gt3A_1259 : f32 to vector<16xf32>
          %gt3A_1261 = arith.cmpf ogt, %div3A_1258, %gt3A_1260 : vector<16xf32>
          %and3A_1262 = vector.broadcast %gt3A_569 : i1 to vector<16xi1>
          %and3A_1263 = arith.andi %and3A_1262, %gt3A_1261 : vector<16xi1>
          %eq3A_1264 = vector.broadcast %reduce_min3A_568 : i32 to vector<16xi32>
          %eq3A_1265 = arith.cmpi eq, %add3A_356, %eq3A_1264 : vector<16xi32>
          %or3A_1266 = arith.ori %and3A_1263, %eq3A_1265 : vector<16xi1>
          %jit3A_1267 = arith.constant -3.000000e+38 : f32
          %broadcast_in_dim3A_1268 = vector.broadcast %jit3A_1267 : f32 to vector<16xf32>
          %select_n3A_1269 = arith.select %or3A_1266, %broadcast_in_dim3A_1268, %while3A_423 : vector<16xi1>, vector<16xf32>
          %get3A_1270 = arith.constant 256 : index
          %get3A_1271 = tpu.vector_load %arg21[%get3A_1270] {strides = array<i32>} : memref<304xf32, #tpu.memory_space<vmem>>, vector<16xf32>,
          %min3A_1272 = arith.minimumf %get3A_1271, %gather3A_575 : vector<16xf32>
          %get3A_1273 = arith.constant 256 : index
          %get3A_1274 = tpu.vector_load %arg19[%get3A_1273] {strides = array<i32>} : memref<304xf32, #tpu.memory_space<vmem>>, vector<16xf32>,
          %max3A_1275 = arith.maximumf %get3A_1274, %gather3A_571 : vector<16xf32>
          %sub3A_1276 = arith.subf %min3A_1272, %max3A_1275 : vector<16xf32>
          %add3A_1277 = arith.constant 1.000000e+00 : f32
          %add3A_1278 = vector.broadcast %add3A_1277 : f32 to vector<16xf32>
          %add3A_1279 = arith.addf %sub3A_1276, %add3A_1278 : vector<16xf32>
          %max3A_1280 = arith.constant 0.000000e+00 : f32
          %max3A_1281 = vector.broadcast %max3A_1280 : f32 to vector<16xf32>
          %max3A_1282 = arith.maximumf %add3A_1279, %max3A_1281 : vector<16xf32>
          %get3A_1283 = arith.constant 256 : index
          %get3A_1284 = tpu.vector_load %arg22[%get3A_1283] {strides = array<i32>} : memref<304xf32, #tpu.memory_space<vmem>>, vector<16xf32>,
          %min3A_1285 = arith.minimumf %get3A_1284, %gather3A_577 : vector<16xf32>
          %get3A_1286 = arith.constant 256 : index
          %get3A_1287 = tpu.vector_load %arg20[%get3A_1286] {strides = array<i32>} : memref<304xf32, #tpu.memory_space<vmem>>, vector<16xf32>,
          %max3A_1288 = arith.maximumf %get3A_1287, %gather3A_573 : vector<16xf32>
          %sub3A_1289 = arith.subf %min3A_1285, %max3A_1288 : vector<16xf32>
          %add3A_1290 = arith.constant 1.000000e+00 : f32
          %add3A_1291 = vector.broadcast %add3A_1290 : f32 to vector<16xf32>
          %add3A_1292 = arith.addf %sub3A_1289, %add3A_1291 : vector<16xf32>
          %max3A_1293 = arith.constant 0.000000e+00 : f32
          %max3A_1294 = vector.broadcast %max3A_1293 : f32 to vector<16xf32>
          %max3A_1295 = arith.maximumf %add3A_1292, %max3A_1294 : vector<16xf32>
          %mul3A_1296 = arith.mulf %max3A_1282, %max3A_1295 : vector<16xf32>
          %get3A_1297 = arith.constant 256 : index
          %get3A_1298 = tpu.vector_load %arg23[%get3A_1297] {strides = array<i32>} : memref<304xf32, #tpu.memory_space<vmem>>, vector<16xf32>,
          %add3A_1299 = arith.addf %gather3A_579, %get3A_1298 : vector<16xf32>
          %sub3A_1300 = arith.subf %add3A_1299, %mul3A_1296 : vector<16xf32>
          %div3A_1301 = arith.divf %mul3A_1296, %sub3A_1300 : vector<16xf32>
          %gt3A_1302 = arith.constant 5.000000e-01 : f32
          %gt3A_1303 = vector.broadcast %gt3A_1302 : f32 to vector<16xf32>
          %gt3A_1304 = arith.cmpf ogt, %div3A_1301, %gt3A_1303 : vector<16xf32>
          %and3A_1305 = vector.broadcast %gt3A_569 : i1 to vector<16xi1>
          %and3A_1306 = arith.andi %and3A_1305, %gt3A_1304 : vector<16xi1>
          %eq3A_1307 = vector.broadcast %reduce_min3A_568 : i32 to vector<16xi32>
          %eq3A_1308 = arith.cmpi eq, %add3A_359, %eq3A_1307 : vector<16xi32>
          %or3A_1309 = arith.ori %and3A_1306, %eq3A_1308 : vector<16xi1>
          %jit3A_1310 = arith.constant -3.000000e+38 : f32
          %broadcast_in_dim3A_1311 = vector.broadcast %jit3A_1310 : f32 to vector<16xf32>
          %select_n3A_1312 = arith.select %or3A_1309, %broadcast_in_dim3A_1311, %while3A_424 : vector<16xi1>, vector<16xf32>
          %get3A_1313 = arith.constant 272 : index
          %get3A_1314 = tpu.vector_load %arg21[%get3A_1313] {strides = array<i32>} : memref<304xf32, #tpu.memory_space<vmem>>, vector<16xf32>,
          %min3A_1315 = arith.minimumf %get3A_1314, %gather3A_575 : vector<16xf32>
          %get3A_1316 = arith.constant 272 : index
          %get3A_1317 = tpu.vector_load %arg19[%get3A_1316] {strides = array<i32>} : memref<304xf32, #tpu.memory_space<vmem>>, vector<16xf32>,
          %max3A_1318 = arith.maximumf %get3A_1317, %gather3A_571 : vector<16xf32>
          %sub3A_1319 = arith.subf %min3A_1315, %max3A_1318 : vector<16xf32>
          %add3A_1320 = arith.constant 1.000000e+00 : f32
          %add3A_1321 = vector.broadcast %add3A_1320 : f32 to vector<16xf32>
          %add3A_1322 = arith.addf %sub3A_1319, %add3A_1321 : vector<16xf32>
          %max3A_1323 = arith.constant 0.000000e+00 : f32
          %max3A_1324 = vector.broadcast %max3A_1323 : f32 to vector<16xf32>
          %max3A_1325 = arith.maximumf %add3A_1322, %max3A_1324 : vector<16xf32>
          %get3A_1326 = arith.constant 272 : index
          %get3A_1327 = tpu.vector_load %arg22[%get3A_1326] {strides = array<i32>} : memref<304xf32, #tpu.memory_space<vmem>>, vector<16xf32>,
          %min3A_1328 = arith.minimumf %get3A_1327, %gather3A_577 : vector<16xf32>
          %get3A_1329 = arith.constant 272 : index
          %get3A_1330 = tpu.vector_load %arg20[%get3A_1329] {strides = array<i32>} : memref<304xf32, #tpu.memory_space<vmem>>, vector<16xf32>,
          %max3A_1331 = arith.maximumf %get3A_1330, %gather3A_573 : vector<16xf32>
          %sub3A_1332 = arith.subf %min3A_1328, %max3A_1331 : vector<16xf32>
          %add3A_1333 = arith.constant 1.000000e+00 : f32
          %add3A_1334 = vector.broadcast %add3A_1333 : f32 to vector<16xf32>
          %add3A_1335 = arith.addf %sub3A_1332, %add3A_1334 : vector<16xf32>
          %max3A_1336 = arith.constant 0.000000e+00 : f32
          %max3A_1337 = vector.broadcast %max3A_1336 : f32 to vector<16xf32>
          %max3A_1338 = arith.maximumf %add3A_1335, %max3A_1337 : vector<16xf32>
          %mul3A_1339 = arith.mulf %max3A_1325, %max3A_1338 : vector<16xf32>
          %get3A_1340 = arith.constant 272 : index
          %get3A_1341 = tpu.vector_load %arg23[%get3A_1340] {strides = array<i32>} : memref<304xf32, #tpu.memory_space<vmem>>, vector<16xf32>,
          %add3A_1342 = arith.addf %gather3A_579, %get3A_1341 : vector<16xf32>
          %sub3A_1343 = arith.subf %add3A_1342, %mul3A_1339 : vector<16xf32>
          %div3A_1344 = arith.divf %mul3A_1339, %sub3A_1343 : vector<16xf32>
          %gt3A_1345 = arith.constant 5.000000e-01 : f32
          %gt3A_1346 = vector.broadcast %gt3A_1345 : f32 to vector<16xf32>
          %gt3A_1347 = arith.cmpf ogt, %div3A_1344, %gt3A_1346 : vector<16xf32>
          %and3A_1348 = vector.broadcast %gt3A_569 : i1 to vector<16xi1>
          %and3A_1349 = arith.andi %and3A_1348, %gt3A_1347 : vector<16xi1>
          %eq3A_1350 = vector.broadcast %reduce_min3A_568 : i32 to vector<16xi32>
          %eq3A_1351 = arith.cmpi eq, %add3A_362, %eq3A_1350 : vector<16xi32>
          %or3A_1352 = arith.ori %and3A_1349, %eq3A_1351 : vector<16xi1>
          %jit3A_1353 = arith.constant -3.000000e+38 : f32
          %broadcast_in_dim3A_1354 = vector.broadcast %jit3A_1353 : f32 to vector<16xf32>
          %select_n3A_1355 = arith.select %or3A_1352, %broadcast_in_dim3A_1354, %while3A_425 : vector<16xi1>, vector<16xf32>
          %get3A_1356 = arith.constant 288 : index
          %get3A_1357 = tpu.vector_load %arg21[%get3A_1356] {strides = array<i32>} : memref<304xf32, #tpu.memory_space<vmem>>, vector<16xf32>,
          %min3A_1358 = arith.minimumf %get3A_1357, %gather3A_575 : vector<16xf32>
          %get3A_1359 = arith.constant 288 : index
          %get3A_1360 = tpu.vector_load %arg19[%get3A_1359] {strides = array<i32>} : memref<304xf32, #tpu.memory_space<vmem>>, vector<16xf32>,
          %max3A_1361 = arith.maximumf %get3A_1360, %gather3A_571 : vector<16xf32>
          %sub3A_1362 = arith.subf %min3A_1358, %max3A_1361 : vector<16xf32>
          %add3A_1363 = arith.constant 1.000000e+00 : f32
          %add3A_1364 = vector.broadcast %add3A_1363 : f32 to vector<16xf32>
          %add3A_1365 = arith.addf %sub3A_1362, %add3A_1364 : vector<16xf32>
          %max3A_1366 = arith.constant 0.000000e+00 : f32
          %max3A_1367 = vector.broadcast %max3A_1366 : f32 to vector<16xf32>
          %max3A_1368 = arith.maximumf %add3A_1365, %max3A_1367 : vector<16xf32>
          %get3A_1369 = arith.constant 288 : index
          %get3A_1370 = tpu.vector_load %arg22[%get3A_1369] {strides = array<i32>} : memref<304xf32, #tpu.memory_space<vmem>>, vector<16xf32>,
          %min3A_1371 = arith.minimumf %get3A_1370, %gather3A_577 : vector<16xf32>
          %get3A_1372 = arith.constant 288 : index
          %get3A_1373 = tpu.vector_load %arg20[%get3A_1372] {strides = array<i32>} : memref<304xf32, #tpu.memory_space<vmem>>, vector<16xf32>,
          %max3A_1374 = arith.maximumf %get3A_1373, %gather3A_573 : vector<16xf32>
          %sub3A_1375 = arith.subf %min3A_1371, %max3A_1374 : vector<16xf32>
          %add3A_1376 = arith.constant 1.000000e+00 : f32
          %add3A_1377 = vector.broadcast %add3A_1376 : f32 to vector<16xf32>
          %add3A_1378 = arith.addf %sub3A_1375, %add3A_1377 : vector<16xf32>
          %max3A_1379 = arith.constant 0.000000e+00 : f32
          %max3A_1380 = vector.broadcast %max3A_1379 : f32 to vector<16xf32>
          %max3A_1381 = arith.maximumf %add3A_1378, %max3A_1380 : vector<16xf32>
          %mul3A_1382 = arith.mulf %max3A_1368, %max3A_1381 : vector<16xf32>
          %get3A_1383 = arith.constant 288 : index
          %get3A_1384 = tpu.vector_load %arg23[%get3A_1383] {strides = array<i32>} : memref<304xf32, #tpu.memory_space<vmem>>, vector<16xf32>,
          %add3A_1385 = arith.addf %gather3A_579, %get3A_1384 : vector<16xf32>
          %sub3A_1386 = arith.subf %add3A_1385, %mul3A_1382 : vector<16xf32>
          %div3A_1387 = arith.divf %mul3A_1382, %sub3A_1386 : vector<16xf32>
          %gt3A_1388 = arith.constant 5.000000e-01 : f32
          %gt3A_1389 = vector.broadcast %gt3A_1388 : f32 to vector<16xf32>
          %gt3A_1390 = arith.cmpf ogt, %div3A_1387, %gt3A_1389 : vector<16xf32>
          %and3A_1391 = vector.broadcast %gt3A_569 : i1 to vector<16xi1>
          %and3A_1392 = arith.andi %and3A_1391, %gt3A_1390 : vector<16xi1>
          %eq3A_1393 = vector.broadcast %reduce_min3A_568 : i32 to vector<16xi32>
          %eq3A_1394 = arith.cmpi eq, %add3A_365, %eq3A_1393 : vector<16xi32>
          %or3A_1395 = arith.ori %and3A_1392, %eq3A_1394 : vector<16xi1>
          %jit3A_1396 = arith.constant -3.000000e+38 : f32
          %broadcast_in_dim3A_1397 = vector.broadcast %jit3A_1396 : f32 to vector<16xf32>
          %select_n3A_1398 = arith.select %or3A_1395, %broadcast_in_dim3A_1397, %while3A_426 : vector<16xi1>, vector<16xf32>
          %add3A_1399 = arith.constant 1 : i32
          %add3A_1400 = arith.addi %while3A_407, %add3A_1399 : i32
          %select_n3A_1401 = arith.select %gt3A_569, %add3A_1400, %while3A_407 : i32
          scf.yield %gt3A_569, %select_n3A_1401, %select_n3A_624, %select_n3A_667, %select_n3A_710, %select_n3A_753, %select_n3A_796, %select_n3A_839, %select_n3A_882, %select_n3A_925, %select_n3A_968, %select_n3A_1011, %select_n3A_1054, %select_n3A_1097, %select_n3A_1140, %select_n3A_1183, %select_n3A_1226, %select_n3A_1269, %select_n3A_1312, %select_n3A_1355, %select_n3A_1398 : i1, i32, vector<16xf32>, vector<16xf32>, vector<16xf32>, vector<16xf32>, vector<16xf32>, vector<16xf32>, vector<16xf32>, vector<16xf32>, vector<16xf32>, vector<16xf32>, vector<16xf32>, vector<16xf32>, vector<16xf32>, vector<16xf32>, vector<16xf32>, vector<16xf32>, vector<16xf32>, vector<16xf32>, vector<16xf32>
        }
        "tpu.region"() ({
          %run_scoped3A = tpu.sem_alloc : memref<!tpu.dma_semaphore, #tpu.memory_space<semaphore_mem>>
          %dma_start3A_406 = arith.constant 0 : i32
          %dma_start3A_407 = tpu.memref_slice %arg5[%add3A_12, %dma_start3A_406] : memref<80x304xf32, #tpu.memory_space<hbm>> -> memref<1x304xf32, #tpu.memory_space<hbm>>
          %dma_start3A_408 = tpu.memref_squeeze %dma_start3A_407 : memref<1x304xf32, #tpu.memory_space<hbm>> -> memref<304xf32, #tpu.memory_space<hbm>>
          %dma_start3A_409 = arith.constant 0 : i32
          %dma_start3A_410 = tpu.memref_slice %arg5[%add3A_12, %dma_start3A_409] : memref<80x304xf32, #tpu.memory_space<hbm>> -> memref<1x304xf32, #tpu.memory_space<hbm>>
          %dma_start3A_411 = tpu.memref_squeeze %dma_start3A_410 : memref<1x304xf32, #tpu.memory_space<hbm>> -> memref<304xf32, #tpu.memory_space<hbm>>
          tpu.enqueue_dma source(%arg24 : memref<304xf32, #tpu.memory_space<vmem>>) target(%dma_start3A_411 : memref<304xf32, #tpu.memory_space<hbm>>) target_semaphore(%run_scoped3A : memref<!tpu.dma_semaphore, #tpu.memory_space<semaphore_mem>>)
          %dma_wait3A_412 = arith.constant 0 : i32
          %dma_wait3A_413 = tpu.memref_slice %arg5[%add3A_12, %dma_wait3A_412] : memref<80x304xf32, #tpu.memory_space<hbm>> -> memref<1x304xf32, #tpu.memory_space<hbm>>
          %dma_wait3A_414 = tpu.memref_squeeze %dma_wait3A_413 : memref<1x304xf32, #tpu.memory_space<hbm>> -> memref<304xf32, #tpu.memory_space<hbm>>
          %dma_wait3A_415 = arith.constant 0 : i32
          %dma_wait3A_416 = tpu.memref_slice %arg5[%add3A_12, %dma_wait3A_415] : memref<80x304xf32, #tpu.memory_space<hbm>> -> memref<1x304xf32, #tpu.memory_space<hbm>>
          %dma_wait3A_417 = tpu.memref_squeeze %dma_wait3A_416 : memref<1x304xf32, #tpu.memory_space<hbm>> -> memref<304xf32, #tpu.memory_space<hbm>>
          tpu.wait_dma2 semaphore(%run_scoped3A : memref<!tpu.dma_semaphore, #tpu.memory_space<semaphore_mem>>) src(%arg24 : memref<304xf32, #tpu.memory_space<vmem>>) dst(%dma_wait3A_417 : memref<304xf32, #tpu.memory_space<hbm>>)
          tpu.yield
        }) : () -> ()
        "tpu.region"() ({
          %run_scoped3A = tpu.sem_alloc : memref<!tpu.dma_semaphore, #tpu.memory_space<semaphore_mem>>
          %dma_start3A_406 = arith.constant 0 : i32
          %dma_start3A_407 = tpu.memref_slice %arg6[%add3A_12, %dma_start3A_406] : memref<80x4864xf32, #tpu.memory_space<hbm>> -> memref<1x4864xf32, #tpu.memory_space<hbm>>
          %dma_start3A_408 = tpu.memref_squeeze %dma_start3A_407 : memref<1x4864xf32, #tpu.memory_space<hbm>> -> memref<4864xf32, #tpu.memory_space<hbm>>
          %dma_start3A_409 = arith.constant 0 : i32
          %dma_start3A_410 = tpu.memref_slice %arg6[%add3A_12, %dma_start3A_409] : memref<80x4864xf32, #tpu.memory_space<hbm>> -> memref<1x4864xf32, #tpu.memory_space<hbm>>
          %dma_start3A_411 = tpu.memref_squeeze %dma_start3A_410 : memref<1x4864xf32, #tpu.memory_space<hbm>> -> memref<4864xf32, #tpu.memory_space<hbm>>
          tpu.enqueue_dma source(%arg25 : memref<4864xf32, #tpu.memory_space<vmem>>) target(%dma_start3A_411 : memref<4864xf32, #tpu.memory_space<hbm>>) target_semaphore(%run_scoped3A : memref<!tpu.dma_semaphore, #tpu.memory_space<semaphore_mem>>)
          %dma_wait3A_412 = arith.constant 0 : i32
          %dma_wait3A_413 = tpu.memref_slice %arg6[%add3A_12, %dma_wait3A_412] : memref<80x4864xf32, #tpu.memory_space<hbm>> -> memref<1x4864xf32, #tpu.memory_space<hbm>>
          %dma_wait3A_414 = tpu.memref_squeeze %dma_wait3A_413 : memref<1x4864xf32, #tpu.memory_space<hbm>> -> memref<4864xf32, #tpu.memory_space<hbm>>
          %dma_wait3A_415 = arith.constant 0 : i32
          %dma_wait3A_416 = tpu.memref_slice %arg6[%add3A_12, %dma_wait3A_415] : memref<80x4864xf32, #tpu.memory_space<hbm>> -> memref<1x4864xf32, #tpu.memory_space<hbm>>
          %dma_wait3A_417 = tpu.memref_squeeze %dma_wait3A_416 : memref<1x4864xf32, #tpu.memory_space<hbm>> -> memref<4864xf32, #tpu.memory_space<hbm>>
          tpu.wait_dma2 semaphore(%run_scoped3A : memref<!tpu.dma_semaphore, #tpu.memory_space<semaphore_mem>>) src(%arg25 : memref<4864xf32, #tpu.memory_space<vmem>>) dst(%dma_wait3A_417 : memref<4864xf32, #tpu.memory_space<hbm>>)
          tpu.yield
        }) : () -> ()
      } else {
      }
      %scan3A_15 = arith.constant 0 : i32
      scf.yield %scan3A_15 : i32
    }
    %scan3A_7 = arith.constant 3 : i32
    return
  }
}

module attributes {stable_mosaic.version = 14 : i64} {
  func.func @_softmax_t_body(%arg0: i32, %arg1: memref<2048x81xf32, #tpu.memory_space<vmem>>, %arg2: memref<80x16x128xf32, #tpu.memory_space<vmem>>) attributes {dimension_semantics = [#tpu.dimension_semantics<arbitrary>], iteration_bounds = array<i64: 10>, scalar_prefetch = 0 : i64, scratch_operands = 0 : i64, tpu.core_type = #tpu.core_type<tc>, window_params = [{transform_indices = @transform_0, window_bounds = array<i64: 2048, 81>}, {transform_indices = @transform_1, window_bounds = array<i64: 80, 16, 128>}]} {
    %get3A = arith.constant 0 : index
    %get3A_0 = arith.constant 0 : index
    %get3A_1 = vector.load %arg1[%get3A, %get3A_0] : memref<2048x81xf32, #tpu.memory_space<vmem>>, vector<2048x81xf32>
    %reduce_max3A = arith.constant dense<0xFF800000> : vector<2048xf32>
    %reduce_max3A_2 = vector.multi_reduction <maximumf>, %get3A_1, %reduce_max3A [1] : vector<2048x81xf32> to vector<2048xf32>
    %broadcast_in_dim3A = vector.shape_cast %reduce_max3A_2 : vector<2048xf32> to vector<2048x1xf32>
    %sub3A = vector.broadcast %broadcast_in_dim3A : vector<2048x1xf32> to vector<2048x81xf32>
    %sub3A_3 = arith.subf %get3A_1, %sub3A : vector<2048x81xf32>
    %exp3A = math.exp %sub3A_3 : vector<2048x81xf32>
    %reduce_sum3A = arith.constant dense<0.000000e+00> : vector<2048xf32>
    %reduce_sum3A_4 = vector.multi_reduction <add>, %exp3A, %reduce_sum3A [1] : vector<2048x81xf32> to vector<2048xf32>
    %broadcast_in_dim3A_5 = vector.shape_cast %reduce_sum3A_4 : vector<2048xf32> to vector<2048x1xf32>
    %div3A = vector.broadcast %broadcast_in_dim3A_5 : vector<2048x1xf32> to vector<2048x81xf32>
    %div3A_6 = arith.divf %exp3A, %div3A : vector<2048x81xf32>
    %transpose3A = tpu.transpose %div3A_6, [1, 0] : vector<2048x81xf32> -> vector<81x2048xf32>
    %slice3A = vector.extract_strided_slice %transpose3A {offsets = [1, 0], sizes = [80, 2048], strides = [1, 1]} : vector<81x2048xf32> to vector<80x2048xf32>
    %reshape3A = vector.shape_cast %slice3A : vector<80x2048xf32> to vector<80x16x128xf32>
    %swap3A = arith.constant 0 : index
    %swap3A_7 = arith.constant 0 : index
    %swap3A_8 = arith.constant 0 : index
    %swap3A_9 = vector.load %arg2[%swap3A, %swap3A_7, %swap3A_8] : memref<80x16x128xf32, #tpu.memory_space<vmem>>, vector<80x16x128xf32>
    tpu.vector_store %arg2[%swap3A, %swap3A_7, %swap3A_8], %reshape3A {strides = array<i32>} : memref<80x16x128xf32, #tpu.memory_space<vmem>>, vector<80x16x128xf32>,
    return
  }
  func.func @transform_0(%arg0: i32) -> (i32, i32) {
    %c0_i32 = arith.constant 0 : i32
    %c0_i32_0 = arith.constant 0 : i32
    return %arg0, %c0_i32 : i32, i32
  }
  func.func @transform_1(%arg0: i32) -> (i32, i32, i32) {
    %c0_i32 = arith.constant 0 : i32
    %c0_i32_0 = arith.constant 0 : i32
    %c0_i32_1 = arith.constant 0 : i32
    return %c0_i32, %arg0, %c0_i32_0 : i32, i32, i32
  }
}

</mosaic_0001>

<sc_bundles>
// kernel: kernel.5.cloned.1.call-start
scs
__scs_entry_jumppad:
0x0: {  	(pc) =	sbr.rel $0x88, $3  }
0x1: {  	(tag) =	ssettag $0x0;
	lr =	simm.s32 $0x1  }
0x2: {  	[smem:$0x3F9E] =	sst lr;
	_ =	strace $0xD0000000  }
0x3: {  	_ = 	snop  }
0x4: {  	_ = 	snop  }
0x5: {  	_ = 	snop  }
0x6: {  	_ = 	snop  }
0x7: {  	_ = 	snop  }
__scs_overlays_trampoline_lowered:
0x8: {  	[smem:$0x3FAD] =	sst s0  }
0x9: {  	[smem:$0x3FAE] =	sst s1  }
0xa: {  	[smem:$0x3FAF] =	sst s2  }
0xb: {  	[smem:$0x3FB0] =	sst s3  }
0xc: {  	[smem:$0x3FB1] =	sst s4  }
0xd: {  	[smem:$0x3FB2] =	sst s5  }
0xe: {  	[smem:$0x3FB3] =	sst s6  }
0xf: {  	[smem:$0x3FB4] =	sst s7  }
0x10: {  	[smem:$0x3FB5] =	sst s8  }
0x11: {  	[smem:$0x3FB6] =	sst s9;
	s0 =	simm.s32 @!p0 $0x0  }
0x12: {  	s1 =	sld [smem:$0x3F9C];
	s0 =	simm.s32 @p0 $0x1  }
0x13: {  	[smem:$0x3FB7] =	sst s0;
	s0 =	simm.s32 @!p1 $0x0  }
0x14: {  	s2 =	sld [smem:$0x3F9B];
	s0 =	simm.s32 @p1 $0x1  }
0x15: {  	[smem:$0x3FB8] =	sst s0;
	s0 =	simm.s32 @!p2 $0x0  }
0x16: {  	s3 =	sld [smem:$0x3FDB];
	s0 =	simm.s32 @p2 $0x1  }
0x17: {  	s4 =	simm.s32 $0x1BF5;
	[smem:$0x3FBA] =	sst s0  }
0x18: {  	s0 =	sld [smem:$0x3F9D];
	_ =	swait.ge [sflag:s4], $0x0  }
0x19: {  	s7 =	sld [smem:$0x3F9E]  }
0x1a: {  	s8 =	sadd.s32 $0xFFFFE003, lr  }
0x1b: {  	s9 =	sadd.s32 $0xFFFFFEF7, lr;
	s5 =	simm.s32 $0xFFFFFFFF;
	p2 =	slt.u32 s8, $0xFFFFF086  }
0x1c: {  	p1 =	slt.u32 s9, $0xF7A;
	s5 =	simm.s32 @!p2 $0x0  }
0x1d: {  	s5 =	simm.s32 @p1 $0x1;
	p0 =	seq.s32 s7, s2  }
0x1e: {  	s7 =	smul.u32 @!p0 $0xF7A, s2;
	p2 =	seq.s32 @!p0 s5, $0x0  }
0x1f: {  	s9 =	smul.u32 $0xF7A, s1;
	s8 =	simm.s32 @!p0 $0x1BF5;
	p2 =	por !p2, p0  }
0x20: {  	[sflag:s8] =	ssyncset.s32 @!p0 $0xFFFFF086;
	s6 =	sadd.s32 @!p0 s3, s7;
	s7 =	simm.s32 @!p0 $0x108  }
0x21: {  	s3 =	sadd.s32 s3, s9;
	s6 =	sadd.s32 @!p0 $0x88, s6;
	s7 =	simm.s32 @p2 $0x1082  }
0x22: {  	[simem:s7], [sflag:s8] =	dma.local @!p0 [hbm:s6], $0xF7A  }
0x23: {  	s9 =	sor.u32 $0xD0000000, s2;
	s6 =	simm.s32 $0x108;
	_ =	swait.ge @!p0 [sflag:s8], $0x0  }
0x24: {  	s3 =	sadd.s32 $0x88, s3;
	s6 =	simm.s32 @!p1 $0x1082;
	[sflag:s4] =	ssyncset.s32 $0xFFFFF086  }
0x25: {  	[simem:s6], [sflag:s4] =	dma.local [hbm:s3], $0xF7A  }
0x26: {  	[smem:$0x3F9E] =	sst s1;
	(tag) =	ssettag s2;
	_ =	strace s9  }
0x27: {  	s1 =	sld [smem:$0x3FAE]  }
0x28: {  	s2 =	sld [smem:$0x3FAF]  }
0x29: {  	s4 =	sld [smem:$0x3FB1]  }
0x2a: {  	p0 =	seq.s32 s5, $0x0;
	s5 =	sld [smem:$0x3FB2]  }
0x2b: {  	s6 =	sld [smem:$0x3FB3]  }
0x2c: {  	s7 =	sld [smem:$0x3FB4]  }
0x2d: {  	s3 =	simm.s32 $0x108;
	s8 =	sld [smem:$0x3FB5]  }
0x2e: {  	s3 =	simm.s32 @!p0 $0x1082;
	s9 =	sld [smem:$0x3FB6]  }
0x2f: {  	lr =	sadd.s32 s0, s3;
	s0 =	sld [smem:$0x3FAD]  }
0x30: {  	s3 =	sld [smem:$0x3FB0]  }
0x31: {  	[smem:$0x3FB9] =	sst s10  }
0x32: {  	s10 =	sld [smem:$0x3FB7];
	_ =	sdelay $0x3  }
0x33: {  	p0 =	seq.s32 s10, $0x1;
	s10 =	sld [smem:$0x3FB9];
	_ =	sdelay $0x3  }
0x34: {  	[smem:$0x3FB9] =	sst s10  }
0x35: {  	s10 =	sld [smem:$0x3FB8];
	_ =	sdelay $0x3  }
0x36: {  	p1 =	seq.s32 s10, $0x1;
	s10 =	sld [smem:$0x3FB9];
	_ =	sdelay $0x3  }
0x37: {  	[smem:$0x3FB9] =	sst s10  }
0x38: {  	s10 =	sld [smem:$0x3FBA]  }
0x39: {  	_ = 	snop;
	(pc) =	sbr.ind lr, $3  }
0x3a: {  	_ = 	snop  }
0x3b: {  	_ = 	snop  }
0x3c: {  	p2 =	seq.s32 s10, $0x1;
	s10 =	sld [smem:$0x3FB9]  }
0x3d: {  	_ =	shalt  }
0x3e: {  	_ =	shalt  }
0x3f: {  	_ =	shalt  }
0x40: {  	_ =	shalt  }
0x41: {  	_ =	shalt  }
0x42: {  	_ =	shalt  }
0x43: {  	_ =	shalt  }
0x44: {  	_ =	shalt  }
0x45: {  	_ =	shalt  }
0x46: {  	_ =	shalt  }
0x47: {  	_ =	shalt  }
0x48: {  	_ =	shalt  }
0x49: {  	_ =	shalt  }
0x4a: {  	_ =	shalt  }
0x4b: {  	_ =	shalt  }
0x4c: {  	_ =	shalt  }
0x4d: {  	_ =	shalt  }
0x4e: {  	_ =	shalt  }
0x4f: {  	_ =	shalt  }
0x50: {  	_ =	shalt  }
0x51: {  	_ =	shalt  }
0x52: {  	_ =	shalt  }
0x53: {  	_ =	shalt  }
0x54: {  	_ =	shalt  }
0x55: {  	_ =	shalt  }
0x56: {  	_ =	shalt  }
0x57: {  	_ =	shalt  }
0x58: {  	_ =	shalt  }
0x59: {  	_ =	shalt  }
0x5a: {  	_ =	shalt  }
0x5b: {  	_ =	shalt  }
0x5c: {  	_ =	shalt  }
0x5d: {  	_ =	shalt  }
0x5e: {  	_ =	shalt  }
0x5f: {  	_ =	shalt  }
0x60: {  	_ =	shalt  }
0x61: {  	_ =	shalt  }
0x62: {  	_ =	shalt  }
0x63: {  	_ =	shalt  }
0x64: {  	_ =	shalt  }
0x65: {  	_ =	shalt  }
0x66: {  	_ =	shalt  }
0x67: {  	_ =	shalt  }
0x68: {  	_ =	shalt  }
0x69: {  	_ =	shalt  }
0x6a: {  	_ =	shalt  }
0x6b: {  	_ =	shalt  }
0x6c: {  	_ =	shalt  }
0x6d: {  	_ =	shalt  }
0x6e: {  	_ =	shalt  }
0x6f: {  	_ =	shalt  }
0x70: {  	_ =	shalt  }
0x71: {  	_ =	shalt  }
0x72: {  	_ =	shalt  }
0x73: {  	_ =	shalt  }
0x74: {  	_ =	shalt  }
0x75: {  	_ =	shalt  }
0x76: {  	_ =	shalt  }
0x77: {  	_ =	shalt  }
0x78: {  	_ =	shalt  }
0x79: {  	_ =	shalt  }
0x7a: {  	_ =	shalt  }
0x7b: {  	_ =	shalt  }
0x7c: {  	_ =	shalt  }
0x7d: {  	_ =	shalt  }
0x7e: {  	_ =	shalt  }
0x7f: {  	_ =	shalt  }
0x80: {  	_ =	shalt  }
0x81: {  	_ =	shalt  }
0x82: {  	_ =	shalt  }
0x83: {  	_ =	shalt  }
0x84: {  	_ =	shalt  }
0x85: {  	_ =	shalt  }
0x86: {  	_ =	shalt  }
0x87: {  	_ =	shalt  }
.Lfunc_end0:
.L_simem_size_0:
called_computation_lowered:
.L_overlay_start_0:
0x88: {  	s2 =	sld [smem:$0x3FD9]  }
0x89: {  	s3 =	sld [smem:$0x3FFE];
	_ =	sdelay $0x1  }
0x8a: {  	s1 =	srdreg.scid  }
0x8b: {  	s0 =	sand.u32 $0x1, s1  }
0x8c: {  	s16 =	sshll.u32 s0, $0xA;
	s2 =	sadd.s32 s3, s2  }
0x8d: {  	s2 =	sadd.s32 s2, s16  }
0x8e: {  	[smem:$0x3FC5] =	sst s2  }
0x8f: {  	_ = 	snop  }
0x90: {  	(tm) =	ssettm $0x1  }
0x91: {  	s17 =	sld [smem:$0x3FFB];
	_ =	sdelay $0x3  }
0x92: {  	_ =	strace s17  }
0x93: {  	s2 =	sld [smem:$0x3FFC];
	_ =	sdelay $0x3  }
0x94: {  	_ =	strace s2  }
0x95: {  	s2 =	sld [smem:$0x3FFD];
	_ =	sdelay $0x3  }
0x96: {  	_ =	strace s2  }
0x97: {  	_ =	strace $0x8FFFFFFF  }
0x98: {  	s18 =	sld [smem:$0x3FDB];
	_ =	sdelay $0x1  }
0x99: {  	s19 =	simm.s32 $_scs_section_size  }
0x9a: {  	s4 =	simm.s32 $_size__tile_overlayer_lowered;
	s5 =	simm.s32 $_tile_overlayer_lowered  }
0x9b: {  	s22 =	simm.s32 $0x1BFF;
	s21 =	sshll.u32 s5, $0x1;
	s2 =	sadd.s32 s19, s18  }
0x9c: {  	s6 =	simm.s32 $0x0;
	s20 =	sshll.u32 s4, $0x1;
	s4 =	sadd.s32 s21, s2  }
0x9d: {  	[timem:s6], [sflag:s22] =	dma.local [hbm:s4], s20  }
0x9e: {  	_ =	swait.ge [sflag:s22], s20  }
0x9f: {  	s3 =	ssub.s32 $0x0, s20;
	[sflag:s22] =	ssyncset.done $0x0  }
0xa0: {  	[sflag:s22] =	ssyncadd.s32 s3;
	_ =	sdelay $0x1  }
0xa1: {  	s23 =	simm.s32 $0x1B8B  }
0xa2: {  	_ =	swait.ge [sflag:s23], $0x1  }
0xa3: {  	[sflag:s23] =	ssyncset.done $0x0  }
0xa4: {  	s25 =	simm.s32 $0x1B8E;
	s24 =	sld [smem:$0x3FFE];
	[sflag:s23] =	ssyncadd.s32 $0xFFFFFFFF  }
0xa5: {  	s26 =	simm.s32 $execute0_lowered;
	[smem:$0x3FD2] =	sst s25  }
0xa6: {  	s4 =	sshll.u32 s26, $0x1;
	_ =	strace $0x80000046;
	[dreg:$0x1] =	wrdreg $0xFFFFFFFF  }
0xa7: {  	s28 =	simm.s32 $_size_execute0_lowered;
	s2 =	sadd.s32 s2, s4;
	[dreg:$0x0] =	wrdreg $0x0  }
0xa8: {  	s4 =	sshll.u32 s28, $0x1;
	[dreg:$0x2] =	wrdreg s2  }
0xa9: {  	[dreg:$0x3] =	wrdreg s4  }
0xaa: {  	[dreg:$0x4] =	wrdreg $0xC0  }
0xab: {  	_ =	task [dreg:s6], $0x5FFFF  }
0xac: {  	[dreg:$0x1] =	wrdreg $0xFFFFFFFF  }
0xad: {  	[dreg:$0x0] =	wrdreg $0x60  }
0xae: {  	[dreg:$0x2] =	wrdreg s24  }
0xaf: {  	[dreg:$0x3] =	wrdreg $0x9  }
0xb0: {  	_ =	task.clear_ibuf [dreg:s6], $0x4FFFF;
	_ =	strace $0x90000046  }
0xb1: {  	s29 =	simm.s32 $0x9;
	_ =	strace $0x80000048  }
0xb2: {  	_ =	swait.ge [sflag:s29], $0x1  }
0xb3: {  	[sflag:s29] =	ssyncadd.s32 $0xFFFFFFFF  }
0xb4: {  	_ =	strace $0x90000048  }
0xb5: {  	_ =	sfence  }
0xb6: {  	s30 =	sld [smem:$0x0];
	_ =	sdelay $0x2  }
0xb7: {  	s31 =	sshll.u32 s1, $0xD;
	s1 =	sshrl.u32 s1, $0x2  }
0xb8: {  	s3 =	sand.u32 $0x4000, s31;
	s1 =	sadd.s32 s1, s30  }
0xb9: {  	s0 =	sor.u32 s3, s0;
	s1 =	sshll.u32 s1, $0x11  }
0xba: {  	s0 =	sor.u32 s1, s0  }
0xbb: {  	s0 =	sadd.s32 $0x8F2B, s0  }
0xbc: {  	[sflag:s0] =	ssyncadd.remote.s32 $0x1  }
0xbd: {  	_ =	sfence.sel $0xFFFF  }
0xbe: {  	[dreg:$0x0] =	wrdreg $0xFFFFFFFF;
	(pc) =	sbr.abs _section_cstart, $3  }
0xbf: {  	[dreg:$0x1] =	wrdreg $0xFFFFFFFF  }
0xc0: {  	_ =	task.clear_ibuf [dreg:s6], $0x2FFFF;
	_ =	strace $0x9FFFFFFF  }
0xc1: {  	(tm) =	ssettm $0x7FFFFFFF  }
tec
execute0_lowered:
.L_overlay_start_1:
0x0: {  	(tag) =	ssettag $0x1  }
0x1: {  	s1 =	simm.s32 $0x0  }
0x2: {  	[smem:$0x7FF] =	sst s1  }
0x3: {  	s0 =	rddreg [dreg:$0x0];
	v0 =	vimm.f32 $1.000000000e+01;
	_ =	strace $0x80000047  }
0x4: {  	s26 =	srdreg.scid;
	(erf) = vrcp.f32 v0;
	v0 =	vimm.f32 $5.000000000e+00  }
0x5: {  	s4 =	stileid.u32;
	s11 =	simm.s32 $0x3;
	s12 =	simm.s32 $0x5000;
	(erf) = vrcp.f32 v0  }
0x6: {  	s13 =	simm.s32 $0x6100;
	s14 =	simm.s32 $0x1;
	s15 =	simm.s32 $0x130  }
0x7: {  	s17 =	simm.s32 $0x10700;
	s18 =	simm.s32 $0x11A00;
	s19 =	simm.s32 $0x12D00  }
0x8: {  	s20 =	simm.s32 $0x12E30;
	s21 =	simm.s32 $0x12F60;
	s22 =	simm.s32 $0x13090  }
0x9: {  	s23 =	simm.s32 $0x131C0;
	s2 =	sadd.s32 $0xC6E00, s0;
	s3 =	sand.u32 $0x1, s26  }
.Ltmp0:
0xa: {  	s28 =	sadd.s32 $0xF8E00, s0;
	s29 =	ssub.s32 $0x2, s3;
	(pc) =	sbr.rel .LBB2_1-.Ltmp0, $4  }
0xb: {  	s6 =	sadd.s32 $0x1000, s0;
	s7 =	sadd.s32 $0x102C00, s0;
	s30 =	sshrl.u32 s29, $0x1  }
0xc: {  	v1 =	vlaneseq.u32;
	v3 =	vimm.s32 $0x1;
	s8 =	sadd.s32 $0x103800, s0;
	[dreg:$0x2] =	wrdreg s2;
	s31 =	ssub.s32 s29, s30  }
0xd: {  	v7 =	vimm.f32 $-3.000000010e+38;
	v8 =	vimm.f32 $0.0e+00;
	s9 =	sshll.u32 s4, $0x1;
	v4 =	vmul.u32 $0x10, v1;
	[dreg:$0x3] =	wrdreg s28;
	s0 =	smax.u32 s31, $0x1;
	v2 =	vpop (erf)  }
0xe: {  	vm0 =	vmxor vm0, vm0;
	v5 =	vor.u32 $0x7F8, v1;
	s26 =	simm.s32 $0x2;
	s1 =	simm.s32 $0x0;
	v0 =	vimm.s32 $0x0;
	[dreg:$0x4] =	wrdreg s0;
	v6 =	vpop (erf)  }
.LBB2_70:
0xf: {  	s1 =	rddreg [dreg:$0x5]  }
0x10: {  	s0 =	rddreg [dreg:$0x4];
	s1 =	sadd.s32 $0x1, s1  }
0x11: {  	p0 =	sne.s32 s1, s0  }
.Ltmp1:
0x12: {  	_ = 	snop;
	(pc) =	sbr.rel @!p0 .LBB2_71-.Ltmp1, $1  }
0x13: {  	_ =	sdelay $0x3  }
.LBB2_1:
.Ltmp2:
0x14: {  	(pc) =	sbr.rel .LBB2_2-.Ltmp2, $2  }
0x15: {  	_ =	sdelay $0x2  }
0x16: {  	[dreg:$0x5] =	wrdreg s1;
	s29 =	simm.s32 $0x0  }
.LBB2_69:
0x17: {  	s29 =	sadd.s32 $0x1, s29  }
0x18: {  	p0 =	sne.s32 s29, $0x3  }
.Ltmp3:
0x19: {  	_ = 	snop;
	(pc) =	sbr.rel @!p0 .LBB2_70-.Ltmp3, $1  }
0x1a: {  	_ =	sdelay $0x3  }
.LBB2_2:
0x1b: {  	s0 =	sshll.u32 s29, $0x5  }
0x1c: {  	s0 =	sor.u32 s9, s0  }
0x1d: {  	p0 =	sgt.u32 s0, $0x4F  }
.Ltmp4:
0x1e: {  	_ = 	snop;
	(pc) =	sbr.rel @p0 .LBB2_69-.Ltmp4, $1  }
0x1f: {  	_ =	sdelay $0x3  }
0x20: {  	s30 =	sor.u32 s3, s0  }
0x21: {  	s0 =	smul.u32 $0xA00, s30  }
0x22: {  	s1 =	rddreg [dreg:$0x2]  }
0x23: {  	s1 =	sadd.s32 s1, s0;
	s0 =	simm.s32 $0x0  }
0x24: {  	[tilespmem:s0], [sflag:$0x3] =	stream.linear.gather [hbm4b:s1+s0], $0x5000, $0x38;
	[tilespmem:$0x14720] =	vst v63  }
0x25: {  	_ =	swait.ge [sflag:s11], $0x5000  }
0x26: {  	[sflag:s11] =	ssyncset.done $0x0  }
0x27: {  	s2 =	simm.s32 $0x0;
	s1 =	simm.s32 $0x40;
	[sflag:s11] =	ssyncadd.s32 $0xFFFFB000  }
.LBB2_4:
0x28: {  	p0 =	sne.s32 s1, $0x1FC0;
	[tilespmem:s2+$0x5000] =	vst v0;
	s2 =	smov.u32 s1;
	s1 =	sadd.s32 $0x40, s1  }
.Ltmp5:
0x29: {  	(pc) =	sbr.rel @p0 .LBB2_4-.Ltmp5, $2  }
0x2a: {  	_ =	sdelay $0x2  }
0x2b: {  	s2 =	sshra.s32 s2, $0x2  }
0x2c: {  	[tilespmem:s2+$0x5000] =	vst v0  }
.LBB2_6:
0x2d: {  	s1 =	sshra.s32 s0, $0x2  }
0x2e: {  	v9 =	vld [tilespmem:s1+$0x0];
	_ =	sdelay $0x4  }
0x2f: {  	v9 =	vshrl.u32 v9, $0x17  }
0x30: {  	v9 =	vmin.u32 v9, $0x7F  }
0x31: {  	v9 =	vshll.u32 v9, $0x4  }
0x32: {  	p0 =	sne.s32 s0, $0x13FC0;
	v9 =	vor.u32 v1, v9  }
.Ltmp6:
0x33: {  	_ = 	snop;
	(pc) =	sbr.rel @p0 .LBB2_6-.Ltmp6, $2  }
0x34: {  	_ =	sdelay $0x2  }
0x35: {  	s0 =	sadd.s32 $0x40, s0;
	[tilespmem:v9+s12+$0x0] =	vst.idx.add.s32.msk $0xffff, v3  }
0x36: {  	s0 =	simm.s32 $0x0  }
0x37: {  	v9 =	vmov s0  }
0x38: {  	v9 =	vshll.u32 v9, $0x4  }
0x39: {  	v9 =	vor.u32 v4, v9  }
0x3a: {  	v10 =	vor.u32 $0x1, v9  }
0x3b: {  	v11 =	vor.u32 $0x2, v9  }
0x3c: {  	v12 =	vor.u32 $0x3, v9  }
0x3d: {  	v13 =	vor.u32 $0x4, v9  }
0x3e: {  	v14 =	vor.u32 $0x5, v9;
	v15 =	vld.idx.msk [tilespmem:v9+s12+$0x0], $0xffff  }
0x3f: {  	v16 =	vor.u32 $0x6, v9;
	v10 =	vld.idx.msk [tilespmem:v10+s12+$0x0], $0xffff  }
0x40: {  	v17 =	vor.u32 $0x7, v9;
	v11 =	vld.idx.msk [tilespmem:v11+s12+$0x0], $0xffff  }
0x41: {  	v18 =	vor.u32 $0x8, v9;
	v12 =	vld.idx.msk [tilespmem:v12+s12+$0x0], $0xffff  }
0x42: {  	v19 =	vor.u32 $0x9, v9;
	v13 =	vld.idx.msk [tilespmem:v13+s12+$0x0], $0xffff  }
0x43: {  	v20 =	vor.u32 $0xA, v9;
	v14 =	vld.idx.msk [tilespmem:v14+s12+$0x0], $0xffff  }
0x44: {  	v21 =	vor.u32 $0xB, v9;
	v16 =	vld.idx.msk [tilespmem:v16+s12+$0x0], $0xffff;
	v10 =	vadd.s32 v15, v10  }
0x45: {  	v15 =	vld.idx.msk [tilespmem:v17+s12+$0x0], $0xffff;
	v17 =	vor.u32 $0xC, v9;
	v10 =	vadd.s32 v11, v10  }
0x46: {  	v57 =	vor.u32 $0xD, v9;
	v11 =	vld.idx.msk [tilespmem:v18+s12+$0x0], $0xffff;
	v10 =	vadd.s32 v12, v10  }
0x47: {  	v58 =	vor.u32 $0xE, v9;
	v12 =	vld.idx.msk [tilespmem:v19+s12+$0x0], $0xffff;
	v10 =	vadd.s32 v13, v10  }
0x48: {  	v9 =	vor.u32 $0xF, v9;
	v13 =	vld.idx.msk [tilespmem:v20+s12+$0x0], $0xffff;
	v10 =	vadd.s32 v14, v10  }
0x49: {  	v14 =	vld.idx.msk [tilespmem:v21+s12+$0x0], $0xffff;
	v10 =	vadd.s32 v16, v10  }
0x4a: {  	v16 =	vld.idx.msk [tilespmem:v17+s12+$0x0], $0xffff;
	v10 =	vadd.s32 v15, v10  }
0x4b: {  	s1 =	simm.s32 $0x10;
	v15 =	vld.idx.msk [tilespmem:v57+s12+$0x0], $0xffff;
	v10 =	vadd.s32 v11, v10  }
0x4c: {  	v17 =	vmov s1;
	v11 =	vld.idx.msk [tilespmem:v58+s12+$0x0], $0xffff;
	v10 =	vadd.s32 v12, v10  }
0x4d: {  	v9 =	vld.idx.msk [tilespmem:v9+s12+$0x0], $0xffff;
	v12 =	vshll.u32 v17, $0x4;
	v10 =	vadd.s32 v13, v10  }
0x4e: {  	v12 =	vor.u32 v4, v12;
	v10 =	vadd.s32 v14, v10  }
0x4f: {  	v13 =	vor.u32 $0x1, v12;
	v10 =	vadd.s32 v16, v10  }
0x50: {  	v10 =	vadd.s32 v15, v10  }
0x51: {  	v14 =	vor.u32 $0x2, v12;
	v10 =	vadd.s32 v11, v10  }
0x52: {  	s1 =	simm.s32 $0x6000;
	v11 =	vor.u32 $0x3, v12;
	v9 =	vadd.s32 v9, v10  }
0x53: {  	v10 =	vor.u32 $0x4, v12;
	[tilespmem:s1+$0x0] =	vst v9  }
0x54: {  	v9 =	vld.idx.msk [tilespmem:v13+s12+$0x0], $0xffff;
	v13 =	vor.u32 $0x5, v12  }
0x55: {  	v16 =	vor.u32 $0x6, v12;
	v15 =	vld.idx.msk [tilespmem:v12+s12+$0x0], $0xffff  }
0x56: {  	v17 =	vor.u32 $0x7, v12;
	v14 =	vld.idx.msk [tilespmem:v14+s12+$0x0], $0xffff  }
0x57: {  	v59 =	vor.u32 $0x8, v12;
	v11 =	vld.idx.msk [tilespmem:v11+s12+$0x0], $0xffff  }
0x58: {  	v60 =	vor.u32 $0x9, v12;
	v10 =	vld.idx.msk [tilespmem:v10+s12+$0x0], $0xffff  }
0x59: {  	v61 =	vor.u32 $0xA, v12;
	v13 =	vld.idx.msk [tilespmem:v13+s12+$0x0], $0xffff  }
0x5a: {  	v62 =	vor.u32 $0xB, v12;
	v16 =	vld.idx.msk [tilespmem:v16+s12+$0x0], $0xffff;
	v9 =	vadd.s32 v15, v9  }
0x5b: {  	v15 =	vld.idx.msk [tilespmem:v17+s12+$0x0], $0xffff;
	v17 =	vor.u32 $0xC, v12;
	v9 =	vadd.s32 v14, v9  }
0x5c: {  	v63 =	vor.u32 $0xD, v12;
	v14 =	vld.idx.msk [tilespmem:v59+s12+$0x0], $0xffff;
	v9 =	vadd.s32 v11, v9  }
0x5d: {  	v22 =	vor.u32 $0xE, v12;
	v19 =	vld.idx.msk [tilespmem:v60+s12+$0x0], $0xffff;
	v9 =	vadd.s32 v10, v9  }
0x5e: {  	v23 =	vor.u32 $0xF, v12;
	v20 =	vld.idx.msk [tilespmem:v61+s12+$0x0], $0xffff;
	v10 =	vadd.s32 v13, v9  }
0x5f: {  	v9 =	vld.idx.msk [tilespmem:v62+s12+$0x0], $0xffff;
	v11 =	vadd.s32 v16, v10  }
0x60: {  	v10 =	vld.idx.msk [tilespmem:v17+s12+$0x0], $0xffff;
	v12 =	vadd.s32 v15, v11  }
0x61: {  	s2 =	simm.s32 $0x20;
	v11 =	vld.idx.msk [tilespmem:v63+s12+$0x0], $0xffff;
	v13 =	vadd.s32 v14, v12  }
0x62: {  	v12 =	vld.idx.msk [tilespmem:v22+s12+$0x0], $0xffff;
	v14 =	vmov s2;
	v15 =	vadd.s32 v19, v13  }
0x63: {  	s2 =	simm.s32 $0x30;
	v13 =	vld.idx.msk [tilespmem:v23+s12+$0x0], $0xffff;
	v14 =	vshll.u32 v14, $0x4;
	v15 =	vadd.s32 v20, v15  }
.LBB2_8:
0x64: {  	p0 =	sne.s32 s2, $0x70;
	v14 =	vor.u32 v4, v14;
	v9 =	vadd.s32 v9, v15  }
0x65: {  	v15 =	vor.u32 $0x1, v14;
	v9 =	vadd.s32 v10, v9  }
0x66: {  	v9 =	vadd.s32 v11, v9  }
0x67: {  	v10 =	vor.u32 $0x2, v14;
	v9 =	vadd.s32 v12, v9  }
0x68: {  	s1 =	sadd.s32 $0x10, s1;
	v11 =	vor.u32 $0x3, v14;
	v9 =	vadd.s32 v13, v9  }
0x69: {  	v12 =	vor.u32 $0x4, v14;
	[tilespmem:s1+$0x0] =	vst v9  }
0x6a: {  	v13 =	vor.u32 $0x5, v14;
	v9 =	vld.idx.msk [tilespmem:v15+s12+$0x0], $0xffff  }
0x6b: {  	v16 =	vor.u32 $0x6, v14;
	v15 =	vld.idx.msk [tilespmem:v14+s12+$0x0], $0xffff  }
0x6c: {  	v17 =	vor.u32 $0x7, v14;
	v10 =	vld.idx.msk [tilespmem:v10+s12+$0x0], $0xffff  }
0x6d: {  	v18 =	vor.u32 $0x8, v14;
	v11 =	vld.idx.msk [tilespmem:v11+s12+$0x0], $0xffff  }
0x6e: {  	v19 =	vor.u32 $0x9, v14;
	v12 =	vld.idx.msk [tilespmem:v12+s12+$0x0], $0xffff  }
0x6f: {  	v20 =	vor.u32 $0xA, v14;
	v13 =	vld.idx.msk [tilespmem:v13+s12+$0x0], $0xffff  }
0x70: {  	v21 =	vor.u32 $0xB, v14;
	v16 =	vld.idx.msk [tilespmem:v16+s12+$0x0], $0xffff  }
0x71: {  	v9 =	vadd.s32 v15, v9;
	v15 =	vld.idx.msk [tilespmem:v17+s12+$0x0], $0xffff;
	v17 =	vor.u32 $0xC, v14  }
0x72: {  	v22 =	vor.u32 $0xD, v14;
	v9 =	vadd.s32 v10, v9;
	v18 =	vld.idx.msk [tilespmem:v18+s12+$0x0], $0xffff  }
0x73: {  	v23 =	vor.u32 $0xE, v14;
	v9 =	vadd.s32 v11, v9;
	v19 =	vld.idx.msk [tilespmem:v19+s12+$0x0], $0xffff  }
0x74: {  	v14 =	vor.u32 $0xF, v14;
	v9 =	vadd.s32 v12, v9;
	v20 =	vld.idx.msk [tilespmem:v20+s12+$0x0], $0xffff  }
0x75: {  	v10 =	vadd.s32 v13, v9;
	v9 =	vld.idx.msk [tilespmem:v21+s12+$0x0], $0xffff  }
.Ltmp7:
0x76: {  	v11 =	vadd.s32 v16, v10;
	v10 =	vld.idx.msk [tilespmem:v17+s12+$0x0], $0xffff;
	(pc) =	sbr.rel @p0 .LBB2_8-.Ltmp7, $4  }
0x77: {  	v12 =	vadd.s32 v15, v11;
	v11 =	vld.idx.msk [tilespmem:v22+s12+$0x0], $0xffff  }
0x78: {  	v13 =	vadd.s32 v18, v12;
	v12 =	vld.idx.msk [tilespmem:v23+s12+$0x0], $0xffff  }
0x79: {  	v15 =	vmov s2;
	v16 =	vadd.s32 v19, v13;
	v13 =	vld.idx.msk [tilespmem:v14+s12+$0x0], $0xffff  }
0x7a: {  	s2 =	sadd.s32 $0x10, s2;
	v14 =	vshll.u32 v15, $0x4;
	v15 =	vadd.s32 v20, v16  }
0x7b: {  	v14 =	vor.u32 v4, v14;
	v9 =	vadd.s32 v9, v15  }
0x7c: {  	v51 =	vor.u32 $0x1, v14;
	v9 =	vadd.s32 v10, v9  }
0x7d: {  	v9 =	vadd.s32 v11, v9  }
0x7e: {  	v10 =	vor.u32 $0x2, v14;
	v9 =	vadd.s32 v12, v9  }
0x7f: {  	s1 =	sadd.s32 $0x10, s1;
	v11 =	vor.u32 $0x3, v14;
	v9 =	vadd.s32 v13, v9  }
0x80: {  	v52 =	vor.u32 $0x4, v14;
	[tilespmem:s1+$0x0] =	vst v9  }
0x81: {  	v53 =	vor.u32 $0x5, v14;
	v9 =	vld.idx.msk [tilespmem:v51+s12+$0x0], $0xffff  }
0x82: {  	v16 =	vor.u32 $0x6, v14;
	v54 =	vld.idx.msk [tilespmem:v14+s12+$0x0], $0xffff  }
0x83: {  	v17 =	vor.u32 $0x7, v14;
	v10 =	vld.idx.msk [tilespmem:v10+s12+$0x0], $0xffff  }
0x84: {  	v18 =	vor.u32 $0x8, v14;
	v11 =	vld.idx.msk [tilespmem:v11+s12+$0x0], $0xffff  }
0x85: {  	v19 =	vor.u32 $0x9, v14;
	v12 =	vld.idx.msk [tilespmem:v52+s12+$0x0], $0xffff  }
0x86: {  	v20 =	vor.u32 $0xA, v14;
	v13 =	vld.idx.msk [tilespmem:v53+s12+$0x0], $0xffff  }
0x87: {  	v21 =	vor.u32 $0xB, v14;
	v16 =	vld.idx.msk [tilespmem:v16+s12+$0x0], $0xffff;
	v9 =	vadd.s32 v54, v9  }
0x88: {  	v56 =	vor.u32 $0xC, v14;
	v55 =	vld.idx.msk [tilespmem:v17+s12+$0x0], $0xffff;
	v9 =	vadd.s32 v10, v9  }
0x89: {  	v57 =	vor.u32 $0xD, v14;
	v10 =	vld.idx.msk [tilespmem:v18+s12+$0x0], $0xffff;
	v9 =	vadd.s32 v11, v9  }
0x8a: {  	v58 =	vor.u32 $0xE, v14;
	v11 =	vld.idx.msk [tilespmem:v19+s12+$0x0], $0xffff;
	v9 =	vadd.s32 v12, v9  }
0x8b: {  	v59 =	vld.idx.msk [tilespmem:v20+s12+$0x0], $0xffff;
	v14 =	vor.u32 $0xF, v14;
	v9 =	vadd.s32 v13, v9  }
0x8c: {  	v60 =	vld.idx.msk [tilespmem:v21+s12+$0x0], $0xffff;
	v9 =	vadd.s32 v16, v9  }
0x8d: {  	v61 =	vld.idx.msk [tilespmem:v56+s12+$0x0], $0xffff;
	v9 =	vadd.s32 v55, v9  }
0x8e: {  	v62 =	vld.idx.msk [tilespmem:v57+s12+$0x0], $0xffff;
	v9 =	vadd.s32 v10, v9  }
0x8f: {  	v10 =	vld.idx.msk [tilespmem:v58+s12+$0x0], $0xffff;
	v9 =	vadd.s32 v11, v9  }
0x90: {  	v11 =	vld.idx.msk [tilespmem:v14+s12+$0x0], $0xffff;
	v9 =	vadd.s32 v59, v9  }
0x91: {  	v9 =	vadd.s32 v60, v9  }
0x92: {  	v9 =	vadd.s32 v61, v9  }
0x93: {  	v9 =	vadd.s32 v62, v9  }
0x94: {  	v9 =	vadd.s32 v10, v9  }
0x95: {  	s1 =	sadd.s32 $0x10, s1;
	v9 =	vadd.s32 v11, v9  }
0x96: {  	s31 =	simm.s32 $0x0;
	[tilespmem:s1+$0x0] =	vst v9  }
0x97: {  	v9 =	vld [tilespmem:s31+$0x6000];
	_ =	sdelay $0x4  }
0x98: {  	(xrf0) =	vadd.scan.msk.s32 $0xffff, v9;
	_ =	sdelay $0x5  }
0x99: {  	v9, _, _ =	vpop (xrf0)  }
0x9a: {  	v9 =	vadd.s32 s0, v9  }
0x9b: {  	v10 =	vxor.u32 $0x80000000, v9  }
0x9c: {  	(xrf0) =	vmax.scan.msk.u32 $0xffff, v10;
	_ =	sdelay $0x5  }
0x9d: {  	v63, _, _ =	vpop (xrf0)  }
0x9e: {  	(v2sf) =	vpush v63, $0xF  }
0x9f: {  	vm1 =	vlt.s32 v9, $0x4ED5  }
0xa0: {  	v10 =	vmpcnt.ones.xlane vm1  }
0xa1: {  	v11 =	vimm.s32 $0x0  }
0xa2: {  	s1 =	simm.s32 $0x10;
	s0 =	simm.s32 $0x80;
	[tilespmem:s31+$0x6100] =	vst v9;
	v9 =	vadd.s32 v11, v10  }
.LBB2_10:
0xa3: {  	p0 =	sne.s32 s0, $0x1C0;
	v10 =	vld [tilespmem:s1+$0x6000];
	_ =	sdelay $0x4  }
0xa4: {  	(xrf0) =	vadd.scan.msk.s32 $0xffff, v10;
	_ =	sdelay $0x4  }
0xa5: {  	s2 =	spop (v2sf)  }
0xa6: {  	v10, _, _ =	vpop (xrf0);
	s2 =	sxor.u32 $0x80000000, s2  }
0xa7: {  	v10 =	vadd.s32 s2, v10  }
0xa8: {  	[tilespmem:s1+$0x6100] =	vst v10;
	vm1 =	vlt.s32 v10, $0x4ED5;
	v10 =	vxor.u32 $0x80000000, v10  }
0xa9: {  	v11 =	vmpcnt.ones.xlane vm1;
	(xrf0) =	vmax.scan.msk.u32 $0xffff, v10;
	_ =	sdelay $0x1  }
0xaa: {  	v9 =	vadd.s32 v9, v11;
	_ =	sdelay $0x3  }
0xab: {  	v10, _, _ =	vpop (xrf0)  }
.Ltmp8:
0xac: {  	(v2sf) =	vpush v10, $0xF;
	(pc) =	sbr.rel @p0 .LBB2_10-.Ltmp8, $2  }
0xad: {  	_ =	sdelay $0x2  }
0xae: {  	s1 =	sshra.s32 s0, $0x2;
	s0 =	sadd.s32 $0x40, s0  }
0xaf: {  	v10 =	vld [tilespmem:s1+$0x6000];
	_ =	sdelay $0x4  }
0xb0: {  	(xrf0) =	vadd.scan.msk.s32 $0xffff, v10;
	_ =	sdelay $0x4  }
0xb1: {  	s0 =	spop (v2sf)  }
0xb2: {  	v10, _, _ =	vpop (xrf0);
	s0 =	sxor.u32 $0x80000000, s0  }
0xb3: {  	v10 =	vadd.s32 s0, v10  }
0xb4: {  	vm1 =	vlt.s32 v10, $0x4ED5  }
0xb5: {  	v11 =	vmpcnt.ones.xlane vm1;
	_ =	sdelay $0x1  }
0xb6: {  	v12 =	vxor.u32 $0x80000000, v10;
	v9 =	vadd.s32 v9, v11  }
0xb7: {  	(xrf0) =	vmax.scan.msk.u32 $0xffff, v12;
	v9 =	vxor.u32 $0x80000000, v9  }
0xb8: {  	(xrf0) =	vmax.scan.msk.u32 $0xffff, v9;
	_ =	sdelay $0x4  }
0xb9: {  	v9, _, _ =	vpop (xrf0)  }
0xba: {  	(v2sf) =	vpush v9, $0xF;
	v9, _, _ =	vpop (xrf0)  }
0xbb: {  	(v2sf) =	vpush v9, $0xF;
	_ =	sdelay $0x9  }
0xbc: {  	[tilespmem:s1+$0x6100] =	vst v10;
	s1 =	simm.s32 $0x0  }
0xbd: {  	v11 =	vld [tilespmem:s1+$0x0];
	_ =	sdelay $0x2  }
0xbe: {  	s31 =	spop (v2sf)  }
0xbf: {  	s0 =	spop (v2sf)  }
0xc0: {  	v9 =	vshrl.u32 v11, $0x17;
	s2 =	sxor.u32 $0x80000000, s0  }
0xc1: {  	v9 =	vmin.u32 v9, $0x7F;
	v10 =	vmov s2  }
0xc2: {  	vm1 =	vge.s32 v9, v10  }
0xc3: {  	v9 =	vmpcnt.ones.xlane vm1;
	_ =	sdelay $0x1  }
0xc4: {  	v9 =	vxor.u32 $0x80000000, v9  }
0xc5: {  	(xrf0) =	vmax.scan.msk.u32 $0xffff, v9;
	_ =	sdelay $0x5  }
0xc6: {  	v9 =	vld.idx.msk [tilespmem:v10+s13+$0x0], $0xffff;
	[tilespmem:s1+$0x6200] =	vst.msk vm1, v11;
	v11 =	vor.u32 s1, v1;
	v63, _, _ =	vpop (xrf0)  }
0xc7: {  	s2 =	simm.s32 $0x10;
	[tilespmem:s1+$0xB210] =	vst.msk vm1, v11;
	(v2sf) =	vpush v63, $0xF  }
0xc8: {  	s4 =	simm.s32 $0x20;
	s10 =	simm.s32 $0x10;
	v11 =	vld [tilespmem:s2+$0x0]  }
.LBB2_12:
0xc9: {  	p0 =	seq.s32 s4, $0x4FF0;
	_ =	sdelay $0x3  }
0xca: {  	v12 =	vshrl.u32 v11, $0x17  }
0xcb: {  	v12 =	vmin.u32 v12, $0x7F  }
0xcc: {  	vm1 =	vge.s32 v12, v10  }
0xcd: {  	v12 =	vmpcnt.ones.xlane vm1;
	_ =	sdelay $0x1  }
0xce: {  	v12 =	vxor.u32 $0x80000000, v12  }
0xcf: {  	(xrf0) =	vmax.scan.msk.u32 $0xffff, v12;
	_ =	sdelay $0x2  }
0xd0: {  	s16 =	spop (v2sf)  }
.Ltmp9:
0xd1: {  	s1 =	sadd.s32 s16, s1;
	(pc) =	sbr.rel @!p0 .LBB2_12-.Ltmp9, $4  }
0xd2: {  	s1 =	sadd.s32 $0x80000000, s1  }
0xd3: {  	[tilespmem:s1+$0x6200] =	vst.msk vm1, v11;
	v11 =	vor.u32 s2, v1;
	v12, _, _ =	vpop (xrf0);
	s2 =	smov.u32 s4  }
0xd4: {  	s10 =	sadd.s32 $0x10, s10;
	[tilespmem:s1+$0xB210] =	vst.msk vm1, v11;
	(v2sf) =	vpush v12, $0xF  }
0xd5: {  	s4 =	sadd.s32 $0x10, s4;
	v11 =	vld [tilespmem:s10+$0x0]  }
0xd6: {  	_ =	sdelay $0x3  }
0xd7: {  	v12 =	vshrl.u32 v11, $0x17  }
0xd8: {  	v12 =	vmin.u32 v12, $0x7F  }
0xd9: {  	vm1 =	vge.s32 v12, v10  }
0xda: {  	v12 =	vmpcnt.ones.xlane vm1;
	_ =	sdelay $0x1  }
0xdb: {  	v12 =	vxor.u32 $0x80000000, v12  }
0xdc: {  	(xrf0) =	vmax.scan.msk.u32 $0xffff, v12;
	_ =	sdelay $0x5  }
0xdd: {  	v12, _, _ =	vpop (xrf0)  }
0xde: {  	(v2sf) =	vpush v12, $0xF;
	_ =	sdelay $0xc  }
0xdf: {  	s4 =	spop (v2sf)  }
0xe0: {  	s1 =	sadd.s32 s4, s1  }
0xe1: {  	s1 =	sadd.s32 $0x80000000, s1;
	s28 =	spop (v2sf)  }
0xe2: {  	[tilespmem:s1+$0x6200] =	vst.msk vm1, v11;
	v11 =	vor.u32 s2, v1;
	s31 =	sadd.s32 s28, s1  }
0xe3: {  	s4 =	simm.s32 $0x0;
	s2 =	simm.s32 $0x40;
	[tilespmem:s1+$0xB210] =	vst.msk vm1, v11;
	s1 =	sadd.s32 $0x80000000, s31  }
.LBB2_14:
0xe4: {  	p0 =	seq.s32 s2, $0x3FC0;
	[tilespmem:s4+$0x5000] =	vst v0;
	s4 =	smov.u32 s2;
	s2 =	sadd.s32 $0x40, s2  }
.Ltmp10:
0xe5: {  	(pc) =	sbr.rel @!p0 .LBB2_14-.Ltmp10, $2  }
0xe6: {  	_ =	sdelay $0x2  }
0xe7: {  	s4 =	sshra.s32 s4, $0x2  }
0xe8: {  	(v2sf) =	vpush v9, $0x0;
	_ =	sdelay $0x2  }
0xe9: {  	s2 =	sadd.s32 $0xF, s1  }
0xea: {  	s25 =	sand.u32 $0xF, s2  }
0xeb: {  	s10 =	sshra.s32 s2, $0x1F;
	p0 =	slt.s32 s2, $0x1;
	p1 =	sne.s32 s25, $0x0  }
0xec: {  	s28 =	sshrl.u32 s10, $0x1C;
	p0 =	por !p0, !p1  }
0xed: {  	[tilespmem:s4+$0x5000] =	vst v0;
	s4 =	simm.s32 $0x1;
	s2 =	sadd.s32 s28, s2;
	p0 =	por !p0, !p0  }
0xee: {  	s2 =	sshra.s32 s2, $0x4;
	s4 =	simm.s32 @!p0 $0x0  }
0xef: {  	s31 =	ssub.s32 s2, s4  }
0xf0: {  	p0 =	slt.s32 s31, $0x1  }
.Ltmp11:
0xf1: {  	_ = 	snop;
	(pc) =	sbr.rel @p0 .LBB2_22-.Ltmp11, $2  }
0xf2: {  	_ =	sdelay $0x2  }
0xf3: {  	v9 =	vmov s1;
	s4 =	spop (v2sf)  }
0xf4: {  	p2 =	sne.s32 s31, $0x1  }
.Ltmp12:
0xf5: {  	_ = 	snop;
	(pc) =	sbr.rel @!p2 .LBB2_17-.Ltmp12, $3  }
0xf6: {  	_ =	sdelay $0x1  }
0xf7: {  	s2 =	simm.s32 $0x6200  }
0xf8: {  	s1 =	simm.s32 $0x0;
	p1 =	por $0x0, $0x0;
	v11 =	vld [tilespmem:s2+$0x0];
	s2 =	sadd.s32 $0xFFFFFFFF, s31  }
0xf9: {  	_ =	sdelay $0x3  }
0xfa: {  	v12 =	vor.u32 s1, v1;
	v13 =	vshrl.u32 v11, $0x17  }
0xfb: {  	vm1 =	vlt.s32 v12, v9;
	v11 =	vshrl.u32 v11, $0xB;
	vm2 =	veq.s32 v13, v10  }
0xfc: {  	v11 =	vand.u32 $0xFF0, v11;
	vm1 =	vmand vm1, vm2  }
0xfd: {  	v11 =	vor.u32 v1, v11  }
0xfe: {  	p2 =	sne.s32 s2, $0x1  }
.Ltmp13:
0xff: {  	_ = 	snop;
	(pc) =	sbr.rel @!p2 .LBB2_19-.Ltmp13, $3  }
0x100: {  	_ =	sdelay $0x1  }
0x101: {  	s10 =	simm.s32 $0x6210;
	[tilespmem:v11+s12+$0x0] =	vst.idx.add.s32.msk vm1, v3  }
0x102: {  	s16 =	sadd.s32 $0xFFFFFFFF, s2;
	p1 =	por $0x1, $0x1;
	s2 =	simm.s32 $0x0;
	v11 =	vld [tilespmem:s10+$0x0]  }
.LBB2_20:
0x103: {  	p2 =	sne.s32 s16, $0x1;
	_ =	sdelay $0x2  }
0x104: {  	s2 =	sadd.s32 $0x10, s2  }
0x105: {  	v12 =	vor.u32 s2, v1;
	v13 =	vshrl.u32 v11, $0x17  }
0x106: {  	vm1 =	vlt.s32 v12, v9;
	v11 =	vshrl.u32 v11, $0xB;
	vm2 =	veq.s32 v13, v10  }
0x107: {  	v11 =	vand.u32 $0xFF0, v11;
	vm1 =	vmand vm1, vm2  }
0x108: {  	v11 =	vor.u32 v1, v11;
	_ =	sdelay $0x1  }
.Ltmp14:
0x109: {  	(pc) =	sbr.rel @p2 .LBB2_20-.Ltmp14, $3  }
0x10a: {  	_ =	sdelay $0x1  }
0x10b: {  	s10 =	sadd.s32 $0x10, s10;
	[tilespmem:v11+s12+$0x0] =	vst.idx.add.s32.msk vm1, v3  }
0x10c: {  	s16 =	sadd.s32 $0xFFFFFFFF, s16;
	v11 =	vld [tilespmem:s10+$0x0]  }
.LBB2_21:
0x10d: {  	_ =	sdelay $0x1  }
0x10e: {  	s2 =	sadd.s32 @p1 $0x10, s2  }
0x10f: {  	s1 =	smov.u32 @p1 s2  }
0x110: {  	v12 =	vor.u32 s1, v1;
	v13 =	vshrl.u32 v11, $0x17  }
0x111: {  	vm1 =	vlt.s32 v12, v9;
	vm2 =	veq.s32 v13, v10;
	v10 =	vshrl.u32 v11, $0xB  }
0x112: {  	vm1 =	vmand vm1, vm2;
	v10 =	vand.u32 $0xFF0, v10  }
0x113: {  	v10 =	vor.u32 v1, v10;
	_ =	sdelay $0x4  }
0x114: {  	[tilespmem:v10+s12+$0x0] =	vst.idx.add.s32.msk vm1, v3  }
.LBB2_22:
0x115: {  	s10 =	simm.s32 $0x0  }
0x116: {  	v10 =	vmov s10  }
0x117: {  	v10 =	vshll.u32 v10, $0x4  }
0x118: {  	v10 =	vor.u32 v4, v10  }
0x119: {  	v11 =	vor.u32 $0x1, v10  }
0x11a: {  	v12 =	vor.u32 $0x2, v10  }
0x11b: {  	v13 =	vor.u32 $0x3, v10  }
0x11c: {  	v14 =	vor.u32 $0x4, v10  }
0x11d: {  	v15 =	vor.u32 $0x5, v10;
	v16 =	vld.idx.msk [tilespmem:v10+s12+$0x0], $0xffff  }
0x11e: {  	v17 =	vor.u32 $0x6, v10;
	v11 =	vld.idx.msk [tilespmem:v11+s12+$0x0], $0xffff  }
0x11f: {  	v18 =	vor.u32 $0x7, v10;
	v12 =	vld.idx.msk [tilespmem:v12+s12+$0x0], $0xffff  }
0x120: {  	v19 =	vor.u32 $0x8, v10;
	v13 =	vld.idx.msk [tilespmem:v13+s12+$0x0], $0xffff  }
0x121: {  	v20 =	vor.u32 $0x9, v10;
	v14 =	vld.idx.msk [tilespmem:v14+s12+$0x0], $0xffff  }
0x122: {  	v21 =	vor.u32 $0xA, v10;
	v15 =	vld.idx.msk [tilespmem:v15+s12+$0x0], $0xffff  }
0x123: {  	v22 =	vor.u32 $0xB, v10;
	v17 =	vld.idx.msk [tilespmem:v17+s12+$0x0], $0xffff;
	v11 =	vadd.s32 v16, v11  }
0x124: {  	v16 =	vld.idx.msk [tilespmem:v18+s12+$0x0], $0xffff;
	v18 =	vor.u32 $0xC, v10;
	v11 =	vadd.s32 v12, v11  }
0x125: {  	v12 =	vld.idx.msk [tilespmem:v19+s12+$0x0], $0xffff;
	v19 =	vor.u32 $0xD, v10;
	v11 =	vadd.s32 v13, v11  }
0x126: {  	v60 =	vor.u32 $0xE, v10;
	v13 =	vld.idx.msk [tilespmem:v20+s12+$0x0], $0xffff;
	v11 =	vadd.s32 v14, v11  }
0x127: {  	v10 =	vor.u32 $0xF, v10;
	v14 =	vld.idx.msk [tilespmem:v21+s12+$0x0], $0xffff;
	v11 =	vadd.s32 v15, v11  }
0x128: {  	v15 =	vld.idx.msk [tilespmem:v22+s12+$0x0], $0xffff;
	v11 =	vadd.s32 v17, v11  }
0x129: {  	v17 =	vld.idx.msk [tilespmem:v18+s12+$0x0], $0xffff;
	v11 =	vadd.s32 v16, v11  }
0x12a: {  	s1 =	simm.s32 $0x10;
	v16 =	vld.idx.msk [tilespmem:v19+s12+$0x0], $0xffff;
	v11 =	vadd.s32 v12, v11  }
0x12b: {  	v18 =	vmov s1;
	v12 =	vld.idx.msk [tilespmem:v60+s12+$0x0], $0xffff;
	v11 =	vadd.s32 v13, v11  }
0x12c: {  	v10 =	vld.idx.msk [tilespmem:v10+s12+$0x0], $0xffff;
	v13 =	vshll.u32 v18, $0x4;
	v11 =	vadd.s32 v14, v11  }
0x12d: {  	v13 =	vor.u32 v4, v13;
	v11 =	vadd.s32 v15, v11  }
0x12e: {  	v14 =	vor.u32 $0x1, v13;
	v11 =	vadd.s32 v17, v11  }
0x12f: {  	v11 =	vadd.s32 v16, v11  }
0x130: {  	v15 =	vor.u32 $0x2, v13;
	v11 =	vadd.s32 v12, v11  }
0x131: {  	s1 =	simm.s32 $0x6000;
	v12 =	vor.u32 $0x3, v13;
	v10 =	vadd.s32 v10, v11  }
0x132: {  	v11 =	vor.u32 $0x4, v13;
	[tilespmem:s1+$0x0] =	vst v10  }
0x133: {  	v10 =	vld.idx.msk [tilespmem:v14+s12+$0x0], $0xffff;
	v14 =	vor.u32 $0x5, v13  }
0x134: {  	v17 =	vor.u32 $0x6, v13;
	v16 =	vld.idx.msk [tilespmem:v13+s12+$0x0], $0xffff  }
0x135: {  	v18 =	vor.u32 $0x7, v13;
	v15 =	vld.idx.msk [tilespmem:v15+s12+$0x0], $0xffff  }
0x136: {  	v19 =	vor.u32 $0x8, v13;
	v12 =	vld.idx.msk [tilespmem:v12+s12+$0x0], $0xffff  }
0x137: {  	v61 =	vor.u32 $0x9, v13;
	v11 =	vld.idx.msk [tilespmem:v11+s12+$0x0], $0xffff  }
0x138: {  	v62 =	vor.u32 $0xA, v13;
	v14 =	vld.idx.msk [tilespmem:v14+s12+$0x0], $0xffff  }
0x139: {  	v63 =	vor.u32 $0xB, v13;
	v17 =	vld.idx.msk [tilespmem:v17+s12+$0x0], $0xffff;
	v10 =	vadd.s32 v16, v10  }
0x13a: {  	v16 =	vld.idx.msk [tilespmem:v18+s12+$0x0], $0xffff;
	v18 =	vor.u32 $0xC, v13;
	v10 =	vadd.s32 v15, v10  }
0x13b: {  	v15 =	vld.idx.msk [tilespmem:v19+s12+$0x0], $0xffff;
	v19 =	vor.u32 $0xD, v13;
	v10 =	vadd.s32 v12, v10  }
0x13c: {  	v23 =	vor.u32 $0xE, v13;
	v20 =	vld.idx.msk [tilespmem:v61+s12+$0x0], $0xffff;
	v10 =	vadd.s32 v11, v10  }
0x13d: {  	v24 =	vor.u32 $0xF, v13;
	v21 =	vld.idx.msk [tilespmem:v62+s12+$0x0], $0xffff;
	v11 =	vadd.s32 v14, v10  }
0x13e: {  	v10 =	vld.idx.msk [tilespmem:v63+s12+$0x0], $0xffff;
	v12 =	vadd.s32 v17, v11  }
0x13f: {  	v11 =	vld.idx.msk [tilespmem:v18+s12+$0x0], $0xffff;
	v13 =	vadd.s32 v16, v12  }
0x140: {  	s2 =	simm.s32 $0x20;
	v12 =	vld.idx.msk [tilespmem:v19+s12+$0x0], $0xffff;
	v14 =	vadd.s32 v15, v13  }
0x141: {  	v13 =	vld.idx.msk [tilespmem:v23+s12+$0x0], $0xffff;
	v15 =	vmov s2;
	v16 =	vadd.s32 v20, v14  }
0x142: {  	s4 =	sadd.s32 $0xFFFFB12C, s4;
	s2 =	simm.s32 $0x30;
	v14 =	vld.idx.msk [tilespmem:v24+s12+$0x0], $0xffff;
	v15 =	vshll.u32 v15, $0x4;
	v16 =	vadd.s32 v21, v16  }
.LBB2_23:
0x143: {  	p1 =	seq.s32 s2, $0xF0;
	v15 =	vor.u32 v4, v15;
	v10 =	vadd.s32 v10, v16  }
0x144: {  	v16 =	vor.u32 $0x1, v15;
	v10 =	vadd.s32 v11, v10  }
0x145: {  	v10 =	vadd.s32 v12, v10  }
0x146: {  	v11 =	vor.u32 $0x2, v15;
	v10 =	vadd.s32 v13, v10  }
0x147: {  	s1 =	sadd.s32 $0x10, s1;
	v12 =	vor.u32 $0x3, v15;
	v10 =	vadd.s32 v14, v10  }
0x148: {  	v13 =	vor.u32 $0x4, v15;
	[tilespmem:s1+$0x0] =	vst v10  }
0x149: {  	v14 =	vor.u32 $0x5, v15;
	v10 =	vld.idx.msk [tilespmem:v16+s12+$0x0], $0xffff  }
0x14a: {  	v17 =	vor.u32 $0x6, v15;
	v16 =	vld.idx.msk [tilespmem:v15+s12+$0x0], $0xffff  }
0x14b: {  	v18 =	vor.u32 $0x7, v15;
	v11 =	vld.idx.msk [tilespmem:v11+s12+$0x0], $0xffff  }
0x14c: {  	v19 =	vor.u32 $0x8, v15;
	v12 =	vld.idx.msk [tilespmem:v12+s12+$0x0], $0xffff  }
0x14d: {  	v20 =	vor.u32 $0x9, v15;
	v13 =	vld.idx.msk [tilespmem:v13+s12+$0x0], $0xffff  }
0x14e: {  	v21 =	vor.u32 $0xA, v15;
	v14 =	vld.idx.msk [tilespmem:v14+s12+$0x0], $0xffff  }
0x14f: {  	v22 =	vor.u32 $0xB, v15;
	v17 =	vld.idx.msk [tilespmem:v17+s12+$0x0], $0xffff  }
0x150: {  	v10 =	vadd.s32 v16, v10;
	v16 =	vld.idx.msk [tilespmem:v18+s12+$0x0], $0xffff;
	v18 =	vor.u32 $0xC, v15  }
0x151: {  	v23 =	vor.u32 $0xD, v15;
	v10 =	vadd.s32 v11, v10;
	v19 =	vld.idx.msk [tilespmem:v19+s12+$0x0], $0xffff  }
0x152: {  	v24 =	vor.u32 $0xE, v15;
	v10 =	vadd.s32 v12, v10;
	v20 =	vld.idx.msk [tilespmem:v20+s12+$0x0], $0xffff  }
0x153: {  	v15 =	vor.u32 $0xF, v15;
	v10 =	vadd.s32 v13, v10;
	v21 =	vld.idx.msk [tilespmem:v21+s12+$0x0], $0xffff  }
0x154: {  	v11 =	vadd.s32 v14, v10;
	v10 =	vld.idx.msk [tilespmem:v22+s12+$0x0], $0xffff  }
.Ltmp15:
0x155: {  	v12 =	vadd.s32 v17, v11;
	v11 =	vld.idx.msk [tilespmem:v18+s12+$0x0], $0xffff;
	(pc) =	sbr.rel @!p1 .LBB2_23-.Ltmp15, $4  }
0x156: {  	v13 =	vadd.s32 v16, v12;
	v12 =	vld.idx.msk [tilespmem:v23+s12+$0x0], $0xffff  }
0x157: {  	v14 =	vadd.s32 v19, v13;
	v13 =	vld.idx.msk [tilespmem:v24+s12+$0x0], $0xffff  }
0x158: {  	v16 =	vmov s2;
	v17 =	vadd.s32 v20, v14;
	v14 =	vld.idx.msk [tilespmem:v15+s12+$0x0], $0xffff  }
0x159: {  	s2 =	sadd.s32 $0x10, s2;
	v15 =	vshll.u32 v16, $0x4;
	v16 =	vadd.s32 v21, v17  }
0x15a: {  	v15 =	vor.u32 v4, v15;
	v10 =	vadd.s32 v10, v16  }
0x15b: {  	v49 =	vor.u32 $0x1, v15;
	v10 =	vadd.s32 v11, v10  }
0x15c: {  	v10 =	vadd.s32 v12, v10  }
0x15d: {  	v11 =	vor.u32 $0x2, v15;
	v10 =	vadd.s32 v13, v10  }
0x15e: {  	s1 =	sadd.s32 $0x10, s1;
	v50 =	vor.u32 $0x3, v15;
	v10 =	vadd.s32 v14, v10  }
0x15f: {  	v51 =	vor.u32 $0x4, v15;
	[tilespmem:s1+$0x0] =	vst v10  }
0x160: {  	v52 =	vor.u32 $0x5, v15;
	v10 =	vld.idx.msk [tilespmem:v49+s12+$0x0], $0xffff  }
0x161: {  	v17 =	vor.u32 $0x6, v15;
	v53 =	vld.idx.msk [tilespmem:v15+s12+$0x0], $0xffff  }
0x162: {  	v18 =	vor.u32 $0x7, v15;
	v11 =	vld.idx.msk [tilespmem:v11+s12+$0x0], $0xffff  }
0x163: {  	v19 =	vor.u32 $0x8, v15;
	v12 =	vld.idx.msk [tilespmem:v50+s12+$0x0], $0xffff  }
0x164: {  	v20 =	vor.u32 $0x9, v15;
	v13 =	vld.idx.msk [tilespmem:v51+s12+$0x0], $0xffff  }
0x165: {  	v21 =	vor.u32 $0xA, v15;
	v14 =	vld.idx.msk [tilespmem:v52+s12+$0x0], $0xffff  }
0x166: {  	v22 =	vor.u32 $0xB, v15;
	v17 =	vld.idx.msk [tilespmem:v17+s12+$0x0], $0xffff;
	v10 =	vadd.s32 v53, v10  }
0x167: {  	v55 =	vor.u32 $0xC, v15;
	v54 =	vld.idx.msk [tilespmem:v18+s12+$0x0], $0xffff;
	v10 =	vadd.s32 v11, v10  }
0x168: {  	v56 =	vor.u32 $0xD, v15;
	v11 =	vld.idx.msk [tilespmem:v19+s12+$0x0], $0xffff;
	v10 =	vadd.s32 v12, v10  }
0x169: {  	v58 =	vor.u32 $0xE, v15;
	v57 =	vld.idx.msk [tilespmem:v20+s12+$0x0], $0xffff;
	v10 =	vadd.s32 v13, v10  }
0x16a: {  	v59 =	vld.idx.msk [tilespmem:v21+s12+$0x0], $0xffff;
	v15 =	vor.u32 $0xF, v15;
	v10 =	vadd.s32 v14, v10  }
0x16b: {  	v60 =	vld.idx.msk [tilespmem:v22+s12+$0x0], $0xffff;
	v10 =	vadd.s32 v17, v10  }
0x16c: {  	v61 =	vld.idx.msk [tilespmem:v55+s12+$0x0], $0xffff;
	v10 =	vadd.s32 v54, v10  }
0x16d: {  	v62 =	vld.idx.msk [tilespmem:v56+s12+$0x0], $0xffff;
	v10 =	vadd.s32 v11, v10  }
0x16e: {  	v11 =	vld.idx.msk [tilespmem:v58+s12+$0x0], $0xffff;
	v10 =	vadd.s32 v57, v10  }
0x16f: {  	v63 =	vld.idx.msk [tilespmem:v15+s12+$0x0], $0xffff;
	v10 =	vadd.s32 v59, v10  }
0x170: {  	v10 =	vadd.s32 v60, v10  }
0x171: {  	v10 =	vadd.s32 v61, v10  }
0x172: {  	v10 =	vadd.s32 v62, v10  }
0x173: {  	v10 =	vadd.s32 v11, v10  }
0x174: {  	s1 =	sadd.s32 $0x10, s1;
	v10 =	vadd.s32 v63, v10  }
0x175: {  	s28 =	simm.s32 $0x0;
	[tilespmem:s1+$0x0] =	vst v10  }
0x176: {  	v10 =	vld [tilespmem:s28+$0x6000];
	_ =	sdelay $0x4  }
0x177: {  	(xrf0) =	vadd.scan.msk.s32 $0xffff, v10;
	_ =	sdelay $0x5  }
0x178: {  	v10, _, _ =	vpop (xrf0)  }
0x179: {  	v10 =	vadd.s32 s10, v10  }
0x17a: {  	v11 =	vxor.u32 $0x80000000, v10  }
0x17b: {  	(xrf0) =	vmax.scan.msk.u32 $0xffff, v11;
	_ =	sdelay $0x5  }
0x17c: {  	v11, _, _ =	vpop (xrf0)  }
0x17d: {  	(v2sf) =	vpush v11, $0xF;
	_ =	sdelay $0x3  }
0x17e: {  	s2 =	simm.s32 $0x10;
	s1 =	simm.s32 $0x80;
	[tilespmem:s28+$0x6100] =	vst v10  }
.LBB2_25:
0x17f: {  	p1 =	seq.s32 s1, $0x3C0;
	v10 =	vld [tilespmem:s2+$0x6000];
	_ =	sdelay $0x4  }
0x180: {  	(xrf0) =	vadd.scan.msk.s32 $0xffff, v10;
	_ =	sdelay $0x4  }
0x181: {  	s10 =	spop (v2sf)  }
0x182: {  	v10, _, _ =	vpop (xrf0);
	s10 =	sxor.u32 $0x80000000, s10  }
0x183: {  	v10 =	vadd.s32 s10, v10  }
0x184: {  	[tilespmem:s2+$0x6100] =	vst v10;
	v10 =	vxor.u32 $0x80000000, v10  }
0x185: {  	(xrf0) =	vmax.scan.msk.u32 $0xffff, v10;
	_ =	sdelay $0x5  }
0x186: {  	v10, _, _ =	vpop (xrf0)  }
.Ltmp16:
0x187: {  	(v2sf) =	vpush v10, $0xF;
	(pc) =	sbr.rel @!p1 .LBB2_25-.Ltmp16, $2  }
0x188: {  	_ =	sdelay $0x2  }
0x189: {  	s2 =	sshra.s32 s1, $0x2;
	s1 =	sadd.s32 $0x40, s1  }
0x18a: {  	v10 =	vld [tilespmem:s2+$0x6000];
	_ =	sdelay $0x4  }
0x18b: {  	(xrf0) =	vadd.scan.msk.s32 $0xffff, v10;
	_ =	sdelay $0x4  }
0x18c: {  	s1 =	spop (v2sf)  }
0x18d: {  	v10, _, _ =	vpop (xrf0);
	s1 =	sxor.u32 $0x80000000, s1  }
0x18e: {  	v10 =	vadd.s32 s1, v10  }
0x18f: {  	v11 =	vxor.u32 $0x80000000, v10  }
0x190: {  	(xrf0) =	vmax.scan.msk.u32 $0xffff, v11;
	_ =	sdelay $0x5  }
0x191: {  	v11, _, _ =	vpop (xrf0)  }
0x192: {  	(v2sf) =	vpush v11, $0xF;
	_ =	sdelay $0xa  }
0x193: {  	[tilespmem:s2+$0x6100] =	vst v10  }
0x194: {  	v10 =	vld [tilespmem:$0x6100]  }
0x195: {  	v11 =	vld [tilespmem:$0x6110]  }
0x196: {  	v12 =	vld [tilespmem:$0x6120]  }
0x197: {  	v13 =	vld [tilespmem:$0x6130];
	s24 =	spop (v2sf)  }
0x198: {  	s28 =	sxor.u32 $0x80000000, s24  }
0x199: {  	v10 =	vsub.s32 s28, v10  }
0x19a: {  	vm1 =	vge.s32 v10, s4;
	v10 =	vsub.s32 s28, v11;
	v11 =	vld [tilespmem:$0x6140]  }
0x19b: {  	v47 =	vld [tilespmem:$0x6150];
	v14 =	vmpcnt.ones.xlane vm1;
	vm1 =	vge.s32 v10, s4;
	v10 =	vsub.s32 s28, v12  }
0x19c: {  	v48 =	vld [tilespmem:$0x6160];
	v15 =	vmpcnt.ones.xlane vm1;
	vm1 =	vge.s32 v10, s4;
	v10 =	vsub.s32 s28, v13  }
0x19d: {  	v16 =	vmpcnt.ones.xlane vm1;
	vm1 =	vge.s32 v10, s4;
	v10 =	vld [tilespmem:$0x6170];
	_ =	sdelay $0x1  }
0x19e: {  	v50 =	vld [tilespmem:$0x6180];
	v14 =	vadd.s32 v14, v15;
	v49 =	vmpcnt.ones.xlane vm1;
	v11 =	vsub.s32 s28, v11  }
0x19f: {  	v52 =	vld [tilespmem:$0x6190];
	v14 =	vadd.s32 v14, v16;
	vm1 =	vge.s32 v11, s4;
	v11 =	vsub.s32 s28, v47  }
0x1a0: {  	v51 =	vmpcnt.ones.xlane vm1;
	vm1 =	vge.s32 v11, s4;
	v11 =	vsub.s32 s28, v48  }
0x1a1: {  	v53 =	vmpcnt.ones.xlane vm1;
	vm1 =	vge.s32 v11, s4;
	v10 =	vsub.s32 s28, v10;
	v11 =	vld [tilespmem:$0x61A0]  }
0x1a2: {  	v14 =	vadd.s32 v14, v49;
	v54 =	vmpcnt.ones.xlane vm1;
	vm1 =	vge.s32 v10, s4;
	v10 =	vld [tilespmem:$0x61B0]  }
0x1a3: {  	v14 =	vadd.s32 v14, v51  }
0x1a4: {  	v57 =	vld [tilespmem:$0x61C0];
	v56 =	vsub.s32 s28, v52;
	v12 =	vsub.s32 s28, v50;
	v14 =	vadd.s32 v14, v53  }
0x1a5: {  	v55 =	vmpcnt.ones.xlane vm1;
	vm1 =	vge.s32 v12, s4;
	v14 =	vadd.s32 v14, v54  }
0x1a6: {  	v59 =	vld [tilespmem:$0x61D0];
	v58 =	vmpcnt.ones.xlane vm1;
	vm1 =	vge.s32 v56, s4;
	v11 =	vsub.s32 s28, v11  }
0x1a7: {  	v60 =	vmpcnt.ones.xlane vm1;
	vm1 =	vge.s32 v11, s4;
	v10 =	vsub.s32 s28, v10;
	v11 =	vld [tilespmem:$0x61E0]  }
0x1a8: {  	v14 =	vadd.s32 v14, v55;
	v61 =	vmpcnt.ones.xlane vm1;
	vm1 =	vge.s32 v10, s4;
	v10 =	vld [tilespmem:$0x61F0]  }
0x1a9: {  	v13 =	vsub.s32 s28, v57;
	v14 =	vadd.s32 v14, v58  }
0x1aa: {  	v14 =	vadd.s32 v14, v60;
	v62 =	vmpcnt.ones.xlane vm1;
	vm1 =	vge.s32 v13, s4  }
0x1ab: {  	v12 =	vsub.s32 s28, v59;
	v14 =	vadd.s32 v14, v61;
	v13 =	vmpcnt.ones.xlane vm1  }
0x1ac: {  	vm1 =	vge.s32 v12, s4;
	v14 =	vadd.s32 v14, v62;
	v11 =	vsub.s32 s28, v11  }
0x1ad: {  	v12 =	vmpcnt.ones.xlane vm1;
	vm1 =	vge.s32 v11, s4;
	v10 =	vsub.s32 s28, v10  }
0x1ae: {  	v11 =	vadd.s32 v14, v13;
	v63 =	vmpcnt.ones.xlane vm1;
	vm1 =	vge.s32 v10, s4  }
0x1af: {  	v10 =	vadd.s32 v11, v12;
	v11 =	vmpcnt.ones.xlane vm1  }
0x1b0: {  	v10 =	vadd.s32 v10, v63  }
0x1b1: {  	v10 =	vadd.s32 v10, v11  }
0x1b2: {  	v10 =	vxor.u32 $0x80000000, v10  }
0x1b3: {  	(xrf0) =	vmax.scan.msk.u32 $0xffff, v10;
	_ =	sdelay $0x5  }
0x1b4: {  	v10, _, _ =	vpop (xrf0)  }
0x1b5: {  	(v2sf) =	vpush v10, $0xF;
	_ =	sdelay $0xe  }
0x1b6: {  	s25 =	spop (v2sf)  }
0x1b7: {  	s1 =	sxor.u32 $0x80000000, s25  }
0x1b8: {  	v10 =	vmov s1;
	_ =	sdelay $0x4  }
0x1b9: {  	s10 =	simm.s32 $0x0;
	s2 =	simm.s32 $0x40;
	v10 =	vld.idx.msk [tilespmem:v10+s13+$0x0], $0xffff  }
.LBB2_27:
0x1ba: {  	p1 =	seq.s32 s2, $0x3FC0;
	[tilespmem:s10+$0x5000] =	vst v0;
	s10 =	smov.u32 s2;
	s2 =	sadd.s32 $0x40, s2  }
.Ltmp17:
0x1bb: {  	(pc) =	sbr.rel @!p1 .LBB2_27-.Ltmp17, $2  }
0x1bc: {  	_ =	sdelay $0x2  }
0x1bd: {  	s10 =	sshra.s32 s10, $0x2  }
0x1be: {  	(v2sf) =	vpush v10, $0x0;
	_ =	sdelay $0xa  }
.Ltmp18:
0x1bf: {  	_ = 	snop;
	(pc) =	sbr.rel @p0 .LBB2_35-.Ltmp18, $3  }
0x1c0: {  	_ =	sdelay $0x1  }
0x1c1: {  	s2 =	sshll.u32 s0, $0x8  }
0x1c2: {  	[tilespmem:s10+$0x5000] =	vst v0;
	s10 =	sadd.s32 s2, s1;
	s0 =	spop (v2sf)  }
0x1c3: {  	p2 =	sne.s32 s31, $0x1  }
.Ltmp19:
0x1c4: {  	_ = 	snop;
	(pc) =	sbr.rel @!p2 .LBB2_30-.Ltmp19, $3  }
0x1c5: {  	_ =	sdelay $0x1  }
0x1c6: {  	s2 =	simm.s32 $0x6200  }
0x1c7: {  	v10 =	vmov s10;
	s1 =	simm.s32 $0x0;
	p1 =	por $0x0, $0x0;
	v11 =	vld [tilespmem:s2+$0x0];
	s2 =	sadd.s32 $0xFFFFFFFF, s31  }
0x1c8: {  	_ =	sdelay $0x3  }
0x1c9: {  	v12 =	vor.u32 s1, v1;
	v13 =	vshrl.u32 v11, $0xF  }
0x1ca: {  	vm1 =	vlt.s32 v12, v9;
	v11 =	vshrl.u32 v11, $0x3;
	vm2 =	veq.s32 v13, v10  }
0x1cb: {  	v11 =	vand.u32 $0xFF0, v11;
	vm1 =	vmand vm1, vm2  }
0x1cc: {  	v11 =	vor.u32 v1, v11  }
0x1cd: {  	p2 =	sne.s32 s2, $0x1  }
.Ltmp20:
0x1ce: {  	_ = 	snop;
	(pc) =	sbr.rel @!p2 .LBB2_32-.Ltmp20, $3  }
0x1cf: {  	_ =	sdelay $0x1  }
0x1d0: {  	s16 =	simm.s32 $0x6210;
	[tilespmem:v11+s12+$0x0] =	vst.idx.add.s32.msk vm1, v3  }
0x1d1: {  	s24 =	sadd.s32 $0xFFFFFFFF, s2;
	p1 =	por $0x1, $0x1;
	s2 =	simm.s32 $0x0;
	v11 =	vld [tilespmem:s16+$0x0]  }
.LBB2_33:
0x1d2: {  	p2 =	sne.s32 s24, $0x1;
	_ =	sdelay $0x2  }
0x1d3: {  	s2 =	sadd.s32 $0x10, s2  }
0x1d4: {  	v12 =	vor.u32 s2, v1;
	v13 =	vshrl.u32 v11, $0xF  }
0x1d5: {  	vm1 =	vlt.s32 v12, v9;
	v11 =	vshrl.u32 v11, $0x3;
	vm2 =	veq.s32 v13, v10  }
0x1d6: {  	v11 =	vand.u32 $0xFF0, v11;
	vm1 =	vmand vm1, vm2  }
0x1d7: {  	v11 =	vor.u32 v1, v11;
	_ =	sdelay $0x1  }
.Ltmp21:
0x1d8: {  	(pc) =	sbr.rel @p2 .LBB2_33-.Ltmp21, $3  }
0x1d9: {  	_ =	sdelay $0x1  }
0x1da: {  	s16 =	sadd.s32 $0x10, s16;
	[tilespmem:v11+s12+$0x0] =	vst.idx.add.s32.msk vm1, v3  }
0x1db: {  	s24 =	sadd.s32 $0xFFFFFFFF, s24;
	v11 =	vld [tilespmem:s16+$0x0]  }
.LBB2_34:
0x1dc: {  	_ =	sdelay $0x1  }
0x1dd: {  	s2 =	sadd.s32 @p1 $0x10, s2  }
0x1de: {  	s1 =	smov.u32 @p1 s2  }
0x1df: {  	v12 =	vor.u32 s1, v1;
	v13 =	vshrl.u32 v11, $0xF  }
0x1e0: {  	vm1 =	vlt.s32 v12, v9;
	vm2 =	veq.s32 v13, v10;
	v10 =	vshrl.u32 v11, $0x3  }
0x1e1: {  	vm1 =	vmand vm1, vm2;
	v10 =	vand.u32 $0xFF0, v10  }
0x1e2: {  	v10 =	vor.u32 v1, v10;
	_ =	sdelay $0x4  }
0x1e3: {  	[tilespmem:v10+s12+$0x0] =	vst.idx.add.s32.msk vm1, v3  }
.LBB2_35:
0x1e4: {  	s16 =	simm.s32 $0x0  }
0x1e5: {  	v10 =	vmov s16  }
0x1e6: {  	v10 =	vshll.u32 v10, $0x4  }
0x1e7: {  	v10 =	vor.u32 v4, v10  }
0x1e8: {  	v11 =	vor.u32 $0x1, v10  }
0x1e9: {  	v12 =	vor.u32 $0x2, v10  }
0x1ea: {  	v13 =	vor.u32 $0x3, v10  }
0x1eb: {  	v14 =	vor.u32 $0x4, v10  }
0x1ec: {  	v15 =	vor.u32 $0x5, v10;
	v16 =	vld.idx.msk [tilespmem:v10+s12+$0x0], $0xffff  }
0x1ed: {  	v17 =	vor.u32 $0x6, v10;
	v11 =	vld.idx.msk [tilespmem:v11+s12+$0x0], $0xffff  }
0x1ee: {  	v18 =	vor.u32 $0x7, v10;
	v12 =	vld.idx.msk [tilespmem:v12+s12+$0x0], $0xffff  }
0x1ef: {  	v19 =	vor.u32 $0x8, v10;
	v13 =	vld.idx.msk [tilespmem:v13+s12+$0x0], $0xffff  }
0x1f0: {  	v20 =	vor.u32 $0x9, v10;
	v14 =	vld.idx.msk [tilespmem:v14+s12+$0x0], $0xffff  }
0x1f1: {  	v21 =	vor.u32 $0xA, v10;
	v15 =	vld.idx.msk [tilespmem:v15+s12+$0x0], $0xffff  }
0x1f2: {  	v22 =	vor.u32 $0xB, v10;
	v17 =	vld.idx.msk [tilespmem:v17+s12+$0x0], $0xffff;
	v11 =	vadd.s32 v16, v11  }
0x1f3: {  	v16 =	vld.idx.msk [tilespmem:v18+s12+$0x0], $0xffff;
	v18 =	vor.u32 $0xC, v10;
	v11 =	vadd.s32 v12, v11  }
0x1f4: {  	v12 =	vld.idx.msk [tilespmem:v19+s12+$0x0], $0xffff;
	v19 =	vor.u32 $0xD, v10;
	v11 =	vadd.s32 v13, v11  }
0x1f5: {  	v60 =	vor.u32 $0xE, v10;
	v13 =	vld.idx.msk [tilespmem:v20+s12+$0x0], $0xffff;
	v11 =	vadd.s32 v14, v11  }
0x1f6: {  	v10 =	vor.u32 $0xF, v10;
	v14 =	vld.idx.msk [tilespmem:v21+s12+$0x0], $0xffff;
	v11 =	vadd.s32 v15, v11  }
0x1f7: {  	v15 =	vld.idx.msk [tilespmem:v22+s12+$0x0], $0xffff;
	v11 =	vadd.s32 v17, v11  }
0x1f8: {  	v17 =	vld.idx.msk [tilespmem:v18+s12+$0x0], $0xffff;
	v11 =	vadd.s32 v16, v11  }
0x1f9: {  	s1 =	simm.s32 $0x10;
	v16 =	vld.idx.msk [tilespmem:v19+s12+$0x0], $0xffff;
	v11 =	vadd.s32 v12, v11  }
0x1fa: {  	v18 =	vmov s1;
	v12 =	vld.idx.msk [tilespmem:v60+s12+$0x0], $0xffff;
	v11 =	vadd.s32 v13, v11  }
0x1fb: {  	v10 =	vld.idx.msk [tilespmem:v10+s12+$0x0], $0xffff;
	v13 =	vshll.u32 v18, $0x4;
	v11 =	vadd.s32 v14, v11  }
0x1fc: {  	v13 =	vor.u32 v4, v13;
	v11 =	vadd.s32 v15, v11  }
0x1fd: {  	v14 =	vor.u32 $0x1, v13;
	v11 =	vadd.s32 v17, v11  }
0x1fe: {  	v11 =	vadd.s32 v16, v11  }
0x1ff: {  	v15 =	vor.u32 $0x2, v13;
	v11 =	vadd.s32 v12, v11  }
0x200: {  	s1 =	simm.s32 $0x6000;
	v12 =	vor.u32 $0x3, v13;
	v10 =	vadd.s32 v10, v11  }
0x201: {  	v11 =	vor.u32 $0x4, v13;
	[tilespmem:s1+$0x0] =	vst v10  }
0x202: {  	v10 =	vld.idx.msk [tilespmem:v14+s12+$0x0], $0xffff;
	v14 =	vor.u32 $0x5, v13  }
0x203: {  	v17 =	vor.u32 $0x6, v13;
	v16 =	vld.idx.msk [tilespmem:v13+s12+$0x0], $0xffff  }
0x204: {  	v18 =	vor.u32 $0x7, v13;
	v15 =	vld.idx.msk [tilespmem:v15+s12+$0x0], $0xffff  }
0x205: {  	v19 =	vor.u32 $0x8, v13;
	v12 =	vld.idx.msk [tilespmem:v12+s12+$0x0], $0xffff  }
0x206: {  	v61 =	vor.u32 $0x9, v13;
	v11 =	vld.idx.msk [tilespmem:v11+s12+$0x0], $0xffff  }
0x207: {  	v62 =	vor.u32 $0xA, v13;
	v14 =	vld.idx.msk [tilespmem:v14+s12+$0x0], $0xffff  }
0x208: {  	v63 =	vor.u32 $0xB, v13;
	v17 =	vld.idx.msk [tilespmem:v17+s12+$0x0], $0xffff;
	v10 =	vadd.s32 v16, v10  }
0x209: {  	v16 =	vld.idx.msk [tilespmem:v18+s12+$0x0], $0xffff;
	v18 =	vor.u32 $0xC, v13;
	v10 =	vadd.s32 v15, v10  }
0x20a: {  	v15 =	vld.idx.msk [tilespmem:v19+s12+$0x0], $0xffff;
	v19 =	vor.u32 $0xD, v13;
	v10 =	vadd.s32 v12, v10  }
0x20b: {  	v23 =	vor.u32 $0xE, v13;
	v20 =	vld.idx.msk [tilespmem:v61+s12+$0x0], $0xffff;
	v10 =	vadd.s32 v11, v10  }
0x20c: {  	v24 =	vor.u32 $0xF, v13;
	v21 =	vld.idx.msk [tilespmem:v62+s12+$0x0], $0xffff;
	v11 =	vadd.s32 v14, v10  }
0x20d: {  	v10 =	vld.idx.msk [tilespmem:v63+s12+$0x0], $0xffff;
	v12 =	vadd.s32 v17, v11  }
0x20e: {  	v11 =	vld.idx.msk [tilespmem:v18+s12+$0x0], $0xffff;
	v13 =	vadd.s32 v16, v12  }
0x20f: {  	s2 =	simm.s32 $0x20;
	v12 =	vld.idx.msk [tilespmem:v19+s12+$0x0], $0xffff;
	v14 =	vadd.s32 v15, v13  }
0x210: {  	s0 =	ssub.s32 s0, s28;
	v15 =	vmov s2;
	v13 =	vld.idx.msk [tilespmem:v23+s12+$0x0], $0xffff;
	v16 =	vadd.s32 v20, v14  }
0x211: {  	s0 =	sadd.s32 s4, s0;
	s2 =	simm.s32 $0x30;
	v14 =	vld.idx.msk [tilespmem:v24+s12+$0x0], $0xffff;
	v15 =	vshll.u32 v15, $0x4;
	v16 =	vadd.s32 v21, v16  }
.LBB2_36:
0x212: {  	p1 =	seq.s32 s2, $0xF0;
	v15 =	vor.u32 v4, v15;
	v10 =	vadd.s32 v10, v16  }
0x213: {  	v16 =	vor.u32 $0x1, v15;
	v10 =	vadd.s32 v11, v10  }
0x214: {  	v10 =	vadd.s32 v12, v10  }
0x215: {  	v11 =	vor.u32 $0x2, v15;
	v10 =	vadd.s32 v13, v10  }
0x216: {  	s1 =	sadd.s32 $0x10, s1;
	v12 =	vor.u32 $0x3, v15;
	v10 =	vadd.s32 v14, v10  }
0x217: {  	v13 =	vor.u32 $0x4, v15;
	[tilespmem:s1+$0x0] =	vst v10  }
0x218: {  	v14 =	vor.u32 $0x5, v15;
	v10 =	vld.idx.msk [tilespmem:v16+s12+$0x0], $0xffff  }
0x219: {  	v17 =	vor.u32 $0x6, v15;
	v16 =	vld.idx.msk [tilespmem:v15+s12+$0x0], $0xffff  }
0x21a: {  	v18 =	vor.u32 $0x7, v15;
	v11 =	vld.idx.msk [tilespmem:v11+s12+$0x0], $0xffff  }
0x21b: {  	v19 =	vor.u32 $0x8, v15;
	v12 =	vld.idx.msk [tilespmem:v12+s12+$0x0], $0xffff  }
0x21c: {  	v20 =	vor.u32 $0x9, v15;
	v13 =	vld.idx.msk [tilespmem:v13+s12+$0x0], $0xffff  }
0x21d: {  	v21 =	vor.u32 $0xA, v15;
	v14 =	vld.idx.msk [tilespmem:v14+s12+$0x0], $0xffff  }
0x21e: {  	v22 =	vor.u32 $0xB, v15;
	v17 =	vld.idx.msk [tilespmem:v17+s12+$0x0], $0xffff  }
0x21f: {  	v10 =	vadd.s32 v16, v10;
	v16 =	vld.idx.msk [tilespmem:v18+s12+$0x0], $0xffff;
	v18 =	vor.u32 $0xC, v15  }
0x220: {  	v23 =	vor.u32 $0xD, v15;
	v10 =	vadd.s32 v11, v10;
	v19 =	vld.idx.msk [tilespmem:v19+s12+$0x0], $0xffff  }
0x221: {  	v24 =	vor.u32 $0xE, v15;
	v10 =	vadd.s32 v12, v10;
	v20 =	vld.idx.msk [tilespmem:v20+s12+$0x0], $0xffff  }
0x222: {  	v15 =	vor.u32 $0xF, v15;
	v10 =	vadd.s32 v13, v10;
	v21 =	vld.idx.msk [tilespmem:v21+s12+$0x0], $0xffff  }
0x223: {  	v11 =	vadd.s32 v14, v10;
	v10 =	vld.idx.msk [tilespmem:v22+s12+$0x0], $0xffff  }
.Ltmp22:
0x224: {  	v12 =	vadd.s32 v17, v11;
	v11 =	vld.idx.msk [tilespmem:v18+s12+$0x0], $0xffff;
	(pc) =	sbr.rel @!p1 .LBB2_36-.Ltmp22, $4  }
0x225: {  	v13 =	vadd.s32 v16, v12;
	v12 =	vld.idx.msk [tilespmem:v23+s12+$0x0], $0xffff  }
0x226: {  	v14 =	vadd.s32 v19, v13;
	v13 =	vld.idx.msk [tilespmem:v24+s12+$0x0], $0xffff  }
0x227: {  	v16 =	vmov s2;
	v17 =	vadd.s32 v20, v14;
	v14 =	vld.idx.msk [tilespmem:v15+s12+$0x0], $0xffff  }
0x228: {  	s2 =	sadd.s32 $0x10, s2;
	v15 =	vshll.u32 v16, $0x4;
	v16 =	vadd.s32 v21, v17  }
0x229: {  	v15 =	vor.u32 v4, v15;
	v10 =	vadd.s32 v10, v16  }
0x22a: {  	v49 =	vor.u32 $0x1, v15;
	v10 =	vadd.s32 v11, v10  }
0x22b: {  	v10 =	vadd.s32 v12, v10  }
0x22c: {  	v11 =	vor.u32 $0x2, v15;
	v10 =	vadd.s32 v13, v10  }
0x22d: {  	s1 =	sadd.s32 $0x10, s1;
	v50 =	vor.u32 $0x3, v15;
	v10 =	vadd.s32 v14, v10  }
0x22e: {  	v51 =	vor.u32 $0x4, v15;
	[tilespmem:s1+$0x0] =	vst v10  }
0x22f: {  	v52 =	vor.u32 $0x5, v15;
	v10 =	vld.idx.msk [tilespmem:v49+s12+$0x0], $0xffff  }
0x230: {  	v17 =	vor.u32 $0x6, v15;
	v53 =	vld.idx.msk [tilespmem:v15+s12+$0x0], $0xffff  }
0x231: {  	v18 =	vor.u32 $0x7, v15;
	v11 =	vld.idx.msk [tilespmem:v11+s12+$0x0], $0xffff  }
0x232: {  	v19 =	vor.u32 $0x8, v15;
	v12 =	vld.idx.msk [tilespmem:v50+s12+$0x0], $0xffff  }
0x233: {  	v20 =	vor.u32 $0x9, v15;
	v13 =	vld.idx.msk [tilespmem:v51+s12+$0x0], $0xffff  }
0x234: {  	v21 =	vor.u32 $0xA, v15;
	v14 =	vld.idx.msk [tilespmem:v52+s12+$0x0], $0xffff  }
0x235: {  	v22 =	vor.u32 $0xB, v15;
	v17 =	vld.idx.msk [tilespmem:v17+s12+$0x0], $0xffff;
	v10 =	vadd.s32 v53, v10  }
0x236: {  	v55 =	vor.u32 $0xC, v15;
	v54 =	vld.idx.msk [tilespmem:v18+s12+$0x0], $0xffff;
	v10 =	vadd.s32 v11, v10  }
0x237: {  	v56 =	vor.u32 $0xD, v15;
	v11 =	vld.idx.msk [tilespmem:v19+s12+$0x0], $0xffff;
	v10 =	vadd.s32 v12, v10  }
0x238: {  	v58 =	vor.u32 $0xE, v15;
	v57 =	vld.idx.msk [tilespmem:v20+s12+$0x0], $0xffff;
	v10 =	vadd.s32 v13, v10  }
0x239: {  	v59 =	vld.idx.msk [tilespmem:v21+s12+$0x0], $0xffff;
	v15 =	vor.u32 $0xF, v15;
	v10 =	vadd.s32 v14, v10  }
0x23a: {  	v60 =	vld.idx.msk [tilespmem:v22+s12+$0x0], $0xffff;
	v10 =	vadd.s32 v17, v10  }
0x23b: {  	v61 =	vld.idx.msk [tilespmem:v55+s12+$0x0], $0xffff;
	v10 =	vadd.s32 v54, v10  }
0x23c: {  	v62 =	vld.idx.msk [tilespmem:v56+s12+$0x0], $0xffff;
	v10 =	vadd.s32 v11, v10  }
0x23d: {  	v11 =	vld.idx.msk [tilespmem:v58+s12+$0x0], $0xffff;
	v10 =	vadd.s32 v57, v10  }
0x23e: {  	v63 =	vld.idx.msk [tilespmem:v15+s12+$0x0], $0xffff;
	v10 =	vadd.s32 v59, v10  }
0x23f: {  	v10 =	vadd.s32 v60, v10  }
0x240: {  	v10 =	vadd.s32 v61, v10  }
0x241: {  	v10 =	vadd.s32 v62, v10  }
0x242: {  	v10 =	vadd.s32 v11, v10  }
0x243: {  	s1 =	sadd.s32 $0x10, s1;
	v10 =	vadd.s32 v63, v10  }
0x244: {  	s28 =	simm.s32 $0x0;
	[tilespmem:s1+$0x0] =	vst v10  }
0x245: {  	v10 =	vld [tilespmem:s28+$0x6000];
	_ =	sdelay $0x4  }
0x246: {  	(xrf0) =	vadd.scan.msk.s32 $0xffff, v10;
	_ =	sdelay $0x5  }
0x247: {  	v10, _, _ =	vpop (xrf0)  }
0x248: {  	v10 =	vadd.s32 s16, v10  }
0x249: {  	v11 =	vxor.u32 $0x80000000, v10  }
0x24a: {  	(xrf0) =	vmax.scan.msk.u32 $0xffff, v11;
	_ =	sdelay $0x5  }
0x24b: {  	v11, _, _ =	vpop (xrf0)  }
0x24c: {  	(v2sf) =	vpush v11, $0xF;
	_ =	sdelay $0x3  }
0x24d: {  	s2 =	simm.s32 $0x10;
	s1 =	simm.s32 $0x80;
	[tilespmem:s28+$0x6100] =	vst v10  }
.LBB2_38:
0x24e: {  	p1 =	seq.s32 s1, $0x3C0;
	v10 =	vld [tilespmem:s2+$0x6000];
	_ =	sdelay $0x4  }
0x24f: {  	(xrf0) =	vadd.scan.msk.s32 $0xffff, v10;
	_ =	sdelay $0x4  }
0x250: {  	s4 =	spop (v2sf)  }
0x251: {  	v10, _, _ =	vpop (xrf0);
	s4 =	sxor.u32 $0x80000000, s4  }
0x252: {  	v10 =	vadd.s32 s4, v10  }
0x253: {  	[tilespmem:s2+$0x6100] =	vst v10;
	v10 =	vxor.u32 $0x80000000, v10  }
0x254: {  	(xrf0) =	vmax.scan.msk.u32 $0xffff, v10;
	_ =	sdelay $0x5  }
0x255: {  	v10, _, _ =	vpop (xrf0)  }
.Ltmp23:
0x256: {  	(v2sf) =	vpush v10, $0xF;
	(pc) =	sbr.rel @!p1 .LBB2_38-.Ltmp23, $2  }
0x257: {  	_ =	sdelay $0x2  }
0x258: {  	s2 =	sshra.s32 s1, $0x2;
	s1 =	sadd.s32 $0x40, s1  }
0x259: {  	v10 =	vld [tilespmem:s2+$0x6000];
	_ =	sdelay $0x4  }
0x25a: {  	(xrf0) =	vadd.scan.msk.s32 $0xffff, v10;
	_ =	sdelay $0x4  }
0x25b: {  	s1 =	spop (v2sf)  }
0x25c: {  	v10, _, _ =	vpop (xrf0);
	s1 =	sxor.u32 $0x80000000, s1  }
0x25d: {  	v10 =	vadd.s32 s1, v10  }
0x25e: {  	v11 =	vxor.u32 $0x80000000, v10  }
0x25f: {  	(xrf0) =	vmax.scan.msk.u32 $0xffff, v11;
	_ =	sdelay $0x5  }
0x260: {  	v11, _, _ =	vpop (xrf0)  }
0x261: {  	(v2sf) =	vpush v11, $0xF;
	_ =	sdelay $0xa  }
0x262: {  	[tilespmem:s2+$0x6100] =	vst v10  }
0x263: {  	v10 =	vld [tilespmem:$0x6100]  }
0x264: {  	v11 =	vld [tilespmem:$0x6110]  }
0x265: {  	v12 =	vld [tilespmem:$0x6120]  }
0x266: {  	v13 =	vld [tilespmem:$0x6130];
	s24 =	spop (v2sf)  }
0x267: {  	s28 =	sxor.u32 $0x80000000, s24  }
0x268: {  	v10 =	vsub.s32 s28, v10  }
0x269: {  	vm1 =	vge.s32 v10, s0;
	v10 =	vsub.s32 s28, v11;
	v11 =	vld [tilespmem:$0x6140]  }
0x26a: {  	v47 =	vld [tilespmem:$0x6150];
	v14 =	vmpcnt.ones.xlane vm1;
	vm1 =	vge.s32 v10, s0;
	v10 =	vsub.s32 s28, v12  }
0x26b: {  	v48 =	vld [tilespmem:$0x6160];
	v15 =	vmpcnt.ones.xlane vm1;
	vm1 =	vge.s32 v10, s0;
	v10 =	vsub.s32 s28, v13  }
0x26c: {  	v16 =	vmpcnt.ones.xlane vm1;
	vm1 =	vge.s32 v10, s0;
	v10 =	vld [tilespmem:$0x6170];
	_ =	sdelay $0x1  }
0x26d: {  	v50 =	vld [tilespmem:$0x6180];
	v14 =	vadd.s32 v14, v15;
	v49 =	vmpcnt.ones.xlane vm1;
	v11 =	vsub.s32 s28, v11  }
0x26e: {  	v52 =	vld [tilespmem:$0x6190];
	v14 =	vadd.s32 v14, v16;
	vm1 =	vge.s32 v11, s0;
	v11 =	vsub.s32 s28, v47  }
0x26f: {  	v51 =	vmpcnt.ones.xlane vm1;
	vm1 =	vge.s32 v11, s0;
	v11 =	vsub.s32 s28, v48  }
0x270: {  	v53 =	vmpcnt.ones.xlane vm1;
	vm1 =	vge.s32 v11, s0;
	v10 =	vsub.s32 s28, v10;
	v11 =	vld [tilespmem:$0x61A0]  }
0x271: {  	v14 =	vadd.s32 v14, v49;
	v54 =	vmpcnt.ones.xlane vm1;
	vm1 =	vge.s32 v10, s0;
	v10 =	vld [tilespmem:$0x61B0]  }
0x272: {  	v14 =	vadd.s32 v14, v51  }
0x273: {  	v57 =	vld [tilespmem:$0x61C0];
	v56 =	vsub.s32 s28, v52;
	v12 =	vsub.s32 s28, v50;
	v14 =	vadd.s32 v14, v53  }
0x274: {  	v55 =	vmpcnt.ones.xlane vm1;
	vm1 =	vge.s32 v12, s0;
	v14 =	vadd.s32 v14, v54  }
0x275: {  	v59 =	vld [tilespmem:$0x61D0];
	v58 =	vmpcnt.ones.xlane vm1;
	vm1 =	vge.s32 v56, s0;
	v11 =	vsub.s32 s28, v11  }
0x276: {  	v60 =	vmpcnt.ones.xlane vm1;
	vm1 =	vge.s32 v11, s0;
	v10 =	vsub.s32 s28, v10;
	v11 =	vld [tilespmem:$0x61E0]  }
0x277: {  	v14 =	vadd.s32 v14, v55;
	v61 =	vmpcnt.ones.xlane vm1;
	vm1 =	vge.s32 v10, s0;
	v10 =	vld [tilespmem:$0x61F0]  }
0x278: {  	v13 =	vsub.s32 s28, v57;
	v14 =	vadd.s32 v14, v58  }
0x279: {  	v14 =	vadd.s32 v14, v60;
	v62 =	vmpcnt.ones.xlane vm1;
	vm1 =	vge.s32 v13, s0  }
0x27a: {  	v12 =	vsub.s32 s28, v59;
	v14 =	vadd.s32 v14, v61;
	v13 =	vmpcnt.ones.xlane vm1  }
0x27b: {  	vm1 =	vge.s32 v12, s0;
	v14 =	vadd.s32 v14, v62;
	v11 =	vsub.s32 s28, v11  }
0x27c: {  	v12 =	vmpcnt.ones.xlane vm1;
	vm1 =	vge.s32 v11, s0;
	v10 =	vsub.s32 s28, v10  }
0x27d: {  	v11 =	vadd.s32 v14, v13;
	v63 =	vmpcnt.ones.xlane vm1;
	vm1 =	vge.s32 v10, s0  }
0x27e: {  	v10 =	vadd.s32 v11, v12;
	v11 =	vmpcnt.ones.xlane vm1  }
0x27f: {  	v10 =	vadd.s32 v10, v63  }
0x280: {  	v10 =	vadd.s32 v10, v11  }
0x281: {  	v10 =	vxor.u32 $0x80000000, v10  }
0x282: {  	(xrf0) =	vmax.scan.msk.u32 $0xffff, v10;
	_ =	sdelay $0x5  }
0x283: {  	v10, _, _ =	vpop (xrf0)  }
0x284: {  	(v2sf) =	vpush v10, $0xF;
	_ =	sdelay $0xe  }
0x285: {  	s25 =	spop (v2sf)  }
0x286: {  	s1 =	sxor.u32 $0x80000000, s25  }
0x287: {  	v10 =	vmov s1;
	_ =	sdelay $0x4  }
0x288: {  	s4 =	simm.s32 $0x0;
	s2 =	simm.s32 $0x40;
	v10 =	vld.idx.msk [tilespmem:v10+s13+$0x0], $0xffff  }
.LBB2_40:
0x289: {  	p1 =	seq.s32 s2, $0x1FC0;
	[tilespmem:s4+$0x5000] =	vst v0;
	s4 =	smov.u32 s2;
	s2 =	sadd.s32 $0x40, s2  }
.Ltmp24:
0x28a: {  	(pc) =	sbr.rel @!p1 .LBB2_40-.Ltmp24, $2  }
0x28b: {  	_ =	sdelay $0x2  }
0x28c: {  	s4 =	sshra.s32 s4, $0x2  }
0x28d: {  	(v2sf) =	vpush v10, $0x0;
	_ =	sdelay $0xa  }
.Ltmp25:
0x28e: {  	_ = 	snop;
	(pc) =	sbr.rel @p0 .LBB2_48-.Ltmp25, $3  }
0x28f: {  	_ =	sdelay $0x1  }
0x290: {  	s2 =	sshll.u32 s10, $0x8  }
0x291: {  	[tilespmem:s4+$0x5000] =	vst v0;
	s4 =	sadd.s32 s2, s1;
	s16 =	spop (v2sf)  }
0x292: {  	p2 =	sne.s32 s31, $0x1  }
.Ltmp26:
0x293: {  	_ = 	snop;
	(pc) =	sbr.rel @!p2 .LBB2_43-.Ltmp26, $3  }
0x294: {  	_ =	sdelay $0x1  }
0x295: {  	s2 =	simm.s32 $0x6200  }
0x296: {  	v10 =	vmov s4;
	s1 =	simm.s32 $0x0;
	p1 =	por $0x0, $0x0;
	v11 =	vld [tilespmem:s2+$0x0];
	s2 =	sadd.s32 $0xFFFFFFFF, s31  }
0x297: {  	_ =	sdelay $0x3  }
0x298: {  	v12 =	vor.u32 s1, v1;
	v13 =	vshrl.u32 v11, $0x7  }
0x299: {  	vm1 =	vlt.s32 v12, v9;
	v11 =	vshll.u32 v11, $0x4;
	vm2 =	veq.s32 v13, v10  }
0x29a: {  	v11 =	vor.u32 v1, v11;
	vm1 =	vmand vm1, vm2  }
0x29b: {  	v11 =	vand.u32 v5, v11  }
0x29c: {  	p2 =	sne.s32 s2, $0x1  }
.Ltmp27:
0x29d: {  	_ = 	snop;
	(pc) =	sbr.rel @!p2 .LBB2_45-.Ltmp27, $3  }
0x29e: {  	_ =	sdelay $0x1  }
0x29f: {  	s10 =	simm.s32 $0x6210;
	[tilespmem:v11+s12+$0x0] =	vst.idx.add.s32.msk vm1, v3  }
0x2a0: {  	s24 =	sadd.s32 $0xFFFFFFFF, s2;
	p1 =	por $0x1, $0x1;
	s2 =	simm.s32 $0x0;
	v11 =	vld [tilespmem:s10+$0x0]  }
.LBB2_46:
0x2a1: {  	p2 =	sne.s32 s24, $0x1;
	_ =	sdelay $0x2  }
0x2a2: {  	s2 =	sadd.s32 $0x10, s2  }
0x2a3: {  	v12 =	vor.u32 s2, v1;
	v13 =	vshrl.u32 v11, $0x7  }
0x2a4: {  	vm1 =	vlt.s32 v12, v9;
	v11 =	vshll.u32 v11, $0x4;
	vm2 =	veq.s32 v13, v10  }
0x2a5: {  	v11 =	vor.u32 v1, v11;
	vm1 =	vmand vm1, vm2  }
0x2a6: {  	v11 =	vand.u32 v5, v11;
	_ =	sdelay $0x1  }
.Ltmp28:
0x2a7: {  	(pc) =	sbr.rel @p2 .LBB2_46-.Ltmp28, $3  }
0x2a8: {  	_ =	sdelay $0x1  }
0x2a9: {  	s10 =	sadd.s32 $0x10, s10;
	[tilespmem:v11+s12+$0x0] =	vst.idx.add.s32.msk vm1, v3  }
0x2aa: {  	s24 =	sadd.s32 $0xFFFFFFFF, s24;
	v11 =	vld [tilespmem:s10+$0x0]  }
.LBB2_47:
0x2ab: {  	_ =	sdelay $0x1  }
0x2ac: {  	s2 =	sadd.s32 @p1 $0x10, s2  }
0x2ad: {  	s1 =	smov.u32 @p1 s2  }
0x2ae: {  	v12 =	vor.u32 s1, v1;
	v13 =	vshrl.u32 v11, $0x7  }
0x2af: {  	vm1 =	vlt.s32 v12, v9;
	vm2 =	veq.s32 v13, v10;
	v10 =	vshll.u32 v11, $0x4  }
0x2b0: {  	vm1 =	vmand vm1, vm2;
	v10 =	vor.u32 v1, v10  }
0x2b1: {  	v10 =	vand.u32 v5, v10;
	_ =	sdelay $0x4  }
0x2b2: {  	[tilespmem:v10+s12+$0x0] =	vst.idx.add.s32.msk vm1, v3  }
.LBB2_48:
0x2b3: {  	s10 =	simm.s32 $0x0  }
0x2b4: {  	v10 =	vmov s10  }
0x2b5: {  	v10 =	vshll.u32 v10, $0x4  }
0x2b6: {  	v10 =	vor.u32 v4, v10  }
0x2b7: {  	v11 =	vor.u32 $0x1, v10  }
0x2b8: {  	v12 =	vor.u32 $0x2, v10  }
0x2b9: {  	v13 =	vor.u32 $0x3, v10  }
0x2ba: {  	v14 =	vor.u32 $0x4, v10  }
0x2bb: {  	v15 =	vor.u32 $0x5, v10;
	v16 =	vld.idx.msk [tilespmem:v10+s12+$0x0], $0xffff  }
0x2bc: {  	v17 =	vor.u32 $0x6, v10;
	v11 =	vld.idx.msk [tilespmem:v11+s12+$0x0], $0xffff  }
0x2bd: {  	v18 =	vor.u32 $0x7, v10;
	v12 =	vld.idx.msk [tilespmem:v12+s12+$0x0], $0xffff  }
0x2be: {  	v19 =	vor.u32 $0x8, v10;
	v13 =	vld.idx.msk [tilespmem:v13+s12+$0x0], $0xffff  }
0x2bf: {  	v20 =	vor.u32 $0x9, v10;
	v14 =	vld.idx.msk [tilespmem:v14+s12+$0x0], $0xffff  }
0x2c0: {  	v21 =	vor.u32 $0xA, v10;
	v15 =	vld.idx.msk [tilespmem:v15+s12+$0x0], $0xffff  }
0x2c1: {  	v22 =	vor.u32 $0xB, v10;
	v17 =	vld.idx.msk [tilespmem:v17+s12+$0x0], $0xffff;
	v11 =	vadd.s32 v16, v11  }
0x2c2: {  	v16 =	vld.idx.msk [tilespmem:v18+s12+$0x0], $0xffff;
	v18 =	vor.u32 $0xC, v10;
	v11 =	vadd.s32 v12, v11  }
0x2c3: {  	v12 =	vld.idx.msk [tilespmem:v19+s12+$0x0], $0xffff;
	v19 =	vor.u32 $0xD, v10;
	v11 =	vadd.s32 v13, v11  }
0x2c4: {  	v60 =	vor.u32 $0xE, v10;
	v13 =	vld.idx.msk [tilespmem:v20+s12+$0x0], $0xffff;
	v11 =	vadd.s32 v14, v11  }
0x2c5: {  	v10 =	vor.u32 $0xF, v10;
	v14 =	vld.idx.msk [tilespmem:v21+s12+$0x0], $0xffff;
	v11 =	vadd.s32 v15, v11  }
0x2c6: {  	v15 =	vld.idx.msk [tilespmem:v22+s12+$0x0], $0xffff;
	v11 =	vadd.s32 v17, v11  }
0x2c7: {  	v17 =	vld.idx.msk [tilespmem:v18+s12+$0x0], $0xffff;
	v11 =	vadd.s32 v16, v11  }
0x2c8: {  	s1 =	simm.s32 $0x10;
	v16 =	vld.idx.msk [tilespmem:v19+s12+$0x0], $0xffff;
	v11 =	vadd.s32 v12, v11  }
0x2c9: {  	v18 =	vmov s1;
	v12 =	vld.idx.msk [tilespmem:v60+s12+$0x0], $0xffff;
	v11 =	vadd.s32 v13, v11  }
0x2ca: {  	v10 =	vld.idx.msk [tilespmem:v10+s12+$0x0], $0xffff;
	v13 =	vshll.u32 v18, $0x4;
	v11 =	vadd.s32 v14, v11  }
0x2cb: {  	v13 =	vor.u32 v4, v13;
	v11 =	vadd.s32 v15, v11  }
0x2cc: {  	v14 =	vor.u32 $0x1, v13;
	v11 =	vadd.s32 v17, v11  }
0x2cd: {  	v11 =	vadd.s32 v16, v11  }
0x2ce: {  	v15 =	vor.u32 $0x2, v13;
	v11 =	vadd.s32 v12, v11  }
0x2cf: {  	s1 =	simm.s32 $0x6000;
	v12 =	vor.u32 $0x3, v13;
	v10 =	vadd.s32 v10, v11  }
0x2d0: {  	v11 =	vor.u32 $0x4, v13;
	[tilespmem:s1+$0x0] =	vst v10  }
0x2d1: {  	v10 =	vld.idx.msk [tilespmem:v14+s12+$0x0], $0xffff;
	v14 =	vor.u32 $0x5, v13  }
0x2d2: {  	v17 =	vor.u32 $0x6, v13;
	v16 =	vld.idx.msk [tilespmem:v13+s12+$0x0], $0xffff  }
0x2d3: {  	v18 =	vor.u32 $0x7, v13;
	v15 =	vld.idx.msk [tilespmem:v15+s12+$0x0], $0xffff  }
0x2d4: {  	v19 =	vor.u32 $0x8, v13;
	v12 =	vld.idx.msk [tilespmem:v12+s12+$0x0], $0xffff  }
0x2d5: {  	v61 =	vor.u32 $0x9, v13;
	v11 =	vld.idx.msk [tilespmem:v11+s12+$0x0], $0xffff  }
0x2d6: {  	v62 =	vor.u32 $0xA, v13;
	v14 =	vld.idx.msk [tilespmem:v14+s12+$0x0], $0xffff  }
0x2d7: {  	v63 =	vor.u32 $0xB, v13;
	v17 =	vld.idx.msk [tilespmem:v17+s12+$0x0], $0xffff;
	v10 =	vadd.s32 v16, v10  }
0x2d8: {  	v16 =	vld.idx.msk [tilespmem:v18+s12+$0x0], $0xffff;
	v18 =	vor.u32 $0xC, v13;
	v10 =	vadd.s32 v15, v10  }
0x2d9: {  	v15 =	vld.idx.msk [tilespmem:v19+s12+$0x0], $0xffff;
	v19 =	vor.u32 $0xD, v13;
	v10 =	vadd.s32 v12, v10  }
0x2da: {  	v23 =	vor.u32 $0xE, v13;
	v20 =	vld.idx.msk [tilespmem:v61+s12+$0x0], $0xffff;
	v10 =	vadd.s32 v11, v10  }
0x2db: {  	v24 =	vor.u32 $0xF, v13;
	v21 =	vld.idx.msk [tilespmem:v62+s12+$0x0], $0xffff;
	v11 =	vadd.s32 v14, v10  }
0x2dc: {  	v10 =	vld.idx.msk [tilespmem:v63+s12+$0x0], $0xffff;
	v12 =	vadd.s32 v17, v11  }
0x2dd: {  	v11 =	vld.idx.msk [tilespmem:v18+s12+$0x0], $0xffff;
	v13 =	vadd.s32 v16, v12  }
0x2de: {  	s2 =	simm.s32 $0x20;
	v12 =	vld.idx.msk [tilespmem:v19+s12+$0x0], $0xffff;
	v14 =	vadd.s32 v15, v13  }
0x2df: {  	s16 =	ssub.s32 s16, s28;
	v15 =	vmov s2;
	v13 =	vld.idx.msk [tilespmem:v23+s12+$0x0], $0xffff;
	v16 =	vadd.s32 v20, v14  }
0x2e0: {  	s0 =	sadd.s32 s0, s16;
	s2 =	simm.s32 $0x30;
	v14 =	vld.idx.msk [tilespmem:v24+s12+$0x0], $0xffff;
	v15 =	vshll.u32 v15, $0x4;
	v16 =	vadd.s32 v21, v16  }
.LBB2_49:
0x2e1: {  	p1 =	seq.s32 s2, $0x70;
	v15 =	vor.u32 v4, v15;
	v10 =	vadd.s32 v10, v16  }
0x2e2: {  	v16 =	vor.u32 $0x1, v15;
	v10 =	vadd.s32 v11, v10  }
0x2e3: {  	v10 =	vadd.s32 v12, v10  }
0x2e4: {  	v11 =	vor.u32 $0x2, v15;
	v10 =	vadd.s32 v13, v10  }
0x2e5: {  	s1 =	sadd.s32 $0x10, s1;
	v12 =	vor.u32 $0x3, v15;
	v10 =	vadd.s32 v14, v10  }
0x2e6: {  	v13 =	vor.u32 $0x4, v15;
	[tilespmem:s1+$0x0] =	vst v10  }
0x2e7: {  	v14 =	vor.u32 $0x5, v15;
	v10 =	vld.idx.msk [tilespmem:v16+s12+$0x0], $0xffff  }
0x2e8: {  	v17 =	vor.u32 $0x6, v15;
	v16 =	vld.idx.msk [tilespmem:v15+s12+$0x0], $0xffff  }
0x2e9: {  	v18 =	vor.u32 $0x7, v15;
	v11 =	vld.idx.msk [tilespmem:v11+s12+$0x0], $0xffff  }
0x2ea: {  	v19 =	vor.u32 $0x8, v15;
	v12 =	vld.idx.msk [tilespmem:v12+s12+$0x0], $0xffff  }
0x2eb: {  	v20 =	vor.u32 $0x9, v15;
	v13 =	vld.idx.msk [tilespmem:v13+s12+$0x0], $0xffff  }
0x2ec: {  	v21 =	vor.u32 $0xA, v15;
	v14 =	vld.idx.msk [tilespmem:v14+s12+$0x0], $0xffff  }
0x2ed: {  	v22 =	vor.u32 $0xB, v15;
	v17 =	vld.idx.msk [tilespmem:v17+s12+$0x0], $0xffff  }
0x2ee: {  	v10 =	vadd.s32 v16, v10;
	v16 =	vld.idx.msk [tilespmem:v18+s12+$0x0], $0xffff;
	v18 =	vor.u32 $0xC, v15  }
0x2ef: {  	v23 =	vor.u32 $0xD, v15;
	v10 =	vadd.s32 v11, v10;
	v19 =	vld.idx.msk [tilespmem:v19+s12+$0x0], $0xffff  }
0x2f0: {  	v24 =	vor.u32 $0xE, v15;
	v10 =	vadd.s32 v12, v10;
	v20 =	vld.idx.msk [tilespmem:v20+s12+$0x0], $0xffff  }
0x2f1: {  	v15 =	vor.u32 $0xF, v15;
	v10 =	vadd.s32 v13, v10;
	v21 =	vld.idx.msk [tilespmem:v21+s12+$0x0], $0xffff  }
0x2f2: {  	v11 =	vadd.s32 v14, v10;
	v10 =	vld.idx.msk [tilespmem:v22+s12+$0x0], $0xffff  }
.Ltmp29:
0x2f3: {  	v12 =	vadd.s32 v17, v11;
	v11 =	vld.idx.msk [tilespmem:v18+s12+$0x0], $0xffff;
	(pc) =	sbr.rel @!p1 .LBB2_49-.Ltmp29, $4  }
0x2f4: {  	v13 =	vadd.s32 v16, v12;
	v12 =	vld.idx.msk [tilespmem:v23+s12+$0x0], $0xffff  }
0x2f5: {  	v14 =	vadd.s32 v19, v13;
	v13 =	vld.idx.msk [tilespmem:v24+s12+$0x0], $0xffff  }
0x2f6: {  	v16 =	vmov s2;
	v17 =	vadd.s32 v20, v14;
	v14 =	vld.idx.msk [tilespmem:v15+s12+$0x0], $0xffff  }
0x2f7: {  	s2 =	sadd.s32 $0x10, s2;
	v15 =	vshll.u32 v16, $0x4;
	v16 =	vadd.s32 v21, v17  }
0x2f8: {  	v15 =	vor.u32 v4, v15;
	v10 =	vadd.s32 v10, v16  }
0x2f9: {  	v49 =	vor.u32 $0x1, v15;
	v10 =	vadd.s32 v11, v10  }
0x2fa: {  	v10 =	vadd.s32 v12, v10  }
0x2fb: {  	v11 =	vor.u32 $0x2, v15;
	v10 =	vadd.s32 v13, v10  }
0x2fc: {  	s1 =	sadd.s32 $0x10, s1;
	v50 =	vor.u32 $0x3, v15;
	v10 =	vadd.s32 v14, v10  }
0x2fd: {  	v51 =	vor.u32 $0x4, v15;
	[tilespmem:s1+$0x0] =	vst v10  }
0x2fe: {  	v52 =	vor.u32 $0x5, v15;
	v10 =	vld.idx.msk [tilespmem:v49+s12+$0x0], $0xffff  }
0x2ff: {  	v17 =	vor.u32 $0x6, v15;
	v53 =	vld.idx.msk [tilespmem:v15+s12+$0x0], $0xffff  }
0x300: {  	v18 =	vor.u32 $0x7, v15;
	v11 =	vld.idx.msk [tilespmem:v11+s12+$0x0], $0xffff  }
0x301: {  	v19 =	vor.u32 $0x8, v15;
	v12 =	vld.idx.msk [tilespmem:v50+s12+$0x0], $0xffff  }
0x302: {  	v20 =	vor.u32 $0x9, v15;
	v13 =	vld.idx.msk [tilespmem:v51+s12+$0x0], $0xffff  }
0x303: {  	v21 =	vor.u32 $0xA, v15;
	v14 =	vld.idx.msk [tilespmem:v52+s12+$0x0], $0xffff  }
0x304: {  	v22 =	vor.u32 $0xB, v15;
	v17 =	vld.idx.msk [tilespmem:v17+s12+$0x0], $0xffff;
	v10 =	vadd.s32 v53, v10  }
0x305: {  	v55 =	vor.u32 $0xC, v15;
	v54 =	vld.idx.msk [tilespmem:v18+s12+$0x0], $0xffff;
	v10 =	vadd.s32 v11, v10  }
0x306: {  	v56 =	vor.u32 $0xD, v15;
	v11 =	vld.idx.msk [tilespmem:v19+s12+$0x0], $0xffff;
	v10 =	vadd.s32 v12, v10  }
0x307: {  	v58 =	vor.u32 $0xE, v15;
	v57 =	vld.idx.msk [tilespmem:v20+s12+$0x0], $0xffff;
	v10 =	vadd.s32 v13, v10  }
0x308: {  	v59 =	vld.idx.msk [tilespmem:v21+s12+$0x0], $0xffff;
	v15 =	vor.u32 $0xF, v15;
	v10 =	vadd.s32 v14, v10  }
0x309: {  	v60 =	vld.idx.msk [tilespmem:v22+s12+$0x0], $0xffff;
	v10 =	vadd.s32 v17, v10  }
0x30a: {  	v61 =	vld.idx.msk [tilespmem:v55+s12+$0x0], $0xffff;
	v10 =	vadd.s32 v54, v10  }
0x30b: {  	v62 =	vld.idx.msk [tilespmem:v56+s12+$0x0], $0xffff;
	v10 =	vadd.s32 v11, v10  }
0x30c: {  	v11 =	vld.idx.msk [tilespmem:v58+s12+$0x0], $0xffff;
	v10 =	vadd.s32 v57, v10  }
0x30d: {  	v63 =	vld.idx.msk [tilespmem:v15+s12+$0x0], $0xffff;
	v10 =	vadd.s32 v59, v10  }
0x30e: {  	v10 =	vadd.s32 v60, v10  }
0x30f: {  	v10 =	vadd.s32 v61, v10  }
0x310: {  	v10 =	vadd.s32 v62, v10  }
0x311: {  	v10 =	vadd.s32 v11, v10  }
0x312: {  	s1 =	sadd.s32 $0x10, s1;
	v10 =	vadd.s32 v63, v10  }
0x313: {  	s28 =	simm.s32 $0x0;
	[tilespmem:s1+$0x0] =	vst v10  }
0x314: {  	v10 =	vld [tilespmem:s28+$0x6000];
	_ =	sdelay $0x4  }
0x315: {  	(xrf0) =	vadd.scan.msk.s32 $0xffff, v10;
	_ =	sdelay $0x5  }
0x316: {  	v10, _, _ =	vpop (xrf0)  }
0x317: {  	v10 =	vadd.s32 s10, v10  }
0x318: {  	v11 =	vxor.u32 $0x80000000, v10  }
0x319: {  	(xrf0) =	vmax.scan.msk.u32 $0xffff, v11;
	_ =	sdelay $0x5  }
0x31a: {  	v11, _, _ =	vpop (xrf0)  }
0x31b: {  	(v2sf) =	vpush v11, $0xF;
	_ =	sdelay $0x3  }
0x31c: {  	s2 =	simm.s32 $0x10;
	s1 =	simm.s32 $0x80;
	[tilespmem:s28+$0x6100] =	vst v10  }
.LBB2_51:
0x31d: {  	p1 =	seq.s32 s1, $0x1C0;
	v10 =	vld [tilespmem:s2+$0x6000];
	_ =	sdelay $0x4  }
0x31e: {  	(xrf0) =	vadd.scan.msk.s32 $0xffff, v10;
	_ =	sdelay $0x4  }
0x31f: {  	s10 =	spop (v2sf)  }
0x320: {  	v10, _, _ =	vpop (xrf0);
	s10 =	sxor.u32 $0x80000000, s10  }
0x321: {  	v10 =	vadd.s32 s10, v10  }
0x322: {  	[tilespmem:s2+$0x6100] =	vst v10;
	v10 =	vxor.u32 $0x80000000, v10  }
0x323: {  	(xrf0) =	vmax.scan.msk.u32 $0xffff, v10;
	_ =	sdelay $0x5  }
0x324: {  	v10, _, _ =	vpop (xrf0)  }
.Ltmp30:
0x325: {  	(v2sf) =	vpush v10, $0xF;
	(pc) =	sbr.rel @!p1 .LBB2_51-.Ltmp30, $2  }
0x326: {  	_ =	sdelay $0x2  }
0x327: {  	s2 =	sshra.s32 s1, $0x2;
	s1 =	sadd.s32 $0x40, s1  }
0x328: {  	v10 =	vld [tilespmem:s2+$0x6000];
	_ =	sdelay $0x4  }
0x329: {  	(xrf0) =	vadd.scan.msk.s32 $0xffff, v10;
	_ =	sdelay $0x4  }
0x32a: {  	s1 =	spop (v2sf)  }
0x32b: {  	v10, _, _ =	vpop (xrf0);
	s1 =	sxor.u32 $0x80000000, s1  }
0x32c: {  	v10 =	vadd.s32 s1, v10  }
0x32d: {  	v11 =	vxor.u32 $0x80000000, v10  }
0x32e: {  	(xrf0) =	vmax.scan.msk.u32 $0xffff, v11;
	_ =	sdelay $0x5  }
0x32f: {  	v11, _, _ =	vpop (xrf0)  }
0x330: {  	(v2sf) =	vpush v11, $0xF;
	_ =	sdelay $0xa  }
0x331: {  	[tilespmem:s2+$0x6100] =	vst v10  }
0x332: {  	v10 =	vld [tilespmem:$0x6100]  }
0x333: {  	v11 =	vld [tilespmem:$0x6110]  }
0x334: {  	v12 =	vld [tilespmem:$0x6120]  }
0x335: {  	v13 =	vld [tilespmem:$0x6130];
	s25 =	spop (v2sf)  }
0x336: {  	s1 =	sxor.u32 $0x80000000, s25  }
0x337: {  	v10 =	vsub.s32 s1, v10  }
0x338: {  	vm1 =	vge.s32 v10, s0;
	v10 =	vsub.s32 s1, v11;
	v11 =	vld [tilespmem:$0x6140]  }
0x339: {  	v58 =	vld [tilespmem:$0x6150];
	v14 =	vmpcnt.ones.xlane vm1;
	vm1 =	vge.s32 v10, s0;
	v10 =	vsub.s32 s1, v12  }
0x33a: {  	v59 =	vld [tilespmem:$0x6160];
	v15 =	vmpcnt.ones.xlane vm1;
	vm1 =	vge.s32 v10, s0;
	v10 =	vsub.s32 s1, v13  }
0x33b: {  	v16 =	vmpcnt.ones.xlane vm1;
	vm1 =	vge.s32 v10, s0;
	v10 =	vld [tilespmem:$0x6170]  }
0x33c: {  	v14 =	vadd.s32 v14, v15;
	v60 =	vmpcnt.ones.xlane vm1  }
0x33d: {  	v14 =	vadd.s32 v14, v16;
	v11 =	vsub.s32 s1, v11  }
0x33e: {  	v14 =	vadd.s32 v14, v60;
	vm1 =	vge.s32 v11, s0;
	v11 =	vsub.s32 s1, v58  }
0x33f: {  	v61 =	vmpcnt.ones.xlane vm1;
	vm1 =	vge.s32 v11, s0;
	v11 =	vsub.s32 s1, v59  }
0x340: {  	v62 =	vmpcnt.ones.xlane vm1;
	vm1 =	vge.s32 v11, s0;
	v10 =	vsub.s32 s1, v10  }
0x341: {  	v11 =	vadd.s32 v14, v61;
	v63 =	vmpcnt.ones.xlane vm1;
	vm1 =	vge.s32 v10, s0  }
0x342: {  	v10 =	vadd.s32 v11, v62;
	v11 =	vmpcnt.ones.xlane vm1  }
0x343: {  	v10 =	vadd.s32 v10, v63  }
0x344: {  	v10 =	vadd.s32 v10, v11  }
0x345: {  	v10 =	vxor.u32 $0x80000000, v10  }
0x346: {  	(xrf0) =	vmax.scan.msk.u32 $0xffff, v10;
	_ =	sdelay $0x5  }
0x347: {  	v10, _, _ =	vpop (xrf0)  }
0x348: {  	(v2sf) =	vpush v10, $0xF;
	_ =	sdelay $0xe  }
0x349: {  	s28 =	spop (v2sf)  }
0x34a: {  	s2 =	sxor.u32 $0x80000000, s28  }
0x34b: {  	v10 =	vmov s2;
	_ =	sdelay $0x3  }
0x34c: {  	s16 =	simm.s32 $0x0;
	s24 =	simm.s32 $0x10220  }
0x34d: {  	s10 =	simm.s32 $0x10360;
	v11 =	vadd.s32 s16, v1;
	v10 =	vld.idx.msk [tilespmem:v10+s13+$0x0], $0xffff;
	[tilespmem:s24+$0x0] =	vst v7  }
0x34e: {  	s16 =	simm.s32 $0x1;
	s24 =	simm.s32 $0x10230;
	[tilespmem:s10+$0x0] =	vst v11  }
.LBB2_53:
0x34f: {  	[tilespmem:s24+$0x0] =	vst v7;
	v11 =	vadd.s32 s16, v1;
	p1 =	seq.s32 s16, $0x12;
	s16 =	sadd.s32 $0x1, s16;
	s10 =	sadd.s32 $0x10, s10  }
.Ltmp31:
0x350: {  	[tilespmem:s10+$0x0] =	vst v11;
	(pc) =	sbr.rel @!p1 .LBB2_53-.Ltmp31, $2  }
0x351: {  	_ =	sdelay $0x2  }
0x352: {  	s24 =	sadd.s32 $0x10, s24  }
.Ltmp32:
0x353: {  	(pc) =	sbr.rel @p0 .LBB2_60-.Ltmp32, $1  }
0x354: {  	_ =	sdelay $0x3  }
0x355: {  	(v2sf) =	vpush v10, $0x0;
	_ =	sdelay $0xc  }
0x356: {  	s25 =	simm.s32 $0x6200  }
0x357: {  	v12 =	vld [tilespmem:s25+$0x0]  }
0x358: {  	s0 =	ssub.s32 s0, s1;
	s24 =	spop (v2sf)  }
0x359: {  	s4 =	sshll.u32 s4, $0x7;
	s0 =	sadd.s32 s24, s0  }
0x35a: {  	s2 =	sadd.s32 s4, s2;
	v11 =	vmov s0;
	s0 =	simm.s32 $0x0  }
0x35b: {  	v10 =	vmov s2;
	v13 =	vor.u32 s0, v1  }
0x35c: {  	vm2 =	veq.s32 v10, v12;
	vm1 =	vlt.s32 v13, v9  }
0x35d: {  	vm2 =	vmand vm1, vm2  }
0x35e: {  	v13 =	vsel vm2, $0x1, v0  }
0x35f: {  	(xrf0) =	vadd.scan.msk.s32 $0xffff, v13;
	_ =	sdelay $0x5  }
0x360: {  	p1 =	seq.s32 s31, $0x1;
	v13, _, _ =	vpop (xrf0)  }
.Ltmp33:
0x361: {  	v14 =	vadd.s32 s0, v13;
	(pc) =	sbr.rel @p1 .LBB2_56-.Ltmp33, $4  }
0x362: {  	vm3 =	vlt.s32 v10, v12;
	vm4 =	vle.s32 v14, v11  }
0x363: {  	vm1 =	vmand vm1, vm3;
	vm2 =	vmand vm2, vm4  }
0x364: {  	s28 =	simm.s32 $0xB210;
	v13 =	vxor.u32 $0x80000000, v13;
	vm1 =	vmor vm1, vm2  }
0x365: {  	s16 =	sadd.s32 $0xFFFFFFFF, s31;
	p0 =	por $0x0, $0x0;
	(xrf0) =	vmax.scan.msk.u32 $0xffff, v13;
	v13 =	vld [tilespmem:s28+$0x0];
	v14 =	vmpcnt.ones.xlane vm1  }
0x366: {  	_ =	sdelay $0x4  }
0x367: {  	v14 =	vxor.u32 $0x80000000, v14;
	v15, _, _ =	vpop (xrf0)  }
0x368: {  	(xrf0) =	vmax.scan.msk.u32 $0xffff, v14;
	(v2sf) =	vpush v15, $0xF  }
0x369: {  	[tilespmem:s0+$0x10220] =	vst.msk vm1, v12  }
0x36a: {  	s1 =	simm.s32 $0x6210;
	[tilespmem:s0+$0x10360] =	vst.msk vm1, v13  }
0x36b: {  	v12 =	vld [tilespmem:s1+$0x0];
	_ =	sdelay $0x2  }
0x36c: {  	s2 =	simm.s32 $0x10;
	v13, _, _ =	vpop (xrf0)  }
0x36d: {  	(v2sf) =	vpush v13, $0xF;
	v13 =	vor.u32 s2, v1  }
0x36e: {  	vm2 =	veq.s32 v10, v12;
	vm1 =	vlt.s32 v13, v9  }
0x36f: {  	vm2 =	vmand vm1, vm2  }
0x370: {  	v13 =	vsel vm2, $0x1, v0  }
0x371: {  	(xrf0) =	vadd.scan.msk.s32 $0xffff, v13;
	_ =	sdelay $0x3  }
0x372: {  	s4 =	spop (v2sf)  }
0x373: {  	s4 =	sadd.s32 $0x0, s4  }
0x374: {  	v13, _, _ =	vpop (xrf0);
	s4 =	sadd.s32 $0x80000000, s4  }
0x375: {  	v14 =	vadd.s32 s4, v13;
	v13 =	vxor.u32 $0x80000000, v13  }
0x376: {  	p1 =	seq.s32 s16, $0x1;
	(xrf0) =	vmax.scan.msk.u32 $0xffff, v13  }
.Ltmp34:
0x377: {  	vm3 =	vlt.s32 v10, v12;
	vm4 =	vle.s32 v14, v11;
	(pc) =	sbr.rel @p1 .LBB2_59-.Ltmp34, $4  }
0x378: {  	s10 =	simm.s32 $0xB220;
	vm1 =	vmand vm1, vm3;
	vm2 =	vmand vm2, vm4  }
0x379: {  	v13 =	vld [tilespmem:s10+$0x0];
	vm1 =	vmor vm1, vm2  }
0x37a: {  	s24 =	spop (v2sf);
	v14 =	vmpcnt.ones.xlane vm1  }
0x37b: {  	s16 =	sadd.s32 $0xFFFFFFFF, s16;
	p0 =	por $0x1, $0x1;
	s24 =	sadd.s32 $0x0, s24  }
.LBB2_58:
0x37c: {  	p1 =	seq.s32 s16, $0x1;
	s16 =	sadd.s32 $0xFFFFFFFF, s16;
	v14 =	vxor.u32 $0x80000000, v14;
	v15, _, _ =	vpop (xrf0);
	s24 =	sadd.s32 $0x80000000, s24  }
0x37d: {  	[tilespmem:s24+$0x10220] =	vst.msk vm1, v12;
	(xrf0) =	vmax.scan.msk.u32 $0xffff, v14;
	(v2sf) =	vpush v15, $0xF  }
0x37e: {  	s1 =	sadd.s32 $0x10, s1;
	[tilespmem:s24+$0x10360] =	vst.msk vm1, v13  }
0x37f: {  	v12 =	vld [tilespmem:s1+$0x0];
	_ =	sdelay $0x2  }
0x380: {  	s2 =	sadd.s32 $0x10, s2  }
0x381: {  	v13 =	vor.u32 s2, v1;
	v14, _, _ =	vpop (xrf0)  }
0x382: {  	vm1 =	vlt.s32 v13, v9;
	vm2 =	veq.s32 v10, v12;
	(v2sf) =	vpush v14, $0xF  }
0x383: {  	vm3 =	vlt.s32 v10, v12;
	vm2 =	vmand vm1, vm2  }
0x384: {  	vm1 =	vmand vm1, vm3;
	v13 =	vsel vm2, $0x1, v0  }
0x385: {  	(xrf0) =	vadd.scan.msk.s32 $0xffff, v13;
	_ =	sdelay $0x4  }
0x386: {  	s25 =	spop (v2sf)  }
0x387: {  	v13, _, _ =	vpop (xrf0);
	s4 =	sadd.s32 s25, s4  }
0x388: {  	v14 =	vxor.u32 $0x80000000, v13;
	s4 =	sadd.s32 $0x80000000, s4  }
0x389: {  	v13 =	vadd.s32 s4, v13;
	(xrf0) =	vmax.scan.msk.u32 $0xffff, v14  }
.Ltmp35:
0x38a: {  	vm3 =	vle.s32 v13, v11;
	(pc) =	sbr.rel @!p1 .LBB2_58-.Ltmp35, $4  }
0x38b: {  	s10 =	sadd.s32 $0x10, s10;
	vm2 =	vmand vm2, vm3  }
0x38c: {  	vm1 =	vmor vm1, vm2;
	v13 =	vld [tilespmem:s10+$0x0]  }
0x38d: {  	v14 =	vmpcnt.ones.xlane vm1;
	s25 =	spop (v2sf)  }
0x38e: {  	s24 =	sadd.s32 s25, s24  }
.LBB2_59:
0x38f: {  	v9 =	vxor.u32 $0x80000000, v14  }
0x390: {  	(xrf0) =	vmax.scan.msk.u32 $0xffff, v9;
	_ =	sdelay $0x4  }
0x391: {  	v9, _, _ =	vpop (xrf0)  }
0x392: {  	(v2sf) =	vpush v9, $0xF;
	v9, _, _ =	vpop (xrf0)  }
0x393: {  	(v2sf) =	vpush v9, $0xF;
	_ =	sdelay $0xb  }
0x394: {  	s1 =	sadd.s32 @p0 $0x80000000, s24  }
0x395: {  	s0 =	smov.u32 @p0 s1  }
0x396: {  	[tilespmem:s0+$0x10220] =	vst.msk vm1, v12;
	s28 =	spop (v2sf)  }
0x397: {  	[tilespmem:s0+$0x10360] =	vst.msk vm1, v13;
	s31 =	spop (v2sf)  }
.LBB2_60:
0x398: {  	s1 =	simm.s32 $0x0  }
0x399: {  	v10 =	vld [tilespmem:s1+$0x10360];
	_ =	sdelay $0x2  }
0x39a: {  	s0 =	sshll.u32 s30, $0x2  }
0x39b: {  	s0 =	sadd.s32 $0x4, s0  }
0x39c: {  	v9 =	vmov s0;
	s0 =	simm.s32 $0x10;
	vm1 =	vlt.s32 v10, $0x4E1F  }
0x39d: {  	v11 =	vnsel vm1, $0x4E1F, v10;
	v10 =	vld [tilespmem:s0+$0x10360]  }
0x39e: {  	v12 =	vmul.u32 $0x144, v11;
	_ =	sdelay $0x1  }
0x39f: {  	v12 =	vadd.s32 v9, v12  }
0x3a0: {  	s2 =	simm.s32 $0x80;
	[tilespmem:s1+$0x104A0] =	vst v11;
	v11 =	vshrl.u32 v12, $0x4  }
.LBB2_61:
0x3a1: {  	s4 =	sshra.s32 s2, $0x2;
	p0 =	sne.s32 s2, $0x480;
	s2 =	sadd.s32 $0x40, s2;
	vm1 =	vlt.s32 v10, $0x4E1F;
	[tilespmem:s1+$0x105D0] =	vst v11  }
.Ltmp36:
0x3a2: {  	s1 =	smov.u32 s0;
	v11 =	vnsel vm1, $0x4E1F, v10;
	v10 =	vld [tilespmem:s4+$0x10360];
	s0 =	smov.u32 s4;
	(pc) =	sbr.rel @p0 .LBB2_61-.Ltmp36, $3  }
0x3a3: {  	[tilespmem:s1+$0x104A0] =	vst v11;
	v11 =	vmul.u32 $0x144, v11;
	_ =	sdelay $0x1  }
0x3a4: {  	v11 =	vadd.s32 v9, v11  }
0x3a5: {  	v11 =	vshrl.u32 v11, $0x4  }
0x3a6: {  	vm1 =	vlt.s32 v10, $0x4E1F  }
0x3a7: {  	v10 =	vnsel vm1, $0x4E1F, v10  }
0x3a8: {  	v12 =	vmul.u32 $0x144, v10;
	_ =	sdelay $0x1  }
0x3a9: {  	[tilespmem:s1+$0x105D0] =	vst v11;
	v11 =	vadd.s32 v9, v12  }
0x3aa: {  	[tilespmem:s0+$0x104A0] =	vst v10;
	v10 =	vshrl.u32 v11, $0x4  }
0x3ab: {  	s5 =	simm.s32 $0x105D0;
	[tilespmem:s0+$0x105D0] =	vst v10  }
0x3ac: {  	[tilespmem:s17], [sflag:$0x1] =	stream.indirect.gather [hbm4b:s6+s15], $0x10, s5, s15, $0xb8;
	[tilespmem:$0x14720] =	vst v63  }
0x3ad: {  	_ =	swait.ge [sflag:s14], $0x1300  }
0x3ae: {  	[sflag:s14] =	ssyncset.done $0x0  }
0x3af: {  	s0 =	simm.s32 $0x104A0;
	s10 =	rddreg [dreg:$0x3];
	[sflag:s14] =	ssyncadd.s32 $0xFFFFED00  }
0x3b0: {  	[tilespmem:s18], [sflag:$0x1] =	stream.indirect.gather [hbm4b:s10+s15], $0x10, s0, s15, $0xb8;
	[tilespmem:$0x14720] =	vst v63  }
0x3b1: {  	_ =	swait.ge [sflag:s14], $0x1300  }
0x3b2: {  	[sflag:s14] =	ssyncset.done $0x0  }
0x3b3: {  	[sflag:s14] =	ssyncadd.s32 $0xFFFFED00  }
0x3b4: {  	v10 =	vld [tilespmem:s0+$0x0];
	_ =	sdelay $0x3  }
0x3b5: {  	s16 =	simm.s32 $0x0  }
0x3b6: {  	v11 =	vmov s16;
	v10 =	vshll.u32 v10, $0x2  }
0x3b7: {  	v11 =	vshll.u32 v11, $0x4;
	v10 =	vadd.s32 v9, v10  }
0x3b8: {  	v11 =	vor.u32 v4, v11;
	v10 =	vand.u32 $0xC, v10  }
0x3b9: {  	v10 =	vor.u32 v11, v10  }
0x3ba: {  	v49 =	vor.u32 $0x2, v10  }
0x3bb: {  	v13 =	vor.u32 $0x3, v10;
	_ =	sdelay $0x3  }
0x3bc: {  	v12 =	vld.idx.msk [tilespmem:v49+s17+$0x0], $0xffff  }
0x3bd: {  	v13 =	vld.idx.msk [tilespmem:v13+s17+$0x0], $0xffff  }
0x3be: {  	v14 =	vor.u32 $0x2, v11  }
0x3bf: {  	v15 =	vor.u32 $0x3, v11;
	_ =	sdelay $0x1  }
0x3c0: {  	v16 =	vor.u32 $0x1, v11;
	v12 =	vmul.f32 v12, v6  }
0x3c1: {  	v13 =	vmul.f32 v13, v6  }
0x3c2: {  	v14 =	vld.idx.msk [tilespmem:v14+s18+$0x0], $0xffff;
	v12 =	vmin.f32 v12, $4.135166650e+00  }
0x3c3: {  	v15 =	vld.idx.msk [tilespmem:v15+s18+$0x0], $0xffff;
	v17 =	vor.u32 $0x1, v10;
	v13 =	vmin.f32 v13, $4.135166650e+00;
	v12 =	vmul.f32 $1.442695020e+00, v12  }
0x3c4: {  	v11 =	vld.idx.msk [tilespmem:v11+s18+$0x0], $0xffff;
	v13 =	vmul.f32 $1.442695020e+00, v13  }
0x3c5: {  	v16 =	vld.idx.msk [tilespmem:v16+s18+$0x0], $0xffff;
	(erf) = vpow2.f32 v12  }
0x3c6: {  	(erf) = vpow2.f32 v13  }
0x3c7: {  	v10 =	vld.idx.msk [tilespmem:v10+s17+$0x0], $0xffff  }
0x3c8: {  	v50 =	vld.idx.msk [tilespmem:v17+s17+$0x0], $0xffff  }
0x3c9: {  	v51 =	vsub.f32 v14, v11  }
0x3ca: {  	v52 =	vsub.f32 v15, v16  }
0x3cb: {  	v13 =	vadd.f32 $1.000000000e+00, v51  }
0x3cc: {  	v14 =	vadd.f32 $1.000000000e+00, v52;
	v10 =	vmul.f32 v10, v2  }
0x3cd: {  	v12 =	vmul.f32 v50, v2;
	v53 =	vmul.f32 $5.000000000e-01, v13  }
0x3ce: {  	v54 =	vmul.f32 $5.000000000e-01, v14;
	v18 =	vpop (erf)  }
0x3cf: {  	v12 =	vmul.f32 v12, v14;
	v10 =	vmul.f32 v10, v13;
	v11 =	vadd.f32 v53, v11;
	v55 =	vpop (erf)  }
0x3d0: {  	v16 =	vadd.f32 v54, v16;
	v13 =	vmul.f32 v18, v13;
	v14 =	vmul.f32 v55, v14  }
0x3d1: {  	v10 =	vadd.f32 v10, v11  }
0x3d2: {  	v11 =	vadd.f32 v12, v16;
	v56 =	vmul.f32 $5.000000000e-01, v13;
	v57 =	vmul.f32 $5.000000000e-01, v14;
	_ =	sdelay $0x1  }
0x3d3: {  	v58 =	vadd.f32 v56, v10;
	v59 =	vadd.f32 v57, v11  }
0x3d4: {  	v10 =	vsub.f32 v10, v56;
	v11 =	vsub.f32 v11, v57  }
0x3d5: {  	v60 =	vadd.f32 $-1.000000000e+00, v58;
	v61 =	vadd.f32 $-1.000000000e+00, v59  }
0x3d6: {  	v10 =	vmax.f32 v10, $0.0e+00;
	v11 =	vmax.f32 v11, $0.0e+00  }
0x3d7: {  	v10 =	vmin.f32 v10, $1.332000000e+03;
	v12 =	vmax.f32 v60, $0.0e+00;
	v13 =	vmax.f32 v61, $0.0e+00  }
0x3d8: {  	v11 =	vmin.f32 v11, $7.990000000e+02;
	v12 =	vmin.f32 v12, $1.332000000e+03;
	v13 =	vmin.f32 v13, $7.990000000e+02  }
0x3d9: {  	s4 =	simm.s32 $0x12D00;
	v62 =	vsub.f32 v12, v10;
	v63 =	vsub.f32 v13, v11  }
0x3da: {  	s10 =	simm.s32 $0x12E30;
	[tilespmem:s4+$0x0] =	vst v10  }
0x3db: {  	[tilespmem:s10+$0x0] =	vst v11;
	v10 =	vadd.f32 $1.000000000e+00, v62;
	v11 =	vadd.f32 $1.000000000e+00, v63  }
0x3dc: {  	s24 =	simm.s32 $0x12F60;
	s2 =	simm.s32 $0x13090;
	s25 =	simm.s32 $0x131C0  }
0x3dd: {  	s28 =	simm.s32 $0x132F0;
	s31 =	simm.s32 $0x13300;
	s1 =	simm.s32 $0x130A0;
	[tilespmem:s24+$0x0] =	vst v12;
	v10 =	vmul.f32 v11, v10  }
0x3de: {  	s16 =	simm.s32 $0x10;
	s24 =	simm.s32 $0x12F70;
	[tilespmem:s2+$0x0] =	vst v13;
	s2 =	simm.s32 $0x131D0  }
.LBB2_63:
0x3df: {  	[tilespmem:s25+$0x0] =	vst v10;
	s0 =	sadd.s32 $0x10, s0;
	s4 =	sadd.s32 $0x10, s4;
	s10 =	sadd.s32 $0x10, s10  }
0x3e0: {  	p0 =	sne.s32 s16, $0x120;
	s5 =	smov.u32 s16;
	s16 =	sadd.s32 $0x10, s16;
	[tilespmem:s28+$0x0] =	vst v7  }
0x3e1: {  	s25 =	smov.u32 s2;
	s28 =	smov.u32 s31;
	v10 =	vld [tilespmem:s0+$0x0];
	_ =	sdelay $0x4  }
0x3e2: {  	v11 =	vmov s5;
	v10 =	vshll.u32 v10, $0x2  }
0x3e3: {  	v11 =	vshll.u32 v11, $0x4;
	v10 =	vadd.s32 v9, v10  }
0x3e4: {  	v11 =	vor.u32 v4, v11;
	v10 =	vand.u32 $0xC, v10  }
0x3e5: {  	v12 =	vor.u32 $0x3, v11;
	v10 =	vor.u32 v11, v10  }
0x3e6: {  	v13 =	vor.u32 $0x1, v10;
	v14 =	vor.u32 $0x2, v10;
	v15 =	vor.u32 $0x3, v10;
	_ =	sdelay $0x4  }
0x3e7: {  	v14 =	vld.idx.msk [tilespmem:v14+s17+$0x0], $0xffff  }
0x3e8: {  	v15 =	vld.idx.msk [tilespmem:v15+s17+$0x0], $0xffff;
	_ =	sdelay $0x1  }
0x3e9: {  	v16 =	vor.u32 $0x2, v11  }
0x3ea: {  	v17 =	vor.u32 $0x1, v11;
	_ =	sdelay $0x1  }
0x3eb: {  	v14 =	vmul.f32 v14, v6;
	v12 =	vld.idx.msk [tilespmem:v12+s18+$0x0], $0xffff  }
0x3ec: {  	v15 =	vmul.f32 v15, v6;
	v11 =	vld.idx.msk [tilespmem:v11+s18+$0x0], $0xffff  }
0x3ed: {  	v14 =	vmin.f32 v14, $4.135166650e+00;
	v16 =	vld.idx.msk [tilespmem:v16+s18+$0x0], $0xffff  }
0x3ee: {  	v15 =	vmin.f32 v15, $4.135166650e+00;
	v14 =	vmul.f32 $1.442695020e+00, v14;
	v17 =	vld.idx.msk [tilespmem:v17+s18+$0x0], $0xffff  }
0x3ef: {  	v15 =	vmul.f32 $1.442695020e+00, v15  }
0x3f0: {  	(erf) = vpow2.f32 v14  }
0x3f1: {  	v10 =	vld.idx.msk [tilespmem:v10+s17+$0x0], $0xffff;
	(erf) = vpow2.f32 v15  }
0x3f2: {  	v13 =	vld.idx.msk [tilespmem:v13+s17+$0x0], $0xffff  }
0x3f3: {  	v14 =	vsub.f32 v16, v11  }
0x3f4: {  	v12 =	vsub.f32 v12, v17  }
0x3f5: {  	v14 =	vadd.f32 $1.000000000e+00, v14  }
0x3f6: {  	v12 =	vadd.f32 $1.000000000e+00, v12  }
0x3f7: {  	v18 =	vmul.f32 $5.000000000e-01, v14;
	v10 =	vmul.f32 v10, v2  }
0x3f8: {  	v16 =	vmul.f32 $5.000000000e-01, v12;
	v13 =	vmul.f32 v13, v2  }
0x3f9: {  	v11 =	vadd.f32 v18, v11;
	v10 =	vmul.f32 v10, v14;
	v15 =	vpop (erf)  }
0x3fa: {  	v16 =	vadd.f32 v16, v17;
	v13 =	vmul.f32 v13, v12;
	v14 =	vmul.f32 v15, v14;
	v15 =	vpop (erf)  }
0x3fb: {  	v12 =	vmul.f32 v15, v12  }
0x3fc: {  	v10 =	vadd.f32 v10, v11;
	v11 =	vadd.f32 v13, v16;
	v13 =	vmul.f32 $5.000000000e-01, v14  }
0x3fd: {  	v12 =	vmul.f32 $5.000000000e-01, v12  }
0x3fe: {  	v14 =	vsub.f32 v10, v13;
	v10 =	vadd.f32 v13, v10  }
0x3ff: {  	v13 =	vsub.f32 v11, v12;
	v11 =	vadd.f32 v12, v11  }
0x400: {  	v12 =	vmax.f32 v14, $0.0e+00;
	v10 =	vadd.f32 $-1.000000000e+00, v10  }
0x401: {  	v13 =	vmax.f32 v13, $0.0e+00;
	v11 =	vadd.f32 $-1.000000000e+00, v11  }
0x402: {  	v12 =	vmin.f32 v12, $1.332000000e+03;
	v10 =	vmax.f32 v10, $0.0e+00  }
0x403: {  	v13 =	vmin.f32 v13, $7.990000000e+02;
	v10 =	vmin.f32 v10, $1.332000000e+03;
	v11 =	vmax.f32 v11, $0.0e+00;
	[tilespmem:s4+$0x0] =	vst v12  }
0x404: {  	v11 =	vmin.f32 v11, $7.990000000e+02;
	[tilespmem:s10+$0x0] =	vst v13;
	v12 =	vsub.f32 v10, v12  }
0x405: {  	[tilespmem:s24+$0x0] =	vst v10;
	v10 =	vsub.f32 v11, v13  }
.Ltmp37:
0x406: {  	[tilespmem:s1+$0x0] =	vst v11;
	v11 =	vadd.f32 $1.000000000e+00, v12;
	(pc) =	sbr.rel @p0 .LBB2_63-.Ltmp37, $3  }
0x407: {  	v10 =	vadd.f32 $1.000000000e+00, v10;
	_ =	sdelay $0x1  }
0x408: {  	s31 =	sadd.s32 $0x10, s31;
	v10 =	vmul.f32 v10, v11  }
0x409: {  	s2 =	sadd.s32 $0x10, s2;
	s24 =	sadd.s32 $0x10, s24;
	s1 =	sadd.s32 $0x10, s1  }
0x40a: {  	[tilespmem:s25+$0x0] =	vst v10  }
0x40b: {  	s0 =	simm.s32 $0x40;
	s1 =	simm.s32 $0x0;
	[tilespmem:s28+$0x0] =	vst v7  }
.LBB2_65:
0x40c: {  	p0 =	sne.s32 s0, $0x4BC0;
	[tilespmem:s1+$0x13420] =	vst v8;
	s1 =	smov.u32 s0;
	s0 =	sadd.s32 $0x40, s0  }
.Ltmp38:
0x40d: {  	(pc) =	sbr.rel @p0 .LBB2_65-.Ltmp38, $2  }
0x40e: {  	_ =	sdelay $0x2  }
0x40f: {  	s1 =	sshra.s32 s1, $0x2  }
0x410: {  	[tilespmem:s1+$0x13420] =	vst v8  }
0x411: {  	v9 =	vld [tilespmem:$0x10220]  }
0x412: {  	v10 =	vld [tilespmem:$0x10230]  }
0x413: {  	v11 =	vld [tilespmem:$0x10240]  }
0x414: {  	v12 =	vld [tilespmem:$0x10250]  }
0x415: {  	v13 =	vld [tilespmem:$0x10260]  }
0x416: {  	v14 =	vld [tilespmem:$0x10270]  }
0x417: {  	v15 =	vld [tilespmem:$0x10280]  }
0x418: {  	v16 =	vld [tilespmem:$0x10290]  }
0x419: {  	v17 =	vld [tilespmem:$0x102A0]  }
0x41a: {  	v18 =	vld [tilespmem:$0x102B0]  }
0x41b: {  	v19 =	vld [tilespmem:$0x102C0]  }
0x41c: {  	v20 =	vld [tilespmem:$0x102D0]  }
0x41d: {  	v21 =	vld [tilespmem:$0x102E0]  }
0x41e: {  	v22 =	vld [tilespmem:$0x102F0]  }
0x41f: {  	v23 =	vld [tilespmem:$0x10300]  }
0x420: {  	v24 =	vld [tilespmem:$0x10310]  }
0x421: {  	v25 =	vld [tilespmem:$0x10320]  }
0x422: {  	v26 =	vld [tilespmem:$0x10330]  }
0x423: {  	s31 =	simm.s32 $0x0;
	s0 =	simm.s32 $0x0;
	v27 =	vld [tilespmem:$0x10340]  }
.LBB2_67:
0x424: {  	v28 =	vmax.f32 v9, v10  }
0x425: {  	v28 =	vmax.f32 v28, v11  }
0x426: {  	v28 =	vmax.f32 v28, v12  }
0x427: {  	v28 =	vmax.f32 v28, v13  }
0x428: {  	v28 =	vmax.f32 v28, v14  }
0x429: {  	v28 =	vmax.f32 v28, v15  }
0x42a: {  	v28 =	vmax.f32 v28, v16  }
0x42b: {  	v28 =	vmax.f32 v28, v17  }
0x42c: {  	v28 =	vmax.f32 v28, v18  }
0x42d: {  	v28 =	vmax.f32 v28, v19  }
0x42e: {  	v28 =	vmax.f32 v28, v20  }
0x42f: {  	v28 =	vmax.f32 v28, v21  }
0x430: {  	v28 =	vmax.f32 v28, v22  }
0x431: {  	v28 =	vmax.f32 v28, v23  }
0x432: {  	v28 =	vmax.f32 v28, v24  }
0x433: {  	v28 =	vmax.f32 v28, v25  }
0x434: {  	v28 =	vmax.f32 v28, v26  }
0x435: {  	v28 =	vmax.f32 v28, v27  }
0x436: {  	(xrf0) =	vmax.scan.msk.f32 $0xffff, v28;
	_ =	sdelay $0x5  }
0x437: {  	v28, _, _ =	vpop (xrf0)  }
0x438: {  	v34 =	vbroadcast v28, $0xF;
	_ =	sdelay $0x1  }
0x439: {  	v29 =	vor.u32 $0x80000120, v1;
	vm1 =	veq.f32 v27, v34  }
0x43a: {  	v30 =	vor.u32 $0x80000110, v1;
	vm2 =	veq.f32 v26, v34;
	v29 =	vnsel vm1, $0x8001869F, v29  }
0x43b: {  	v61 =	vor.u32 $0x80000100, v1;
	vm1 =	veq.f32 v25, v34;
	v29 =	vsel vm2, v30, v29  }
0x43c: {  	v62 =	vor.u32 $0x800000F0, v1;
	vm2 =	veq.f32 v24, v34;
	v29 =	vsel vm1, v61, v29  }
0x43d: {  	v63 =	vor.u32 $0x800000E0, v1;
	vm1 =	veq.f32 v23, v34;
	v29 =	vsel vm2, v62, v29  }
0x43e: {  	v33 =	vor.u32 $0x800000D0, v1;
	vm2 =	veq.f32 v22, v34;
	v29 =	vsel vm1, v63, v29  }
0x43f: {  	v35 =	vor.u32 $0x800000C0, v1;
	vm1 =	veq.f32 v21, v34;
	v29 =	vsel vm2, v33, v29  }
0x440: {  	v36 =	vor.u32 $0x800000B0, v1;
	vm2 =	veq.f32 v20, v34;
	v29 =	vsel vm1, v35, v29  }
0x441: {  	v37 =	vor.u32 $0x800000A0, v1;
	vm1 =	veq.f32 v19, v34;
	v29 =	vsel vm2, v36, v29  }
0x442: {  	v38 =	vor.u32 $0x80000090, v1;
	vm2 =	veq.f32 v18, v34;
	v29 =	vsel vm1, v37, v29  }
0x443: {  	v39 =	vor.u32 $0x80000080, v1;
	vm1 =	veq.f32 v17, v34;
	v29 =	vsel vm2, v38, v29  }
0x444: {  	v40 =	vor.u32 $0x80000070, v1;
	vm2 =	veq.f32 v16, v34;
	v29 =	vsel vm1, v39, v29  }
0x445: {  	v41 =	vor.u32 $0x80000060, v1;
	vm1 =	veq.f32 v15, v34;
	v29 =	vsel vm2, v40, v29  }
0x446: {  	v42 =	vor.u32 $0x80000050, v1;
	vm2 =	veq.f32 v14, v34;
	v29 =	vsel vm1, v41, v29  }
0x447: {  	v43 =	vor.u32 $0x80000040, v1;
	vm1 =	veq.f32 v13, v34;
	v29 =	vsel vm2, v42, v29  }
0x448: {  	v44 =	vor.u32 $0x80000030, v1;
	vm2 =	veq.f32 v12, v34;
	v29 =	vsel vm1, v43, v29  }
0x449: {  	v45 =	vor.u32 $0x80000020, v1;
	vm1 =	veq.f32 v11, v34;
	v29 =	vsel vm2, v44, v29  }
0x44a: {  	v46 =	vor.u32 $0x80000010, v1;
	vm2 =	veq.f32 v10, v34;
	v29 =	vsel vm1, v45, v29  }
0x44b: {  	v47 =	vor.u32 $0x80000000, v1;
	vm1 =	veq.f32 v9, v34;
	v29 =	vsel vm2, v46, v29  }
0x44c: {  	v29 =	vsel vm1, v47, v29  }
0x44d: {  	(xrf0) =	vmin.scan.msk.u32 $0xffff, v29;
	_ =	sdelay $0x5  }
0x44e: {  	(v2sf) =	vpush v28, $0xF;
	v28, _, _ =	vpop (xrf0)  }
0x44f: {  	(v2sf) =	vpush v28, $0xF;
	_ =	sdelay $0xd  }
0x450: {  	s1 =	spop (v2sf)  }
0x451: {  	s2 =	spop (v2sf)  }
0x452: {  	s2 =	sxor.u32 $0x80000000, s2  }
0x453: {  	v28 =	vmov s2  }
0x454: {  	p0 =	sgt.f32 s1, $5.000000070e-02;
	_ =	sdelay $0x1  }
0x455: {  	v30 =	vimm.s32 @p0 $0x0;
	vm1 =	vcmask @p0 $0x300;
	v29 =	vmov @p0 s31  }
0x456: {  	v30 =	vsel @p0 vm1, $0x3, v30;
	v29 =	vshrl.u32 @p0 v29, $0x3  }
0x457: {  	v29 =	vshll.u32 @p0 v29, v30;
	v31 =	vld.idx.msk [tilespmem:v28+s19+$0x0], $0xffff  }
0x458: {  	v35 =	vmov @p0 s0;
	v36 =	vbroadcast @p0 v29, $0x0;
	v32 =	vadd.s32 @p0 $0x1, v29;
	v30 =	vld.idx.msk [tilespmem:v28+s20+$0x0], $0xffff  }
0x459: {  	v38 =	vadd.s32 @p0 $0x2, v29;
	v37 =	vbroadcast @p0 v32, $0x0;
	v33 =	vld.idx.msk [tilespmem:v28+s21+$0x0], $0xffff  }
0x45a: {  	v29 =	vadd.s32 @p0 $0x3, v29;
	v38 =	vbroadcast @p0 v38, $0x0;
	v32 =	vld.idx.msk [tilespmem:v28+s22+$0x0], $0xffff  }
0x45b: {  	v39 =	vbroadcast @p0 v29, $0x0  }
0x45c: {  	s1 =	simm.s32 @p0 $0x132F0;
	v40 =	vbroadcast @p0 v31, $0x0  }
0x45d: {  	v29 =	vld.idx.msk [tilespmem:v28+s23+$0x0], $0xffff;
	[tilespmem:v35+s1+$0x0] =	vst.idx.msk @p0 $0x1, v34;
	s1 =	simm.s32 @p0 $0x13420;
	v34 =	vbroadcast @p0 v30, $0x0  }
0x45e: {  	v35 =	vbroadcast @p0 v33, $0x0;
	[tilespmem:v36+s1+$0x0] =	vst.idx.msk @p0 $0x1, v40  }
0x45f: {  	[tilespmem:v37+s1+$0x0] =	vst.idx.msk @p0 $0x1, v34;
	v34 =	vbroadcast @p0 v32, $0x0  }
0x460: {  	[tilespmem:v38+s1+$0x0] =	vst.idx.msk @p0 $0x1, v35  }
0x461: {  	[tilespmem:v39+s1+$0x0] =	vst.idx.msk @p0 $0x1, v34  }
0x462: {  	v34 =	vld [tilespmem:$0x12F60]  }
0x463: {  	v35 =	vld [tilespmem:$0x12D00]  }
0x464: {  	v36 =	vld [tilespmem:$0x13090]  }
0x465: {  	v37 =	vld [tilespmem:$0x12E30]  }
0x466: {  	v38 =	vld [tilespmem:$0x131C0]  }
0x467: {  	v39 =	vld [tilespmem:$0x12F70]  }
0x468: {  	v40 =	vld [tilespmem:$0x12D10]  }
0x469: {  	v49 =	vld [tilespmem:$0x130A0]  }
0x46a: {  	v41 =	vld [tilespmem:$0x131D0]  }
0x46b: {  	v50 =	vld [tilespmem:$0x12E40]  }
0x46c: {  	v53 =	vld [tilespmem:$0x12F80]  }
0x46d: {  	v54 =	vld [tilespmem:$0x130B0];
	v34 =	vmin.f32 v34, v33  }
0x46e: {  	v55 =	vld [tilespmem:$0x12E50];
	v35 =	vmax.f32 v35, v31;
	v36 =	vmin.f32 v36, v32;
	v37 =	vmax.f32 v37, v30  }
0x46f: {  	v51 =	vadd.f32 v38, v29;
	v52 =	vmin.f32 v39, v33;
	v57 =	vadd.f32 v41, v29  }
0x470: {  	v42 =	vld [tilespmem:$0x12D20];
	v40 =	vmax.f32 v40, v31;
	v34 =	vsub.f32 v34, v35;
	v48 =	vsub.f32 v36, v37  }
0x471: {  	v58 =	vmin.f32 v53, v33;
	v36 =	vmin.f32 v49, v32;
	v38 =	vsub.f32 v52, v40  }
0x472: {  	v60 =	vld [tilespmem:$0x131E0];
	v37 =	vmax.f32 v50, v30;
	v34 =	vadd.f32 $1.000000000e+00, v34;
	v35 =	vadd.f32 $1.000000000e+00, v48  }
0x473: {  	v61 =	vld [tilespmem:$0x12F90];
	v40 =	vmax.f32 v55, v30;
	v36 =	vsub.f32 v36, v37;
	v37 =	vmin.f32 v54, v32  }
0x474: {  	v46 =	vld [tilespmem:$0x12E60];
	v38 =	vadd.f32 $1.000000000e+00, v38;
	v34 =	vmax.f32 v34, $0.0e+00;
	v35 =	vmax.f32 v35, $0.0e+00  }
0x475: {  	v62 =	vld [tilespmem:$0x12D30];
	v59 =	vmax.f32 v42, v31;
	v37 =	vsub.f32 v37, v40;
	v34 =	vmul.f32 v35, v34  }
0x476: {  	v63 =	vld [tilespmem:$0x130C0];
	v36 =	vadd.f32 $1.000000000e+00, v36;
	v56 =	vmax.f32 v38, $0.0e+00;
	v38 =	vsub.f32 v58, v59  }
0x477: {  	vm1 =	vmmov vm0;
	v43 =	vld [tilespmem:$0x12E70];
	v45 =	vadd.f32 v60, v29;
	v35 =	vsub.f32 v51, v34  }
0x478: {  	v54 =	vld [tilespmem:$0x130D0];
	v37 =	vadd.f32 $1.000000000e+00, v37;
	v36 =	vmax.f32 v36, $0.0e+00;
	v38 =	vadd.f32 $1.000000000e+00, v38  }
0x479: {  	v39 =	vmax.f32 v46, v30;
	v52 =	vld [tilespmem:$0x12D40];
	(erf) = vrcp.f32 v35;
	v35 =	vmul.f32 v36, v56  }
0x47a: {  	v49 =	vmin.f32 v61, v33;
	v50 =	vld [tilespmem:$0x12FA0];
	v37 =	vmax.f32 v37, $0.0e+00;
	v38 =	vmax.f32 v38, $0.0e+00  }
0x47b: {  	v61 =	vld [tilespmem:$0x12D50];
	v51 =	vmin.f32 v63, v32;
	v37 =	vmul.f32 v37, v38;
	v36 =	vsub.f32 v57, v35  }
0x47c: {  	vm1 =	vmneg @p0 vm1;
	v60 =	vmax.f32 v43, v30;
	v48 =	vld [tilespmem:$0x131F0];
	v53 =	vsub.f32 v51, v39  }
0x47d: {  	v59 =	vld [tilespmem:$0x12FB0];
	v39 =	vmin.f32 v54, v32;
	v38 =	vsub.f32 v45, v37;
	(erf) = vrcp.f32 v36  }
0x47e: {  	vm3 =	veq.s32 v28, v1;
	v41 =	vmax.f32 v52, v31;
	v39 =	vsub.f32 v39, v60  }
0x47f: {  	v36 =	vmax.f32 v62, v31;
	v62 =	vld [tilespmem:$0x130E0];
	(erf) = vrcp.f32 v38;
	v38 =	vmin.f32 v50, v33  }
0x480: {  	v43 =	vmax.f32 v61, v31;
	v63 =	vor.u32 $0x10, v1;
	v38 =	vsub.f32 v38, v41  }
0x481: {  	v58 =	vadd.f32 v48, v29;
	vm4 =	veq.s32 v28, v63;
	v39 =	vadd.f32 $1.000000000e+00, v39  }
0x482: {  	v54 =	vmin.f32 v59, v33;
	v45 =	vor.u32 $0x20, v1;
	v38 =	vadd.f32 $1.000000000e+00, v38;
	v47 =	vpop (erf)  }
0x483: {  	v57 =	vld [tilespmem:$0x13200];
	vm15 =	veq.s32 v28, v45;
	v52 =	vmax.f32 v39, $0.0e+00;
	v34 =	vmul.f32 v47, v34  }
0x484: {  	v48 =	vld [tilespmem:$0x12E80];
	v41 =	vmin.f32 v62, v32;
	v51 =	vmax.f32 v38, $0.0e+00;
	v38 =	vsub.f32 v54, v43  }
0x485: {  	v46 =	vld [tilespmem:$0x12EB0];
	v54 =	vor.u32 $0x30, v1;
	vm2 =	vgt.f32 v34, $5.000000000e-01;
	v34 =	vsub.f32 v49, v36  }
0x486: {  	v36 =	vadd.f32 $1.000000000e+00, v53;
	v49 =	vld [tilespmem:$0x12FC0];
	v38 =	vadd.f32 $1.000000000e+00, v38;
	vm2 =	vmand vm1, vm2;
	v55 =	vpop (erf)  }
0x487: {  	v53 =	vld [tilespmem:$0x130F0];
	v35 =	vmul.f32 v55, v35;
	v34 =	vadd.f32 $1.000000000e+00, v34;
	vm2 =	vmor vm3, vm2  }
0x488: {  	v50 =	vld [tilespmem:$0x12D60];
	v56 =	vmax.f32 v36, $0.0e+00;
	v44 =	vpop (erf);
	v36 =	vadd.f32 v57, v29;
	v38 =	vmax.f32 v38, $0.0e+00  }
0x489: {  	v55 =	vld [tilespmem:$0x12E90];
	v37 =	vmul.f32 v44, v37;
	v9 =	vsel vm2, $0xFF61B1E6, v9;
	v44 =	vmax.f32 v48, v30  }
0x48a: {  	v63 =	vld [tilespmem:$0x12D70];
	vm3 =	vgt.f32 v35, $5.000000000e-01;
	v34 =	vmax.f32 v34, $0.0e+00;
	v41 =	vsub.f32 v41, v44  }
0x48b: {  	v60 =	vld [tilespmem:$0x12FD0];
	v34 =	vmul.f32 v56, v34;
	vm3 =	vmand vm1, vm3;
	v42 =	vmin.f32 v49, v33  }
0x48c: {  	v48 =	vld [tilespmem:$0x13100];
	v39 =	vmin.f32 v53, v32;
	vm2 =	vmor vm4, vm3;
	vm3 =	vgt.f32 v37, $5.000000000e-01  }
0x48d: {  	v56 =	vld [tilespmem:$0x13210];
	v41 =	vadd.f32 $1.000000000e+00, v41;
	v37 =	vmax.f32 v50, v31;
	v35 =	vsub.f32 v58, v34  }
0x48e: {  	v57 =	vld [tilespmem:$0x13220];
	vm3 =	vmand vm1, vm3;
	v40 =	vmax.f32 v55, v30;
	v58 =	vsub.f32 v42, v37  }
0x48f: {  	v49 =	vld [tilespmem:$0x12EA0];
	v10 =	vsel vm2, $0xFF61B1E6, v10;
	v42 =	vmax.f32 v63, v31;
	v59 =	vsub.f32 v39, v40  }
0x490: {  	v53 =	vld [tilespmem:$0x13110];
	v61 =	vmax.f32 v41, $0.0e+00;
	vm2 =	vmor vm15, vm3;
	(erf) = vrcp.f32 v35  }
0x491: {  	v39 =	vmin.f32 v60, v33;
	v40 =	vmin.f32 v48, v32;
	v48 =	vld [tilespmem:$0x12D90];
	v35 =	vmul.f32 v52, v51  }
0x492: {  	v60 =	vmax.f32 v46, v30;
	v38 =	vmul.f32 v61, v38;
	v62 =	vadd.f32 v56, v29;
	v56 =	vld [tilespmem:$0x13230]  }
0x493: {  	v50 =	vld [tilespmem:$0x12FE0];
	v51 =	vadd.f32 v57, v29;
	v11 =	vsel vm2, $0xFF61B1E6, v11;
	v36 =	vsub.f32 v36, v35  }
0x494: {  	v63 =	vld [tilespmem:$0x13240];
	v39 =	vsub.f32 v39, v42;
	v43 =	vmax.f32 v49, v30;
	v41 =	vsub.f32 v62, v38  }
0x495: {  	v37 =	vadd.f32 $1.000000000e+00, v59;
	v40 =	vsub.f32 v40, v43;
	(erf) = vrcp.f32 v36  }
0x496: {  	v57 =	vadd.f32 $1.000000000e+00, v39;
	v42 =	vmax.f32 v48, v31;
	v48 =	vld [tilespmem:$0x13010];
	(erf) = vrcp.f32 v41  }
0x497: {  	v49 =	vor.u32 $0x40, v1;
	v36 =	vadd.f32 $1.000000000e+00, v58;
	v45 =	vadd.f32 v56, v29;
	v56 =	vld [tilespmem:$0x12DA0]  }
0x498: {  	v52 =	vld [tilespmem:$0x12D80];
	v59 =	vmin.f32 v50, v33;
	v37 =	vmax.f32 v37, $0.0e+00;
	v58 =	vadd.f32 $1.000000000e+00, v40  }
0x499: {  	v50 =	vadd.f32 v63, v29;
	v41 =	vmin.f32 v53, v32;
	v36 =	vmax.f32 v36, $0.0e+00;
	v47 =	vpop (erf)  }
0x49a: {  	v39 =	vmax.f32 v58, $0.0e+00;
	v58 =	vor.u32 $0x60, v1;
	v34 =	vmul.f32 v47, v34  }
0x49b: {  	v62 =	vsub.f32 v41, v60;
	vm5 =	veq.s32 v28, v58;
	v58 =	vmin.f32 v48, v33  }
0x49c: {  	v43 =	vmax.f32 v56, v31;
	vm3 =	vgt.f32 v34, $5.000000000e-01;
	v34 =	vmul.f32 v37, v36  }
0x49d: {  	v37 =	vmax.f32 v52, v31;
	vm2 =	vmand vm1, vm3;
	vm3 =	veq.s32 v28, v54  }
0x49e: {  	v55 =	vpop (erf);
	v61 =	vsub.f32 v59, v37;
	v37 =	vadd.f32 $1.000000000e+00, v62;
	v54 =	vor.u32 $0x50, v1  }
0x49f: {  	v47 =	vld [tilespmem:$0x12FF0];
	v36 =	vsub.f32 v51, v34;
	vm2 =	vmor vm3, vm2;
	v35 =	vmul.f32 v55, v35;
	v46 =	vpop (erf)  }
0x4a0: {  	v59 =	vld [tilespmem:$0x12ED0];
	vm9 =	veq.s32 v28, v54;
	v12 =	vsel vm2, $0xFF61B1E6, v12;
	v38 =	vmul.f32 v46, v38  }
0x4a1: {  	v55 =	vld [tilespmem:$0x13000];
	v37 =	vmax.f32 v37, $0.0e+00;
	(erf) = vrcp.f32 v36;
	v36 =	vmax.f32 v57, $0.0e+00  }
0x4a2: {  	v51 =	vld [tilespmem:$0x13120];
	vm3 =	vgt.f32 v35, $5.000000000e-01;
	v35 =	vadd.f32 $1.000000000e+00, v61;
	v36 =	vmul.f32 v39, v36  }
0x4a3: {  	v53 =	vld [tilespmem:$0x12EC0];
	vm2 =	vmand vm1, vm3;
	vm3 =	veq.s32 v28, v49;
	vm8 =	vgt.f32 v38, $5.000000000e-01  }
0x4a4: {  	v63 =	vld [tilespmem:$0x13260];
	v39 =	vmin.f32 v47, v33;
	v35 =	vmax.f32 v35, $0.0e+00;
	vm2 =	vmor vm3, vm2  }
0x4a5: {  	v62 =	vld [tilespmem:$0x13250];
	vm3 =	vmand vm1, vm8;
	v60 =	vsub.f32 v39, v42;
	v44 =	vmax.f32 v59, v30  }
0x4a6: {  	v59 =	vld [tilespmem:$0x12EF0];
	v41 =	vsub.f32 v45, v36;
	v35 =	vmul.f32 v37, v35;
	v38 =	vmin.f32 v55, v33  }
0x4a7: {  	vm3 =	vmor vm9, vm3;
	v40 =	vmin.f32 v51, v32;
	v51 =	vld [tilespmem:$0x13140];
	v38 =	vsub.f32 v38, v43  }
0x4a8: {  	(erf) = vrcp.f32 v41;
	v37 =	vsub.f32 v50, v35;
	v41 =	vmax.f32 v53, v30;
	v50 =	vld [tilespmem:$0x12DB0]  }
0x4a9: {  	v54 =	vld [tilespmem:$0x13020];
	v13 =	vsel vm2, $0xFF61B1E6, v13;
	v14 =	vsel vm3, $0xFF61B1E6, v14;
	v61 =	vsub.f32 v40, v41  }
0x4aa: {  	v57 =	vld [tilespmem:$0x13130];
	v38 =	vadd.f32 $1.000000000e+00, v38;
	(erf) = vrcp.f32 v37;
	v37 =	vadd.f32 $1.000000000e+00, v60  }
0x4ab: {  	v40 =	vadd.f32 v62, v29;
	v42 =	vmax.f32 v59, v30;
	v39 =	vadd.f32 $1.000000000e+00, v61  }
0x4ac: {  	v38 =	vmax.f32 v38, $0.0e+00;
	v43 =	vmin.f32 v51, v32;
	v52 =	vpop (erf);
	v37 =	vmax.f32 v37, $0.0e+00  }
0x4ad: {  	v56 =	vld [tilespmem:$0x13150];
	v34 =	vmul.f32 v52, v34;
	v39 =	vmax.f32 v39, $0.0e+00;
	v46 =	vmax.f32 v50, v31  }
0x4ae: {  	v52 =	vld [tilespmem:$0x12EE0];
	v37 =	vmul.f32 v39, v37;
	v60 =	vsub.f32 v58, v46;
	v39 =	vmin.f32 v54, v33  }
0x4af: {  	vm10 =	vgt.f32 v34, $5.000000000e-01;
	v34 =	vmin.f32 v57, v32;
	v57 =	vadd.f32 v63, v29  }
0x4b0: {  	v55 =	vld [tilespmem:$0x12DC0];
	v63 =	vor.u32 $0x70, v1;
	vm4 =	vmand vm1, vm10;
	v34 =	vsub.f32 v34, v44  }
0x4b1: {  	v62 =	vld [tilespmem:$0x13270];
	v40 =	vsub.f32 v40, v37;
	v47 =	vadd.f32 $1.000000000e+00, v60;
	vm11 =	veq.s32 v28, v63;
	v49 =	vpop (erf)  }
0x4b2: {  	vm2 =	vmor vm5, vm4;
	v36 =	vmul.f32 v49, v36;
	v34 =	vadd.f32 $1.000000000e+00, v34  }
0x4b3: {  	v60 =	vld [tilespmem:$0x12F00];
	v15 =	vsel vm2, $0xFF61B1E6, v15;
	v44 =	vmax.f32 v52, v30;
	v49 =	vmin.f32 v56, v32  }
0x4b4: {  	(erf) = vrcp.f32 v40;
	v53 =	vpop (erf);
	v61 =	vsub.f32 v43, v44;
	v51 =	vsub.f32 v49, v42  }
0x4b5: {  	vm2 =	vgt.f32 v36, $5.000000000e-01;
	v35 =	vmul.f32 v53, v35;
	v34 =	vmax.f32 v34, $0.0e+00  }
0x4b6: {  	v36 =	vmax.f32 v55, v31;
	v53 =	vadd.f32 v62, v29;
	v34 =	vmul.f32 v34, v38  }
0x4b7: {  	v52 =	vld [tilespmem:$0x13280];
	v48 =	vadd.f32 $1.000000000e+00, v61;
	v50 =	vsub.f32 v39, v36;
	v38 =	vmax.f32 v47, $0.0e+00  }
0x4b8: {  	v56 =	vld [tilespmem:$0x13160];
	v36 =	vadd.f32 $1.000000000e+00, v51;
	vm2 =	vmand vm1, vm2;
	v39 =	vmax.f32 v60, v30  }
0x4b9: {  	v54 =	vld [tilespmem:$0x13030];
	v47 =	vor.u32 $0xA0, v1;
	vm3 =	vgt.f32 v35, $5.000000000e-01;
	vm2 =	vmor vm11, vm2  }
0x4ba: {  	v55 =	vld [tilespmem:$0x12DD0];
	v46 =	vsub.f32 v57, v34;
	v40 =	vmax.f32 v48, $0.0e+00;
	v35 =	vadd.f32 $1.000000000e+00, v50  }
0x4bb: {  	v62 =	vld [tilespmem:$0x13040];
	vm3 =	vmand vm1, vm3;
	v36 =	vmax.f32 v36, $0.0e+00;
	v57 =	vor.u32 $0x80, v1  }
0x4bc: {  	v59 =	vadd.f32 v52, v29;
	v16 =	vsel vm2, $0xFF61B1E6, v16;
	v48 =	vor.u32 $0x90, v1  }
0x4bd: {  	v51 =	vld [tilespmem:$0x12F10];
	v43 =	vmin.f32 v56, v32;
	v38 =	vmul.f32 v40, v38;
	vm12 =	veq.s32 v28, v57  }
0x4be: {  	v63 =	vld [tilespmem:$0x12DE0];
	v40 =	vmin.f32 v54, v33;
	v39 =	vsub.f32 v43, v39;
	(erf) = vrcp.f32 v46  }
0x4bf: {  	v61 =	vld [tilespmem:$0x13290];
	v35 =	vmax.f32 v35, $0.0e+00;
	vm3 =	vmor vm12, vm3;
	v42 =	vmax.f32 v55, v31  }
0x4c0: {  	v50 =	vld [tilespmem:$0x13170];
	v55 =	vmin.f32 v62, v33;
	v62 =	vor.u32 $0xB0, v1;
	v41 =	vsub.f32 v53, v38  }
0x4c1: {  	v52 =	vld [tilespmem:$0x132A0];
	v35 =	vmul.f32 v36, v35;
	v17 =	vsel vm3, $0xFF61B1E6, v17;
	vm3 =	veq.s32 v28, v48  }
0x4c2: {  	v56 =	vld [tilespmem:$0x13180];
	v40 =	vsub.f32 v40, v42;
	v39 =	vadd.f32 $1.000000000e+00, v39;
	v45 =	vmax.f32 v51, v30;
	v58 =	vpop (erf)  }
0x4c3: {  	v53 =	vld [tilespmem:$0x13050];
	vm14 =	veq.s32 v28, v62;
	v37 =	vmul.f32 v58, v37;
	v36 =	vsub.f32 v59, v35  }
0x4c4: {  	v48 =	vld [tilespmem:$0x12F20];
	(erf) = vrcp.f32 v41;
	v40 =	vadd.f32 $1.000000000e+00, v40;
	v39 =	vmax.f32 v39, $0.0e+00  }
0x4c5: {  	v58 =	vld [tilespmem:$0x13060];
	v41 =	vadd.f32 v61, v29;
	vm2 =	vgt.f32 v37, $5.000000000e-01;
	(erf) = vrcp.f32 v36  }
0x4c6: {  	v61 =	vld [tilespmem:$0x13190];
	v37 =	vmax.f32 v63, v31;
	v36 =	vmin.f32 v50, v32;
	v40 =	vmax.f32 v40, $0.0e+00  }
0x4c7: {  	v63 =	vld [tilespmem:$0x12F30];
	v50 =	vadd.f32 v52, v29;
	vm2 =	vmand vm1, vm2;
	v37 =	vsub.f32 v55, v37  }
0x4c8: {  	v54 =	vld [tilespmem:$0x12DF0];
	v36 =	vsub.f32 v36, v45;
	v39 =	vmul.f32 v39, v40;
	v52 =	vmin.f32 v53, v33  }
0x4c9: {  	v53 =	vld [tilespmem:$0x12F40];
	v55 =	vmax.f32 v48, v30;
	vm6 =	vmor vm3, vm2;
	v37 =	vadd.f32 $1.000000000e+00, v37  }
0x4ca: {  	v46 =	vld [tilespmem:$0x132C0];
	vm2 =	veq.s32 v28, v47;
	v36 =	vadd.f32 $1.000000000e+00, v36;
	v41 =	vsub.f32 v41, v39;
	v49 =	vpop (erf)  }
0x4cb: {  	v59 =	vld [tilespmem:$0x12E00];
	v43 =	vmin.f32 v58, v33;
	v40 =	vmin.f32 v61, v32;
	v34 =	vmul.f32 v49, v34  }
0x4cc: {  	v51 =	vld [tilespmem:$0x12E10];
	v37 =	vmax.f32 v37, $0.0e+00;
	v36 =	vmax.f32 v36, $0.0e+00;
	v47 =	vmax.f32 v63, v30  }
0x4cd: {  	v49 =	vld [tilespmem:$0x13070];
	(erf) = vrcp.f32 v41;
	v36 =	vmul.f32 v36, v37;
	v40 =	vsub.f32 v40, v47  }
0x4ce: {  	v58 =	vld [tilespmem:$0x12E20];
	v42 =	vmax.f32 v53, v30;
	vm3 =	vgt.f32 v34, $5.000000000e-01;
	v57 =	vpop (erf);
	v34 =	vmax.f32 v54, v31  }
0x4cf: {  	v63 =	vld [tilespmem:$0x12F50];
	v54 =	vmin.f32 v56, v32;
	v38 =	vmul.f32 v57, v38;
	v37 =	vsub.f32 v50, v36  }
0x4d0: {  	v56 =	vld [tilespmem:$0x13080];
	v34 =	vsub.f32 v52, v34;
	v41 =	vsub.f32 v54, v55;
	v57 =	vmax.f32 v59, v31;
	v60 =	vpop (erf)  }
0x4d1: {  	v61 =	vld [tilespmem:$0x131B0];
	v40 =	vadd.f32 $1.000000000e+00, v40;
	v43 =	vsub.f32 v43, v57;
	v35 =	vmul.f32 v60, v35  }
0x4d2: {  	v59 =	vld [tilespmem:$0x132B0];
	vm13 =	vgt.f32 v38, $5.000000000e-01;
	v60 =	vmin.f32 v49, v33;
	v38 =	vmax.f32 v51, v31  }
0x4d3: {  	(erf) = vrcp.f32 v37;
	v34 =	vadd.f32 $1.000000000e+00, v34;
	vm15 =	vgt.f32 v35, $5.000000000e-01;
	v35 =	vld [tilespmem:$0x131A0]  }
0x4d4: {  	v50 =	vld [tilespmem:$0x132D0];
	v41 =	vadd.f32 $1.000000000e+00, v41;
	v31 =	vmax.f32 v58, v31;
	v30 =	vmax.f32 v63, v30  }
0x4d5: {  	v62 =	vsub.f32 v60, v38;
	v47 =	vadd.f32 $1.000000000e+00, v43;
	v33 =	vmin.f32 v56, v33  }
0x4d6: {  	v34 =	vmax.f32 v34, $0.0e+00;
	v41 =	vmax.f32 v41, $0.0e+00;
	v31 =	vsub.f32 v33, v31  }
0x4d7: {  	v51 =	vld [tilespmem:$0x132E0];
	v34 =	vmul.f32 v41, v34;
	v49 =	vadd.f32 v59, v29;
	v37 =	vadd.f32 $1.000000000e+00, v62  }
0x4d8: {  	v33 =	vadd.f32 v46, v29;
	v35 =	vmin.f32 v35, v32;
	v32 =	vmin.f32 v61, v32  }
0x4d9: {  	v40 =	vmax.f32 v40, $0.0e+00;
	v53 =	vadd.f32 v50, v29;
	v30 =	vsub.f32 v32, v30  }
0x4da: {  	v41 =	vmax.f32 v47, $0.0e+00;
	v52 =	vsub.f32 v49, v34;
	v35 =	vsub.f32 v35, v42  }
0x4db: {  	v40 =	vmul.f32 v40, v41;
	v31 =	vadd.f32 $1.000000000e+00, v31;
	v30 =	vadd.f32 $1.000000000e+00, v30  }
0x4dc: {  	v37 =	vmax.f32 v37, $0.0e+00;
	v29 =	vadd.f32 v51, v29;
	v35 =	vadd.f32 $1.000000000e+00, v35  }
0x4dd: {  	(erf) = vrcp.f32 v52;
	v31 =	vmax.f32 v31, $0.0e+00;
	v30 =	vmax.f32 v30, $0.0e+00  }
0x4de: {  	v33 =	vsub.f32 v33, v40;
	v35 =	vmax.f32 v35, $0.0e+00;
	v30 =	vmul.f32 v30, v31  }
0x4df: {  	vm3 =	vmand vm1, vm3;
	v35 =	vmul.f32 v35, v37  }
0x4e0: {  	v55 =	vor.u32 $0xC0, v1;
	(erf) = vrcp.f32 v33;
	v29 =	vsub.f32 v29, v30  }
0x4e1: {  	vm2 =	vmor vm2, vm3;
	vm8 =	veq.s32 v28, v55;
	v54 =	vsub.f32 v53, v35  }
0x4e2: {  	v57 =	vor.u32 $0xD0, v1;
	v19 =	vsel vm2, $0xFF61B1E6, v19;
	vm4 =	vmand vm1, vm13;
	v56 =	vpop (erf)  }
0x4e3: {  	vm3 =	vmor vm14, vm4;
	v31 =	vmul.f32 v56, v39;
	(erf) = vrcp.f32 v54  }
0x4e4: {  	vm9 =	vmand vm1, vm15;
	v20 =	vsel vm3, $0xFF61B1E6, v20;
	(erf) = vrcp.f32 v29;
	v29 =	vpop (erf)  }
0x4e5: {  	vm2 =	vmor vm8, vm9;
	vm3 =	vgt.f32 v31, $5.000000000e-01;
	v29 =	vmul.f32 v29, v36  }
0x4e6: {  	v21 =	vsel vm2, $0xFF61B1E6, v21;
	vm2 =	vmand vm1, vm3;
	vm3 =	veq.s32 v28, v57;
	v58 =	vpop (erf)  }
0x4e7: {  	vm2 =	vmor vm3, vm2;
	vm3 =	vgt.f32 v29, $5.000000000e-01;
	v29 =	vmul.f32 v58, v34;
	_ =	sdelay $0x1  }
0x4e8: {  	v60 =	vpop (erf);
	vm10 =	vgt.f32 v29, $5.000000000e-01;
	v29 =	vor.u32 $0xF0, v1  }
0x4e9: {  	vm11 =	veq.s32 v28, v29;
	v29 =	vmul.f32 v60, v40  }
0x4ea: {  	v18 =	vsel vm6, $0xFF61B1E6, v18;
	v63 =	vor.u32 $0x110, v1;
	v59 =	vor.u32 $0xE0, v1  }
0x4eb: {  	v22 =	vsel vm2, $0xFF61B1E6, v22;
	vm2 =	vmand vm1, vm3;
	vm3 =	veq.s32 v28, v59  }
0x4ec: {  	vm14 =	veq.s32 v28, v63;
	v62 =	vor.u32 $0x100, v1;
	vm2 =	vmor vm3, vm2;
	v61 =	vpop (erf)  }
0x4ed: {  	vm4 =	vmand vm1, vm10;
	v23 =	vsel vm2, $0xFF61B1E6, v23;
	vm2 =	vgt.f32 v29, $5.000000000e-01;
	v29 =	vpop (erf)  }
0x4ee: {  	vm3 =	vmor vm11, vm4;
	v31 =	vmul.f32 v61, v35;
	v29 =	vmul.f32 v29, v30  }
.Ltmp39:
0x4ef: {  	vm12 =	veq.s32 v28, v62;
	v24 =	vsel vm3, $0xFF61B1E6, v24;
	vm2 =	vmand vm1, vm2;
	(pc) =	sbr.rel @p0 .LBB2_67-.Ltmp39, $4  }
0x4f0: {  	vm3 =	vgt.f32 v31, $5.000000000e-01;
	vm13 =	vgt.f32 v29, $5.000000000e-01;
	v29 =	vor.u32 $0x120, v1  }
0x4f1: {  	vm3 =	vmand vm1, vm3;
	vm1 =	vmand vm1, vm13;
	vm15 =	veq.s32 v28, v29  }
0x4f2: {  	vm2 =	vmor vm12, vm2;
	vm3 =	vmor vm14, vm3;
	vm1 =	vmor vm15, vm1  }
0x4f3: {  	s0 =	sadd.s32 $0x1, s0;
	s31 =	sadd.s32 $0x10, s31;
	v25 =	vsel vm2, $0xFF61B1E6, v25;
	v26 =	vsel vm3, $0xFF61B1E6, v26;
	v27 =	vsel vm1, $0xFF61B1E6, v27  }
0x4f4: {  	s0 =	smul.u32 $0x26, s30;
	_ =	sdelay $0x1  }
0x4f5: {  	s1 =	simm.s32 $0x0;
	s2 =	simm.s32 $0x132F0;
	s0 =	sadd.s32 s7, s0  }
0x4f6: {  	[hbm4b:s0+s1] =	stream.linear.scatter [tilespmem:s2], [sflag:$0x3], $0x130, $0x38;
	[tilespmem:$0x14720] =	vst v63  }
0x4f7: {  	s30 =	smul.u32 $0x260, s30;
	_ =	swait.ge [sflag:s11], $0x130  }
0x4f8: {  	s31 =	simm.s32 $0x13420;
	[sflag:s11] =	ssyncset.done $0x0  }
.Ltmp40:
0x4f9: {  	s0 =	sadd.s32 s8, s30;
	[sflag:s11] =	ssyncadd.s32 $0xFFFFFED0;
	(pc) =	sbr.rel .LBB2_69-.Ltmp40, $4  }
0x4fa: {  	[hbm4b:s0+s1] =	stream.linear.scatter [tilespmem:s31], [sflag:$0x2], $0x1300, $0x38;
	[tilespmem:$0x14720] =	vst v63  }
0x4fb: {  	_ =	swait.ge [sflag:s26], $0x1300  }
0x4fc: {  	[sflag:s26] =	ssyncset.done $0x0  }
0x4fd: {  	[sflag:s26] =	ssyncadd.s32 $0xFFFFED00  }
.LBB2_17:
.Ltmp41:
0x4fe: {  	(pc) =	sbr.rel .LBB2_21-.Ltmp41, $2  }
0x4ff: {  	_ =	sdelay $0x2  }
0x500: {  	s2 =	simm.s32 $0x0  }
.LBB2_30:
.Ltmp42:
0x501: {  	(pc) =	sbr.rel .LBB2_34-.Ltmp42, $2  }
0x502: {  	_ =	sdelay $0x2  }
0x503: {  	s2 =	simm.s32 $0x0  }
.LBB2_43:
.Ltmp43:
0x504: {  	(pc) =	sbr.rel .LBB2_47-.Ltmp43, $2  }
0x505: {  	_ =	sdelay $0x2  }
0x506: {  	s2 =	simm.s32 $0x0  }
.LBB2_56:
.Ltmp44:
0x507: {  	(pc) =	sbr.rel .LBB2_59-.Ltmp44, $2  }
0x508: {  	_ =	sdelay $0x2  }
0x509: {  	_ = 	snop  }
.LBB2_19:
.Ltmp45:
0x50a: {  	(pc) =	sbr.rel .LBB2_21-.Ltmp45, $2  }
0x50b: {  	_ =	sdelay $0x2  }
0x50c: {  	s2 =	simm.s32 $0x0  }
.LBB2_32:
.Ltmp46:
0x50d: {  	(pc) =	sbr.rel .LBB2_34-.Ltmp46, $2  }
0x50e: {  	_ =	sdelay $0x2  }
0x50f: {  	s2 =	simm.s32 $0x0  }
.LBB2_45:
.Ltmp47:
0x510: {  	(pc) =	sbr.rel .LBB2_47-.Ltmp47, $2  }
0x511: {  	_ =	sdelay $0x2  }
0x512: {  	s2 =	simm.s32 $0x0  }
.LBB2_71:
0x513: {  	_ =	sfence.sel $0x180000  }
0x514: {  	[bflag:$0x0] =	sbarrier.arrive $0xFFFF  }
0x515: {  	_ =	strace $0x90000047  }
0x516: {  	s0 =	stileid.u32;
	[bflag:$0x2] =	sbarrier.arrive $0xFFFF  }
0x517: {  	p0 =	sne.s32 s0, $0x0;
	s0 =	rddreg [dreg:$0x1]  }
0x518: {  	s0 =	sadd.s32 @!p0 $0x100000, s0  }
0x519: {  	[sflag:s0] =	ssyncadd.tile.s32 @!p0 $0x1;
	_ =	shalt  }
.Lfunc_end2:
_tile_overlayer_lowered:
.L_overlay_start_2:
0x51a: {  	(tag) =	ssettag $0x2  }
0x51b: {  	s0 =	rddreg [dreg:$0x0];
	s2 =	stileid.u32  }
0x51c: {  	s1 =	rddreg [dreg:$0x1];
	p0 =	sne.s32 s2, $0x0  }
0x51d: {  	s3 =	rddreg [dreg:$0x2];
	[bflag:$0x3] =	sbarrier.arrive $0xFFFF;
	s2 =	simm.s32 @!p0 $0x1C02  }
0x51e: {  	[timem:s3], [sflag:s2] =	dma.local @!p0 [hbm:s0], s1  }
0x51f: {  	s0 =	simm.s32 @!p0 $0x2  }
0x520: {  	_ =	swait.ge @!p0 [sflag:s0], s1  }
0x521: {  	s1 =	ssub.s32 @!p0 $0x0, s1;
	[sflag:s0] =	ssyncset.done @!p0 $0x0  }
0x522: {  	[sflag:s0] =	ssyncadd.s32 @!p0 s1  }
0x523: {  	[bflag:$0x3] =	sbarrier.arrive $0xFFFF  }
0x524: {  	_ =	shalt  }

// kernel: kernel.8.cloned.1.call-start
scs
__scs_entry_jumppad:
0x0: {  	(pc) =	sbr.rel $0x88, $3  }
0x1: {  	(tag) =	ssettag $0x0;
	lr =	simm.s32 $0x1  }
0x2: {  	[smem:$0x3F9E] =	sst lr;
	_ =	strace $0xD0000000  }
0x3: {  	_ = 	snop  }
0x4: {  	_ = 	snop  }
0x5: {  	_ = 	snop  }
0x6: {  	_ = 	snop  }
0x7: {  	_ = 	snop  }
__scs_overlays_trampoline_lowered:
0x8: {  	[smem:$0x3FAD] =	sst s0  }
0x9: {  	[smem:$0x3FAE] =	sst s1  }
0xa: {  	[smem:$0x3FAF] =	sst s2  }
0xb: {  	[smem:$0x3FB0] =	sst s3  }
0xc: {  	[smem:$0x3FB1] =	sst s4  }
0xd: {  	[smem:$0x3FB2] =	sst s5  }
0xe: {  	[smem:$0x3FB3] =	sst s6  }
0xf: {  	[smem:$0x3FB4] =	sst s7  }
0x10: {  	[smem:$0x3FB5] =	sst s8  }
0x11: {  	[smem:$0x3FB6] =	sst s9;
	s0 =	simm.s32 @!p0 $0x0  }
0x12: {  	s1 =	sld [smem:$0x3F9C];
	s0 =	simm.s32 @p0 $0x1  }
0x13: {  	[smem:$0x3FB7] =	sst s0;
	s0 =	simm.s32 @!p1 $0x0  }
0x14: {  	s2 =	sld [smem:$0x3F9B];
	s0 =	simm.s32 @p1 $0x1  }
0x15: {  	[smem:$0x3FB8] =	sst s0;
	s0 =	simm.s32 @!p2 $0x0  }
0x16: {  	s3 =	sld [smem:$0x3FDB];
	s0 =	simm.s32 @p2 $0x1  }
0x17: {  	s4 =	simm.s32 $0x1BF5;
	[smem:$0x3FBA] =	sst s0  }
0x18: {  	s0 =	sld [smem:$0x3F9D];
	_ =	swait.ge [sflag:s4], $0x0  }
0x19: {  	s7 =	sld [smem:$0x3F9E]  }
0x1a: {  	s8 =	sadd.s32 $0xFFFFE003, lr  }
0x1b: {  	s9 =	sadd.s32 $0xFFFFFEF7, lr;
	s5 =	simm.s32 $0xFFFFFFFF;
	p2 =	slt.u32 s8, $0xFFFFF086  }
0x1c: {  	p1 =	slt.u32 s9, $0xF7A;
	s5 =	simm.s32 @!p2 $0x0  }
0x1d: {  	s5 =	simm.s32 @p1 $0x1;
	p0 =	seq.s32 s7, s2  }
0x1e: {  	s7 =	smul.u32 @!p0 $0xF7A, s2;
	p2 =	seq.s32 @!p0 s5, $0x0  }
0x1f: {  	s9 =	smul.u32 $0xF7A, s1;
	s8 =	simm.s32 @!p0 $0x1BF5;
	p2 =	por !p2, p0  }
0x20: {  	[sflag:s8] =	ssyncset.s32 @!p0 $0xFFFFF086;
	s6 =	sadd.s32 @!p0 s3, s7;
	s7 =	simm.s32 @!p0 $0x108  }
0x21: {  	s3 =	sadd.s32 s3, s9;
	s6 =	sadd.s32 @!p0 $0x88, s6;
	s7 =	simm.s32 @p2 $0x1082  }
0x22: {  	[simem:s7], [sflag:s8] =	dma.local @!p0 [hbm:s6], $0xF7A  }
0x23: {  	s9 =	sor.u32 $0xD0000000, s2;
	s6 =	simm.s32 $0x108;
	_ =	swait.ge @!p0 [sflag:s8], $0x0  }
0x24: {  	s3 =	sadd.s32 $0x88, s3;
	s6 =	simm.s32 @!p1 $0x1082;
	[sflag:s4] =	ssyncset.s32 $0xFFFFF086  }
0x25: {  	[simem:s6], [sflag:s4] =	dma.local [hbm:s3], $0xF7A  }
0x26: {  	[smem:$0x3F9E] =	sst s1;
	(tag) =	ssettag s2;
	_ =	strace s9  }
0x27: {  	s1 =	sld [smem:$0x3FAE]  }
0x28: {  	s2 =	sld [smem:$0x3FAF]  }
0x29: {  	s4 =	sld [smem:$0x3FB1]  }
0x2a: {  	p0 =	seq.s32 s5, $0x0;
	s5 =	sld [smem:$0x3FB2]  }
0x2b: {  	s6 =	sld [smem:$0x3FB3]  }
0x2c: {  	s7 =	sld [smem:$0x3FB4]  }
0x2d: {  	s3 =	simm.s32 $0x108;
	s8 =	sld [smem:$0x3FB5]  }
0x2e: {  	s3 =	simm.s32 @!p0 $0x1082;
	s9 =	sld [smem:$0x3FB6]  }
0x2f: {  	lr =	sadd.s32 s0, s3;
	s0 =	sld [smem:$0x3FAD]  }
0x30: {  	s3 =	sld [smem:$0x3FB0]  }
0x31: {  	[smem:$0x3FB9] =	sst s10  }
0x32: {  	s10 =	sld [smem:$0x3FB7];
	_ =	sdelay $0x3  }
0x33: {  	p0 =	seq.s32 s10, $0x1;
	s10 =	sld [smem:$0x3FB9];
	_ =	sdelay $0x3  }
0x34: {  	[smem:$0x3FB9] =	sst s10  }
0x35: {  	s10 =	sld [smem:$0x3FB8];
	_ =	sdelay $0x3  }
0x36: {  	p1 =	seq.s32 s10, $0x1;
	s10 =	sld [smem:$0x3FB9];
	_ =	sdelay $0x3  }
0x37: {  	[smem:$0x3FB9] =	sst s10  }
0x38: {  	s10 =	sld [smem:$0x3FBA]  }
0x39: {  	_ = 	snop;
	(pc) =	sbr.ind lr, $3  }
0x3a: {  	_ = 	snop  }
0x3b: {  	_ = 	snop  }
0x3c: {  	p2 =	seq.s32 s10, $0x1;
	s10 =	sld [smem:$0x3FB9]  }
0x3d: {  	_ =	shalt  }
0x3e: {  	_ =	shalt  }
0x3f: {  	_ =	shalt  }
0x40: {  	_ =	shalt  }
0x41: {  	_ =	shalt  }
0x42: {  	_ =	shalt  }
0x43: {  	_ =	shalt  }
0x44: {  	_ =	shalt  }
0x45: {  	_ =	shalt  }
0x46: {  	_ =	shalt  }
0x47: {  	_ =	shalt  }
0x48: {  	_ =	shalt  }
0x49: {  	_ =	shalt  }
0x4a: {  	_ =	shalt  }
0x4b: {  	_ =	shalt  }
0x4c: {  	_ =	shalt  }
0x4d: {  	_ =	shalt  }
0x4e: {  	_ =	shalt  }
0x4f: {  	_ =	shalt  }
0x50: {  	_ =	shalt  }
0x51: {  	_ =	shalt  }
0x52: {  	_ =	shalt  }
0x53: {  	_ =	shalt  }
0x54: {  	_ =	shalt  }
0x55: {  	_ =	shalt  }
0x56: {  	_ =	shalt  }
0x57: {  	_ =	shalt  }
0x58: {  	_ =	shalt  }
0x59: {  	_ =	shalt  }
0x5a: {  	_ =	shalt  }
0x5b: {  	_ =	shalt  }
0x5c: {  	_ =	shalt  }
0x5d: {  	_ =	shalt  }
0x5e: {  	_ =	shalt  }
0x5f: {  	_ =	shalt  }
0x60: {  	_ =	shalt  }
0x61: {  	_ =	shalt  }
0x62: {  	_ =	shalt  }
0x63: {  	_ =	shalt  }
0x64: {  	_ =	shalt  }
0x65: {  	_ =	shalt  }
0x66: {  	_ =	shalt  }
0x67: {  	_ =	shalt  }
0x68: {  	_ =	shalt  }
0x69: {  	_ =	shalt  }
0x6a: {  	_ =	shalt  }
0x6b: {  	_ =	shalt  }
0x6c: {  	_ =	shalt  }
0x6d: {  	_ =	shalt  }
0x6e: {  	_ =	shalt  }
0x6f: {  	_ =	shalt  }
0x70: {  	_ =	shalt  }
0x71: {  	_ =	shalt  }
0x72: {  	_ =	shalt  }
0x73: {  	_ =	shalt  }
0x74: {  	_ =	shalt  }
0x75: {  	_ =	shalt  }
0x76: {  	_ =	shalt  }
0x77: {  	_ =	shalt  }
0x78: {  	_ =	shalt  }
0x79: {  	_ =	shalt  }
0x7a: {  	_ =	shalt  }
0x7b: {  	_ =	shalt  }
0x7c: {  	_ =	shalt  }
0x7d: {  	_ =	shalt  }
0x7e: {  	_ =	shalt  }
0x7f: {  	_ =	shalt  }
0x80: {  	_ =	shalt  }
0x81: {  	_ =	shalt  }
0x82: {  	_ =	shalt  }
0x83: {  	_ =	shalt  }
0x84: {  	_ =	shalt  }
0x85: {  	_ =	shalt  }
0x86: {  	_ =	shalt  }
0x87: {  	_ =	shalt  }
.Lfunc_end0:
.L_simem_size_0:
called_computation.1_lowered:
.L_overlay_start_0:
0x88: {  	s2 =	sld [smem:$0x3FD9]  }
0x89: {  	s3 =	sld [smem:$0x3FFE];
	_ =	sdelay $0x1  }
0x8a: {  	s1 =	srdreg.scid  }
0x8b: {  	s0 =	sand.u32 $0x1, s1  }
0x8c: {  	s17 =	sshll.u32 s0, $0xA;
	s2 =	sadd.s32 s3, s2  }
0x8d: {  	s2 =	sadd.s32 s2, s17  }
0x8e: {  	[smem:$0x3FC5] =	sst s2  }
0x8f: {  	_ = 	snop  }
0x90: {  	s2 =	sld [smem:$0x3FD0];
	(tm) =	ssettm $0x1  }
0x91: {  	s18 =	sld [smem:$0x3FFB];
	_ =	sdelay $0x3  }
0x92: {  	_ =	strace s18  }
0x93: {  	s3 =	sld [smem:$0x3FFC];
	_ =	sdelay $0x3  }
0x94: {  	_ =	strace s3  }
0x95: {  	s3 =	sld [smem:$0x3FFD];
	_ =	sdelay $0x3  }
0x96: {  	_ =	strace s3  }
0x97: {  	_ =	strace $0x8FFFFFFF  }
0x98: {  	s19 =	sld [smem:$0x3FDB];
	_ =	sdelay $0x1  }
0x99: {  	s4 =	simm.s32 $_scs_section_size  }
0x9a: {  	s5 =	simm.s32 $_size__tile_overlayer_lowered;
	s6 =	simm.s32 $_tile_overlayer_lowered  }
0x9b: {  	s22 =	simm.s32 $0x1BFF;
	s21 =	sshll.u32 s6, $0x1;
	s3 =	sadd.s32 s4, s19  }
0x9c: {  	s7 =	simm.s32 $0x0;
	s20 =	sshll.u32 s5, $0x1;
	s5 =	sadd.s32 s21, s3  }
0x9d: {  	[timem:s7], [sflag:s22] =	dma.local [hbm:s5], s20  }
0x9e: {  	_ =	swait.ge [sflag:s22], s20  }
0x9f: {  	s4 =	ssub.s32 $0x0, s20;
	[sflag:s22] =	ssyncset.done $0x0  }
0xa0: {  	[sflag:s22] =	ssyncadd.s32 s4;
	_ =	sdelay $0x1  }
0xa1: {  	s23 =	simm.s32 $0x1B8B  }
0xa2: {  	_ =	swait.ge [sflag:s23], $0x1  }
0xa3: {  	[sflag:s23] =	ssyncset.done $0x0  }
0xa4: {  	s25 =	simm.s32 $0x1B8E;
	s24 =	sld [smem:$0x3FFE];
	[sflag:s23] =	ssyncadd.s32 $0xFFFFFFFF  }
0xa5: {  	s26 =	simm.s32 $execute0_lowered;
	[smem:$0x3FD2] =	sst s25  }
0xa6: {  	s5 =	sshll.u32 s26, $0x1;
	_ =	strace $0x80000049;
	[dreg:$0x1] =	wrdreg $0xFFFFFFFF  }
0xa7: {  	s28 =	simm.s32 $_size_execute0_lowered;
	s3 =	sadd.s32 s3, s5;
	[dreg:$0x0] =	wrdreg $0x0  }
0xa8: {  	s5 =	sshll.u32 s28, $0x1;
	[dreg:$0x2] =	wrdreg s3  }
0xa9: {  	[dreg:$0x3] =	wrdreg s5  }
0xaa: {  	[dreg:$0x4] =	wrdreg $0xC0  }
0xab: {  	_ =	task [dreg:s7], $0x5FFFF  }
0xac: {  	[dreg:$0x1] =	wrdreg $0xFFFFFFFF  }
0xad: {  	[dreg:$0x0] =	wrdreg $0x60  }
0xae: {  	[dreg:$0x2] =	wrdreg s24  }
0xaf: {  	[dreg:$0x3] =	wrdreg s2  }
0xb0: {  	[dreg:$0x4] =	wrdreg $0x9  }
0xb1: {  	_ =	task.clear_ibuf [dreg:s7], $0x5FFFF;
	_ =	strace $0x90000049  }
0xb2: {  	s29 =	simm.s32 $0x9;
	_ =	strace $0x8000004B  }
0xb3: {  	_ =	swait.ge [sflag:s29], $0x1  }
0xb4: {  	[sflag:s29] =	ssyncadd.s32 $0xFFFFFFFF  }
0xb5: {  	_ =	strace $0x9000004B  }
0xb6: {  	_ =	sfence  }
0xb7: {  	s30 =	sld [smem:$0x0];
	_ =	sdelay $0x2  }
0xb8: {  	s31 =	sshll.u32 s1, $0xD;
	s1 =	sshrl.u32 s1, $0x2  }
0xb9: {  	s3 =	sand.u32 $0x4000, s31;
	s1 =	sadd.s32 s1, s30  }
0xba: {  	s0 =	sor.u32 s3, s0;
	s1 =	sshll.u32 s1, $0x11  }
0xbb: {  	s0 =	sor.u32 s1, s0  }
0xbc: {  	s0 =	sadd.s32 $0x8F2B, s0  }
0xbd: {  	[sflag:s0] =	ssyncadd.remote.s32 $0x1  }
0xbe: {  	_ =	sfence.sel $0xFFFF  }
0xbf: {  	[dreg:$0x0] =	wrdreg $0xFFFFFFFF;
	(pc) =	sbr.abs _section_cstart, $3  }
0xc0: {  	[dreg:$0x1] =	wrdreg $0xFFFFFFFF  }
0xc1: {  	_ =	task.clear_ibuf [dreg:s7], $0x2FFFF;
	_ =	strace $0x9FFFFFFF  }
0xc2: {  	(tm) =	ssettm $0x7FFFFFFF  }
0xc3: {  	_ =	shalt  }
tec
execute0_lowered:
.L_overlay_start_1:
0x0: {  	(tag) =	ssettag $0x1  }
0x1: {  	s0 =	srdreg.scid  }
0x2: {  	s31 =	stileid.u32;
	s3 =	sand.u32 $0x1, s0  }
0x3: {  	s5 =	sshll.u32 s31, $0x1;
	s6 =	ssub.s32 $0x0, s3  }
0x4: {  	p0 =	sne.s32 s5, s6  }
.Ltmp0:
0x5: {  	_ = 	snop;
	(pc) =	sbr.rel @p0 .LBB2_5-.Ltmp0, $2  }
0x6: {  	_ =	sdelay $0x2  }
0x7: {  	s4 =	rddreg [dreg:$0x0];
	_ =	strace $0x8000004A  }
0x8: {  	v0 =	vlaneseq.u32  }
0x9: {  	v2 =	vimm.s32 $0x0;
	v3 =	vimm.f32 $0.0e+00;
	v14 =	vimm.s32 $0xECA86420  }
0xa: {  	vm0 =	vcmask $0xB08;
	vm1 =	vcmask $0x1310;
	vm2 =	vcmask $0x1B18  }
0xb: {  	vm3 =	vcmask $0x300;
	vm4 =	vmmov $0xff;
	vm9 =	vcmask $0x704  }
0xc: {  	v55 =	vimm.s32 $0x633;
	v58 =	vimm.s32 $0x254;
	v61 =	vimm.s32 $0x257  }
0xd: {  	vm15 =	vcmask $0x2724;
	v1 =	vmul.u32 $0x130, v0;
	v5 =	vor.u32 $0x10, v0  }
0xe: {  	v7 =	vor.u32 $0x20, v0;
	v9 =	vor.u32 $0x30, v0;
	v10 =	vmul.u32 $0x10, v0  }
0xf: {  	v12 =	vor.u32 $0x40, v0;
	v13 =	vor.u32 $0x80000040, v0;
	v14 =	vunpack.c.l.s4.s8 v14  }
0x10: {  	v18 =	vmul.u32 $0x2, v0;
	v19 =	vmul.u32 $0x6, v0;
	v56 =	vsel vm3, $0x603, v55  }
0x11: {  	v59 =	vsel vm3, $0x242, v58;
	v17 =	vunpack.c.0.s8.s32 v14;
	v14 =	vimm.s32 $0x0  }
0x12: {  	v62 =	vsel vm3, $0x245, v61;
	v4 =	vadd.s32 $0x1300, v1;
	v14 =	vsel vm4, $0xFFFFFFFF, v14  }
0x13: {  	v6 =	vadd.s32 $0x2600, v1;
	v8 =	vadd.s32 $0x3900, v1;
	[tilespmem:$0x1FF60] =	vst v14;
	v14 =	vor.u32 $0x1, v19  }
0x14: {  	v11 =	vadd.s32 $0x4C00, v1;
	v15 =	vor.u32 $0x1, v10;
	[tilespmem:$0x1FF70] =	vst v14;
	v14 =	vadd.s32 $0x2, v19  }
0x15: {  	v29 =	vadd.s32 $0x60, v19;
	v30 =	vadd.s32 $0x61, v19;
	[tilespmem:$0x1FF80] =	vst v14;
	v14 =	vadd.s32 $0x3, v19  }
0x16: {  	v31 =	vadd.s32 $0x62, v19;
	v32 =	vadd.s32 $0x63, v19;
	[tilespmem:$0x1FF90] =	vst v14;
	v14 =	vadd.s32 $0x4, v19  }
0x17: {  	v33 =	vadd.s32 $0x64, v19;
	v34 =	vadd.s32 $0x65, v19;
	[tilespmem:$0x1FFA0] =	vst v14;
	v14 =	vadd.s32 $0x5, v19  }
0x18: {  	v35 =	vor.u32 $0x200, v10;
	v36 =	vor.u32 $0x201, v10;
	[tilespmem:$0x1FFB0] =	vst v14;
	v14 =	vor.u32 $0x100, v10  }
0x19: {  	v37 =	vor.u32 $0x202, v10;
	v38 =	vor.u32 $0x203, v10;
	[tilespmem:$0x1FFC0] =	vst v14;
	v14 =	vor.u32 $0x101, v10  }
0x1a: {  	v39 =	vadd.s32 $0xC0, v19;
	v40 =	vadd.s32 $0xC1, v19;
	[tilespmem:$0x1FFD0] =	vst v14;
	v14 =	vor.u32 $0x102, v10  }
0x1b: {  	v41 =	vadd.s32 $0xC2, v19;
	v42 =	vadd.s32 $0xC3, v19;
	[tilespmem:$0x1FFE0] =	vst v14;
	v14 =	vor.u32 $0x103, v10  }
0x1c: {  	v43 =	vadd.s32 $0xC4, v19;
	v44 =	vadd.s32 $0xC5, v19;
	[tilespmem:$0x1FFF0] =	vst v14;
	v14 =	vimm.s32 $0x630  }
0x1d: {  	v45 =	vor.u32 $0x300, v10;
	v46 =	vor.u32 $0x301, v10;
	v14 =	vsel vm3, $0x600, v14  }
0x1e: {  	v47 =	vor.u32 $0x302, v10;
	[tilespmem:$0x1FF30] =	vst v15;
	v15 =	vor.u32 $0x2, v10;
	v14 =	vsel vm9, $0x610, v14  }
0x1f: {  	[tilespmem:$0x1FF40] =	vst v15;
	v15 =	vor.u32 $0x3, v10;
	v54 =	vsel vm0, $0x620, v14;
	v14 =	vimm.s32 $0x631  }
0x20: {  	v48 =	vor.u32 $0x303, v10;
	[tilespmem:$0x1FF50] =	vst v15;
	v15 =	vimm.s32 $0x632;
	v14 =	vsel vm3, $0x601, v14  }
0x21: {  	v49 =	vadd.s32 $0x120, v19;
	v15 =	vsel vm3, $0x602, v15;
	v14 =	vsel vm9, $0x611, v14  }
0x22: {  	v50 =	vadd.s32 $0x121, v19;
	v55 =	vsel vm0, $0x621, v14;
	v14 =	vsel vm9, $0x612, v15  }
0x23: {  	v15 =	vsel vm9, $0x613, v56;
	v56 =	vsel vm0, $0x622, v14;
	v14 =	vimm.s32 $0x252  }
0x24: {  	v57 =	vsel vm0, $0x623, v15;
	v15 =	vimm.s32 $0x253;
	v14 =	vsel vm3, $0x240, v14  }
0x25: {  	v51 =	vadd.s32 $0x122, v19;
	v15 =	vsel vm3, $0x241, v15;
	v14 =	vsel vm9, $0x246, v14  }
0x26: {  	s5 =	ssub.s32 $0x2, s3;
	s0 =	sadd.s32 $0x102C00, s4;
	v52 =	vadd.s32 $0x123, v19;
	v58 =	vsel vm0, $0x24C, v14;
	v14 =	vsel vm9, $0x247, v15  }
0x27: {  	s30 =	sadd.s32 $0x103800, s4;
	s1 =	simm.s32 $0x2;
	s2 =	simm.s32 $0x5F00;
	v15 =	vsel vm9, $0x248, v59;
	v59 =	vsel vm0, $0x24D, v14;
	v14 =	vimm.s32 $0x255  }
0x28: {  	s3 =	simm.s32 $0x5F60;
	s14 =	simm.s32 $0x6740;
	s6 =	sshrl.u32 s5, $0x1;
	v60 =	vsel vm0, $0x24E, v15;
	v15 =	vimm.s32 $0x256;
	v14 =	vsel vm3, $0x243, v14  }
0x29: {  	s4 =	simm.s32 $0x0;
	[dreg:$0x3] =	wrdreg s0;
	s5 =	ssub.s32 s5, s6;
	v53 =	vadd.s32 $0x124, v19;
	v15 =	vsel vm3, $0x244, v15;
	v14 =	vsel vm9, $0x249, v14  }
0x2a: {  	s10 =	simm.s32 $0x6040;
	[dreg:$0x4] =	wrdreg s30;
	s31 =	smax.u32 s5, $0x1;
	v61 =	vsel vm0, $0x24F, v14;
	v14 =	vsel vm9, $0x24A, v15;
	v15 =	vsel vm9, $0x24B, v62  }
0x2b: {  	s6 =	simm.s32 $0x0;
	s5 =	simm.s32 $0x5FD0;
	[dreg:$0x5] =	wrdreg s31;
	v62 =	vsel vm0, $0x250, v14;
	v63 =	vsel vm0, $0x251, v15;
	v14 =	vadd.s32 $0x125, v19  }
.LBB2_2:
0x2c: {  	[dreg:$0x6] =	wrdreg s4  }
0x2d: {  	s0 =	rddreg [dreg:$0x3]  }
0x2e: {  	[tilespmem:s6], [sflag:$0x2] =	stream.linear.gather [hbm4b:s0+s6], $0x5F00, $0x38;
	[tilespmem:$0x69A0] =	vst v63  }
0x2f: {  	_ =	swait.ge [sflag:s1], $0x5F00  }
0x30: {  	[sflag:s1] =	ssyncset.done $0x0  }
0x31: {  	[sflag:s1] =	ssyncadd.s32 $0xFFFFA100  }
0x32: {  	[tilespmem:$0x5F00] =	vst v2  }
0x33: {  	[tilespmem:$0x5F10] =	vst v2  }
0x34: {  	[tilespmem:$0x5F20] =	vst v2  }
0x35: {  	[tilespmem:$0x5F30] =	vst v2  }
0x36: {  	[tilespmem:$0x5F40] =	vst v2  }
0x37: {  	[tilespmem:$0x5F50] =	vst v2  }
0x38: {  	[tilespmem:$0x5F60] =	vst v3  }
0x39: {  	[tilespmem:$0x5FD0] =	vst v2  }
0x3a: {  	[tilespmem:$0x5F70] =	vst v3  }
0x3b: {  	[tilespmem:$0x5FE0] =	vst v2  }
0x3c: {  	[tilespmem:$0x5F80] =	vst v3  }
0x3d: {  	[tilespmem:$0x5FF0] =	vst v2  }
0x3e: {  	[tilespmem:$0x5F90] =	vst v3  }
0x3f: {  	[tilespmem:$0x6000] =	vst v2  }
0x40: {  	[tilespmem:$0x5FA0] =	vst v3  }
0x41: {  	[tilespmem:$0x6010] =	vst v2  }
0x42: {  	[tilespmem:$0x5FB0] =	vst v3  }
0x43: {  	[tilespmem:$0x6020] =	vst v2  }
0x44: {  	[tilespmem:$0x5FC0] =	vst v3  }
0x45: {  	s16 =	simm.s32 $0x0;
	[tilespmem:$0x6030] =	vst v2  }
.LBB2_3:
0x46: {  	v15 =	vld [tilespmem:$0x5F00];
	_ =	sdelay $0x2  }
0x47: {  	v16 =	vld [tilespmem:$0x5F10];
	_ =	sdelay $0x1  }
0x48: {  	v15 =	vadd.s32 v1, v15;
	_ =	sdelay $0x1  }
0x49: {  	v20 =	vld [tilespmem:$0x5F20]  }
0x4a: {  	v16 =	vadd.s32 v4, v16;
	_ =	sdelay $0x1  }
0x4b: {  	v15 =	vld.idx.msk [tilespmem:v15+s6+$0x0], $0xffff  }
0x4c: {  	v21 =	vld [tilespmem:$0x5F30]  }
0x4d: {  	v20 =	vadd.s32 v6, v20  }
0x4e: {  	v16 =	vld.idx.msk [tilespmem:v16+s6+$0x0], $0xffff;
	_ =	sdelay $0x1  }
0x4f: {  	v22 =	vld [tilespmem:$0x5F40];
	vm10 =	vge.f32 v15, $-3.000000010e+38  }
0x50: {  	v21 =	vadd.s32 v8, v21;
	vm10 =	vmneg vm10  }
0x51: {  	v20 =	vld.idx.msk [tilespmem:v20+s6+$0x0], $0xffff;
	v15 =	vsel vm10, $0xFF61B1E6, v15  }
0x52: {  	vm11 =	veq.f32 v16, v15  }
0x53: {  	vm12 =	vgt.f32 v16, v15;
	vm11 =	vmand vm10, vm11  }
0x54: {  	v22 =	vadd.s32 v11, v22;
	vm11 =	vmor vm12, vm11  }
0x55: {  	v15 =	vsel vm11, v16, v15;
	vm12 =	vmneg vm11;
	v16 =	vld.idx.msk [tilespmem:v21+s6+$0x0], $0xffff  }
0x56: {  	vm13 =	veq.f32 v20, v15;
	vm12 =	vmand vm12, vm10  }
0x57: {  	v24 =	vsel vm10, $0x3E7, v0;
	vm6 =	vmand vm12, vm13;
	vm12 =	vgt.f32 v20, v15  }
0x58: {  	v21 =	vsel vm11, v5, v24;
	vm10 =	vmor vm12, vm6  }
0x59: {  	v25 =	vld.idx.msk [tilespmem:v22+s6+$0x0], $0xffff;
	v15 =	vsel vm10, v20, v15;
	v20 =	vsel vm10, v7, v21  }
0x5a: {  	vm7 =	veq.f32 v16, v15;
	vm4 =	vgt.u32 v20, v9  }
0x5b: {  	vm12 =	vgt.f32 v16, v15;
	vm10 =	vmand vm7, vm4  }
0x5c: {  	vm10 =	vmor vm12, vm10  }
0x5d: {  	v15 =	vsel vm10, v16, v15;
	v16 =	vsel vm10, v9, v20  }
0x5e: {  	vm5 =	veq.f32 v25, v15;
	vm6 =	vgt.u32 v16, v12  }
0x5f: {  	vm12 =	vgt.f32 v25, v15;
	vm10 =	vmand vm5, vm6  }
0x60: {  	vm10 =	vmor vm12, vm10  }
0x61: {  	v15 =	vsel vm10, v25, v15  }
0x62: {  	(xrf0) =	vmax.scan.msk.f32 $0xffff, v15;
	_ =	sdelay $0x5  }
0x63: {  	v20, _, _ =	vpop (xrf0)  }
0x64: {  	v26 =	vbroadcast v20, $0xF  }
0x65: {  	v16 =	vor.u32 $0x80000000, v16  }
0x66: {  	vm7 =	veq.f32 v15, v26;
	v15 =	vsel vm10, v13, v16  }
0x67: {  	v15 =	vnsel vm7, $0x800003E7, v15  }
0x68: {  	(xrf0) =	vmin.scan.msk.u32 $0xffff, v15;
	_ =	sdelay $0x5  }
0x69: {  	(v2sf) =	vpush v20, $0xF;
	v15, _, _ =	vpop (xrf0)  }
0x6a: {  	(v2sf) =	vpush v15, $0xF;
	_ =	sdelay $0xd  }
0x6b: {  	s17 =	spop (v2sf)  }
0x6c: {  	s18 =	spop (v2sf)  }
0x6d: {  	s18 =	sxor.u32 $0x80000000, s18  }
0x6e: {  	v15 =	vmov s18;
	_ =	sdelay $0x4  }
0x6f: {  	v16 =	vld.idx.msk [tilespmem:v15+s2+$0x0], $0xffff;
	_ =	sdelay $0x4  }
0x70: {  	(v2sf) =	vpush v16, $0x0;
	_ =	sdelay $0xc  }
0x71: {  	v16 =	vmov s16  }
0x72: {  	p0 =	sgt.f32 s17, $-1.000000020e+30;
	s18 =	smul.u32 $0x130, s18;
	s16 =	sadd.s32 $0x1, s16  }
0x73: {  	p1 =	sne.s32 s16, $0x64;
	s19 =	spop (v2sf)  }
.Ltmp1:
0x74: {  	s17 =	simm.s32 @!p0 $0xBF800000;
	s18 =	sadd.s32 s19, s18;
	(pc) =	sbr.rel @p1 .LBB2_3-.Ltmp1, $4  }
0x75: {  	v20 =	vmov s17;
	s18 =	simm.s32 @!p0 $0x0  }
0x76: {  	[tilespmem:v16+s3+$0x0] =	vst.idx.msk $0x1, v20;
	s17 =	sadd.s32 @p0 $0x1, s19;
	v20 =	vmov s18  }
0x77: {  	[tilespmem:v16+s5+$0x0] =	vst.idx.msk $0x1, v20;
	v16 =	vmov @p0 s17;
	s17 =	simm.s32 @p0 $0x5F00  }
0x78: {  	[tilespmem:v15+s17+$0x0] =	vst.idx.msk @p0 $0x1, v16  }
0x79: {  	s0 =	rddreg [dreg:$0x4];
	s1 =	simm.s32 $0x70;
	s9 =	simm.s32 $0x1  }
0x7a: {  	[tilespmem:s10], [sflag:$0x1] =	stream.indirect.gather [hbm4b:s0+s1], $0x10, s5, s1, $0xb8;
	[tilespmem:$0x69A0] =	vst v63  }
0x7b: {  	_ =	swait.ge [sflag:s9], $0x700  }
0x7c: {  	[sflag:s9] =	ssyncset.done $0x0  }
0x7d: {  	[sflag:s9] =	ssyncadd.s32 $0xFFFFF900  }
0x7e: {  	v15 =	vld [tilespmem:$0x5FD0];
	_ =	sdelay $0x4  }
0x7f: {  	(v2sf) =	vpush v15, $0xD;
	_ =	sdelay $0x1  }
0x80: {  	(v2sf) =	vpush v15, $0xC;
	_ =	sdelay $0x1  }
0x81: {  	(v2sf) =	vpush v15, $0xE;
	_ =	sdelay $0x1  }
0x82: {  	(v2sf) =	vpush v15, $0xF;
	_ =	sdelay $0x1  }
0x83: {  	(v2sf) =	vpush v15, $0x9;
	_ =	sdelay $0x1  }
0x84: {  	(v2sf) =	vpush v15, $0x8;
	_ =	sdelay $0x1  }
0x85: {  	(v2sf) =	vpush v15, $0xA;
	_ =	sdelay $0x1  }
0x86: {  	(v2sf) =	vpush v15, $0xB  }
0x87: {  	s16 =	spop (v2sf)  }
0x88: {  	(v2sf) =	vpush v15, $0x0;
	s17 =	smulhi.u32 $0x6BCA1AF3, s16;
	s16 =	sshra.s32 s16, $0x1F  }
0x89: {  	s18 =	spop (v2sf);
	(v2sf) =	vpush v15, $0x1;
	s16 =	smul.u32 $0x6BCA1AF3, s16  }
0x8a: {  	s19 =	smulhi.u32 $0x6BCA1AF3, s18;
	s18 =	sshra.s32 s18, $0x1F;
	(v2sf) =	vpush v15, $0x2  }
0x8b: {  	s20 =	spop (v2sf);
	s18 =	smul.u32 $0x6BCA1AF3, s18;
	(v2sf) =	vpush v15, $0x3  }
0x8c: {  	s21 =	smulhi.u32 $0x6BCA1AF3, s20;
	s20 =	sshra.s32 s20, $0x1F;
	(v2sf) =	vpush v15, $0x4  }
0x8d: {  	s22 =	spop (v2sf);
	s20 =	smul.u32 $0x6BCA1AF3, s20;
	(v2sf) =	vpush v15, $0x5  }
0x8e: {  	s23 =	smulhi.u32 $0x6BCA1AF3, s22;
	s11 =	sshra.s32 s22, $0x1F;
	(v2sf) =	vpush v15, $0x6  }
0x8f: {  	s16 =	sadd.s32 s16, s17;
	s12 =	spop (v2sf);
	s22 =	smul.u32 $0x6BCA1AF3, s11;
	(v2sf) =	vpush v15, $0x7  }
0x90: {  	s25 =	sshrl.u32 s16, $0x1F;
	s24 =	smulhi.u32 $0x6BCA1AF3, s12;
	s17 =	sshra.s32 s12, $0x1F  }
0x91: {  	s19 =	sadd.s32 s18, s19;
	s13 =	spop (v2sf);
	s26 =	smul.u32 $0x6BCA1AF3, s17  }
0x92: {  	s30 =	sshrl.u32 s19, $0x1F;
	s17 =	sadd.s32 s20, s21;
	s15 =	smulhi.u32 $0x6BCA1AF3, s13  }
0x93: {  	s18 =	sshra.s32 s13, $0x1F;
	s4 =	spop (v2sf);
	s19 =	sshra.s32 s19, $0x7  }
0x94: {  	s28 =	sshrl.u32 s17, $0x1F;
	s31 =	smul.u32 $0x6BCA1AF3, s18;
	s18 =	sadd.s32 s22, s23  }
0x95: {  	s22 =	smulhi.u32 $0x6BCA1AF3, s4;
	s20 =	sshra.s32 s4, $0x1F;
	s5 =	spop (v2sf)  }
0x96: {  	s29 =	sshrl.u32 s18, $0x1F;
	s1 =	smul.u32 $0x6BCA1AF3, s20;
	s20 =	sadd.s32 s26, s24  }
0x97: {  	s0 =	smulhi.u32 $0x6BCA1AF3, s5;
	s23 =	sshra.s32 s5, $0x1F;
	s7 =	spop (v2sf)  }
0x98: {  	s26 =	sshrl.u32 s20, $0x1F;
	s2 =	smul.u32 $0x6BCA1AF3, s23;
	s3 =	spop (v2sf)  }
0x99: {  	s11 =	smulhi.u32 $0x6BCA1AF3, s7;
	s8 =	sshra.s32 s7, $0x1F;
	s12 =	spop (v2sf)  }
0x9a: {  	s23 =	sadd.s32 s31, s15;
	s9 =	smul.u32 $0x6BCA1AF3, s8;
	s5 =	spop (v2sf)  }
0x9b: {  	s4 =	smulhi.u32 $0x6BCA1AF3, s3;
	s3 =	sshra.s32 s3, $0x1F;
	s7 =	spop (v2sf)  }
0x9c: {  	s15 =	smulhi.u32 $0x6BCA1AF3, s12;
	s21 =	sshra.s32 s12, $0x1F;
	s12 =	spop (v2sf)  }
0x9d: {  	s24 =	sadd.s32 s1, s22;
	s3 =	smul.u32 $0x6BCA1AF3, s3;
	s8 =	spop (v2sf)  }
0x9e: {  	s1 =	smul.u32 $0x6BCA1AF3, s21;
	s21 =	sadd.s32 s2, s0;
	s22 =	spop (v2sf)  }
0x9f: {  	s11 =	sadd.s32 s9, s11;
	s9 =	smulhi.u32 $0x6BCA1AF3, s22;
	s2 =	sshra.s32 s22, $0x1F  }
0xa0: {  	s13 =	sshrl.u32 s23, $0x1F;
	s23 =	sshra.s32 s23, $0x7;
	s2 =	smul.u32 $0x6BCA1AF3, s2  }
0xa1: {  	vm8 =	vcmask $0x300;
	vm9 =	vcmask $0x704;
	s0 =	smulhi.u32 $0x6BCA1AF3, s5;
	s31 =	sshra.s32 s5, $0x1F;
	s5 =	sshrl.u32 s24, $0x1F  }
0xa2: {  	vm12 =	vcmask $0xF0C;
	vm13 =	vcmask $0x1714;
	vm14 =	vcmask $0x1F1C;
	s3 =	sadd.s32 s3, s4;
	s4 =	smul.u32 $0x6BCA1AF3, s31;
	s22 =	sadd.s32 s2, s9  }
0xa3: {  	vm6 =	vcmask $0x3330;
	vm7 =	vcmask $0x2F2C;
	v20 =	vmov s30;
	s30 =	sshra.s32 s11, $0x1F;
	s1 =	sadd.s32 s1, s15;
	s9 =	sshra.s32 s22, $0x1F  }
0xa4: {  	vm3 =	vcmask $0x3B38;
	v20 =	vsel vm0, s25, v20;
	s15 =	sshrl.u32 s21, $0x1F;
	s31 =	sshrl.u32 s3, $0x1F;
	v16 =	vmov s9;
	s9 =	sshra.s32 s11, $0x7  }
0xa5: {  	v24 =	vmov s19;
	v20 =	vsel vm1, s28, v20;
	s0 =	sadd.s32 s4, s0;
	s4 =	smulhi.u32 $0x6BCA1AF3, s7;
	s7 =	sshra.s32 s7, $0x1F;
	v16 =	vsel vm8, s9, v16  }
0xa6: {  	v20 =	vsel vm2, s29, v20;
	v22 =	vmov s13;
	s28 =	smulhi.u32 $0x6BCA1AF3, s8;
	s8 =	sshra.s32 s8, $0x1F;
	v16 =	vsel vm9, s30, v16;
	s30 =	sshra.s32 s3, $0x7  }
0xa7: {  	v23 =	vmov s23;
	v22 =	vsel vm0, s26, v22;
	s7 =	smul.u32 $0x6BCA1AF3, s7;
	s2 =	sshrl.u32 s11, $0x1F;
	s3 =	sshra.s32 s3, $0x1F;
	v16 =	vsel vm0, s30, v16  }
0xa8: {  	v22 =	vsel vm1, s5, v22;
	s29 =	sshra.s32 s1, $0x7;
	v21 =	vmov s2;
	s2 =	smulhi.u32 $0x6BCA1AF3, s12;
	s12 =	sshra.s32 s12, $0x1F;
	v16 =	vsel vm12, s3, v16  }
0xa9: {  	v22 =	vsel vm2, s15, v22;
	s11 =	sshrl.u32 s1, $0x1F;
	v21 =	vnsel vm8, $0x0, v21;
	s12 =	smul.u32 $0x6BCA1AF3, s12;
	s1 =	sshra.s32 s1, $0x1F;
	v16 =	vsel vm1, s29, v16  }
0xaa: {  	s26 =	sshra.s32 s16, $0x7;
	v20 =	vcombine.low v22, v20;
	v21 =	vsel vm0, s31, v21;
	s30 =	smul.u32 $0x6BCA1AF3, s8;
	s8 =	sshra.s32 s0, $0x7;
	v16 =	vsel vm13, s1, v16  }
0xab: {  	s25 =	sshrl.u32 s0, $0x1F;
	v22 =	vsel vm0, s26, v24;
	s4 =	sadd.s32 s7, s4;
	v21 =	vsel vm1, s11, v21;
	s0 =	sshra.s32 s0, $0x1F;
	v16 =	vsel vm2, s8, v16  }
0xac: {  	s15 =	sshra.s32 s4, $0x7;
	s31 =	sshrl.u32 s4, $0x1F;
	s2 =	sadd.s32 s12, s2;
	v21 =	vsel vm2, s25, v21;
	vm12 =	vcmask $0x2320;
	v16 =	vsel vm14, s0, v16  }
0xad: {  	vm9 =	vcmask $0x3734;
	s25 =	sshra.s32 s4, $0x1F;
	v21 =	vsel vm12, s31, v21;
	s12 =	sadd.s32 s30, s28;
	s28 =	sshra.s32 s20, $0x7;
	v16 =	vsel vm12, s15, v16  }
0xae: {  	s11 =	sshrl.u32 s2, $0x1F;
	s29 =	sshra.s32 s2, $0x7;
	s30 =	sshra.s32 s17, $0x7;
	vm13 =	vcmask $0x2B28;
	v23 =	vsel vm0, s28, v23;
	v16 =	vsel vm15, s25, v16  }
0xaf: {  	s7 =	sshra.s32 s18, $0x7;
	s4 =	sshra.s32 s2, $0x1F;
	s31 =	sshra.s32 s24, $0x7;
	v22 =	vsel vm1, s30, v22;
	v21 =	vsel vm13, s11, v21;
	v16 =	vsel vm13, s29, v16  }
0xb0: {  	v25 =	vld [tilespmem:$0x1FF60];
	s13 =	sshrl.u32 s12, $0x1F;
	s9 =	sshra.s32 s12, $0x7;
	v23 =	vsel vm1, s31, v23;
	s8 =	sshra.s32 s21, $0x7;
	v22 =	vsel vm2, s7, v22;
	v16 =	vsel vm7, s4, v16  }
0xb1: {  	s12 =	sshra.s32 s12, $0x1F;
	s11 =	sshrl.u32 s22, $0x1F;
	v21 =	vsel vm6, s13, v21;
	v23 =	vsel vm2, s8, v23;
	v16 =	vsel vm6, s9, v16  }
0xb2: {  	s13 =	sshra.s32 s22, $0x7;
	v21 =	vsel vm3, s11, v21;
	v22 =	vcombine.low v23, v22;
	v16 =	vsel vm9, s12, v16  }
0xb3: {  	v26 =	vld [tilespmem:$0x1FF40];
	v20 =	vperm.xlane v20, v17;
	v21 =	vperm.xlane v21, v18;
	v16 =	vsel vm3, s13, v16  }
0xb4: {  	v22 =	vperm.xlane v22, v17;
	v16 =	vperm.xlane v16, v18  }
0xb5: {  	vm4 =	vnez.u8 v25  }
0xb6: {  	v20 =	vsel vm4, v21, v20;
	v16 =	vsel vm4, v16, v22  }
0xb7: {  	v16 =	vadd.s32 v20, v16;
	v20 =	vld [tilespmem:$0x1FF30];
	_ =	sdelay $0x2  }
0xb8: {  	v25 =	vld [tilespmem:$0x1FF50]  }
0xb9: {  	v23 =	vld.idx.msk [tilespmem:v26+s10+$0x0], $0xffff  }
0xba: {  	v26 =	vld [tilespmem:$0x1FF70];
	_ =	sdelay $0x1  }
0xbb: {  	v21 =	vld.idx.msk [tilespmem:v10+s10+$0x0], $0xffff  }
0xbc: {  	v20 =	vld.idx.msk [tilespmem:v20+s10+$0x0], $0xffff;
	_ =	sdelay $0x2  }
0xbd: {  	v25 =	vld.idx.msk [tilespmem:v25+s10+$0x0], $0xffff  }
0xbe: {  	vm10 =	vlt.s32 v15, $0x1;
	v24 =	vsub.s32 $0x0, v15;
	v15 =	vld [tilespmem:$0x5F60];
	[tilespmem:v19+s14+$0x0] =	vst.idx.msk $0xffff, v21  }
0xbf: {  	[tilespmem:v26+s14+$0x0] =	vst.idx.msk $0xffff, v20;
	v20 =	vld [tilespmem:$0x1FF80];
	_ =	sdelay $0x7  }
0xc0: {  	[tilespmem:v20+s14+$0x0] =	vst.idx.msk $0xffff, v23;
	v20 =	vld [tilespmem:$0x1FF90];
	_ =	sdelay $0x7  }
0xc1: {  	[tilespmem:v20+s14+$0x0] =	vst.idx.msk $0xffff, v25;
	v20 =	vld [tilespmem:$0x1FFA0];
	_ =	sdelay $0x6  }
0xc2: {  	v22 =	vmul.u32 $0xFFFFFED0, v16  }
0xc3: {  	[tilespmem:v20+s14+$0x0] =	vst.idx.msk $0xffff, v15;
	v15 =	vld [tilespmem:$0x1FFB0]  }
0xc4: {  	vm11 =	vne.s32 v22, v24  }
0xc5: {  	vm10 =	vmand vm10, vm11  }
0xc6: {  	v24 =	vsel vm10, $0xFFFFFFFF, v2  }
0xc7: {  	v16 =	vadd.s32 v24, v16  }
0xc8: {  	v16 =	vadd.s32 $0x1, v16  }
0xc9: {  	v16 =	vcvt.s32.f32 v16;
	_ =	sdelay $0x1  }
0xca: {  	[tilespmem:v15+s14+$0x0] =	vst.idx.msk $0xffff, v16  }
0xcb: {  	v15 =	vld [tilespmem:$0x5FE0];
	_ =	sdelay $0x4  }
0xcc: {  	(v2sf) =	vpush v15, $0xD;
	_ =	sdelay $0x1  }
0xcd: {  	(v2sf) =	vpush v15, $0xC;
	_ =	sdelay $0x1  }
0xce: {  	(v2sf) =	vpush v15, $0xE;
	_ =	sdelay $0x1  }
0xcf: {  	(v2sf) =	vpush v15, $0xF;
	_ =	sdelay $0x1  }
0xd0: {  	(v2sf) =	vpush v15, $0x9;
	_ =	sdelay $0x1  }
0xd1: {  	(v2sf) =	vpush v15, $0x8;
	_ =	sdelay $0x1  }
0xd2: {  	(v2sf) =	vpush v15, $0xA;
	_ =	sdelay $0x1  }
0xd3: {  	(v2sf) =	vpush v15, $0xB  }
0xd4: {  	s15 =	spop (v2sf)  }
0xd5: {  	(v2sf) =	vpush v15, $0x0;
	s16 =	smulhi.u32 $0x6BCA1AF3, s15;
	s0 =	sshra.s32 s15, $0x1F  }
0xd6: {  	(v2sf) =	vpush v15, $0x1;
	s17 =	spop (v2sf);
	s0 =	smul.u32 $0x6BCA1AF3, s0  }
0xd7: {  	(v2sf) =	vpush v15, $0x2;
	s18 =	smulhi.u32 $0x6BCA1AF3, s17;
	s2 =	sshra.s32 s17, $0x1F  }
0xd8: {  	s19 =	spop (v2sf);
	(v2sf) =	vpush v15, $0x3;
	s2 =	smul.u32 $0x6BCA1AF3, s2  }
0xd9: {  	s20 =	smulhi.u32 $0x6BCA1AF3, s19;
	s4 =	sshra.s32 s19, $0x1F;
	(v2sf) =	vpush v15, $0x4  }
0xda: {  	s21 =	spop (v2sf);
	s4 =	smul.u32 $0x6BCA1AF3, s4;
	(v2sf) =	vpush v15, $0x5  }
0xdb: {  	s16 =	sadd.s32 s0, s16;
	s22 =	smulhi.u32 $0x6BCA1AF3, s21;
	s23 =	sshra.s32 s21, $0x1F;
	(v2sf) =	vpush v15, $0x6  }
0xdc: {  	s24 =	spop (v2sf);
	s25 =	sshrl.u32 s16, $0x1F;
	s1 =	smul.u32 $0x6BCA1AF3, s23;
	(v2sf) =	vpush v15, $0x7  }
0xdd: {  	s19 =	sadd.s32 s2, s18;
	s26 =	smulhi.u32 $0x6BCA1AF3, s24;
	s29 =	sshra.s32 s24, $0x1F  }
0xde: {  	s30 =	spop (v2sf);
	s7 =	sshrl.u32 s19, $0x1F;
	s3 =	smul.u32 $0x6BCA1AF3, s29  }
0xdf: {  	s17 =	sadd.s32 s4, s20;
	s31 =	smulhi.u32 $0x6BCA1AF3, s30;
	s11 =	sshra.s32 s30, $0x1F  }
0xe0: {  	s12 =	spop (v2sf);
	s19 =	sshra.s32 s19, $0x7;
	s5 =	smul.u32 $0x6BCA1AF3, s11  }
0xe1: {  	s28 =	sshrl.u32 s17, $0x1F;
	s0 =	smulhi.u32 $0x6BCA1AF3, s12;
	s13 =	sshra.s32 s12, $0x1F  }
0xe2: {  	s18 =	sadd.s32 s1, s22;
	s15 =	spop (v2sf);
	s1 =	smul.u32 $0x6BCA1AF3, s13  }
0xe3: {  	s29 =	sshrl.u32 s18, $0x1F;
	s21 =	smulhi.u32 $0x6BCA1AF3, s15;
	s23 =	sshra.s32 s15, $0x1F  }
0xe4: {  	s20 =	sadd.s32 s3, s26;
	s24 =	spop (v2sf);
	s3 =	smul.u32 $0x6BCA1AF3, s23  }
0xe5: {  	v20 =	vmov s7;
	s26 =	sshrl.u32 s20, $0x1F;
	s9 =	smulhi.u32 $0x6BCA1AF3, s24;
	s30 =	spop (v2sf)  }
0xe6: {  	v20 =	vsel vm0, s25, v20;
	s8 =	sshra.s32 s24, $0x1F;
	s23 =	sadd.s32 s5, s31;
	s31 =	spop (v2sf)  }
0xe7: {  	v20 =	vsel vm1, s28, v20;
	s28 =	sshra.s32 s20, $0x7;
	s4 =	smul.u32 $0x6BCA1AF3, s8;
	s12 =	spop (v2sf)  }
0xe8: {  	s8 =	smulhi.u32 $0x6BCA1AF3, s30;
	s11 =	sshra.s32 s30, $0x1F;
	s15 =	spop (v2sf)  }
0xe9: {  	s24 =	sadd.s32 s1, s0;
	s11 =	smul.u32 $0x6BCA1AF3, s11;
	s30 =	spop (v2sf)  }
0xea: {  	s22 =	smulhi.u32 $0x6BCA1AF3, s31;
	s5 =	sshra.s32 s31, $0x1F;
	s1 =	spop (v2sf)  }
0xeb: {  	s13 =	sshrl.u32 s23, $0x1F;
	s0 =	smul.u32 $0x6BCA1AF3, s5;
	s5 =	spop (v2sf)  }
0xec: {  	s21 =	sadd.s32 s3, s21;
	s31 =	smulhi.u32 $0x6BCA1AF3, s5;
	s3 =	sshra.s32 s5, $0x1F  }
0xed: {  	s23 =	sshra.s32 s23, $0x7;
	v25 =	vmov s13;
	s4 =	sadd.s32 s4, s9;
	s3 =	smul.u32 $0x6BCA1AF3, s3  }
0xee: {  	v22 =	vsel vm0, s26, v25;
	s26 =	sshra.s32 s16, $0x7;
	s2 =	smulhi.u32 $0x6BCA1AF3, s12;
	s12 =	sshra.s32 s12, $0x1F  }
0xef: {  	s9 =	smul.u32 $0x6BCA1AF3, s12;
	s0 =	sadd.s32 s0, s22;
	s22 =	sadd.s32 s3, s31  }
0xf0: {  	s8 =	sadd.s32 s11, s8;
	s11 =	sshrl.u32 s24, $0x1F;
	s31 =	sshra.s32 s22, $0x1F  }
0xf1: {  	vm5 =	vcmask $0x1714;
	s25 =	sshra.s32 s30, $0x1F;
	s2 =	sadd.s32 s9, s2;
	v16 =	vmov s31;
	s31 =	sshra.s32 s4, $0x7  }
0xf2: {  	vm7 =	vmmov vm8;
	s25 =	smul.u32 $0x6BCA1AF3, s25;
	s3 =	sshrl.u32 s4, $0x1F;
	s4 =	sshra.s32 s4, $0x1F;
	v16 =	vsel vm8, s31, v16;
	vm8 =	vcmask $0x704  }
0xf3: {  	vm3 =	vcmask $0xF0C;
	s9 =	sshra.s32 s15, $0x1F;
	v24 =	vmov s3;
	s3 =	smulhi.u32 $0x6BCA1AF3, s30;
	s30 =	sshra.s32 s8, $0x7;
	v16 =	vsel vm8, s4, v16  }
0xf4: {  	vm11 =	vcmask $0x3B38;
	v26 =	vmov s19;
	s5 =	smulhi.u32 $0x6BCA1AF3, s15;
	s15 =	sshrl.u32 s8, $0x1F;
	s8 =	sshra.s32 s8, $0x1F;
	v16 =	vsel vm0, s30, v16  }
0xf5: {  	v20 =	vsel vm2, s29, v20;
	v22 =	vsel vm1, s11, v22;
	s12 =	sshrl.u32 s21, $0x1F;
	s7 =	smul.u32 $0x6BCA1AF3, s9;
	s30 =	sshra.s32 s0, $0x7;
	v16 =	vsel vm3, s8, v16  }
0xf6: {  	v22 =	vsel vm2, s12, v22;
	s29 =	smulhi.u32 $0x6BCA1AF3, s1;
	s9 =	sshrl.u32 s0, $0x1F;
	v21 =	vnsel vm7, $0x0, v24;
	s0 =	sshra.s32 s0, $0x1F;
	v16 =	vsel vm1, s30, v16  }
0xf7: {  	s1 =	sshra.s32 s1, $0x1F;
	v20 =	vcombine.low v22, v20;
	s5 =	sadd.s32 s7, s5;
	s7 =	sshra.s32 s2, $0x7;
	v21 =	vsel vm0, s15, v21;
	v16 =	vsel vm5, s0, v16  }
0xf8: {  	v22 =	vsel vm0, s26, v26;
	s1 =	smul.u32 $0x6BCA1AF3, s1;
	s11 =	sshra.s32 s2, $0x1F;
	s31 =	sshrl.u32 s2, $0x1F;
	v21 =	vsel vm1, s9, v21;
	v16 =	vsel vm2, s7, v16  }
0xf9: {  	v24 =	vmov s23;
	s3 =	sadd.s32 s25, s3;
	s15 =	sshra.s32 s5, $0x7;
	v21 =	vsel vm2, s31, v21;
	s31 =	sshrl.u32 s5, $0x1F;
	v16 =	vsel vm14, s11, v16  }
0xfa: {  	s25 =	sshra.s32 s5, $0x1F;
	v23 =	vsel vm0, s28, v24;
	s9 =	sshrl.u32 s3, $0x1F;
	v21 =	vsel vm12, s31, v21;
	s31 =	sshra.s32 s24, $0x7;
	v16 =	vsel vm12, s15, v16  }
0xfb: {  	s1 =	sadd.s32 s1, s29;
	s29 =	sshra.s32 s3, $0x7;
	v21 =	vsel vm13, s9, v21;
	v23 =	vsel vm1, s31, v23;
	v16 =	vsel vm15, s25, v16  }
0xfc: {  	s13 =	sshrl.u32 s1, $0x1F;
	s5 =	sshra.s32 s3, $0x1F;
	s30 =	sshra.s32 s17, $0x7;
	vm12 =	vmmov vm13;
	v16 =	vsel vm13, s29, v16;
	vm13 =	vcmask $0x2F2C  }
0xfd: {  	v25 =	vld [tilespmem:$0x1FFC0];
	s8 =	sshra.s32 s21, $0x7;
	s9 =	sshra.s32 s1, $0x7;
	v21 =	vsel vm6, s13, v21;
	v22 =	vsel vm1, s30, v22;
	s7 =	sshra.s32 s18, $0x7;
	v16 =	vsel vm13, s5, v16  }
0xfe: {  	s12 =	sshra.s32 s1, $0x1F;
	v23 =	vsel vm2, s8, v23;
	s11 =	sshrl.u32 s22, $0x1F;
	v22 =	vsel vm2, s7, v22;
	v16 =	vsel vm6, s9, v16  }
0xff: {  	s13 =	sshra.s32 s22, $0x7;
	v21 =	vsel vm11, s11, v21;
	v22 =	vcombine.low v23, v22;
	v16 =	vsel vm9, s12, v16  }
0x100: {  	v20 =	vperm.xlane v20, v17;
	v21 =	vperm.xlane v21, v18;
	v16 =	vsel vm11, s13, v16  }
0x101: {  	v22 =	vperm.xlane v22, v17;
	v16 =	vperm.xlane v16, v18;
	_ =	sdelay $0x1  }
0x102: {  	v26 =	vld [tilespmem:$0x1FFE0];
	v20 =	vsel vm4, v21, v20;
	v16 =	vsel vm4, v16, v22  }
0x103: {  	v16 =	vadd.s32 v20, v16;
	v20 =	vld [tilespmem:$0x1FFD0]  }
0x104: {  	v21 =	vld.idx.msk [tilespmem:v25+s10+$0x0], $0xffff  }
0x105: {  	v25 =	vld [tilespmem:$0x1FFF0];
	_ =	sdelay $0x5  }
0x106: {  	v22 =	vmul.u32 $0xFFFFFED0, v16;
	v20 =	vld.idx.msk [tilespmem:v20+s10+$0x0], $0xffff  }
0x107: {  	v24 =	vsub.s32 $0x0, v15;
	v23 =	vld.idx.msk [tilespmem:v26+s10+$0x0], $0xffff  }
0x108: {  	vm10 =	vlt.s32 v15, $0x1;
	v25 =	vld.idx.msk [tilespmem:v25+s10+$0x0], $0xffff;
	vm6 =	vne.s32 v22, v24  }
0x109: {  	v15 =	vld [tilespmem:$0x5F70];
	vm10 =	vmand vm10, vm6  }
0x10a: {  	v24 =	vsel vm10, $0xFFFFFFFF, v2;
	[tilespmem:v29+s14+$0x0] =	vst.idx.msk $0xffff, v21  }
0x10b: {  	v16 =	vadd.s32 v24, v16;
	[tilespmem:v30+s14+$0x0] =	vst.idx.msk $0xffff, v20  }
0x10c: {  	v16 =	vadd.s32 $0x1, v16;
	[tilespmem:v31+s14+$0x0] =	vst.idx.msk $0xffff, v23  }
0x10d: {  	v16 =	vcvt.s32.f32 v16;
	[tilespmem:v32+s14+$0x0] =	vst.idx.msk $0xffff, v25  }
0x10e: {  	[tilespmem:v33+s14+$0x0] =	vst.idx.msk $0xffff, v15  }
0x10f: {  	[tilespmem:v34+s14+$0x0] =	vst.idx.msk $0xffff, v16  }
0x110: {  	v15 =	vld [tilespmem:$0x5FF0];
	_ =	sdelay $0x4  }
0x111: {  	(v2sf) =	vpush v15, $0xD;
	_ =	sdelay $0x1  }
0x112: {  	(v2sf) =	vpush v15, $0xC;
	_ =	sdelay $0x1  }
0x113: {  	(v2sf) =	vpush v15, $0xE;
	_ =	sdelay $0x1  }
0x114: {  	(v2sf) =	vpush v15, $0xF  }
0x115: {  	(v2sf) =	vpush v15, $0x9;
	_ =	sdelay $0x1  }
0x116: {  	(v2sf) =	vpush v15, $0x8;
	_ =	sdelay $0x1  }
0x117: {  	(v2sf) =	vpush v15, $0xA;
	_ =	sdelay $0x2  }
0x118: {  	(v2sf) =	vpush v15, $0xB  }
0x119: {  	s15 =	spop (v2sf)  }
0x11a: {  	(v2sf) =	vpush v15, $0x0;
	s16 =	smulhi.u32 $0x6BCA1AF3, s15;
	s0 =	sshra.s32 s15, $0x1F  }
0x11b: {  	(v2sf) =	vpush v15, $0x1;
	s17 =	spop (v2sf);
	s0 =	smul.u32 $0x6BCA1AF3, s0  }
0x11c: {  	(v2sf) =	vpush v15, $0x2;
	s18 =	smulhi.u32 $0x6BCA1AF3, s17;
	s2 =	sshra.s32 s17, $0x1F  }
0x11d: {  	s19 =	spop (v2sf);
	(v2sf) =	vpush v15, $0x3;
	s2 =	smul.u32 $0x6BCA1AF3, s2  }
0x11e: {  	s20 =	smulhi.u32 $0x6BCA1AF3, s19;
	s4 =	sshra.s32 s19, $0x1F;
	(v2sf) =	vpush v15, $0x4  }
0x11f: {  	s21 =	spop (v2sf);
	s4 =	smul.u32 $0x6BCA1AF3, s4;
	(v2sf) =	vpush v15, $0x5;
	s16 =	sadd.s32 s0, s16  }
0x120: {  	s22 =	smulhi.u32 $0x6BCA1AF3, s21;
	s23 =	sshra.s32 s21, $0x1F;
	s24 =	spop (v2sf);
	(v2sf) =	vpush v15, $0x6  }
0x121: {  	s25 =	sshrl.u32 s16, $0x1F;
	s1 =	smul.u32 $0x6BCA1AF3, s23;
	s19 =	sadd.s32 s2, s18;
	(v2sf) =	vpush v15, $0x7  }
0x122: {  	s26 =	smulhi.u32 $0x6BCA1AF3, s24;
	s29 =	sshra.s32 s24, $0x1F;
	s30 =	spop (v2sf)  }
0x123: {  	s7 =	sshrl.u32 s19, $0x1F;
	s3 =	smul.u32 $0x6BCA1AF3, s29;
	s17 =	sadd.s32 s4, s20  }
0x124: {  	s31 =	smulhi.u32 $0x6BCA1AF3, s30;
	s11 =	sshra.s32 s30, $0x1F;
	s12 =	spop (v2sf)  }
0x125: {  	s19 =	sshra.s32 s19, $0x7;
	s28 =	sshrl.u32 s17, $0x1F;
	s5 =	smul.u32 $0x6BCA1AF3, s11  }
0x126: {  	s18 =	sadd.s32 s1, s22;
	s0 =	smulhi.u32 $0x6BCA1AF3, s12;
	s13 =	sshra.s32 s12, $0x1F  }
0x127: {  	s15 =	spop (v2sf);
	s29 =	sshrl.u32 s18, $0x1F;
	s1 =	smul.u32 $0x6BCA1AF3, s13  }
0x128: {  	s20 =	sadd.s32 s3, s26;
	s21 =	smulhi.u32 $0x6BCA1AF3, s15;
	s23 =	sshra.s32 s15, $0x1F  }
0x129: {  	s24 =	spop (v2sf);
	s26 =	sshrl.u32 s20, $0x1F;
	s3 =	smul.u32 $0x6BCA1AF3, s23  }
0x12a: {  	s9 =	smulhi.u32 $0x6BCA1AF3, s24;
	s8 =	sshra.s32 s24, $0x1F;
	s30 =	spop (v2sf)  }
0x12b: {  	s23 =	sadd.s32 s5, s31;
	s4 =	smul.u32 $0x6BCA1AF3, s8;
	s31 =	spop (v2sf)  }
0x12c: {  	s8 =	smulhi.u32 $0x6BCA1AF3, s30;
	s11 =	sshra.s32 s30, $0x1F;
	s12 =	spop (v2sf)  }
0x12d: {  	s13 =	sshrl.u32 s23, $0x1F;
	s24 =	sadd.s32 s1, s0;
	s15 =	spop (v2sf)  }
0x12e: {  	s23 =	sshra.s32 s23, $0x7;
	s11 =	smul.u32 $0x6BCA1AF3, s11;
	s30 =	spop (v2sf)  }
0x12f: {  	s22 =	smulhi.u32 $0x6BCA1AF3, s31;
	s5 =	sshra.s32 s31, $0x1F;
	s1 =	spop (v2sf)  }
0x130: {  	s21 =	sadd.s32 s3, s21;
	s0 =	smul.u32 $0x6BCA1AF3, s5;
	s5 =	spop (v2sf)  }
0x131: {  	v24 =	vmov s13;
	s4 =	sadd.s32 s4, s9;
	s31 =	smulhi.u32 $0x6BCA1AF3, s5;
	s3 =	sshra.s32 s5, $0x1F  }
0x132: {  	v22 =	vsel vm0, s26, v24;
	s26 =	sshra.s32 s16, $0x7;
	s8 =	sadd.s32 s11, s8;
	s3 =	smul.u32 $0x6BCA1AF3, s3  }
0x133: {  	s11 =	sshrl.u32 s24, $0x1F;
	s2 =	smulhi.u32 $0x6BCA1AF3, s12;
	s12 =	sshra.s32 s12, $0x1F  }
0x134: {  	v20 =	vmov s7;
	s9 =	smul.u32 $0x6BCA1AF3, s12;
	s0 =	sadd.s32 s0, s22;
	s22 =	sadd.s32 s3, s31  }
0x135: {  	v20 =	vsel vm0, s25, v20;
	s12 =	sshrl.u32 s21, $0x1F;
	s25 =	sshra.s32 s30, $0x1F;
	s31 =	sshra.s32 s22, $0x1F  }
0x136: {  	vm6 =	vmmov vm5;
	v20 =	vsel vm1, s28, v20;
	s2 =	sadd.s32 s9, s2;
	s25 =	smul.u32 $0x6BCA1AF3, s25;
	v16 =	vmov s31;
	s31 =	sshra.s32 s4, $0x7  }
0x137: {  	vm10 =	vcmask $0x3330;
	v20 =	vsel vm2, s29, v20;
	s29 =	smulhi.u32 $0x6BCA1AF3, s1;
	s3 =	sshrl.u32 s4, $0x1F;
	s4 =	sshra.s32 s4, $0x1F;
	v16 =	vsel vm7, s31, v16  }
0x138: {  	v22 =	vsel vm1, s11, v22;
	s9 =	sshra.s32 s15, $0x1F;
	v26 =	vmov s3;
	s3 =	smulhi.u32 $0x6BCA1AF3, s30;
	s30 =	sshra.s32 s8, $0x7;
	v16 =	vsel vm8, s4, v16  }
0x139: {  	v25 =	vmov s19;
	v22 =	vsel vm2, s12, v22;
	s5 =	smulhi.u32 $0x6BCA1AF3, s15;
	s15 =	sshrl.u32 s8, $0x1F;
	s8 =	sshra.s32 s8, $0x1F;
	v16 =	vsel vm0, s30, v16  }
0x13a: {  	s1 =	sshra.s32 s1, $0x1F;
	v20 =	vcombine.low v22, v20;
	s7 =	smul.u32 $0x6BCA1AF3, s9;
	v21 =	vnsel vm7, $0x0, v26;
	s30 =	sshra.s32 s0, $0x7;
	v16 =	vsel vm3, s8, v16  }
0x13b: {  	v22 =	vsel vm0, s26, v25;
	s9 =	sshrl.u32 s0, $0x1F;
	s1 =	smul.u32 $0x6BCA1AF3, s1;
	v21 =	vsel vm0, s15, v21;
	s0 =	sshra.s32 s0, $0x1F;
	v16 =	vsel vm1, s30, v16  }
0x13c: {  	v20 =	vperm.xlane v20, v17;
	s5 =	sadd.s32 s7, s5;
	s7 =	sshra.s32 s2, $0x7;
	s31 =	sshrl.u32 s2, $0x1F;
	v21 =	vsel vm1, s9, v21;
	v16 =	vsel vm5, s0, v16  }
0x13d: {  	s11 =	sshra.s32 s2, $0x1F;
	s3 =	sadd.s32 s25, s3;
	vm7 =	vcmask $0x2320;
	v21 =	vsel vm2, s31, v21;
	s31 =	sshrl.u32 s5, $0x1F;
	v16 =	vsel vm2, s7, v16  }
0x13e: {  	s28 =	sshra.s32 s20, $0x7;
	v26 =	vmov s23;
	s15 =	sshra.s32 s5, $0x7;
	s9 =	sshrl.u32 s3, $0x1F;
	v21 =	vsel vm7, s31, v21;
	v16 =	vsel vm14, s11, v16  }
0x13f: {  	s1 =	sadd.s32 s1, s29;
	s25 =	sshra.s32 s5, $0x1F;
	v23 =	vsel vm0, s28, v26;
	s31 =	sshra.s32 s24, $0x7;
	v21 =	vsel vm12, s9, v21;
	v16 =	vsel vm7, s15, v16  }
0x140: {  	s13 =	sshrl.u32 s1, $0x1F;
	s29 =	sshra.s32 s3, $0x7;
	s30 =	sshra.s32 s17, $0x7;
	v23 =	vsel vm1, s31, v23;
	vm5 =	vmmov vm14;
	v16 =	vsel vm15, s25, v16  }
0x141: {  	s5 =	sshra.s32 s3, $0x1F;
	s8 =	sshra.s32 s21, $0x7;
	v21 =	vsel vm10, s13, v21;
	v22 =	vsel vm1, s30, v22;
	s7 =	sshra.s32 s18, $0x7;
	v16 =	vsel vm12, s29, v16  }
0x142: {  	s9 =	sshra.s32 s1, $0x7;
	v23 =	vsel vm2, s8, v23;
	v22 =	vsel vm2, s7, v22;
	v16 =	vsel vm13, s5, v16  }
0x143: {  	s12 =	sshra.s32 s1, $0x1F;
	vm14 =	vmmov vm12;
	v22 =	vcombine.low v23, v22;
	v16 =	vsel vm10, s9, v16  }
0x144: {  	s13 =	sshra.s32 s22, $0x7;
	s11 =	sshrl.u32 s22, $0x1F;
	vm12 =	vmmov vm10;
	vm10 =	vcmask $0x3B38;
	v16 =	vsel vm9, s12, v16  }
0x145: {  	v22 =	vperm.xlane v22, v17;
	v21 =	vsel vm10, s11, v21;
	v16 =	vsel vm10, s13, v16  }
0x146: {  	v21 =	vperm.xlane v21, v18;
	v16 =	vperm.xlane v16, v18;
	_ =	sdelay $0x1  }
0x147: {  	v20 =	vsel vm4, v21, v20;
	v16 =	vsel vm4, v16, v22  }
0x148: {  	v21 =	vld.idx.msk [tilespmem:v35+s10+$0x0], $0xffff;
	v16 =	vadd.s32 v20, v16  }
0x149: {  	v20 =	vld.idx.msk [tilespmem:v36+s10+$0x0], $0xffff;
	v22 =	vmul.u32 $0xFFFFFED0, v16  }
0x14a: {  	v24 =	vsub.s32 $0x0, v15;
	v23 =	vld.idx.msk [tilespmem:v37+s10+$0x0], $0xffff  }
0x14b: {  	v25 =	vld.idx.msk [tilespmem:v38+s10+$0x0], $0xffff;
	vm10 =	vlt.s32 v15, $0x1;
	vm11 =	vne.s32 v22, v24  }
0x14c: {  	v15 =	vld [tilespmem:$0x5F80];
	vm10 =	vmand vm10, vm11  }
0x14d: {  	[tilespmem:v39+s14+$0x0] =	vst.idx.msk $0xffff, v21;
	v24 =	vsel vm10, $0xFFFFFFFF, v2  }
0x14e: {  	[tilespmem:v40+s14+$0x0] =	vst.idx.msk $0xffff, v20;
	v16 =	vadd.s32 v24, v16  }
0x14f: {  	[tilespmem:v41+s14+$0x0] =	vst.idx.msk $0xffff, v23;
	v16 =	vadd.s32 $0x1, v16  }
0x150: {  	[tilespmem:v42+s14+$0x0] =	vst.idx.msk $0xffff, v25;
	v16 =	vcvt.s32.f32 v16  }
0x151: {  	[tilespmem:v43+s14+$0x0] =	vst.idx.msk $0xffff, v15  }
0x152: {  	[tilespmem:v44+s14+$0x0] =	vst.idx.msk $0xffff, v16  }
0x153: {  	v15 =	vld [tilespmem:$0x6000];
	_ =	sdelay $0x4  }
0x154: {  	(v2sf) =	vpush v15, $0xD;
	_ =	sdelay $0x1  }
0x155: {  	(v2sf) =	vpush v15, $0xC;
	_ =	sdelay $0x1  }
0x156: {  	(v2sf) =	vpush v15, $0xE;
	_ =	sdelay $0x1  }
0x157: {  	(v2sf) =	vpush v15, $0xF;
	_ =	sdelay $0x1  }
0x158: {  	(v2sf) =	vpush v15, $0x9;
	_ =	sdelay $0x1  }
0x159: {  	(v2sf) =	vpush v15, $0x8;
	_ =	sdelay $0x1  }
0x15a: {  	(v2sf) =	vpush v15, $0xA;
	_ =	sdelay $0x1  }
0x15b: {  	(v2sf) =	vpush v15, $0xB  }
0x15c: {  	s15 =	spop (v2sf)  }
0x15d: {  	(v2sf) =	vpush v15, $0x0;
	s16 =	smulhi.u32 $0x6BCA1AF3, s15;
	s0 =	sshra.s32 s15, $0x1F  }
0x15e: {  	(v2sf) =	vpush v15, $0x1;
	s17 =	spop (v2sf);
	s0 =	smul.u32 $0x6BCA1AF3, s0  }
0x15f: {  	(v2sf) =	vpush v15, $0x2;
	s18 =	smulhi.u32 $0x6BCA1AF3, s17;
	s2 =	sshra.s32 s17, $0x1F  }
0x160: {  	s19 =	spop (v2sf);
	(v2sf) =	vpush v15, $0x3;
	s2 =	smul.u32 $0x6BCA1AF3, s2  }
0x161: {  	s20 =	smulhi.u32 $0x6BCA1AF3, s19;
	s4 =	sshra.s32 s19, $0x1F;
	(v2sf) =	vpush v15, $0x4  }
0x162: {  	s21 =	spop (v2sf);
	s4 =	smul.u32 $0x6BCA1AF3, s4;
	(v2sf) =	vpush v15, $0x5  }
0x163: {  	s16 =	sadd.s32 s0, s16;
	s22 =	smulhi.u32 $0x6BCA1AF3, s21;
	s23 =	sshra.s32 s21, $0x1F;
	(v2sf) =	vpush v15, $0x6  }
0x164: {  	s24 =	spop (v2sf);
	s25 =	sshrl.u32 s16, $0x1F;
	s1 =	smul.u32 $0x6BCA1AF3, s23;
	(v2sf) =	vpush v15, $0x7  }
0x165: {  	s19 =	sadd.s32 s2, s18;
	s26 =	smulhi.u32 $0x6BCA1AF3, s24;
	s29 =	sshra.s32 s24, $0x1F  }
0x166: {  	s30 =	spop (v2sf);
	s7 =	sshrl.u32 s19, $0x1F;
	s3 =	smul.u32 $0x6BCA1AF3, s29  }
0x167: {  	s17 =	sadd.s32 s4, s20;
	s31 =	smulhi.u32 $0x6BCA1AF3, s30;
	s11 =	sshra.s32 s30, $0x1F  }
0x168: {  	s12 =	spop (v2sf);
	s19 =	sshra.s32 s19, $0x7;
	s5 =	smul.u32 $0x6BCA1AF3, s11  }
0x169: {  	s28 =	sshrl.u32 s17, $0x1F;
	s0 =	smulhi.u32 $0x6BCA1AF3, s12;
	s13 =	sshra.s32 s12, $0x1F  }
0x16a: {  	s18 =	sadd.s32 s1, s22;
	s15 =	spop (v2sf);
	s1 =	smul.u32 $0x6BCA1AF3, s13  }
0x16b: {  	s29 =	sshrl.u32 s18, $0x1F;
	s21 =	smulhi.u32 $0x6BCA1AF3, s15;
	s23 =	sshra.s32 s15, $0x1F  }
0x16c: {  	s20 =	sadd.s32 s3, s26;
	s24 =	spop (v2sf);
	s3 =	smul.u32 $0x6BCA1AF3, s23  }
0x16d: {  	v20 =	vmov s7;
	s26 =	sshrl.u32 s20, $0x1F;
	s9 =	smulhi.u32 $0x6BCA1AF3, s24;
	s30 =	spop (v2sf)  }
0x16e: {  	v20 =	vsel vm0, s25, v20;
	s8 =	sshra.s32 s24, $0x1F;
	s23 =	sadd.s32 s5, s31;
	s31 =	spop (v2sf)  }
0x16f: {  	v20 =	vsel vm1, s28, v20;
	s28 =	sshra.s32 s20, $0x7;
	s4 =	smul.u32 $0x6BCA1AF3, s8;
	s12 =	spop (v2sf)  }
0x170: {  	s8 =	smulhi.u32 $0x6BCA1AF3, s30;
	s11 =	sshra.s32 s30, $0x1F;
	s15 =	spop (v2sf)  }
0x171: {  	s24 =	sadd.s32 s1, s0;
	s11 =	smul.u32 $0x6BCA1AF3, s11;
	s30 =	spop (v2sf)  }
0x172: {  	s22 =	smulhi.u32 $0x6BCA1AF3, s31;
	s5 =	sshra.s32 s31, $0x1F;
	s1 =	spop (v2sf)  }
0x173: {  	s13 =	sshrl.u32 s23, $0x1F;
	s0 =	smul.u32 $0x6BCA1AF3, s5;
	s5 =	spop (v2sf)  }
0x174: {  	s21 =	sadd.s32 s3, s21;
	v24 =	vmov s13;
	s31 =	smulhi.u32 $0x6BCA1AF3, s5;
	s3 =	sshra.s32 s5, $0x1F  }
0x175: {  	s4 =	sadd.s32 s4, s9;
	v22 =	vsel vm0, s26, v24;
	s26 =	sshra.s32 s16, $0x7;
	s3 =	smul.u32 $0x6BCA1AF3, s3  }
0x176: {  	s8 =	sadd.s32 s11, s8;
	s2 =	smulhi.u32 $0x6BCA1AF3, s12;
	s12 =	sshra.s32 s12, $0x1F  }
0x177: {  	s9 =	smul.u32 $0x6BCA1AF3, s12;
	s0 =	sadd.s32 s0, s22;
	s22 =	sadd.s32 s3, s31  }
0x178: {  	vm7 =	vmmov vm9;
	s11 =	sshrl.u32 s24, $0x1F;
	s12 =	sshrl.u32 s21, $0x1F;
	s31 =	sshra.s32 s22, $0x1F  }
0x179: {  	vm9 =	vcmask $0x300;
	v22 =	vsel vm1, s11, v22;
	s25 =	sshra.s32 s30, $0x1F;
	s2 =	sadd.s32 s9, s2;
	v16 =	vmov s31;
	s31 =	sshra.s32 s4, $0x7  }
0x17a: {  	v20 =	vsel vm2, s29, v20;
	v22 =	vsel vm2, s12, v22;
	s25 =	smul.u32 $0x6BCA1AF3, s25;
	s3 =	sshrl.u32 s4, $0x1F;
	s4 =	sshra.s32 s4, $0x1F;
	v16 =	vsel vm9, s31, v16  }
0x17b: {  	s9 =	sshra.s32 s15, $0x1F;
	v20 =	vcombine.low v22, v20;
	v26 =	vmov s3;
	s3 =	smulhi.u32 $0x6BCA1AF3, s30;
	s30 =	sshra.s32 s8, $0x7;
	v16 =	vsel vm8, s4, v16  }
0x17c: {  	v25 =	vmov s19;
	s5 =	smulhi.u32 $0x6BCA1AF3, s15;
	s15 =	sshrl.u32 s8, $0x1F;
	s8 =	sshra.s32 s8, $0x1F;
	v16 =	vsel vm0, s30, v16  }
0x17d: {  	s23 =	sshra.s32 s23, $0x7;
	v22 =	vsel vm0, s26, v25;
	s7 =	smul.u32 $0x6BCA1AF3, s9;
	v20 =	vperm.xlane v20, v17;
	s30 =	sshra.s32 s0, $0x7;
	v16 =	vsel vm3, s8, v16  }
0x17e: {  	s29 =	smulhi.u32 $0x6BCA1AF3, s1;
	s9 =	sshrl.u32 s0, $0x1F;
	v21 =	vnsel vm9, $0x0, v26;
	v26 =	vmov s23;
	s0 =	sshra.s32 s0, $0x1F;
	v16 =	vsel vm1, s30, v16  }
0x17f: {  	s1 =	sshra.s32 s1, $0x1F;
	s5 =	sadd.s32 s7, s5;
	s7 =	sshra.s32 s2, $0x7;
	v21 =	vsel vm0, s15, v21;
	vm9 =	vcmask $0x2320;
	v16 =	vsel vm6, s0, v16  }
0x180: {  	s1 =	smul.u32 $0x6BCA1AF3, s1;
	s11 =	sshra.s32 s2, $0x1F;
	s31 =	sshrl.u32 s2, $0x1F;
	v23 =	vsel vm0, s28, v26;
	v21 =	vsel vm1, s9, v21;
	v16 =	vsel vm2, s7, v16  }
0x181: {  	s3 =	sadd.s32 s25, s3;
	s15 =	sshra.s32 s5, $0x7;
	vm8 =	vmmov vm3;
	v21 =	vsel vm2, s31, v21;
	s31 =	sshrl.u32 s5, $0x1F;
	v16 =	vsel vm5, s11, v16  }
0x182: {  	s1 =	sadd.s32 s1, s29;
	s25 =	sshra.s32 s5, $0x1F;
	s9 =	sshrl.u32 s3, $0x1F;
	v21 =	vsel vm9, s31, v21;
	vm3 =	vmmov vm14;
	v16 =	vsel vm9, s15, v16  }
0x183: {  	s29 =	sshra.s32 s3, $0x7;
	s31 =	sshra.s32 s24, $0x7;
	v21 =	vsel vm14, s9, v21;
	vm14 =	vmmov vm5;
	s30 =	sshra.s32 s17, $0x7;
	v16 =	vsel vm15, s25, v16  }
0x184: {  	s3 =	sshra.s32 s3, $0x1F;
	s5 =	sshra.s32 s18, $0x7;
	v23 =	vsel vm1, s31, v23;
	v22 =	vsel vm1, s30, v22;
	s7 =	sshra.s32 s21, $0x7;
	v16 =	vsel vm3, s29, v16  }
0x185: {  	s13 =	sshrl.u32 s1, $0x1F;
	s8 =	sshra.s32 s1, $0x7;
	v22 =	vsel vm2, s5, v22;
	v23 =	vsel vm2, s7, v23;
	v16 =	vsel vm13, s3, v16  }
0x186: {  	v21 =	vsel vm12, s13, v21;
	s11 =	sshra.s32 s1, $0x1F;
	v22 =	vcombine.low v23, v22;
	v16 =	vsel vm12, s8, v16  }
0x187: {  	s12 =	sshra.s32 s22, $0x7;
	s9 =	sshrl.u32 s22, $0x1F;
	vm5 =	vmmov vm3;
	vm3 =	vcmask $0x3B38;
	v16 =	vsel vm7, s11, v16  }
0x188: {  	v22 =	vperm.xlane v22, v17;
	v21 =	vsel vm3, s9, v21;
	v16 =	vsel vm3, s12, v16  }
0x189: {  	v21 =	vperm.xlane v21, v18;
	v16 =	vperm.xlane v16, v18;
	_ =	sdelay $0x1  }
0x18a: {  	s13 =	simm.s32 $0x6040;
	v20 =	vsel vm4, v21, v20;
	v16 =	vsel vm4, v16, v22  }
0x18b: {  	v21 =	vld.idx.msk [tilespmem:v45+s13+$0x0], $0xffff;
	v16 =	vadd.s32 v20, v16  }
0x18c: {  	v20 =	vld.idx.msk [tilespmem:v46+s13+$0x0], $0xffff;
	v22 =	vmul.u32 $0xFFFFFED0, v16  }
0x18d: {  	v24 =	vsub.s32 $0x0, v15;
	v23 =	vld.idx.msk [tilespmem:v47+s13+$0x0], $0xffff  }
0x18e: {  	vm10 =	vlt.s32 v15, $0x1;
	v25 =	vld.idx.msk [tilespmem:v48+s13+$0x0], $0xffff;
	vm7 =	vne.s32 v22, v24  }
0x18f: {  	v15 =	vld [tilespmem:$0x5F90];
	vm10 =	vmand vm10, vm7  }
0x190: {  	[tilespmem:v49+s14+$0x0] =	vst.idx.msk $0xffff, v21;
	v24 =	vsel vm10, $0xFFFFFFFF, v2  }
0x191: {  	[tilespmem:v50+s14+$0x0] =	vst.idx.msk $0xffff, v20;
	v16 =	vadd.s32 v24, v16  }
0x192: {  	[tilespmem:v51+s14+$0x0] =	vst.idx.msk $0xffff, v23;
	v16 =	vadd.s32 $0x1, v16  }
0x193: {  	[tilespmem:v52+s14+$0x0] =	vst.idx.msk $0xffff, v25;
	v16 =	vcvt.s32.f32 v16  }
0x194: {  	[tilespmem:v53+s14+$0x0] =	vst.idx.msk $0xffff, v15  }
0x195: {  	[tilespmem:v14+s14+$0x0] =	vst.idx.msk $0xffff, v16  }
0x196: {  	v15 =	vld [tilespmem:$0x6010];
	_ =	sdelay $0x4  }
0x197: {  	(v2sf) =	vpush v15, $0xD;
	_ =	sdelay $0x1  }
0x198: {  	(v2sf) =	vpush v15, $0xC;
	_ =	sdelay $0x1  }
0x199: {  	(v2sf) =	vpush v15, $0xE;
	_ =	sdelay $0x1  }
0x19a: {  	(v2sf) =	vpush v15, $0xF;
	_ =	sdelay $0x1  }
0x19b: {  	(v2sf) =	vpush v15, $0x9;
	_ =	sdelay $0x1  }
0x19c: {  	(v2sf) =	vpush v15, $0x8;
	_ =	sdelay $0x1  }
0x19d: {  	(v2sf) =	vpush v15, $0xA;
	_ =	sdelay $0x1  }
0x19e: {  	(v2sf) =	vpush v15, $0xB  }
0x19f: {  	s15 =	spop (v2sf)  }
0x1a0: {  	(v2sf) =	vpush v15, $0x0;
	s16 =	smulhi.u32 $0x6BCA1AF3, s15;
	s0 =	sshra.s32 s15, $0x1F  }
0x1a1: {  	(v2sf) =	vpush v15, $0x1;
	s17 =	spop (v2sf);
	s0 =	smul.u32 $0x6BCA1AF3, s0  }
0x1a2: {  	(v2sf) =	vpush v15, $0x2;
	s18 =	smulhi.u32 $0x6BCA1AF3, s17;
	s2 =	sshra.s32 s17, $0x1F  }
0x1a3: {  	s19 =	spop (v2sf);
	(v2sf) =	vpush v15, $0x3;
	s2 =	smul.u32 $0x6BCA1AF3, s2  }
0x1a4: {  	s20 =	smulhi.u32 $0x6BCA1AF3, s19;
	s4 =	sshra.s32 s19, $0x1F;
	(v2sf) =	vpush v15, $0x4  }
0x1a5: {  	s21 =	spop (v2sf);
	s4 =	smul.u32 $0x6BCA1AF3, s4;
	(v2sf) =	vpush v15, $0x5  }
0x1a6: {  	s16 =	sadd.s32 s0, s16;
	s22 =	smulhi.u32 $0x6BCA1AF3, s21;
	s23 =	sshra.s32 s21, $0x1F;
	(v2sf) =	vpush v15, $0x6  }
0x1a7: {  	s24 =	spop (v2sf);
	s26 =	sshrl.u32 s16, $0x1F;
	s1 =	smul.u32 $0x6BCA1AF3, s23;
	(v2sf) =	vpush v15, $0x7  }
0x1a8: {  	s19 =	sadd.s32 s2, s18;
	s25 =	smulhi.u32 $0x6BCA1AF3, s24;
	s28 =	sshra.s32 s24, $0x1F  }
0x1a9: {  	s29 =	spop (v2sf);
	s7 =	sshrl.u32 s19, $0x1F;
	s3 =	smul.u32 $0x6BCA1AF3, s28  }
0x1aa: {  	s17 =	sadd.s32 s4, s20;
	s30 =	smulhi.u32 $0x6BCA1AF3, s29;
	s11 =	sshra.s32 s29, $0x1F  }
0x1ab: {  	s12 =	spop (v2sf);
	s28 =	sshrl.u32 s17, $0x1F;
	s5 =	smul.u32 $0x6BCA1AF3, s11  }
0x1ac: {  	s18 =	sadd.s32 s1, s22;
	s0 =	smulhi.u32 $0x6BCA1AF3, s12;
	s13 =	sshra.s32 s12, $0x1F  }
0x1ad: {  	s15 =	spop (v2sf);
	s29 =	sshrl.u32 s18, $0x1F;
	s1 =	smul.u32 $0x6BCA1AF3, s13  }
0x1ae: {  	s20 =	sadd.s32 s3, s25;
	s21 =	smulhi.u32 $0x6BCA1AF3, s15;
	s22 =	sshra.s32 s15, $0x1F  }
0x1af: {  	s23 =	spop (v2sf);
	s25 =	sshrl.u32 s20, $0x1F;
	s3 =	smul.u32 $0x6BCA1AF3, s22  }
0x1b0: {  	s9 =	smulhi.u32 $0x6BCA1AF3, s23;
	s8 =	sshra.s32 s23, $0x1F;
	s24 =	spop (v2sf)  }
0x1b1: {  	s23 =	sadd.s32 s5, s30;
	s4 =	smul.u32 $0x6BCA1AF3, s8;
	s30 =	spop (v2sf)  }
0x1b2: {  	s8 =	smulhi.u32 $0x6BCA1AF3, s24;
	s11 =	sshra.s32 s24, $0x1F;
	s12 =	spop (v2sf)  }
0x1b3: {  	s13 =	sshrl.u32 s23, $0x1F;
	s11 =	smul.u32 $0x6BCA1AF3, s11;
	s15 =	spop (v2sf)  }
0x1b4: {  	s22 =	smulhi.u32 $0x6BCA1AF3, s30;
	s5 =	sshra.s32 s30, $0x1F;
	s30 =	spop (v2sf)  }
0x1b5: {  	s24 =	sadd.s32 s1, s0;
	s0 =	smul.u32 $0x6BCA1AF3, s5;
	s1 =	spop (v2sf)  }
0x1b6: {  	s21 =	sadd.s32 s3, s21;
	s2 =	smulhi.u32 $0x6BCA1AF3, s12;
	s3 =	spop (v2sf)  }
0x1b7: {  	v24 =	vmov s13;
	s4 =	sadd.s32 s4, s9;
	s5 =	smulhi.u32 $0x6BCA1AF3, s3;
	s3 =	sshra.s32 s3, $0x1F  }
0x1b8: {  	v24 =	vsel vm0, s25, v24;
	s25 =	sshra.s32 s16, $0x7;
	s12 =	sshra.s32 s12, $0x1F;
	s3 =	smul.u32 $0x6BCA1AF3, s3  }
0x1b9: {  	s8 =	sadd.s32 s11, s8;
	s11 =	sshrl.u32 s24, $0x1F;
	s9 =	smul.u32 $0x6BCA1AF3, s12  }
0x1ba: {  	vm11 =	vcmask $0x3B38;
	vm6 =	vmmov vm12;
	s12 =	sshrl.u32 s21, $0x1F;
	s0 =	sadd.s32 s0, s22;
	s22 =	sadd.s32 s3, s5  }
0x1bb: {  	vm12 =	vcmask $0x704;
	vm3 =	vcmask $0x300;
	v16 =	vmov s7;
	s7 =	smulhi.u32 $0x6BCA1AF3, s15;
	s2 =	sadd.s32 s9, s2;
	s9 =	sshra.s32 s22, $0x1F  }
0x1bc: {  	v21 =	vor.u32 $0x400, v10;
	v16 =	vsel vm0, s26, v16;
	s26 =	sshra.s32 s30, $0x1F;
	v20 =	vmov s9;
	s9 =	sshra.s32 s15, $0x1F;
	s15 =	sshra.s32 s4, $0x7  }
0x1bd: {  	v22 =	vor.u32 $0x401, v10;
	v16 =	vsel vm1, s28, v16;
	s26 =	smul.u32 $0x6BCA1AF3, s26;
	s3 =	sshrl.u32 s4, $0x1F;
	s4 =	sshra.s32 s4, $0x1F;
	v20 =	vsel vm3, s15, v20  }
0x1be: {  	v16 =	vsel vm2, s29, v16;
	v24 =	vsel vm1, s11, v24;
	s29 =	sshra.s32 s0, $0x7;
	s11 =	sshra.s32 s2, $0x1F;
	v20 =	vsel vm12, s4, v20;
	s4 =	sshra.s32 s8, $0x7  }
0x1bf: {  	vm7 =	vmmov vm9;
	s5 =	sshrl.u32 s8, $0x1F;
	v26 =	vmov s3;
	s3 =	smulhi.u32 $0x6BCA1AF3, s30;
	s8 =	sshra.s32 s8, $0x1F;
	v20 =	vsel vm0, s4, v20  }
0x1c0: {  	v24 =	vsel vm2, s12, v24;
	s30 =	sshrl.u32 s2, $0x1F;
	v23 =	vnsel vm3, $0x0, v26;
	s15 =	sshrl.u32 s0, $0x1F;
	s9 =	smul.u32 $0x6BCA1AF3, s9;
	v20 =	vsel vm8, s8, v20  }
0x1c1: {  	v23 =	vsel vm0, s5, v23;
	s5 =	smulhi.u32 $0x6BCA1AF3, s1;
	s1 =	sshra.s32 s1, $0x1F;
	s0 =	sshra.s32 s0, $0x1F;
	vm8 =	vcmask $0x1714;
	v20 =	vsel vm1, s29, v20  }
0x1c2: {  	v16 =	vcombine.low v24, v16;
	s3 =	sadd.s32 s26, s3;
	v23 =	vsel vm1, s15, v23;
	s15 =	sshra.s32 s19, $0x7;
	s8 =	sshra.s32 s2, $0x7;
	v20 =	vsel vm8, s0, v20  }
0x1c3: {  	s26 =	sshra.s32 s20, $0x7;
	s19 =	sshra.s32 s23, $0x7;
	s7 =	sadd.s32 s9, s7;
	v23 =	vsel vm2, s30, v23;
	v24 =	vmov s15;
	v20 =	vsel vm2, s8, v20  }
0x1c4: {  	s1 =	smul.u32 $0x6BCA1AF3, s1;
	v25 =	vmov s19;
	s30 =	sshrl.u32 s7, $0x1F;
	s13 =	sshra.s32 s7, $0x7;
	v24 =	vsel vm0, s25, v24;
	v20 =	vsel vm14, s11, v20  }
0x1c5: {  	s28 =	sshra.s32 s3, $0x7;
	s9 =	sshrl.u32 s3, $0x1F;
	s23 =	sshra.s32 s7, $0x1F;
	v25 =	vsel vm0, s26, v25;
	v23 =	vsel vm9, s30, v23;
	v20 =	vsel vm7, s13, v20  }
0x1c6: {  	s1 =	sadd.s32 s1, s5;
	vm9 =	vmmov vm14;
	s29 =	sshra.s32 s17, $0x7;
	s30 =	sshra.s32 s24, $0x7;
	v23 =	vsel vm5, s9, v23;
	v20 =	vsel vm15, s23, v20  }
0x1c7: {  	s5 =	sshra.s32 s3, $0x1F;
	s7 =	sshra.s32 s18, $0x7;
	s12 =	sshrl.u32 s1, $0x1F;
	v24 =	vsel vm1, s29, v24;
	v25 =	vsel vm1, s30, v25;
	v20 =	vsel vm5, s28, v20  }
0x1c8: {  	s9 =	sshra.s32 s1, $0x7;
	v23 =	vsel vm6, s12, v23;
	s8 =	sshra.s32 s21, $0x7;
	v24 =	vsel vm2, s7, v24;
	v20 =	vsel vm13, s5, v20  }
0x1c9: {  	s12 =	sshra.s32 s1, $0x1F;
	s11 =	sshrl.u32 s22, $0x1F;
	v25 =	vsel vm2, s8, v25;
	vm14 =	vcmask $0x3734;
	v20 =	vsel vm6, s9, v20  }
0x1ca: {  	v23 =	vsel vm11, s11, v23;
	v24 =	vcombine.low v25, v24;
	s13 =	sshra.s32 s22, $0x7;
	v20 =	vsel vm14, s12, v20  }
0x1cb: {  	v16 =	vperm.xlane v16, v17;
	v23 =	vperm.xlane v23, v18;
	v20 =	vsel vm11, s13, v20  }
0x1cc: {  	v25 =	vor.u32 $0x402, v10;
	v24 =	vperm.xlane v24, v17;
	v20 =	vperm.xlane v20, v18  }
0x1cd: {  	v26 =	vor.u32 $0x403, v10  }
0x1ce: {  	s31 =	simm.s32 $0x6040;
	v16 =	vsel vm4, v23, v16;
	v20 =	vsel vm4, v20, v24  }
0x1cf: {  	v21 =	vld.idx.msk [tilespmem:v21+s31+$0x0], $0xffff;
	v16 =	vadd.s32 v16, v20;
	v20 =	vor.u32 $0x180, v19  }
0x1d0: {  	v22 =	vld.idx.msk [tilespmem:v22+s31+$0x0], $0xffff;
	v24 =	vor.u32 $0x181, v19;
	v23 =	vmul.u32 $0xFFFFFED0, v16  }
0x1d1: {  	v28 =	vadd.s32 $0x182, v19;
	v27 =	vsub.s32 $0x0, v15;
	v25 =	vld.idx.msk [tilespmem:v25+s31+$0x0], $0xffff  }
0x1d2: {  	vm10 =	vlt.s32 v15, $0x1;
	v15 =	vadd.s32 $0x183, v19;
	v26 =	vld.idx.msk [tilespmem:v26+s31+$0x0], $0xffff;
	vm7 =	vne.s32 v23, v27  }
0x1d3: {  	v23 =	vld [tilespmem:$0x5FA0];
	v27 =	vadd.s32 $0x184, v19;
	vm10 =	vmand vm10, vm7  }
0x1d4: {  	[tilespmem:v20+s14+$0x0] =	vst.idx.msk $0xffff, v21;
	v20 =	vsel vm10, $0xFFFFFFFF, v2;
	v21 =	vadd.s32 $0x185, v19  }
0x1d5: {  	v16 =	vadd.s32 v20, v16;
	[tilespmem:v24+s14+$0x0] =	vst.idx.msk $0xffff, v22  }
0x1d6: {  	v16 =	vadd.s32 $0x1, v16;
	[tilespmem:v28+s14+$0x0] =	vst.idx.msk $0xffff, v25  }
0x1d7: {  	v16 =	vcvt.s32.f32 v16;
	[tilespmem:v15+s14+$0x0] =	vst.idx.msk $0xffff, v26  }
0x1d8: {  	[tilespmem:v27+s14+$0x0] =	vst.idx.msk $0xffff, v23  }
0x1d9: {  	[tilespmem:v21+s14+$0x0] =	vst.idx.msk $0xffff, v16  }
0x1da: {  	v15 =	vld [tilespmem:$0x6020];
	_ =	sdelay $0x4  }
0x1db: {  	(v2sf) =	vpush v15, $0xD;
	_ =	sdelay $0x1  }
0x1dc: {  	(v2sf) =	vpush v15, $0xC;
	_ =	sdelay $0x1  }
0x1dd: {  	(v2sf) =	vpush v15, $0xE;
	_ =	sdelay $0x1  }
0x1de: {  	(v2sf) =	vpush v15, $0xF;
	_ =	sdelay $0x1  }
0x1df: {  	(v2sf) =	vpush v15, $0x9;
	_ =	sdelay $0x1  }
0x1e0: {  	(v2sf) =	vpush v15, $0x8;
	_ =	sdelay $0x1  }
0x1e1: {  	(v2sf) =	vpush v15, $0xA;
	_ =	sdelay $0x1  }
0x1e2: {  	(v2sf) =	vpush v15, $0xB  }
0x1e3: {  	s15 =	spop (v2sf)  }
0x1e4: {  	(v2sf) =	vpush v15, $0x0;
	s16 =	smulhi.u32 $0x6BCA1AF3, s15;
	s0 =	sshra.s32 s15, $0x1F  }
0x1e5: {  	s17 =	spop (v2sf);
	s0 =	smul.u32 $0x6BCA1AF3, s0  }
0x1e6: {  	(v2sf) =	vpush v15, $0x1;
	s18 =	smulhi.u32 $0x6BCA1AF3, s17;
	s2 =	sshra.s32 s17, $0x1F  }
0x1e7: {  	(v2sf) =	vpush v15, $0x2;
	s19 =	spop (v2sf);
	s2 =	smul.u32 $0x6BCA1AF3, s2  }
0x1e8: {  	(v2sf) =	vpush v15, $0x3;
	s20 =	smulhi.u32 $0x6BCA1AF3, s19;
	s4 =	sshra.s32 s19, $0x1F  }
0x1e9: {  	(v2sf) =	vpush v15, $0x4;
	s21 =	spop (v2sf);
	s4 =	smul.u32 $0x6BCA1AF3, s4  }
0x1ea: {  	(v2sf) =	vpush v15, $0x5;
	s22 =	smulhi.u32 $0x6BCA1AF3, s21;
	s23 =	sshra.s32 s21, $0x1F  }
0x1eb: {  	s24 =	spop (v2sf);
	(v2sf) =	vpush v15, $0x6;
	s1 =	smul.u32 $0x6BCA1AF3, s23  }
0x1ec: {  	s16 =	sadd.s32 s0, s16;
	s25 =	smulhi.u32 $0x6BCA1AF3, s24;
	s28 =	sshra.s32 s24, $0x1F;
	(v2sf) =	vpush v15, $0x7  }
0x1ed: {  	s26 =	sshrl.u32 s16, $0x1F;
	s29 =	spop (v2sf);
	s3 =	smul.u32 $0x6BCA1AF3, s28  }
0x1ee: {  	s19 =	sadd.s32 s2, s18;
	s30 =	smulhi.u32 $0x6BCA1AF3, s29;
	s11 =	sshra.s32 s29, $0x1F  }
0x1ef: {  	s7 =	sshrl.u32 s19, $0x1F;
	s12 =	spop (v2sf);
	s5 =	smul.u32 $0x6BCA1AF3, s11  }
0x1f0: {  	s17 =	sadd.s32 s4, s20;
	s0 =	smulhi.u32 $0x6BCA1AF3, s12;
	s13 =	sshra.s32 s12, $0x1F  }
0x1f1: {  	s18 =	sadd.s32 s1, s22;
	s15 =	spop (v2sf);
	s1 =	smul.u32 $0x6BCA1AF3, s13  }
0x1f2: {  	s8 =	sshrl.u32 s17, $0x1F;
	s21 =	smulhi.u32 $0x6BCA1AF3, s15;
	s24 =	sshra.s32 s15, $0x1F  }
0x1f3: {  	s20 =	sadd.s32 s3, s25;
	s28 =	spop (v2sf);
	s3 =	smul.u32 $0x6BCA1AF3, s24  }
0x1f4: {  	s9 =	sshrl.u32 s18, $0x1F;
	s12 =	smulhi.u32 $0x6BCA1AF3, s28;
	s11 =	sshra.s32 s28, $0x1F  }
0x1f5: {  	s25 =	sshrl.u32 s20, $0x1F;
	s29 =	spop (v2sf);
	s4 =	smul.u32 $0x6BCA1AF3, s11  }
0x1f6: {  	s23 =	sadd.s32 s5, s30;
	s11 =	smulhi.u32 $0x6BCA1AF3, s29;
	s30 =	spop (v2sf)  }
0x1f7: {  	s13 =	sshra.s32 s29, $0x1F;
	s28 =	sshrl.u32 s23, $0x1F;
	s15 =	spop (v2sf)  }
0x1f8: {  	s24 =	sadd.s32 s1, s0;
	s13 =	smul.u32 $0x6BCA1AF3, s13;
	s29 =	spop (v2sf)  }
0x1f9: {  	s22 =	smulhi.u32 $0x6BCA1AF3, s30;
	s5 =	sshra.s32 s30, $0x1F;
	s30 =	spop (v2sf)  }
0x1fa: {  	s21 =	sadd.s32 s3, s21;
	s0 =	smul.u32 $0x6BCA1AF3, s5;
	s1 =	spop (v2sf)  }
0x1fb: {  	v22 =	vmov s28;
	s4 =	sadd.s32 s4, s12;
	s2 =	smulhi.u32 $0x6BCA1AF3, s15;
	s3 =	spop (v2sf)  }
0x1fc: {  	v22 =	vsel vm0, s25, v22;
	s25 =	sshra.s32 s19, $0x7;
	s5 =	smulhi.u32 $0x6BCA1AF3, s3;
	s3 =	sshra.s32 s3, $0x1F  }
0x1fd: {  	v16 =	vmov s7;
	s11 =	sadd.s32 s13, s11;
	s15 =	sshra.s32 s15, $0x1F;
	s3 =	smul.u32 $0x6BCA1AF3, s3  }
0x1fe: {  	v16 =	vsel vm0, s26, v16;
	s13 =	sshrl.u32 s24, $0x1F;
	s12 =	smul.u32 $0x6BCA1AF3, s15;
	s26 =	sshra.s32 s29, $0x1F  }
0x1ff: {  	v16 =	vsel vm1, s8, v16;
	s0 =	sadd.s32 s0, s22;
	s8 =	smul.u32 $0x6BCA1AF3, s26;
	s22 =	sadd.s32 s3, s5  }
0x200: {  	s2 =	sadd.s32 s12, s2;
	s12 =	smulhi.u32 $0x6BCA1AF3, s29;
	s7 =	sshra.s32 s22, $0x1F  }
0x201: {  	vm7 =	vmmov vm3;
	s15 =	sshrl.u32 s21, $0x1F;
	s29 =	sshra.s32 s4, $0x7;
	s28 =	smulhi.u32 $0x6BCA1AF3, s1;
	v20 =	vmov s7  }
0x202: {  	vm10 =	vcmask $0x2320;
	v23 =	vor.u32 $0x500, v10;
	s1 =	sshra.s32 s1, $0x1F;
	s3 =	sshrl.u32 s4, $0x1F;
	s4 =	sshra.s32 s4, $0x1F;
	v20 =	vsel vm3, s29, v20  }
0x203: {  	v22 =	vsel vm1, s13, v22;
	v24 =	vmov s3;
	s3 =	smulhi.u32 $0x6BCA1AF3, s30;
	s29 =	sshra.s32 s30, $0x1F;
	s30 =	sshra.s32 s11, $0x7;
	v20 =	vsel vm12, s4, v20  }
0x204: {  	s1 =	smul.u32 $0x6BCA1AF3, s1;
	s5 =	sshrl.u32 s11, $0x1F;
	v21 =	vnsel vm3, $0x0, v24;
	s11 =	sshra.s32 s11, $0x1F;
	vm3 =	vcmask $0xF0C;
	v20 =	vsel vm0, s30, v20  }
0x205: {  	v16 =	vsel vm2, s9, v16;
	v22 =	vsel vm2, s15, v22;
	s26 =	sshrl.u32 s2, $0x1F;
	s9 =	smul.u32 $0x6BCA1AF3, s29;
	s29 =	sshra.s32 s0, $0x7;
	v20 =	vsel vm3, s11, v20  }
0x206: {  	v16 =	vcombine.low v22, v16;
	s1 =	sadd.s32 s1, s28;
	s7 =	sshrl.u32 s0, $0x1F;
	v21 =	vsel vm0, s5, v21;
	s0 =	sshra.s32 s0, $0x1F;
	v20 =	vsel vm1, s29, v20  }
0x207: {  	v22 =	vmov s25;
	v21 =	vsel vm1, s7, v21;
	s30 =	sadd.s32 s8, s12;
	s3 =	sadd.s32 s9, s3;
	s9 =	sshra.s32 s2, $0x7;
	v20 =	vsel vm8, s0, v20  }
0x208: {  	v16 =	vperm.xlane v16, v17;
	v21 =	vsel vm2, s26, v21;
	s12 =	sshra.s32 s2, $0x1F;
	s26 =	sshra.s32 s23, $0x7;
	s8 =	sshrl.u32 s30, $0x1F;
	v20 =	vsel vm2, s9, v20  }
0x209: {  	s15 =	sshra.s32 s30, $0x7;
	vm3 =	vmmov vm6;
	s28 =	sshra.s32 s30, $0x1F;
	s30 =	sshra.s32 s20, $0x7;
	v25 =	vmov s26;
	v20 =	vsel vm9, s12, v20  }
0x20a: {  	v21 =	vsel vm10, s8, v21;
	s11 =	sshrl.u32 s3, $0x1F;
	s29 =	sshra.s32 s16, $0x7;
	v25 =	vsel vm0, s30, v25;
	v20 =	vsel vm10, s15, v20  }
0x20b: {  	s13 =	sshrl.u32 s1, $0x1F;
	s7 =	sshra.s32 s24, $0x7;
	s4 =	sshra.s32 s3, $0x7;
	v21 =	vsel vm5, s11, v21;
	v22 =	vsel vm0, s29, v22;
	v20 =	vsel vm15, s28, v20  }
0x20c: {  	s5 =	sshra.s32 s17, $0x7;
	s8 =	sshra.s32 s3, $0x1F;
	v25 =	vsel vm1, s7, v25;
	s11 =	sshra.s32 s21, $0x7;
	v21 =	vsel vm6, s13, v21;
	v20 =	vsel vm5, s4, v20  }
0x20d: {  	v22 =	vsel vm1, s5, v22;
	s9 =	sshra.s32 s18, $0x7;
	v25 =	vsel vm2, s11, v25;
	s12 =	sshra.s32 s1, $0x7;
	v20 =	vsel vm13, s8, v20  }
0x20e: {  	s13 =	sshrl.u32 s22, $0x1F;
	v22 =	vsel vm2, s9, v22;
	vm9 =	vcmask $0x3B38;
	s15 =	sshra.s32 s1, $0x1F;
	v20 =	vsel vm3, s12, v20  }
0x20f: {  	s16 =	sshra.s32 s22, $0x7;
	v21 =	vsel vm9, s13, v21;
	v22 =	vcombine.low v25, v22;
	v20 =	vsel vm14, s15, v20  }
0x210: {  	v24 =	vor.u32 $0x501, v10;
	v21 =	vperm.xlane v21, v18;
	v20 =	vsel vm9, s16, v20  }
0x211: {  	v25 =	vor.u32 $0x502, v10;
	v22 =	vperm.xlane v22, v17;
	v20 =	vperm.xlane v20, v18  }
0x212: {  	v26 =	vor.u32 $0x503, v10  }
0x213: {  	v16 =	vsel vm4, v21, v16;
	v20 =	vsel vm4, v20, v22  }
0x214: {  	v21 =	vld.idx.msk [tilespmem:v23+s31+$0x0], $0xffff;
	v16 =	vadd.s32 v16, v20;
	v20 =	vadd.s32 $0x1E0, v19  }
0x215: {  	v22 =	vld.idx.msk [tilespmem:v24+s31+$0x0], $0xffff;
	v24 =	vadd.s32 $0x1E1, v19;
	v23 =	vmul.u32 $0xFFFFFED0, v16  }
0x216: {  	v28 =	vadd.s32 $0x1E2, v19;
	v27 =	vsub.s32 $0x0, v15;
	vm6 =	vmmov vm10;
	v25 =	vld.idx.msk [tilespmem:v25+s31+$0x0], $0xffff  }
0x217: {  	v26 =	vld.idx.msk [tilespmem:v26+s31+$0x0], $0xffff;
	vm10 =	vlt.s32 v15, $0x1;
	v15 =	vadd.s32 $0x1E3, v19;
	vm11 =	vne.s32 v23, v27  }
0x218: {  	v23 =	vld [tilespmem:$0x5FB0];
	v27 =	vadd.s32 $0x1E4, v19;
	vm10 =	vmand vm10, vm11  }
0x219: {  	[tilespmem:v20+s14+$0x0] =	vst.idx.msk $0xffff, v21;
	v20 =	vsel vm10, $0xFFFFFFFF, v2;
	v21 =	vadd.s32 $0x1E5, v19  }
0x21a: {  	[tilespmem:v24+s14+$0x0] =	vst.idx.msk $0xffff, v22;
	v16 =	vadd.s32 v20, v16  }
0x21b: {  	v16 =	vadd.s32 $0x1, v16;
	[tilespmem:v28+s14+$0x0] =	vst.idx.msk $0xffff, v25  }
0x21c: {  	v16 =	vcvt.s32.f32 v16;
	[tilespmem:v15+s14+$0x0] =	vst.idx.msk $0xffff, v26  }
0x21d: {  	[tilespmem:v27+s14+$0x0] =	vst.idx.msk $0xffff, v23  }
0x21e: {  	[tilespmem:v21+s14+$0x0] =	vst.idx.msk $0xffff, v16  }
0x21f: {  	v15 =	vld [tilespmem:$0x6030];
	_ =	sdelay $0x4  }
0x220: {  	(v2sf) =	vpush v15, $0xD;
	_ =	sdelay $0x1  }
0x221: {  	(v2sf) =	vpush v15, $0xC;
	_ =	sdelay $0x1  }
0x222: {  	(v2sf) =	vpush v15, $0xE;
	_ =	sdelay $0x1  }
0x223: {  	(v2sf) =	vpush v15, $0xF;
	_ =	sdelay $0x1  }
0x224: {  	(v2sf) =	vpush v15, $0x9;
	_ =	sdelay $0x1  }
0x225: {  	(v2sf) =	vpush v15, $0x8;
	_ =	sdelay $0x1  }
0x226: {  	(v2sf) =	vpush v15, $0xA;
	_ =	sdelay $0x1  }
0x227: {  	(v2sf) =	vpush v15, $0xB  }
0x228: {  	s17 =	spop (v2sf)  }
0x229: {  	(v2sf) =	vpush v15, $0x0;
	s18 =	smulhi.u32 $0x6BCA1AF3, s17;
	s0 =	sshra.s32 s17, $0x1F  }
0x22a: {  	(v2sf) =	vpush v15, $0x1;
	s21 =	spop (v2sf);
	s0 =	smul.u32 $0x6BCA1AF3, s0  }
0x22b: {  	s3 =	smulhi.u32 $0x6BCA1AF3, s21;
	s2 =	sshra.s32 s21, $0x1F  }
0x22c: {  	s22 =	spop (v2sf);
	s2 =	smul.u32 $0x6BCA1AF3, s2  }
0x22d: {  	(v2sf) =	vpush v15, $0x2;
	s5 =	smulhi.u32 $0x6BCA1AF3, s22;
	s4 =	sshra.s32 s22, $0x1F  }
0x22e: {  	s23 =	spop (v2sf);
	s4 =	smul.u32 $0x6BCA1AF3, s4  }
0x22f: {  	(v2sf) =	vpush v15, $0x3;
	s8 =	smulhi.u32 $0x6BCA1AF3, s23;
	s7 =	sshra.s32 s23, $0x1F  }
0x230: {  	(v2sf) =	vpush v15, $0x4;
	s24 =	spop (v2sf);
	s7 =	smul.u32 $0x6BCA1AF3, s7  }
0x231: {  	(v2sf) =	vpush v15, $0x5;
	s11 =	smulhi.u32 $0x6BCA1AF3, s24;
	s9 =	sshra.s32 s24, $0x1F  }
0x232: {  	(v2sf) =	vpush v15, $0x6;
	s25 =	spop (v2sf);
	s9 =	smul.u32 $0x6BCA1AF3, s9  }
0x233: {  	(v2sf) =	vpush v15, $0x7;
	s13 =	smulhi.u32 $0x6BCA1AF3, s25;
	s12 =	sshra.s32 s25, $0x1F  }
0x234: {  	s26 =	spop (v2sf);
	s12 =	smul.u32 $0x6BCA1AF3, s12  }
0x235: {  	s19 =	smulhi.u32 $0x6BCA1AF3, s26;
	s15 =	sshra.s32 s26, $0x1F  }
0x236: {  	s28 =	spop (v2sf);
	s15 =	smul.u32 $0x6BCA1AF3, s15  }
0x237: {  	s22 =	smulhi.u32 $0x6BCA1AF3, s28;
	s16 =	sshra.s32 s28, $0x1F  }
0x238: {  	s23 =	sadd.s32 s2, s3;
	s29 =	spop (v2sf);
	s25 =	smul.u32 $0x6BCA1AF3, s16  }
0x239: {  	s30 =	spop (v2sf);
	s26 =	smulhi.u32 $0x6BCA1AF3, s29;
	s17 =	sshra.s32 s29, $0x1F  }
0x23a: {  	s16 =	sadd.s32 s7, s8;
	s29 =	smul.u32 $0x6BCA1AF3, s17;
	s17 =	sadd.s32 s0, s18  }
0x23b: {  	s0 =	smulhi.u32 $0x6BCA1AF3, s30;
	s21 =	sshra.s32 s30, $0x1F;
	s18 =	sadd.s32 s4, s5  }
0x23c: {  	s1 =	smul.u32 $0x6BCA1AF3, s21;
	s21 =	sadd.s32 s9, s11;
	s20 =	spop (v2sf)  }
0x23d: {  	s8 =	sshrl.u32 s17, $0x1F;
	s2 =	smulhi.u32 $0x6BCA1AF3, s20;
	s5 =	sshra.s32 s20, $0x1F  }
0x23e: {  	s0 =	sadd.s32 s1, s0;
	s24 =	spop (v2sf);
	s3 =	smul.u32 $0x6BCA1AF3, s5  }
0x23f: {  	s28 =	spop (v2sf);
	s5 =	smulhi.u32 $0x6BCA1AF3, s24;
	s11 =	sshra.s32 s24, $0x1F  }
0x240: {  	s24 =	sadd.s32 s12, s13;
	s30 =	spop (v2sf);
	s7 =	smul.u32 $0x6BCA1AF3, s11  }
0x241: {  	s9 =	smulhi.u32 $0x6BCA1AF3, s28;
	s13 =	sshra.s32 s28, $0x1F;
	s4 =	spop (v2sf)  }
0x242: {  	s20 =	sadd.s32 s15, s19;
	s11 =	smul.u32 $0x6BCA1AF3, s13;
	s15 =	spop (v2sf)  }
0x243: {  	s19 =	sadd.s32 s25, s22;
	s22 =	smulhi.u32 $0x6BCA1AF3, s15;
	s12 =	sshra.s32 s15, $0x1F  }
0x244: {  	s25 =	sshrl.u32 s23, $0x1F;
	s13 =	sadd.s32 s29, s26;
	s26 =	smul.u32 $0x6BCA1AF3, s12  }
0x245: {  	v20 =	vmov s25;
	s25 =	sshrl.u32 s24, $0x1F;
	s2 =	sadd.s32 s3, s2;
	s3 =	sshrl.u32 s16, $0x1F  }
0x246: {  	s1 =	smulhi.u32 $0x6BCA1AF3, s30;
	s28 =	sshra.s32 s30, $0x1F;
	s22 =	sadd.s32 s26, s22  }
0x247: {  	s5 =	sadd.s32 s7, s5;
	s30 =	sshra.s32 s13, $0x7;
	s29 =	sshra.s32 s22, $0x1F  }
0x248: {  	v20 =	vsel vm0, s8, v20;
	s8 =	sshrl.u32 s2, $0x1F;
	s7 =	sadd.s32 s11, s9;
	s15 =	sshrl.u32 s21, $0x1F;
	v16 =	vmov s29  }
0x249: {  	vm11 =	vcmask $0x1F1C;
	s9 =	smul.u32 $0x6BCA1AF3, s28;
	s26 =	sshrl.u32 s13, $0x1F;
	s13 =	sshra.s32 s13, $0x1F;
	v16 =	vsel vm7, s30, v16  }
0x24a: {  	vm10 =	vcmask $0xF0C;
	v26 =	vmov s25;
	s28 =	sshrl.u32 s0, $0x1F;
	s11 =	sshra.s32 s2, $0x7;
	s29 =	sshra.s32 s0, $0x7;
	v16 =	vsel vm12, s13, v16  }
0x24b: {  	s2 =	sshra.s32 s2, $0x1F;
	s12 =	sshrl.u32 s18, $0x1F;
	v22 =	vsel vm0, s15, v26;
	v25 =	vmov s26;
	s0 =	sshra.s32 s0, $0x1F;
	v16 =	vsel vm0, s29, v16  }
0x24c: {  	s25 =	sshrl.u32 s7, $0x1F;
	v20 =	vsel vm1, s12, v20;
	v21 =	vnsel vm7, $0x0, v25;
	s30 =	smulhi.u32 $0x6BCA1AF3, s4;
	s4 =	sshra.s32 s4, $0x1F;
	v16 =	vsel vm10, s0, v16  }
0x24d: {  	s1 =	sadd.s32 s9, s1;
	s12 =	sshrl.u32 s20, $0x1F;
	v20 =	vsel vm2, s3, v20;
	v21 =	vsel vm0, s28, v21;
	s4 =	smul.u32 $0x6BCA1AF3, s4;
	v16 =	vsel vm1, s11, v16  }
0x24e: {  	v22 =	vsel vm1, s12, v22;
	s26 =	sshra.s32 s5, $0x7;
	s28 =	sshrl.u32 s19, $0x1F;
	v21 =	vsel vm1, s8, v21;
	s13 =	sshrl.u32 s5, $0x1F;
	v16 =	vsel vm8, s2, v16  }
0x24f: {  	v22 =	vsel vm2, s28, v22;
	s8 =	sshra.s32 s23, $0x7;
	v21 =	vsel vm2, s13, v21;
	s0 =	sadd.s32 s4, s30;
	s30 =	sshra.s32 s5, $0x1F;
	v16 =	vsel vm2, s26, v16  }
0x250: {  	s15 =	sshra.s32 s18, $0x7;
	s9 =	sshra.s32 s7, $0x7;
	s29 =	sshrl.u32 s1, $0x1F;
	v24 =	vmov s8;
	v21 =	vsel vm6, s25, v21;
	v16 =	vsel vm11, s30, v16  }
0x251: {  	s12 =	sshra.s32 s24, $0x7;
	s13 =	sshra.s32 s7, $0x1F;
	v20 =	vcombine.low v22, v20;
	v21 =	vsel vm5, s29, v21;
	s11 =	sshra.s32 s17, $0x7;
	v16 =	vsel vm6, s9, v16  }
0x252: {  	s18 =	sshra.s32 s1, $0x7;
	s3 =	sshrl.u32 s0, $0x1F;
	s17 =	sshra.s32 s21, $0x7;
	v23 =	vsel vm0, s11, v24;
	v24 =	vmov s12;
	v16 =	vsel vm15, s13, v16  }
0x253: {  	s23 =	sshra.s32 s20, $0x7;
	s1 =	sshra.s32 s1, $0x1F;
	v21 =	vsel vm3, s3, v21;
	v24 =	vsel vm0, s17, v24;
	v16 =	vsel vm5, s18, v16  }
0x254: {  	s24 =	sshra.s32 s19, $0x7;
	s21 =	sshra.s32 s16, $0x7;
	s25 =	sshra.s32 s0, $0x7;
	v23 =	vsel vm1, s15, v23;
	v24 =	vsel vm1, s23, v24;
	v16 =	vsel vm13, s1, v16  }
0x255: {  	s0 =	sshra.s32 s0, $0x1F;
	s26 =	sshrl.u32 s22, $0x1F;
	v23 =	vsel vm2, s21, v23;
	v24 =	vsel vm2, s24, v24;
	v16 =	vsel vm3, s25, v16  }
0x256: {  	s28 =	sshra.s32 s22, $0x7;
	v21 =	vsel vm9, s26, v21;
	v25 =	vcombine.low v24, v23;
	v16 =	vsel vm14, s0, v16  }
0x257: {  	v20 =	vperm.xlane v20, v17;
	v21 =	vperm.xlane v21, v18;
	v16 =	vsel vm9, s28, v16  }
0x258: {  	v22 =	vperm.xlane v25, v17;
	v16 =	vperm.xlane v16, v18;
	_ =	sdelay $0x1  }
0x259: {  	v20 =	vsel vm4, v21, v20;
	v16 =	vsel vm4, v16, v22  }
0x25a: {  	v21 =	vld.idx.msk [tilespmem:v54+s31+$0x0], $0xffff;
	v16 =	vadd.s32 v20, v16  }
0x25b: {  	v20 =	vld.idx.msk [tilespmem:v55+s31+$0x0], $0xffff;
	v22 =	vmul.u32 $0xFFFFFED0, v16  }
0x25c: {  	v23 =	vld.idx.msk [tilespmem:v56+s31+$0x0], $0xffff;
	v24 =	vsub.s32 $0x0, v15  }
0x25d: {  	vm6 =	vlt.s32 v15, $0x1;
	v25 =	vld.idx.msk [tilespmem:v57+s31+$0x0], $0xffff;
	vm7 =	vne.s32 v22, v24  }
0x25e: {  	v15 =	vld [tilespmem:$0x5FC0];
	vm10 =	vmand vm6, vm7  }
0x25f: {  	[tilespmem:v58+s14+$0x0] =	vst.idx.msk $0xf, v21;
	v26 =	vsel vm10, $0xFFFFFFFF, v2  }
0x260: {  	[tilespmem:v59+s14+$0x0] =	vst.idx.msk $0xf, v20;
	v16 =	vadd.s32 v26, v16  }
0x261: {  	[tilespmem:v60+s14+$0x0] =	vst.idx.msk $0xf, v23;
	v16 =	vadd.s32 $0x1, v16  }
0x262: {  	[tilespmem:v61+s14+$0x0] =	vst.idx.msk $0xf, v25;
	v16 =	vcvt.s32.f32 v16  }
0x263: {  	[tilespmem:v62+s14+$0x0] =	vst.idx.msk $0xf, v15  }
0x264: {  	s29 =	rddreg [dreg:$0x1];
	s1 =	simm.s32 $0x2;
	[tilespmem:v63+s14+$0x0] =	vst.idx.msk $0xf, v16  }
0x265: {  	[hbm4b:s29+s6] =	stream.linear.scatter [tilespmem:s14], [sflag:$0x2], $0x258, $0x38;
	[tilespmem:$0x69A0] =	vst v63  }
0x266: {  	_ =	swait.ge [sflag:s1], $0x258  }
0x267: {  	s30 =	rddreg [dreg:$0x6]  }
0x268: {  	s31 =	rddreg [dreg:$0x5];
	s4 =	sadd.s32 $0x1, s30  }
0x269: {  	p0 =	sne.s32 s4, s31  }
.Ltmp2:
0x26a: {  	_ = 	snop;
	(pc) =	sbr.rel @p0 .LBB2_2-.Ltmp2, $3  }
0x26b: {  	_ =	sdelay $0x1  }
0x26c: {  	s5 =	simm.s32 $0x5FD0;
	[sflag:s1] =	ssyncset.done $0x0  }
0x26d: {  	s3 =	simm.s32 $0x5F60;
	s2 =	simm.s32 $0x5F00;
	[sflag:s1] =	ssyncadd.s32 $0xFFFFFDA8  }
.LBB2_5:
0x26e: {  	_ =	sfence.sel $0x180000  }
0x26f: {  	[bflag:$0x0] =	sbarrier.arrive $0xFFFF  }
0x270: {  	_ =	strace $0x9000004A  }
0x271: {  	s0 =	stileid.u32;
	[bflag:$0x2] =	sbarrier.arrive $0xFFFF  }
0x272: {  	p0 =	sne.s32 s0, $0x0;
	s0 =	rddreg [dreg:$0x2]  }
0x273: {  	s0 =	sadd.s32 @!p0 $0x100000, s0  }
0x274: {  	[sflag:s0] =	ssyncadd.tile.s32 @!p0 $0x1;
	_ =	shalt  }
.Lfunc_end2:
_tile_overlayer_lowered:
.L_overlay_start_2:
0x275: {  	(tag) =	ssettag $0x2  }
0x276: {  	s0 =	rddreg [dreg:$0x0];
	s2 =	stileid.u32  }
0x277: {  	s1 =	rddreg [dreg:$0x1];
	p0 =	sne.s32 s2, $0x0  }
0x278: {  	s3 =	rddreg [dreg:$0x2];
	[bflag:$0x3] =	sbarrier.arrive $0xFFFF;
	s2 =	simm.s32 @!p0 $0x1C02  }
0x279: {  	[timem:s3], [sflag:s2] =	dma.local @!p0 [hbm:s0], s1  }
0x27a: {  	s0 =	simm.s32 @!p0 $0x2  }
0x27b: {  	_ =	swait.ge @!p0 [sflag:s0], s1  }
0x27c: {  	s1 =	ssub.s32 @!p0 $0x0, s1;
	[sflag:s0] =	ssyncset.done @!p0 $0x0  }
0x27d: {  	[sflag:s0] =	ssyncadd.s32 @!p0 s1  }
0x27e: {  	[bflag:$0x3] =	sbarrier.arrive $0xFFFF  }
0x27f: {  	_ =	shalt  }

</sc_bundles>
